<compile_context>
chip_gen: v7x
topology: tpu7x:2x2x1
jax: 0.10.2.dev20260603
libtpu: 0.0.44.dev20260713+nightly
codegen_flags: <defaults>
</compile_context>

<pallas_src>
import functools

import jax
import jax.numpy as jnp
from jax import lax
from jax.experimental import pallas as pl
from jax.experimental.pallas import tpu as pltpu
from jax.experimental.pallas import tpu_sc as plsc

VOCAB = 1000000
BATCH = 16384
FIELDS = 26
EMBED_DIM = 32
NC, NS = 2, 16
NW = NC * NS
BPW = BATCH // NW
NB = 32
STEPS = BPW // NB


def _sc_gather(idx, table):
    mesh = plsc.VectorSubcoreMesh(
        core_axis_name="c", subcore_axis_name="s",
        num_cores=NC, num_subcores=NS)

    @functools.partial(
        pl.kernel,
        out_type=jax.ShapeDtypeStruct((BATCH, FIELDS, EMBED_DIM), jnp.float32),
        mesh=mesh,
        scratch_types=[
            pltpu.VMEM((BPW, FIELDS), jnp.int32),
            pltpu.VMEM((NB, FIELDS, EMBED_DIM), jnp.float32),
            pltpu.VMEM((NB, FIELDS, EMBED_DIM), jnp.float32),
            pltpu.SemaphoreType.DMA,
            pltpu.SemaphoreType.DMA,
            pltpu.SemaphoreType.DMA,
            pltpu.SemaphoreType.DMA,
        ],
        compiler_params=pltpu.CompilerParams(use_tc_tiling_on_sc=False),
    )
    def k(idx_hbm, table_hbm, out_hbm, idx_v, rows0, rows1, sg0, sg1, sw0, sw1):
        wid = lax.axis_index("s") * NC + lax.axis_index("c")
        b0 = wid * BPW
        pltpu.sync_copy(idx_hbm.at[pl.ds(b0, BPW)], idx_v)
        rows = (rows0, rows1)
        sg = (sg0, sg1)
        sw = (sw0, sw1)

        def fire_g(b, t):
            for s in range(NB):
                pltpu.async_copy(
                    table_hbm.at[idx_v.at[t * NB + s]], rows[b].at[s], sg[b])

        def drain_g(b):
            for s in range(NB):
                pltpu.make_async_copy(
                    table_hbm.at[idx_v.at[s]], rows[b].at[s], sg[b]).wait()

        def fire_w(b, t):
            pltpu.async_copy(
                rows[b], out_hbm.at[pl.ds(b0 + t * NB, NB)], sw[b])

        def wait_w(b):
            pltpu.make_async_copy(
                rows[b], out_hbm.at[pl.ds(b0, NB)], sw[b]).wait()

        fire_g(0, 0)
        fire_g(1, 1)

        @pl.loop(0, STEPS // 2 - 1)
        def body(i):
            t = i * 2
            drain_g(0)
            fire_w(0, t)
            drain_g(1)
            fire_w(1, t + 1)
            wait_w(0)
            fire_g(0, t + 2)
            wait_w(1)
            fire_g(1, t + 3)

        drain_g(0)
        fire_w(0, STEPS - 2)
        drain_g(1)
        fire_w(1, STEPS - 1)
        wait_w(0)
        wait_w(1)

    return k(idx, table)


def kernel(inputs, table):
    table_flat = jax.lax.optimization_barrier(table.reshape(VOCAB * EMBED_DIM))
    table2 = table_flat.reshape(VOCAB, EMBED_DIM)
    return _sc_gather(inputs.astype(jnp.int32), table2)

# --- scband reference (transcript-rebuilt; emitter-appended) ---
"""Pipeline reference for scband-example18-70368744178210 (READ-ONLY COPY).

The authoritative reference and input builder live on the scoring server;
editing this copy changes nothing except your own understanding.
"""

import jax, jax.numpy as jnp
import numpy as np

VOCAB = 1000000
EMBED_DIM = 32
BATCH = 16384
FIELDS = 26


def setup_inputs(seed: int = 0) -> dict:
    key = jax.random.key(seed)
    k_idx, k_tab = jax.random.split(key)
    inputs = jax.random.randint(k_idx, (BATCH, FIELDS), 0, VOCAB, dtype=jnp.int64 if jax.config.jax_enable_x64 else jnp.int32)
    table = jax.random.normal(k_tab, (VOCAB, EMBED_DIM), dtype=jnp.float32) * 0.02
    return {"inputs": inputs, "table": table}


def reference(inputs, table):
    # Embedding lookup followed by an empty Sequential (identity)
    embeds = jnp.take(table, inputs, axis=0)
    return embeds

if __name__ == "__main__":
    import jax
    _d = setup_inputs()
    print(jax.jit(kernel)(*tuple(_d.values())))

</pallas_src>

<mosaic_0001>
#map = affine_map<(d0, d1) -> (0, 0)>
#map1 = affine_map<(d0, d1) -> (0, 0, 0)>
module attributes {stable_mosaic.version = 14 : i64} {
  func.func @k(%arg0: i32, %arg1: i32, %arg2: memref<16384x26xi32, #tpu.memory_space<hbm>>, %arg3: memref<1000000x32xf32, #tpu.memory_space<hbm>>, %arg4: memref<16384x26x32xf32, #tpu.memory_space<hbm>>, %arg5: memref<512x26xi32, #tpu.memory_space<vmem>>, %arg6: memref<32x26x32xf32, #tpu.memory_space<vmem>>, %arg7: memref<32x26x32xf32, #tpu.memory_space<vmem>>, %arg8: memref<!tpu.dma_semaphore, #tpu.memory_space<semaphore_mem>>, %arg9: memref<!tpu.dma_semaphore, #tpu.memory_space<semaphore_mem>>, %arg10: memref<!tpu.dma_semaphore, #tpu.memory_space<semaphore_mem>>, %arg11: memref<!tpu.dma_semaphore, #tpu.memory_space<semaphore_mem>>) attributes {dimension_semantics = [#tpu.dimension_semantics<core_parallel>, #tpu.dimension_semantics<subcore_parallel>], iteration_bounds = array<i64: 2, 16>, scalar_prefetch = 0 : i64, scratch_operands = 7 : i64, tpu.core_type = #tpu.core_type<sc_vector_subcore>, window_params = [{transform_indices = #map}, {transform_indices = #map}, {transform_indices = #map1}]} {
    %mul3A = arith.constant 2 : i32
    %mul3A_0 = arith.muli %arg1, %mul3A : i32
    %add3A = arith.addi %mul3A_0, %arg0 : i32
    %mul3A_1 = arith.constant 512 : i32
    %mul3A_2 = arith.muli %add3A, %mul3A_1 : i32
    "tpu.region"() ({
      %run_scoped3A = tpu.sem_alloc : memref<!tpu.dma_semaphore, #tpu.memory_space<semaphore_mem>>
      %dma_start3A_1569 = arith.constant 0 : i32
      %dma_start3A_1570 = tpu.memref_slice %arg2[%mul3A_2, %dma_start3A_1569] : memref<16384x26xi32, #tpu.memory_space<hbm>> -> memref<512x26xi32, #tpu.memory_space<hbm>>
      %dma_start3A_1571 = arith.constant 0 : i32
      %dma_start3A_1572 = tpu.memref_slice %arg2[%mul3A_2, %dma_start3A_1571] : memref<16384x26xi32, #tpu.memory_space<hbm>> -> memref<512x26xi32, #tpu.memory_space<hbm>>
      tpu.enqueue_dma source(%dma_start3A_1572 : memref<512x26xi32, #tpu.memory_space<hbm>>) target(%arg5 : memref<512x26xi32, #tpu.memory_space<vmem>>) target_semaphore(%run_scoped3A : memref<!tpu.dma_semaphore, #tpu.memory_space<semaphore_mem>>)
      %dma_wait3A_1573 = arith.constant 0 : i32
      %dma_wait3A_1574 = tpu.memref_slice %arg2[%mul3A_2, %dma_wait3A_1573] : memref<16384x26xi32, #tpu.memory_space<hbm>> -> memref<512x26xi32, #tpu.memory_space<hbm>>
      %dma_wait3A_1575 = arith.constant 0 : i32
      %dma_wait3A_1576 = tpu.memref_slice %arg2[%mul3A_2, %dma_wait3A_1575] : memref<16384x26xi32, #tpu.memory_space<hbm>> -> memref<512x26xi32, #tpu.memory_space<hbm>>
      tpu.wait_dma2 semaphore(%run_scoped3A : memref<!tpu.dma_semaphore, #tpu.memory_space<semaphore_mem>>) src(%dma_wait3A_1576 : memref<512x26xi32, #tpu.memory_space<hbm>>) dst(%arg5 : memref<512x26xi32, #tpu.memory_space<vmem>>)
      tpu.yield
    }) : () -> ()
    %dma_start3A = arith.constant 0 : i32
    %dma_start3A_3 = arith.constant 0 : i32
    %dma_start3A_4 = arith.constant 0 : i32
    %dma_start3A_5 = arith.constant 0 : i32
    %dma_start3A_6 = tpu.memref_slice %arg6[%dma_start3A_3, %dma_start3A_4, %dma_start3A_5] : memref<32x26x32xf32, #tpu.memory_space<vmem>> -> memref<1x26x32xf32, #tpu.memory_space<vmem>>
    %dma_start3A_7 = tpu.memref_squeeze %dma_start3A_6 : memref<1x26x32xf32, #tpu.memory_space<vmem>> -> memref<26x32xf32, #tpu.memory_space<vmem>>
    %dma_start3A_8 = arith.constant 0 : i32
    %dma_start3A_9 = tpu.memref_slice %arg5[%dma_start3A, %dma_start3A_8] : memref<512x26xi32, #tpu.memory_space<vmem>> -> memref<1x26xi32, #tpu.memory_space<vmem>>
    %dma_start3A_10 = tpu.memref_squeeze %dma_start3A_9 : memref<1x26xi32, #tpu.memory_space<vmem>> -> memref<26xi32, #tpu.memory_space<vmem>>
    %dma_start3A_11 = arith.constant 0 : i32
    %dma_start3A_12 = arith.constant 0 : i32
    %dma_start3A_13 = tpu.memref_slice %arg3[%dma_start3A_11, %dma_start3A_12] : memref<1000000x32xf32, #tpu.memory_space<hbm>> -> memref<1000000x32xf32, #tpu.memory_space<hbm>>
    tpu.enqueue_indirect_dma source(%dma_start3A_13 : memref<1000000x32xf32, #tpu.memory_space<hbm>>) target(%dma_start3A_7 : memref<26x32xf32, #tpu.memory_space<vmem>>) offsets(%dma_start3A_10 : memref<26xi32, #tpu.memory_space<vmem>>) semaphore(%arg8 : memref<!tpu.dma_semaphore, #tpu.memory_space<semaphore_mem>>)
    %dma_start3A_14 = arith.constant 1 : i32
    %dma_start3A_15 = arith.constant 1 : i32
    %dma_start3A_16 = arith.constant 0 : i32
    %dma_start3A_17 = arith.constant 0 : i32
    %dma_start3A_18 = tpu.memref_slice %arg6[%dma_start3A_15, %dma_start3A_16, %dma_start3A_17] : memref<32x26x32xf32, #tpu.memory_space<vmem>> -> memref<1x26x32xf32, #tpu.memory_space<vmem>>
    %dma_start3A_19 = tpu.memref_squeeze %dma_start3A_18 : memref<1x26x32xf32, #tpu.memory_space<vmem>> -> memref<26x32xf32, #tpu.memory_space<vmem>>
    %dma_start3A_20 = arith.constant 0 : i32
    %dma_start3A_21 = tpu.memref_slice %arg5[%dma_start3A_14, %dma_start3A_20] : memref<512x26xi32, #tpu.memory_space<vmem>> -> memref<1x26xi32, #tpu.memory_space<vmem>>
    %dma_start3A_22 = tpu.memref_squeeze %dma_start3A_21 : memref<1x26xi32, #tpu.memory_space<vmem>> -> memref<26xi32, #tpu.memory_space<vmem>>
    %dma_start3A_23 = arith.constant 0 : i32
    %dma_start3A_24 = arith.constant 0 : i32
    %dma_start3A_25 = tpu.memref_slice %arg3[%dma_start3A_23, %dma_start3A_24] : memref<1000000x32xf32, #tpu.memory_space<hbm>> -> memref<1000000x32xf32, #tpu.memory_space<hbm>>
    tpu.enqueue_indirect_dma source(%dma_start3A_25 : memref<1000000x32xf32, #tpu.memory_space<hbm>>) target(%dma_start3A_19 : memref<26x32xf32, #tpu.memory_space<vmem>>) offsets(%dma_start3A_22 : memref<26xi32, #tpu.memory_space<vmem>>) semaphore(%arg8 : memref<!tpu.dma_semaphore, #tpu.memory_space<semaphore_mem>>)
    %dma_start3A_26 = arith.constant 2 : i32
    %dma_start3A_27 = arith.constant 2 : i32
    %dma_start3A_28 = arith.constant 0 : i32
    %dma_start3A_29 = arith.constant 0 : i32
    %dma_start3A_30 = tpu.memref_slice %arg6[%dma_start3A_27, %dma_start3A_28, %dma_start3A_29] : memref<32x26x32xf32, #tpu.memory_space<vmem>> -> memref<1x26x32xf32, #tpu.memory_space<vmem>>
    %dma_start3A_31 = tpu.memref_squeeze %dma_start3A_30 : memref<1x26x32xf32, #tpu.memory_space<vmem>> -> memref<26x32xf32, #tpu.memory_space<vmem>>
    %dma_start3A_32 = arith.constant 0 : i32
    %dma_start3A_33 = tpu.memref_slice %arg5[%dma_start3A_26, %dma_start3A_32] : memref<512x26xi32, #tpu.memory_space<vmem>> -> memref<1x26xi32, #tpu.memory_space<vmem>>
    %dma_start3A_34 = tpu.memref_squeeze %dma_start3A_33 : memref<1x26xi32, #tpu.memory_space<vmem>> -> memref<26xi32, #tpu.memory_space<vmem>>
    %dma_start3A_35 = arith.constant 0 : i32
    %dma_start3A_36 = arith.constant 0 : i32
    %dma_start3A_37 = tpu.memref_slice %arg3[%dma_start3A_35, %dma_start3A_36] : memref<1000000x32xf32, #tpu.memory_space<hbm>> -> memref<1000000x32xf32, #tpu.memory_space<hbm>>
    tpu.enqueue_indirect_dma source(%dma_start3A_37 : memref<1000000x32xf32, #tpu.memory_space<hbm>>) target(%dma_start3A_31 : memref<26x32xf32, #tpu.memory_space<vmem>>) offsets(%dma_start3A_34 : memref<26xi32, #tpu.memory_space<vmem>>) semaphore(%arg8 : memref<!tpu.dma_semaphore, #tpu.memory_space<semaphore_mem>>)
    %dma_start3A_38 = arith.constant 3 : i32
    %dma_start3A_39 = arith.constant 3 : i32
    %dma_start3A_40 = arith.constant 0 : i32
    %dma_start3A_41 = arith.constant 0 : i32
    %dma_start3A_42 = tpu.memref_slice %arg6[%dma_start3A_39, %dma_start3A_40, %dma_start3A_41] : memref<32x26x32xf32, #tpu.memory_space<vmem>> -> memref<1x26x32xf32, #tpu.memory_space<vmem>>
    %dma_start3A_43 = tpu.memref_squeeze %dma_start3A_42 : memref<1x26x32xf32, #tpu.memory_space<vmem>> -> memref<26x32xf32, #tpu.memory_space<vmem>>
    %dma_start3A_44 = arith.constant 0 : i32
    %dma_start3A_45 = tpu.memref_slice %arg5[%dma_start3A_38, %dma_start3A_44] : memref<512x26xi32, #tpu.memory_space<vmem>> -> memref<1x26xi32, #tpu.memory_space<vmem>>
    %dma_start3A_46 = tpu.memref_squeeze %dma_start3A_45 : memref<1x26xi32, #tpu.memory_space<vmem>> -> memref<26xi32, #tpu.memory_space<vmem>>
    %dma_start3A_47 = arith.constant 0 : i32
    %dma_start3A_48 = arith.constant 0 : i32
    %dma_start3A_49 = tpu.memref_slice %arg3[%dma_start3A_47, %dma_start3A_48] : memref<1000000x32xf32, #tpu.memory_space<hbm>> -> memref<1000000x32xf32, #tpu.memory_space<hbm>>
    tpu.enqueue_indirect_dma source(%dma_start3A_49 : memref<1000000x32xf32, #tpu.memory_space<hbm>>) target(%dma_start3A_43 : memref<26x32xf32, #tpu.memory_space<vmem>>) offsets(%dma_start3A_46 : memref<26xi32, #tpu.memory_space<vmem>>) semaphore(%arg8 : memref<!tpu.dma_semaphore, #tpu.memory_space<semaphore_mem>>)
    %dma_start3A_50 = arith.constant 4 : i32
    %dma_start3A_51 = arith.constant 4 : i32
    %dma_start3A_52 = arith.constant 0 : i32
    %dma_start3A_53 = arith.constant 0 : i32
    %dma_start3A_54 = tpu.memref_slice %arg6[%dma_start3A_51, %dma_start3A_52, %dma_start3A_53] : memref<32x26x32xf32, #tpu.memory_space<vmem>> -> memref<1x26x32xf32, #tpu.memory_space<vmem>>
    %dma_start3A_55 = tpu.memref_squeeze %dma_start3A_54 : memref<1x26x32xf32, #tpu.memory_space<vmem>> -> memref<26x32xf32, #tpu.memory_space<vmem>>
    %dma_start3A_56 = arith.constant 0 : i32
    %dma_start3A_57 = tpu.memref_slice %arg5[%dma_start3A_50, %dma_start3A_56] : memref<512x26xi32, #tpu.memory_space<vmem>> -> memref<1x26xi32, #tpu.memory_space<vmem>>
    %dma_start3A_58 = tpu.memref_squeeze %dma_start3A_57 : memref<1x26xi32, #tpu.memory_space<vmem>> -> memref<26xi32, #tpu.memory_space<vmem>>
    %dma_start3A_59 = arith.constant 0 : i32
    %dma_start3A_60 = arith.constant 0 : i32
    %dma_start3A_61 = tpu.memref_slice %arg3[%dma_start3A_59, %dma_start3A_60] : memref<1000000x32xf32, #tpu.memory_space<hbm>> -> memref<1000000x32xf32, #tpu.memory_space<hbm>>
    tpu.enqueue_indirect_dma source(%dma_start3A_61 : memref<1000000x32xf32, #tpu.memory_space<hbm>>) target(%dma_start3A_55 : memref<26x32xf32, #tpu.memory_space<vmem>>) offsets(%dma_start3A_58 : memref<26xi32, #tpu.memory_space<vmem>>) semaphore(%arg8 : memref<!tpu.dma_semaphore, #tpu.memory_space<semaphore_mem>>)
    %dma_start3A_62 = arith.constant 5 : i32
    %dma_start3A_63 = arith.constant 5 : i32
    %dma_start3A_64 = arith.constant 0 : i32
    %dma_start3A_65 = arith.constant 0 : i32
    %dma_start3A_66 = tpu.memref_slice %arg6[%dma_start3A_63, %dma_start3A_64, %dma_start3A_65] : memref<32x26x32xf32, #tpu.memory_space<vmem>> -> memref<1x26x32xf32, #tpu.memory_space<vmem>>
    %dma_start3A_67 = tpu.memref_squeeze %dma_start3A_66 : memref<1x26x32xf32, #tpu.memory_space<vmem>> -> memref<26x32xf32, #tpu.memory_space<vmem>>
    %dma_start3A_68 = arith.constant 0 : i32
    %dma_start3A_69 = tpu.memref_slice %arg5[%dma_start3A_62, %dma_start3A_68] : memref<512x26xi32, #tpu.memory_space<vmem>> -> memref<1x26xi32, #tpu.memory_space<vmem>>
    %dma_start3A_70 = tpu.memref_squeeze %dma_start3A_69 : memref<1x26xi32, #tpu.memory_space<vmem>> -> memref<26xi32, #tpu.memory_space<vmem>>
    %dma_start3A_71 = arith.constant 0 : i32
    %dma_start3A_72 = arith.constant 0 : i32
    %dma_start3A_73 = tpu.memref_slice %arg3[%dma_start3A_71, %dma_start3A_72] : memref<1000000x32xf32, #tpu.memory_space<hbm>> -> memref<1000000x32xf32, #tpu.memory_space<hbm>>
    tpu.enqueue_indirect_dma source(%dma_start3A_73 : memref<1000000x32xf32, #tpu.memory_space<hbm>>) target(%dma_start3A_67 : memref<26x32xf32, #tpu.memory_space<vmem>>) offsets(%dma_start3A_70 : memref<26xi32, #tpu.memory_space<vmem>>) semaphore(%arg8 : memref<!tpu.dma_semaphore, #tpu.memory_space<semaphore_mem>>)
    %dma_start3A_74 = arith.constant 6 : i32
    %dma_start3A_75 = arith.constant 6 : i32
    %dma_start3A_76 = arith.constant 0 : i32
    %dma_start3A_77 = arith.constant 0 : i32
    %dma_start3A_78 = tpu.memref_slice %arg6[%dma_start3A_75, %dma_start3A_76, %dma_start3A_77] : memref<32x26x32xf32, #tpu.memory_space<vmem>> -> memref<1x26x32xf32, #tpu.memory_space<vmem>>
    %dma_start3A_79 = tpu.memref_squeeze %dma_start3A_78 : memref<1x26x32xf32, #tpu.memory_space<vmem>> -> memref<26x32xf32, #tpu.memory_space<vmem>>
    %dma_start3A_80 = arith.constant 0 : i32
    %dma_start3A_81 = tpu.memref_slice %arg5[%dma_start3A_74, %dma_start3A_80] : memref<512x26xi32, #tpu.memory_space<vmem>> -> memref<1x26xi32, #tpu.memory_space<vmem>>
    %dma_start3A_82 = tpu.memref_squeeze %dma_start3A_81 : memref<1x26xi32, #tpu.memory_space<vmem>> -> memref<26xi32, #tpu.memory_space<vmem>>
    %dma_start3A_83 = arith.constant 0 : i32
    %dma_start3A_84 = arith.constant 0 : i32
    %dma_start3A_85 = tpu.memref_slice %arg3[%dma_start3A_83, %dma_start3A_84] : memref<1000000x32xf32, #tpu.memory_space<hbm>> -> memref<1000000x32xf32, #tpu.memory_space<hbm>>
    tpu.enqueue_indirect_dma source(%dma_start3A_85 : memref<1000000x32xf32, #tpu.memory_space<hbm>>) target(%dma_start3A_79 : memref<26x32xf32, #tpu.memory_space<vmem>>) offsets(%dma_start3A_82 : memref<26xi32, #tpu.memory_space<vmem>>) semaphore(%arg8 : memref<!tpu.dma_semaphore, #tpu.memory_space<semaphore_mem>>)
    %dma_start3A_86 = arith.constant 7 : i32
    %dma_start3A_87 = arith.constant 7 : i32
    %dma_start3A_88 = arith.constant 0 : i32
    %dma_start3A_89 = arith.constant 0 : i32
    %dma_start3A_90 = tpu.memref_slice %arg6[%dma_start3A_87, %dma_start3A_88, %dma_start3A_89] : memref<32x26x32xf32, #tpu.memory_space<vmem>> -> memref<1x26x32xf32, #tpu.memory_space<vmem>>
    %dma_start3A_91 = tpu.memref_squeeze %dma_start3A_90 : memref<1x26x32xf32, #tpu.memory_space<vmem>> -> memref<26x32xf32, #tpu.memory_space<vmem>>
    %dma_start3A_92 = arith.constant 0 : i32
    %dma_start3A_93 = tpu.memref_slice %arg5[%dma_start3A_86, %dma_start3A_92] : memref<512x26xi32, #tpu.memory_space<vmem>> -> memref<1x26xi32, #tpu.memory_space<vmem>>
    %dma_start3A_94 = tpu.memref_squeeze %dma_start3A_93 : memref<1x26xi32, #tpu.memory_space<vmem>> -> memref<26xi32, #tpu.memory_space<vmem>>
    %dma_start3A_95 = arith.constant 0 : i32
    %dma_start3A_96 = arith.constant 0 : i32
    %dma_start3A_97 = tpu.memref_slice %arg3[%dma_start3A_95, %dma_start3A_96] : memref<1000000x32xf32, #tpu.memory_space<hbm>> -> memref<1000000x32xf32, #tpu.memory_space<hbm>>
    tpu.enqueue_indirect_dma source(%dma_start3A_97 : memref<1000000x32xf32, #tpu.memory_space<hbm>>) target(%dma_start3A_91 : memref<26x32xf32, #tpu.memory_space<vmem>>) offsets(%dma_start3A_94 : memref<26xi32, #tpu.memory_space<vmem>>) semaphore(%arg8 : memref<!tpu.dma_semaphore, #tpu.memory_space<semaphore_mem>>)
    %dma_start3A_98 = arith.constant 8 : i32
    %dma_start3A_99 = arith.constant 8 : i32
    %dma_start3A_100 = arith.constant 0 : i32
    %dma_start3A_101 = arith.constant 0 : i32
    %dma_start3A_102 = tpu.memref_slice %arg6[%dma_start3A_99, %dma_start3A_100, %dma_start3A_101] : memref<32x26x32xf32, #tpu.memory_space<vmem>> -> memref<1x26x32xf32, #tpu.memory_space<vmem>>
    %dma_start3A_103 = tpu.memref_squeeze %dma_start3A_102 : memref<1x26x32xf32, #tpu.memory_space<vmem>> -> memref<26x32xf32, #tpu.memory_space<vmem>>
    %dma_start3A_104 = arith.constant 0 : i32
    %dma_start3A_105 = tpu.memref_slice %arg5[%dma_start3A_98, %dma_start3A_104] : memref<512x26xi32, #tpu.memory_space<vmem>> -> memref<1x26xi32, #tpu.memory_space<vmem>>
    %dma_start3A_106 = tpu.memref_squeeze %dma_start3A_105 : memref<1x26xi32, #tpu.memory_space<vmem>> -> memref<26xi32, #tpu.memory_space<vmem>>
    %dma_start3A_107 = arith.constant 0 : i32
    %dma_start3A_108 = arith.constant 0 : i32
    %dma_start3A_109 = tpu.memref_slice %arg3[%dma_start3A_107, %dma_start3A_108] : memref<1000000x32xf32, #tpu.memory_space<hbm>> -> memref<1000000x32xf32, #tpu.memory_space<hbm>>
    tpu.enqueue_indirect_dma source(%dma_start3A_109 : memref<1000000x32xf32, #tpu.memory_space<hbm>>) target(%dma_start3A_103 : memref<26x32xf32, #tpu.memory_space<vmem>>) offsets(%dma_start3A_106 : memref<26xi32, #tpu.memory_space<vmem>>) semaphore(%arg8 : memref<!tpu.dma_semaphore, #tpu.memory_space<semaphore_mem>>)
    %dma_start3A_110 = arith.constant 9 : i32
    %dma_start3A_111 = arith.constant 9 : i32
    %dma_start3A_112 = arith.constant 0 : i32
    %dma_start3A_113 = arith.constant 0 : i32
    %dma_start3A_114 = tpu.memref_slice %arg6[%dma_start3A_111, %dma_start3A_112, %dma_start3A_113] : memref<32x26x32xf32, #tpu.memory_space<vmem>> -> memref<1x26x32xf32, #tpu.memory_space<vmem>>
    %dma_start3A_115 = tpu.memref_squeeze %dma_start3A_114 : memref<1x26x32xf32, #tpu.memory_space<vmem>> -> memref<26x32xf32, #tpu.memory_space<vmem>>
    %dma_start3A_116 = arith.constant 0 : i32
    %dma_start3A_117 = tpu.memref_slice %arg5[%dma_start3A_110, %dma_start3A_116] : memref<512x26xi32, #tpu.memory_space<vmem>> -> memref<1x26xi32, #tpu.memory_space<vmem>>
    %dma_start3A_118 = tpu.memref_squeeze %dma_start3A_117 : memref<1x26xi32, #tpu.memory_space<vmem>> -> memref<26xi32, #tpu.memory_space<vmem>>
    %dma_start3A_119 = arith.constant 0 : i32
    %dma_start3A_120 = arith.constant 0 : i32
    %dma_start3A_121 = tpu.memref_slice %arg3[%dma_start3A_119, %dma_start3A_120] : memref<1000000x32xf32, #tpu.memory_space<hbm>> -> memref<1000000x32xf32, #tpu.memory_space<hbm>>
    tpu.enqueue_indirect_dma source(%dma_start3A_121 : memref<1000000x32xf32, #tpu.memory_space<hbm>>) target(%dma_start3A_115 : memref<26x32xf32, #tpu.memory_space<vmem>>) offsets(%dma_start3A_118 : memref<26xi32, #tpu.memory_space<vmem>>) semaphore(%arg8 : memref<!tpu.dma_semaphore, #tpu.memory_space<semaphore_mem>>)
    %dma_start3A_122 = arith.constant 10 : i32
    %dma_start3A_123 = arith.constant 10 : i32
    %dma_start3A_124 = arith.constant 0 : i32
    %dma_start3A_125 = arith.constant 0 : i32
    %dma_start3A_126 = tpu.memref_slice %arg6[%dma_start3A_123, %dma_start3A_124, %dma_start3A_125] : memref<32x26x32xf32, #tpu.memory_space<vmem>> -> memref<1x26x32xf32, #tpu.memory_space<vmem>>
    %dma_start3A_127 = tpu.memref_squeeze %dma_start3A_126 : memref<1x26x32xf32, #tpu.memory_space<vmem>> -> memref<26x32xf32, #tpu.memory_space<vmem>>
    %dma_start3A_128 = arith.constant 0 : i32
    %dma_start3A_129 = tpu.memref_slice %arg5[%dma_start3A_122, %dma_start3A_128] : memref<512x26xi32, #tpu.memory_space<vmem>> -> memref<1x26xi32, #tpu.memory_space<vmem>>
    %dma_start3A_130 = tpu.memref_squeeze %dma_start3A_129 : memref<1x26xi32, #tpu.memory_space<vmem>> -> memref<26xi32, #tpu.memory_space<vmem>>
    %dma_start3A_131 = arith.constant 0 : i32
    %dma_start3A_132 = arith.constant 0 : i32
    %dma_start3A_133 = tpu.memref_slice %arg3[%dma_start3A_131, %dma_start3A_132] : memref<1000000x32xf32, #tpu.memory_space<hbm>> -> memref<1000000x32xf32, #tpu.memory_space<hbm>>
    tpu.enqueue_indirect_dma source(%dma_start3A_133 : memref<1000000x32xf32, #tpu.memory_space<hbm>>) target(%dma_start3A_127 : memref<26x32xf32, #tpu.memory_space<vmem>>) offsets(%dma_start3A_130 : memref<26xi32, #tpu.memory_space<vmem>>) semaphore(%arg8 : memref<!tpu.dma_semaphore, #tpu.memory_space<semaphore_mem>>)
    %dma_start3A_134 = arith.constant 11 : i32
    %dma_start3A_135 = arith.constant 11 : i32
    %dma_start3A_136 = arith.constant 0 : i32
    %dma_start3A_137 = arith.constant 0 : i32
    %dma_start3A_138 = tpu.memref_slice %arg6[%dma_start3A_135, %dma_start3A_136, %dma_start3A_137] : memref<32x26x32xf32, #tpu.memory_space<vmem>> -> memref<1x26x32xf32, #tpu.memory_space<vmem>>
    %dma_start3A_139 = tpu.memref_squeeze %dma_start3A_138 : memref<1x26x32xf32, #tpu.memory_space<vmem>> -> memref<26x32xf32, #tpu.memory_space<vmem>>
    %dma_start3A_140 = arith.constant 0 : i32
    %dma_start3A_141 = tpu.memref_slice %arg5[%dma_start3A_134, %dma_start3A_140] : memref<512x26xi32, #tpu.memory_space<vmem>> -> memref<1x26xi32, #tpu.memory_space<vmem>>
    %dma_start3A_142 = tpu.memref_squeeze %dma_start3A_141 : memref<1x26xi32, #tpu.memory_space<vmem>> -> memref<26xi32, #tpu.memory_space<vmem>>
    %dma_start3A_143 = arith.constant 0 : i32
    %dma_start3A_144 = arith.constant 0 : i32
    %dma_start3A_145 = tpu.memref_slice %arg3[%dma_start3A_143, %dma_start3A_144] : memref<1000000x32xf32, #tpu.memory_space<hbm>> -> memref<1000000x32xf32, #tpu.memory_space<hbm>>
    tpu.enqueue_indirect_dma source(%dma_start3A_145 : memref<1000000x32xf32, #tpu.memory_space<hbm>>) target(%dma_start3A_139 : memref<26x32xf32, #tpu.memory_space<vmem>>) offsets(%dma_start3A_142 : memref<26xi32, #tpu.memory_space<vmem>>) semaphore(%arg8 : memref<!tpu.dma_semaphore, #tpu.memory_space<semaphore_mem>>)
    %dma_start3A_146 = arith.constant 12 : i32
    %dma_start3A_147 = arith.constant 12 : i32
    %dma_start3A_148 = arith.constant 0 : i32
    %dma_start3A_149 = arith.constant 0 : i32
    %dma_start3A_150 = tpu.memref_slice %arg6[%dma_start3A_147, %dma_start3A_148, %dma_start3A_149] : memref<32x26x32xf32, #tpu.memory_space<vmem>> -> memref<1x26x32xf32, #tpu.memory_space<vmem>>
    %dma_start3A_151 = tpu.memref_squeeze %dma_start3A_150 : memref<1x26x32xf32, #tpu.memory_space<vmem>> -> memref<26x32xf32, #tpu.memory_space<vmem>>
    %dma_start3A_152 = arith.constant 0 : i32
    %dma_start3A_153 = tpu.memref_slice %arg5[%dma_start3A_146, %dma_start3A_152] : memref<512x26xi32, #tpu.memory_space<vmem>> -> memref<1x26xi32, #tpu.memory_space<vmem>>
    %dma_start3A_154 = tpu.memref_squeeze %dma_start3A_153 : memref<1x26xi32, #tpu.memory_space<vmem>> -> memref<26xi32, #tpu.memory_space<vmem>>
    %dma_start3A_155 = arith.constant 0 : i32
    %dma_start3A_156 = arith.constant 0 : i32
    %dma_start3A_157 = tpu.memref_slice %arg3[%dma_start3A_155, %dma_start3A_156] : memref<1000000x32xf32, #tpu.memory_space<hbm>> -> memref<1000000x32xf32, #tpu.memory_space<hbm>>
    tpu.enqueue_indirect_dma source(%dma_start3A_157 : memref<1000000x32xf32, #tpu.memory_space<hbm>>) target(%dma_start3A_151 : memref<26x32xf32, #tpu.memory_space<vmem>>) offsets(%dma_start3A_154 : memref<26xi32, #tpu.memory_space<vmem>>) semaphore(%arg8 : memref<!tpu.dma_semaphore, #tpu.memory_space<semaphore_mem>>)
    %dma_start3A_158 = arith.constant 13 : i32
    %dma_start3A_159 = arith.constant 13 : i32
    %dma_start3A_160 = arith.constant 0 : i32
    %dma_start3A_161 = arith.constant 0 : i32
    %dma_start3A_162 = tpu.memref_slice %arg6[%dma_start3A_159, %dma_start3A_160, %dma_start3A_161] : memref<32x26x32xf32, #tpu.memory_space<vmem>> -> memref<1x26x32xf32, #tpu.memory_space<vmem>>
    %dma_start3A_163 = tpu.memref_squeeze %dma_start3A_162 : memref<1x26x32xf32, #tpu.memory_space<vmem>> -> memref<26x32xf32, #tpu.memory_space<vmem>>
    %dma_start3A_164 = arith.constant 0 : i32
    %dma_start3A_165 = tpu.memref_slice %arg5[%dma_start3A_158, %dma_start3A_164] : memref<512x26xi32, #tpu.memory_space<vmem>> -> memref<1x26xi32, #tpu.memory_space<vmem>>
    %dma_start3A_166 = tpu.memref_squeeze %dma_start3A_165 : memref<1x26xi32, #tpu.memory_space<vmem>> -> memref<26xi32, #tpu.memory_space<vmem>>
    %dma_start3A_167 = arith.constant 0 : i32
    %dma_start3A_168 = arith.constant 0 : i32
    %dma_start3A_169 = tpu.memref_slice %arg3[%dma_start3A_167, %dma_start3A_168] : memref<1000000x32xf32, #tpu.memory_space<hbm>> -> memref<1000000x32xf32, #tpu.memory_space<hbm>>
    tpu.enqueue_indirect_dma source(%dma_start3A_169 : memref<1000000x32xf32, #tpu.memory_space<hbm>>) target(%dma_start3A_163 : memref<26x32xf32, #tpu.memory_space<vmem>>) offsets(%dma_start3A_166 : memref<26xi32, #tpu.memory_space<vmem>>) semaphore(%arg8 : memref<!tpu.dma_semaphore, #tpu.memory_space<semaphore_mem>>)
    %dma_start3A_170 = arith.constant 14 : i32
    %dma_start3A_171 = arith.constant 14 : i32
    %dma_start3A_172 = arith.constant 0 : i32
    %dma_start3A_173 = arith.constant 0 : i32
    %dma_start3A_174 = tpu.memref_slice %arg6[%dma_start3A_171, %dma_start3A_172, %dma_start3A_173] : memref<32x26x32xf32, #tpu.memory_space<vmem>> -> memref<1x26x32xf32, #tpu.memory_space<vmem>>
    %dma_start3A_175 = tpu.memref_squeeze %dma_start3A_174 : memref<1x26x32xf32, #tpu.memory_space<vmem>> -> memref<26x32xf32, #tpu.memory_space<vmem>>
    %dma_start3A_176 = arith.constant 0 : i32
    %dma_start3A_177 = tpu.memref_slice %arg5[%dma_start3A_170, %dma_start3A_176] : memref<512x26xi32, #tpu.memory_space<vmem>> -> memref<1x26xi32, #tpu.memory_space<vmem>>
    %dma_start3A_178 = tpu.memref_squeeze %dma_start3A_177 : memref<1x26xi32, #tpu.memory_space<vmem>> -> memref<26xi32, #tpu.memory_space<vmem>>
    %dma_start3A_179 = arith.constant 0 : i32
    %dma_start3A_180 = arith.constant 0 : i32
    %dma_start3A_181 = tpu.memref_slice %arg3[%dma_start3A_179, %dma_start3A_180] : memref<1000000x32xf32, #tpu.memory_space<hbm>> -> memref<1000000x32xf32, #tpu.memory_space<hbm>>
    tpu.enqueue_indirect_dma source(%dma_start3A_181 : memref<1000000x32xf32, #tpu.memory_space<hbm>>) target(%dma_start3A_175 : memref<26x32xf32, #tpu.memory_space<vmem>>) offsets(%dma_start3A_178 : memref<26xi32, #tpu.memory_space<vmem>>) semaphore(%arg8 : memref<!tpu.dma_semaphore, #tpu.memory_space<semaphore_mem>>)
    %dma_start3A_182 = arith.constant 15 : i32
    %dma_start3A_183 = arith.constant 15 : i32
    %dma_start3A_184 = arith.constant 0 : i32
    %dma_start3A_185 = arith.constant 0 : i32
    %dma_start3A_186 = tpu.memref_slice %arg6[%dma_start3A_183, %dma_start3A_184, %dma_start3A_185] : memref<32x26x32xf32, #tpu.memory_space<vmem>> -> memref<1x26x32xf32, #tpu.memory_space<vmem>>
    %dma_start3A_187 = tpu.memref_squeeze %dma_start3A_186 : memref<1x26x32xf32, #tpu.memory_space<vmem>> -> memref<26x32xf32, #tpu.memory_space<vmem>>
    %dma_start3A_188 = arith.constant 0 : i32
    %dma_start3A_189 = tpu.memref_slice %arg5[%dma_start3A_182, %dma_start3A_188] : memref<512x26xi32, #tpu.memory_space<vmem>> -> memref<1x26xi32, #tpu.memory_space<vmem>>
    %dma_start3A_190 = tpu.memref_squeeze %dma_start3A_189 : memref<1x26xi32, #tpu.memory_space<vmem>> -> memref<26xi32, #tpu.memory_space<vmem>>
    %dma_start3A_191 = arith.constant 0 : i32
    %dma_start3A_192 = arith.constant 0 : i32
    %dma_start3A_193 = tpu.memref_slice %arg3[%dma_start3A_191, %dma_start3A_192] : memref<1000000x32xf32, #tpu.memory_space<hbm>> -> memref<1000000x32xf32, #tpu.memory_space<hbm>>
    tpu.enqueue_indirect_dma source(%dma_start3A_193 : memref<1000000x32xf32, #tpu.memory_space<hbm>>) target(%dma_start3A_187 : memref<26x32xf32, #tpu.memory_space<vmem>>) offsets(%dma_start3A_190 : memref<26xi32, #tpu.memory_space<vmem>>) semaphore(%arg8 : memref<!tpu.dma_semaphore, #tpu.memory_space<semaphore_mem>>)
    %dma_start3A_194 = arith.constant 16 : i32
    %dma_start3A_195 = arith.constant 16 : i32
    %dma_start3A_196 = arith.constant 0 : i32
    %dma_start3A_197 = arith.constant 0 : i32
    %dma_start3A_198 = tpu.memref_slice %arg6[%dma_start3A_195, %dma_start3A_196, %dma_start3A_197] : memref<32x26x32xf32, #tpu.memory_space<vmem>> -> memref<1x26x32xf32, #tpu.memory_space<vmem>>
    %dma_start3A_199 = tpu.memref_squeeze %dma_start3A_198 : memref<1x26x32xf32, #tpu.memory_space<vmem>> -> memref<26x32xf32, #tpu.memory_space<vmem>>
    %dma_start3A_200 = arith.constant 0 : i32
    %dma_start3A_201 = tpu.memref_slice %arg5[%dma_start3A_194, %dma_start3A_200] : memref<512x26xi32, #tpu.memory_space<vmem>> -> memref<1x26xi32, #tpu.memory_space<vmem>>
    %dma_start3A_202 = tpu.memref_squeeze %dma_start3A_201 : memref<1x26xi32, #tpu.memory_space<vmem>> -> memref<26xi32, #tpu.memory_space<vmem>>
    %dma_start3A_203 = arith.constant 0 : i32
    %dma_start3A_204 = arith.constant 0 : i32
    %dma_start3A_205 = tpu.memref_slice %arg3[%dma_start3A_203, %dma_start3A_204] : memref<1000000x32xf32, #tpu.memory_space<hbm>> -> memref<1000000x32xf32, #tpu.memory_space<hbm>>
    tpu.enqueue_indirect_dma source(%dma_start3A_205 : memref<1000000x32xf32, #tpu.memory_space<hbm>>) target(%dma_start3A_199 : memref<26x32xf32, #tpu.memory_space<vmem>>) offsets(%dma_start3A_202 : memref<26xi32, #tpu.memory_space<vmem>>) semaphore(%arg8 : memref<!tpu.dma_semaphore, #tpu.memory_space<semaphore_mem>>)
    %dma_start3A_206 = arith.constant 17 : i32
    %dma_start3A_207 = arith.constant 17 : i32
    %dma_start3A_208 = arith.constant 0 : i32
    %dma_start3A_209 = arith.constant 0 : i32
    %dma_start3A_210 = tpu.memref_slice %arg6[%dma_start3A_207, %dma_start3A_208, %dma_start3A_209] : memref<32x26x32xf32, #tpu.memory_space<vmem>> -> memref<1x26x32xf32, #tpu.memory_space<vmem>>
    %dma_start3A_211 = tpu.memref_squeeze %dma_start3A_210 : memref<1x26x32xf32, #tpu.memory_space<vmem>> -> memref<26x32xf32, #tpu.memory_space<vmem>>
    %dma_start3A_212 = arith.constant 0 : i32
    %dma_start3A_213 = tpu.memref_slice %arg5[%dma_start3A_206, %dma_start3A_212] : memref<512x26xi32, #tpu.memory_space<vmem>> -> memref<1x26xi32, #tpu.memory_space<vmem>>
    %dma_start3A_214 = tpu.memref_squeeze %dma_start3A_213 : memref<1x26xi32, #tpu.memory_space<vmem>> -> memref<26xi32, #tpu.memory_space<vmem>>
    %dma_start3A_215 = arith.constant 0 : i32
    %dma_start3A_216 = arith.constant 0 : i32
    %dma_start3A_217 = tpu.memref_slice %arg3[%dma_start3A_215, %dma_start3A_216] : memref<1000000x32xf32, #tpu.memory_space<hbm>> -> memref<1000000x32xf32, #tpu.memory_space<hbm>>
    tpu.enqueue_indirect_dma source(%dma_start3A_217 : memref<1000000x32xf32, #tpu.memory_space<hbm>>) target(%dma_start3A_211 : memref<26x32xf32, #tpu.memory_space<vmem>>) offsets(%dma_start3A_214 : memref<26xi32, #tpu.memory_space<vmem>>) semaphore(%arg8 : memref<!tpu.dma_semaphore, #tpu.memory_space<semaphore_mem>>)
    %dma_start3A_218 = arith.constant 18 : i32
    %dma_start3A_219 = arith.constant 18 : i32
    %dma_start3A_220 = arith.constant 0 : i32
    %dma_start3A_221 = arith.constant 0 : i32
    %dma_start3A_222 = tpu.memref_slice %arg6[%dma_start3A_219, %dma_start3A_220, %dma_start3A_221] : memref<32x26x32xf32, #tpu.memory_space<vmem>> -> memref<1x26x32xf32, #tpu.memory_space<vmem>>
    %dma_start3A_223 = tpu.memref_squeeze %dma_start3A_222 : memref<1x26x32xf32, #tpu.memory_space<vmem>> -> memref<26x32xf32, #tpu.memory_space<vmem>>
    %dma_start3A_224 = arith.constant 0 : i32
    %dma_start3A_225 = tpu.memref_slice %arg5[%dma_start3A_218, %dma_start3A_224] : memref<512x26xi32, #tpu.memory_space<vmem>> -> memref<1x26xi32, #tpu.memory_space<vmem>>
    %dma_start3A_226 = tpu.memref_squeeze %dma_start3A_225 : memref<1x26xi32, #tpu.memory_space<vmem>> -> memref<26xi32, #tpu.memory_space<vmem>>
    %dma_start3A_227 = arith.constant 0 : i32
    %dma_start3A_228 = arith.constant 0 : i32
    %dma_start3A_229 = tpu.memref_slice %arg3[%dma_start3A_227, %dma_start3A_228] : memref<1000000x32xf32, #tpu.memory_space<hbm>> -> memref<1000000x32xf32, #tpu.memory_space<hbm>>
    tpu.enqueue_indirect_dma source(%dma_start3A_229 : memref<1000000x32xf32, #tpu.memory_space<hbm>>) target(%dma_start3A_223 : memref<26x32xf32, #tpu.memory_space<vmem>>) offsets(%dma_start3A_226 : memref<26xi32, #tpu.memory_space<vmem>>) semaphore(%arg8 : memref<!tpu.dma_semaphore, #tpu.memory_space<semaphore_mem>>)
    %dma_start3A_230 = arith.constant 19 : i32
    %dma_start3A_231 = arith.constant 19 : i32
    %dma_start3A_232 = arith.constant 0 : i32
    %dma_start3A_233 = arith.constant 0 : i32
    %dma_start3A_234 = tpu.memref_slice %arg6[%dma_start3A_231, %dma_start3A_232, %dma_start3A_233] : memref<32x26x32xf32, #tpu.memory_space<vmem>> -> memref<1x26x32xf32, #tpu.memory_space<vmem>>
    %dma_start3A_235 = tpu.memref_squeeze %dma_start3A_234 : memref<1x26x32xf32, #tpu.memory_space<vmem>> -> memref<26x32xf32, #tpu.memory_space<vmem>>
    %dma_start3A_236 = arith.constant 0 : i32
    %dma_start3A_237 = tpu.memref_slice %arg5[%dma_start3A_230, %dma_start3A_236] : memref<512x26xi32, #tpu.memory_space<vmem>> -> memref<1x26xi32, #tpu.memory_space<vmem>>
    %dma_start3A_238 = tpu.memref_squeeze %dma_start3A_237 : memref<1x26xi32, #tpu.memory_space<vmem>> -> memref<26xi32, #tpu.memory_space<vmem>>
    %dma_start3A_239 = arith.constant 0 : i32
    %dma_start3A_240 = arith.constant 0 : i32
    %dma_start3A_241 = tpu.memref_slice %arg3[%dma_start3A_239, %dma_start3A_240] : memref<1000000x32xf32, #tpu.memory_space<hbm>> -> memref<1000000x32xf32, #tpu.memory_space<hbm>>
    tpu.enqueue_indirect_dma source(%dma_start3A_241 : memref<1000000x32xf32, #tpu.memory_space<hbm>>) target(%dma_start3A_235 : memref<26x32xf32, #tpu.memory_space<vmem>>) offsets(%dma_start3A_238 : memref<26xi32, #tpu.memory_space<vmem>>) semaphore(%arg8 : memref<!tpu.dma_semaphore, #tpu.memory_space<semaphore_mem>>)
    %dma_start3A_242 = arith.constant 20 : i32
    %dma_start3A_243 = arith.constant 20 : i32
    %dma_start3A_244 = arith.constant 0 : i32
    %dma_start3A_245 = arith.constant 0 : i32
    %dma_start3A_246 = tpu.memref_slice %arg6[%dma_start3A_243, %dma_start3A_244, %dma_start3A_245] : memref<32x26x32xf32, #tpu.memory_space<vmem>> -> memref<1x26x32xf32, #tpu.memory_space<vmem>>
    %dma_start3A_247 = tpu.memref_squeeze %dma_start3A_246 : memref<1x26x32xf32, #tpu.memory_space<vmem>> -> memref<26x32xf32, #tpu.memory_space<vmem>>
    %dma_start3A_248 = arith.constant 0 : i32
    %dma_start3A_249 = tpu.memref_slice %arg5[%dma_start3A_242, %dma_start3A_248] : memref<512x26xi32, #tpu.memory_space<vmem>> -> memref<1x26xi32, #tpu.memory_space<vmem>>
    %dma_start3A_250 = tpu.memref_squeeze %dma_start3A_249 : memref<1x26xi32, #tpu.memory_space<vmem>> -> memref<26xi32, #tpu.memory_space<vmem>>
    %dma_start3A_251 = arith.constant 0 : i32
    %dma_start3A_252 = arith.constant 0 : i32
    %dma_start3A_253 = tpu.memref_slice %arg3[%dma_start3A_251, %dma_start3A_252] : memref<1000000x32xf32, #tpu.memory_space<hbm>> -> memref<1000000x32xf32, #tpu.memory_space<hbm>>
    tpu.enqueue_indirect_dma source(%dma_start3A_253 : memref<1000000x32xf32, #tpu.memory_space<hbm>>) target(%dma_start3A_247 : memref<26x32xf32, #tpu.memory_space<vmem>>) offsets(%dma_start3A_250 : memref<26xi32, #tpu.memory_space<vmem>>) semaphore(%arg8 : memref<!tpu.dma_semaphore, #tpu.memory_space<semaphore_mem>>)
    %dma_start3A_254 = arith.constant 21 : i32
    %dma_start3A_255 = arith.constant 21 : i32
    %dma_start3A_256 = arith.constant 0 : i32
    %dma_start3A_257 = arith.constant 0 : i32
    %dma_start3A_258 = tpu.memref_slice %arg6[%dma_start3A_255, %dma_start3A_256, %dma_start3A_257] : memref<32x26x32xf32, #tpu.memory_space<vmem>> -> memref<1x26x32xf32, #tpu.memory_space<vmem>>
    %dma_start3A_259 = tpu.memref_squeeze %dma_start3A_258 : memref<1x26x32xf32, #tpu.memory_space<vmem>> -> memref<26x32xf32, #tpu.memory_space<vmem>>
    %dma_start3A_260 = arith.constant 0 : i32
    %dma_start3A_261 = tpu.memref_slice %arg5[%dma_start3A_254, %dma_start3A_260] : memref<512x26xi32, #tpu.memory_space<vmem>> -> memref<1x26xi32, #tpu.memory_space<vmem>>
    %dma_start3A_262 = tpu.memref_squeeze %dma_start3A_261 : memref<1x26xi32, #tpu.memory_space<vmem>> -> memref<26xi32, #tpu.memory_space<vmem>>
    %dma_start3A_263 = arith.constant 0 : i32
    %dma_start3A_264 = arith.constant 0 : i32
    %dma_start3A_265 = tpu.memref_slice %arg3[%dma_start3A_263, %dma_start3A_264] : memref<1000000x32xf32, #tpu.memory_space<hbm>> -> memref<1000000x32xf32, #tpu.memory_space<hbm>>
    tpu.enqueue_indirect_dma source(%dma_start3A_265 : memref<1000000x32xf32, #tpu.memory_space<hbm>>) target(%dma_start3A_259 : memref<26x32xf32, #tpu.memory_space<vmem>>) offsets(%dma_start3A_262 : memref<26xi32, #tpu.memory_space<vmem>>) semaphore(%arg8 : memref<!tpu.dma_semaphore, #tpu.memory_space<semaphore_mem>>)
    %dma_start3A_266 = arith.constant 22 : i32
    %dma_start3A_267 = arith.constant 22 : i32
    %dma_start3A_268 = arith.constant 0 : i32
    %dma_start3A_269 = arith.constant 0 : i32
    %dma_start3A_270 = tpu.memref_slice %arg6[%dma_start3A_267, %dma_start3A_268, %dma_start3A_269] : memref<32x26x32xf32, #tpu.memory_space<vmem>> -> memref<1x26x32xf32, #tpu.memory_space<vmem>>
    %dma_start3A_271 = tpu.memref_squeeze %dma_start3A_270 : memref<1x26x32xf32, #tpu.memory_space<vmem>> -> memref<26x32xf32, #tpu.memory_space<vmem>>
    %dma_start3A_272 = arith.constant 0 : i32
    %dma_start3A_273 = tpu.memref_slice %arg5[%dma_start3A_266, %dma_start3A_272] : memref<512x26xi32, #tpu.memory_space<vmem>> -> memref<1x26xi32, #tpu.memory_space<vmem>>
    %dma_start3A_274 = tpu.memref_squeeze %dma_start3A_273 : memref<1x26xi32, #tpu.memory_space<vmem>> -> memref<26xi32, #tpu.memory_space<vmem>>
    %dma_start3A_275 = arith.constant 0 : i32
    %dma_start3A_276 = arith.constant 0 : i32
    %dma_start3A_277 = tpu.memref_slice %arg3[%dma_start3A_275, %dma_start3A_276] : memref<1000000x32xf32, #tpu.memory_space<hbm>> -> memref<1000000x32xf32, #tpu.memory_space<hbm>>
    tpu.enqueue_indirect_dma source(%dma_start3A_277 : memref<1000000x32xf32, #tpu.memory_space<hbm>>) target(%dma_start3A_271 : memref<26x32xf32, #tpu.memory_space<vmem>>) offsets(%dma_start3A_274 : memref<26xi32, #tpu.memory_space<vmem>>) semaphore(%arg8 : memref<!tpu.dma_semaphore, #tpu.memory_space<semaphore_mem>>)
    %dma_start3A_278 = arith.constant 23 : i32
    %dma_start3A_279 = arith.constant 23 : i32
    %dma_start3A_280 = arith.constant 0 : i32
    %dma_start3A_281 = arith.constant 0 : i32
    %dma_start3A_282 = tpu.memref_slice %arg6[%dma_start3A_279, %dma_start3A_280, %dma_start3A_281] : memref<32x26x32xf32, #tpu.memory_space<vmem>> -> memref<1x26x32xf32, #tpu.memory_space<vmem>>
    %dma_start3A_283 = tpu.memref_squeeze %dma_start3A_282 : memref<1x26x32xf32, #tpu.memory_space<vmem>> -> memref<26x32xf32, #tpu.memory_space<vmem>>
    %dma_start3A_284 = arith.constant 0 : i32
    %dma_start3A_285 = tpu.memref_slice %arg5[%dma_start3A_278, %dma_start3A_284] : memref<512x26xi32, #tpu.memory_space<vmem>> -> memref<1x26xi32, #tpu.memory_space<vmem>>
    %dma_start3A_286 = tpu.memref_squeeze %dma_start3A_285 : memref<1x26xi32, #tpu.memory_space<vmem>> -> memref<26xi32, #tpu.memory_space<vmem>>
    %dma_start3A_287 = arith.constant 0 : i32
    %dma_start3A_288 = arith.constant 0 : i32
    %dma_start3A_289 = tpu.memref_slice %arg3[%dma_start3A_287, %dma_start3A_288] : memref<1000000x32xf32, #tpu.memory_space<hbm>> -> memref<1000000x32xf32, #tpu.memory_space<hbm>>
    tpu.enqueue_indirect_dma source(%dma_start3A_289 : memref<1000000x32xf32, #tpu.memory_space<hbm>>) target(%dma_start3A_283 : memref<26x32xf32, #tpu.memory_space<vmem>>) offsets(%dma_start3A_286 : memref<26xi32, #tpu.memory_space<vmem>>) semaphore(%arg8 : memref<!tpu.dma_semaphore, #tpu.memory_space<semaphore_mem>>)
    %dma_start3A_290 = arith.constant 24 : i32
    %dma_start3A_291 = arith.constant 24 : i32
    %dma_start3A_292 = arith.constant 0 : i32
    %dma_start3A_293 = arith.constant 0 : i32
    %dma_start3A_294 = tpu.memref_slice %arg6[%dma_start3A_291, %dma_start3A_292, %dma_start3A_293] : memref<32x26x32xf32, #tpu.memory_space<vmem>> -> memref<1x26x32xf32, #tpu.memory_space<vmem>>
    %dma_start3A_295 = tpu.memref_squeeze %dma_start3A_294 : memref<1x26x32xf32, #tpu.memory_space<vmem>> -> memref<26x32xf32, #tpu.memory_space<vmem>>
    %dma_start3A_296 = arith.constant 0 : i32
    %dma_start3A_297 = tpu.memref_slice %arg5[%dma_start3A_290, %dma_start3A_296] : memref<512x26xi32, #tpu.memory_space<vmem>> -> memref<1x26xi32, #tpu.memory_space<vmem>>
    %dma_start3A_298 = tpu.memref_squeeze %dma_start3A_297 : memref<1x26xi32, #tpu.memory_space<vmem>> -> memref<26xi32, #tpu.memory_space<vmem>>
    %dma_start3A_299 = arith.constant 0 : i32
    %dma_start3A_300 = arith.constant 0 : i32
    %dma_start3A_301 = tpu.memref_slice %arg3[%dma_start3A_299, %dma_start3A_300] : memref<1000000x32xf32, #tpu.memory_space<hbm>> -> memref<1000000x32xf32, #tpu.memory_space<hbm>>
    tpu.enqueue_indirect_dma source(%dma_start3A_301 : memref<1000000x32xf32, #tpu.memory_space<hbm>>) target(%dma_start3A_295 : memref<26x32xf32, #tpu.memory_space<vmem>>) offsets(%dma_start3A_298 : memref<26xi32, #tpu.memory_space<vmem>>) semaphore(%arg8 : memref<!tpu.dma_semaphore, #tpu.memory_space<semaphore_mem>>)
    %dma_start3A_302 = arith.constant 25 : i32
    %dma_start3A_303 = arith.constant 25 : i32
    %dma_start3A_304 = arith.constant 0 : i32
    %dma_start3A_305 = arith.constant 0 : i32
    %dma_start3A_306 = tpu.memref_slice %arg6[%dma_start3A_303, %dma_start3A_304, %dma_start3A_305] : memref<32x26x32xf32, #tpu.memory_space<vmem>> -> memref<1x26x32xf32, #tpu.memory_space<vmem>>
    %dma_start3A_307 = tpu.memref_squeeze %dma_start3A_306 : memref<1x26x32xf32, #tpu.memory_space<vmem>> -> memref<26x32xf32, #tpu.memory_space<vmem>>
    %dma_start3A_308 = arith.constant 0 : i32
    %dma_start3A_309 = tpu.memref_slice %arg5[%dma_start3A_302, %dma_start3A_308] : memref<512x26xi32, #tpu.memory_space<vmem>> -> memref<1x26xi32, #tpu.memory_space<vmem>>
    %dma_start3A_310 = tpu.memref_squeeze %dma_start3A_309 : memref<1x26xi32, #tpu.memory_space<vmem>> -> memref<26xi32, #tpu.memory_space<vmem>>
    %dma_start3A_311 = arith.constant 0 : i32
    %dma_start3A_312 = arith.constant 0 : i32
    %dma_start3A_313 = tpu.memref_slice %arg3[%dma_start3A_311, %dma_start3A_312] : memref<1000000x32xf32, #tpu.memory_space<hbm>> -> memref<1000000x32xf32, #tpu.memory_space<hbm>>
    tpu.enqueue_indirect_dma source(%dma_start3A_313 : memref<1000000x32xf32, #tpu.memory_space<hbm>>) target(%dma_start3A_307 : memref<26x32xf32, #tpu.memory_space<vmem>>) offsets(%dma_start3A_310 : memref<26xi32, #tpu.memory_space<vmem>>) semaphore(%arg8 : memref<!tpu.dma_semaphore, #tpu.memory_space<semaphore_mem>>)
    %dma_start3A_314 = arith.constant 26 : i32
    %dma_start3A_315 = arith.constant 26 : i32
    %dma_start3A_316 = arith.constant 0 : i32
    %dma_start3A_317 = arith.constant 0 : i32
    %dma_start3A_318 = tpu.memref_slice %arg6[%dma_start3A_315, %dma_start3A_316, %dma_start3A_317] : memref<32x26x32xf32, #tpu.memory_space<vmem>> -> memref<1x26x32xf32, #tpu.memory_space<vmem>>
    %dma_start3A_319 = tpu.memref_squeeze %dma_start3A_318 : memref<1x26x32xf32, #tpu.memory_space<vmem>> -> memref<26x32xf32, #tpu.memory_space<vmem>>
    %dma_start3A_320 = arith.constant 0 : i32
    %dma_start3A_321 = tpu.memref_slice %arg5[%dma_start3A_314, %dma_start3A_320] : memref<512x26xi32, #tpu.memory_space<vmem>> -> memref<1x26xi32, #tpu.memory_space<vmem>>
    %dma_start3A_322 = tpu.memref_squeeze %dma_start3A_321 : memref<1x26xi32, #tpu.memory_space<vmem>> -> memref<26xi32, #tpu.memory_space<vmem>>
    %dma_start3A_323 = arith.constant 0 : i32
    %dma_start3A_324 = arith.constant 0 : i32
    %dma_start3A_325 = tpu.memref_slice %arg3[%dma_start3A_323, %dma_start3A_324] : memref<1000000x32xf32, #tpu.memory_space<hbm>> -> memref<1000000x32xf32, #tpu.memory_space<hbm>>
    tpu.enqueue_indirect_dma source(%dma_start3A_325 : memref<1000000x32xf32, #tpu.memory_space<hbm>>) target(%dma_start3A_319 : memref<26x32xf32, #tpu.memory_space<vmem>>) offsets(%dma_start3A_322 : memref<26xi32, #tpu.memory_space<vmem>>) semaphore(%arg8 : memref<!tpu.dma_semaphore, #tpu.memory_space<semaphore_mem>>)
    %dma_start3A_326 = arith.constant 27 : i32
    %dma_start3A_327 = arith.constant 27 : i32
    %dma_start3A_328 = arith.constant 0 : i32
    %dma_start3A_329 = arith.constant 0 : i32
    %dma_start3A_330 = tpu.memref_slice %arg6[%dma_start3A_327, %dma_start3A_328, %dma_start3A_329] : memref<32x26x32xf32, #tpu.memory_space<vmem>> -> memref<1x26x32xf32, #tpu.memory_space<vmem>>
    %dma_start3A_331 = tpu.memref_squeeze %dma_start3A_330 : memref<1x26x32xf32, #tpu.memory_space<vmem>> -> memref<26x32xf32, #tpu.memory_space<vmem>>
    %dma_start3A_332 = arith.constant 0 : i32
    %dma_start3A_333 = tpu.memref_slice %arg5[%dma_start3A_326, %dma_start3A_332] : memref<512x26xi32, #tpu.memory_space<vmem>> -> memref<1x26xi32, #tpu.memory_space<vmem>>
    %dma_start3A_334 = tpu.memref_squeeze %dma_start3A_333 : memref<1x26xi32, #tpu.memory_space<vmem>> -> memref<26xi32, #tpu.memory_space<vmem>>
    %dma_start3A_335 = arith.constant 0 : i32
    %dma_start3A_336 = arith.constant 0 : i32
    %dma_start3A_337 = tpu.memref_slice %arg3[%dma_start3A_335, %dma_start3A_336] : memref<1000000x32xf32, #tpu.memory_space<hbm>> -> memref<1000000x32xf32, #tpu.memory_space<hbm>>
    tpu.enqueue_indirect_dma source(%dma_start3A_337 : memref<1000000x32xf32, #tpu.memory_space<hbm>>) target(%dma_start3A_331 : memref<26x32xf32, #tpu.memory_space<vmem>>) offsets(%dma_start3A_334 : memref<26xi32, #tpu.memory_space<vmem>>) semaphore(%arg8 : memref<!tpu.dma_semaphore, #tpu.memory_space<semaphore_mem>>)
    %dma_start3A_338 = arith.constant 28 : i32
    %dma_start3A_339 = arith.constant 28 : i32
    %dma_start3A_340 = arith.constant 0 : i32
    %dma_start3A_341 = arith.constant 0 : i32
    %dma_start3A_342 = tpu.memref_slice %arg6[%dma_start3A_339, %dma_start3A_340, %dma_start3A_341] : memref<32x26x32xf32, #tpu.memory_space<vmem>> -> memref<1x26x32xf32, #tpu.memory_space<vmem>>
    %dma_start3A_343 = tpu.memref_squeeze %dma_start3A_342 : memref<1x26x32xf32, #tpu.memory_space<vmem>> -> memref<26x32xf32, #tpu.memory_space<vmem>>
    %dma_start3A_344 = arith.constant 0 : i32
    %dma_start3A_345 = tpu.memref_slice %arg5[%dma_start3A_338, %dma_start3A_344] : memref<512x26xi32, #tpu.memory_space<vmem>> -> memref<1x26xi32, #tpu.memory_space<vmem>>
    %dma_start3A_346 = tpu.memref_squeeze %dma_start3A_345 : memref<1x26xi32, #tpu.memory_space<vmem>> -> memref<26xi32, #tpu.memory_space<vmem>>
    %dma_start3A_347 = arith.constant 0 : i32
    %dma_start3A_348 = arith.constant 0 : i32
    %dma_start3A_349 = tpu.memref_slice %arg3[%dma_start3A_347, %dma_start3A_348] : memref<1000000x32xf32, #tpu.memory_space<hbm>> -> memref<1000000x32xf32, #tpu.memory_space<hbm>>
    tpu.enqueue_indirect_dma source(%dma_start3A_349 : memref<1000000x32xf32, #tpu.memory_space<hbm>>) target(%dma_start3A_343 : memref<26x32xf32, #tpu.memory_space<vmem>>) offsets(%dma_start3A_346 : memref<26xi32, #tpu.memory_space<vmem>>) semaphore(%arg8 : memref<!tpu.dma_semaphore, #tpu.memory_space<semaphore_mem>>)
    %dma_start3A_350 = arith.constant 29 : i32
    %dma_start3A_351 = arith.constant 29 : i32
    %dma_start3A_352 = arith.constant 0 : i32
    %dma_start3A_353 = arith.constant 0 : i32
    %dma_start3A_354 = tpu.memref_slice %arg6[%dma_start3A_351, %dma_start3A_352, %dma_start3A_353] : memref<32x26x32xf32, #tpu.memory_space<vmem>> -> memref<1x26x32xf32, #tpu.memory_space<vmem>>
    %dma_start3A_355 = tpu.memref_squeeze %dma_start3A_354 : memref<1x26x32xf32, #tpu.memory_space<vmem>> -> memref<26x32xf32, #tpu.memory_space<vmem>>
    %dma_start3A_356 = arith.constant 0 : i32
    %dma_start3A_357 = tpu.memref_slice %arg5[%dma_start3A_350, %dma_start3A_356] : memref<512x26xi32, #tpu.memory_space<vmem>> -> memref<1x26xi32, #tpu.memory_space<vmem>>
    %dma_start3A_358 = tpu.memref_squeeze %dma_start3A_357 : memref<1x26xi32, #tpu.memory_space<vmem>> -> memref<26xi32, #tpu.memory_space<vmem>>
    %dma_start3A_359 = arith.constant 0 : i32
    %dma_start3A_360 = arith.constant 0 : i32
    %dma_start3A_361 = tpu.memref_slice %arg3[%dma_start3A_359, %dma_start3A_360] : memref<1000000x32xf32, #tpu.memory_space<hbm>> -> memref<1000000x32xf32, #tpu.memory_space<hbm>>
    tpu.enqueue_indirect_dma source(%dma_start3A_361 : memref<1000000x32xf32, #tpu.memory_space<hbm>>) target(%dma_start3A_355 : memref<26x32xf32, #tpu.memory_space<vmem>>) offsets(%dma_start3A_358 : memref<26xi32, #tpu.memory_space<vmem>>) semaphore(%arg8 : memref<!tpu.dma_semaphore, #tpu.memory_space<semaphore_mem>>)
    %dma_start3A_362 = arith.constant 30 : i32
    %dma_start3A_363 = arith.constant 30 : i32
    %dma_start3A_364 = arith.constant 0 : i32
    %dma_start3A_365 = arith.constant 0 : i32
    %dma_start3A_366 = tpu.memref_slice %arg6[%dma_start3A_363, %dma_start3A_364, %dma_start3A_365] : memref<32x26x32xf32, #tpu.memory_space<vmem>> -> memref<1x26x32xf32, #tpu.memory_space<vmem>>
    %dma_start3A_367 = tpu.memref_squeeze %dma_start3A_366 : memref<1x26x32xf32, #tpu.memory_space<vmem>> -> memref<26x32xf32, #tpu.memory_space<vmem>>
    %dma_start3A_368 = arith.constant 0 : i32
    %dma_start3A_369 = tpu.memref_slice %arg5[%dma_start3A_362, %dma_start3A_368] : memref<512x26xi32, #tpu.memory_space<vmem>> -> memref<1x26xi32, #tpu.memory_space<vmem>>
    %dma_start3A_370 = tpu.memref_squeeze %dma_start3A_369 : memref<1x26xi32, #tpu.memory_space<vmem>> -> memref<26xi32, #tpu.memory_space<vmem>>
    %dma_start3A_371 = arith.constant 0 : i32
    %dma_start3A_372 = arith.constant 0 : i32
    %dma_start3A_373 = tpu.memref_slice %arg3[%dma_start3A_371, %dma_start3A_372] : memref<1000000x32xf32, #tpu.memory_space<hbm>> -> memref<1000000x32xf32, #tpu.memory_space<hbm>>
    tpu.enqueue_indirect_dma source(%dma_start3A_373 : memref<1000000x32xf32, #tpu.memory_space<hbm>>) target(%dma_start3A_367 : memref<26x32xf32, #tpu.memory_space<vmem>>) offsets(%dma_start3A_370 : memref<26xi32, #tpu.memory_space<vmem>>) semaphore(%arg8 : memref<!tpu.dma_semaphore, #tpu.memory_space<semaphore_mem>>)
    %dma_start3A_374 = arith.constant 31 : i32
    %dma_start3A_375 = arith.constant 31 : i32
    %dma_start3A_376 = arith.constant 0 : i32
    %dma_start3A_377 = arith.constant 0 : i32
    %dma_start3A_378 = tpu.memref_slice %arg6[%dma_start3A_375, %dma_start3A_376, %dma_start3A_377] : memref<32x26x32xf32, #tpu.memory_space<vmem>> -> memref<1x26x32xf32, #tpu.memory_space<vmem>>
    %dma_start3A_379 = tpu.memref_squeeze %dma_start3A_378 : memref<1x26x32xf32, #tpu.memory_space<vmem>> -> memref<26x32xf32, #tpu.memory_space<vmem>>
    %dma_start3A_380 = arith.constant 0 : i32
    %dma_start3A_381 = tpu.memref_slice %arg5[%dma_start3A_374, %dma_start3A_380] : memref<512x26xi32, #tpu.memory_space<vmem>> -> memref<1x26xi32, #tpu.memory_space<vmem>>
    %dma_start3A_382 = tpu.memref_squeeze %dma_start3A_381 : memref<1x26xi32, #tpu.memory_space<vmem>> -> memref<26xi32, #tpu.memory_space<vmem>>
    %dma_start3A_383 = arith.constant 0 : i32
    %dma_start3A_384 = arith.constant 0 : i32
    %dma_start3A_385 = tpu.memref_slice %arg3[%dma_start3A_383, %dma_start3A_384] : memref<1000000x32xf32, #tpu.memory_space<hbm>> -> memref<1000000x32xf32, #tpu.memory_space<hbm>>
    tpu.enqueue_indirect_dma source(%dma_start3A_385 : memref<1000000x32xf32, #tpu.memory_space<hbm>>) target(%dma_start3A_379 : memref<26x32xf32, #tpu.memory_space<vmem>>) offsets(%dma_start3A_382 : memref<26xi32, #tpu.memory_space<vmem>>) semaphore(%arg8 : memref<!tpu.dma_semaphore, #tpu.memory_space<semaphore_mem>>)
    %dma_start3A_386 = arith.constant 32 : i32
    %dma_start3A_387 = arith.constant 0 : i32
    %dma_start3A_388 = arith.constant 0 : i32
    %dma_start3A_389 = arith.constant 0 : i32
    %dma_start3A_390 = tpu.memref_slice %arg7[%dma_start3A_387, %dma_start3A_388, %dma_start3A_389] : memref<32x26x32xf32, #tpu.memory_space<vmem>> -> memref<1x26x32xf32, #tpu.memory_space<vmem>>
    %dma_start3A_391 = tpu.memref_squeeze %dma_start3A_390 : memref<1x26x32xf32, #tpu.memory_space<vmem>> -> memref<26x32xf32, #tpu.memory_space<vmem>>
    %dma_start3A_392 = arith.constant 0 : i32
    %dma_start3A_393 = tpu.memref_slice %arg5[%dma_start3A_386, %dma_start3A_392] : memref<512x26xi32, #tpu.memory_space<vmem>> -> memref<1x26xi32, #tpu.memory_space<vmem>>
    %dma_start3A_394 = tpu.memref_squeeze %dma_start3A_393 : memref<1x26xi32, #tpu.memory_space<vmem>> -> memref<26xi32, #tpu.memory_space<vmem>>
    %dma_start3A_395 = arith.constant 0 : i32
    %dma_start3A_396 = arith.constant 0 : i32
    %dma_start3A_397 = tpu.memref_slice %arg3[%dma_start3A_395, %dma_start3A_396] : memref<1000000x32xf32, #tpu.memory_space<hbm>> -> memref<1000000x32xf32, #tpu.memory_space<hbm>>
    tpu.enqueue_indirect_dma source(%dma_start3A_397 : memref<1000000x32xf32, #tpu.memory_space<hbm>>) target(%dma_start3A_391 : memref<26x32xf32, #tpu.memory_space<vmem>>) offsets(%dma_start3A_394 : memref<26xi32, #tpu.memory_space<vmem>>) semaphore(%arg9 : memref<!tpu.dma_semaphore, #tpu.memory_space<semaphore_mem>>)
    %dma_start3A_398 = arith.constant 33 : i32
    %dma_start3A_399 = arith.constant 1 : i32
    %dma_start3A_400 = arith.constant 0 : i32
    %dma_start3A_401 = arith.constant 0 : i32
    %dma_start3A_402 = tpu.memref_slice %arg7[%dma_start3A_399, %dma_start3A_400, %dma_start3A_401] : memref<32x26x32xf32, #tpu.memory_space<vmem>> -> memref<1x26x32xf32, #tpu.memory_space<vmem>>
    %dma_start3A_403 = tpu.memref_squeeze %dma_start3A_402 : memref<1x26x32xf32, #tpu.memory_space<vmem>> -> memref<26x32xf32, #tpu.memory_space<vmem>>
    %dma_start3A_404 = arith.constant 0 : i32
    %dma_start3A_405 = tpu.memref_slice %arg5[%dma_start3A_398, %dma_start3A_404] : memref<512x26xi32, #tpu.memory_space<vmem>> -> memref<1x26xi32, #tpu.memory_space<vmem>>
    %dma_start3A_406 = tpu.memref_squeeze %dma_start3A_405 : memref<1x26xi32, #tpu.memory_space<vmem>> -> memref<26xi32, #tpu.memory_space<vmem>>
    %dma_start3A_407 = arith.constant 0 : i32
    %dma_start3A_408 = arith.constant 0 : i32
    %dma_start3A_409 = tpu.memref_slice %arg3[%dma_start3A_407, %dma_start3A_408] : memref<1000000x32xf32, #tpu.memory_space<hbm>> -> memref<1000000x32xf32, #tpu.memory_space<hbm>>
    tpu.enqueue_indirect_dma source(%dma_start3A_409 : memref<1000000x32xf32, #tpu.memory_space<hbm>>) target(%dma_start3A_403 : memref<26x32xf32, #tpu.memory_space<vmem>>) offsets(%dma_start3A_406 : memref<26xi32, #tpu.memory_space<vmem>>) semaphore(%arg9 : memref<!tpu.dma_semaphore, #tpu.memory_space<semaphore_mem>>)
    %dma_start3A_410 = arith.constant 34 : i32
    %dma_start3A_411 = arith.constant 2 : i32
    %dma_start3A_412 = arith.constant 0 : i32
    %dma_start3A_413 = arith.constant 0 : i32
    %dma_start3A_414 = tpu.memref_slice %arg7[%dma_start3A_411, %dma_start3A_412, %dma_start3A_413] : memref<32x26x32xf32, #tpu.memory_space<vmem>> -> memref<1x26x32xf32, #tpu.memory_space<vmem>>
    %dma_start3A_415 = tpu.memref_squeeze %dma_start3A_414 : memref<1x26x32xf32, #tpu.memory_space<vmem>> -> memref<26x32xf32, #tpu.memory_space<vmem>>
    %dma_start3A_416 = arith.constant 0 : i32
    %dma_start3A_417 = tpu.memref_slice %arg5[%dma_start3A_410, %dma_start3A_416] : memref<512x26xi32, #tpu.memory_space<vmem>> -> memref<1x26xi32, #tpu.memory_space<vmem>>
    %dma_start3A_418 = tpu.memref_squeeze %dma_start3A_417 : memref<1x26xi32, #tpu.memory_space<vmem>> -> memref<26xi32, #tpu.memory_space<vmem>>
    %dma_start3A_419 = arith.constant 0 : i32
    %dma_start3A_420 = arith.constant 0 : i32
    %dma_start3A_421 = tpu.memref_slice %arg3[%dma_start3A_419, %dma_start3A_420] : memref<1000000x32xf32, #tpu.memory_space<hbm>> -> memref<1000000x32xf32, #tpu.memory_space<hbm>>
    tpu.enqueue_indirect_dma source(%dma_start3A_421 : memref<1000000x32xf32, #tpu.memory_space<hbm>>) target(%dma_start3A_415 : memref<26x32xf32, #tpu.memory_space<vmem>>) offsets(%dma_start3A_418 : memref<26xi32, #tpu.memory_space<vmem>>) semaphore(%arg9 : memref<!tpu.dma_semaphore, #tpu.memory_space<semaphore_mem>>)
    %dma_start3A_422 = arith.constant 35 : i32
    %dma_start3A_423 = arith.constant 3 : i32
    %dma_start3A_424 = arith.constant 0 : i32
    %dma_start3A_425 = arith.constant 0 : i32
    %dma_start3A_426 = tpu.memref_slice %arg7[%dma_start3A_423, %dma_start3A_424, %dma_start3A_425] : memref<32x26x32xf32, #tpu.memory_space<vmem>> -> memref<1x26x32xf32, #tpu.memory_space<vmem>>
    %dma_start3A_427 = tpu.memref_squeeze %dma_start3A_426 : memref<1x26x32xf32, #tpu.memory_space<vmem>> -> memref<26x32xf32, #tpu.memory_space<vmem>>
    %dma_start3A_428 = arith.constant 0 : i32
    %dma_start3A_429 = tpu.memref_slice %arg5[%dma_start3A_422, %dma_start3A_428] : memref<512x26xi32, #tpu.memory_space<vmem>> -> memref<1x26xi32, #tpu.memory_space<vmem>>
    %dma_start3A_430 = tpu.memref_squeeze %dma_start3A_429 : memref<1x26xi32, #tpu.memory_space<vmem>> -> memref<26xi32, #tpu.memory_space<vmem>>
    %dma_start3A_431 = arith.constant 0 : i32
    %dma_start3A_432 = arith.constant 0 : i32
    %dma_start3A_433 = tpu.memref_slice %arg3[%dma_start3A_431, %dma_start3A_432] : memref<1000000x32xf32, #tpu.memory_space<hbm>> -> memref<1000000x32xf32, #tpu.memory_space<hbm>>
    tpu.enqueue_indirect_dma source(%dma_start3A_433 : memref<1000000x32xf32, #tpu.memory_space<hbm>>) target(%dma_start3A_427 : memref<26x32xf32, #tpu.memory_space<vmem>>) offsets(%dma_start3A_430 : memref<26xi32, #tpu.memory_space<vmem>>) semaphore(%arg9 : memref<!tpu.dma_semaphore, #tpu.memory_space<semaphore_mem>>)
    %dma_start3A_434 = arith.constant 36 : i32
    %dma_start3A_435 = arith.constant 4 : i32
    %dma_start3A_436 = arith.constant 0 : i32
    %dma_start3A_437 = arith.constant 0 : i32
    %dma_start3A_438 = tpu.memref_slice %arg7[%dma_start3A_435, %dma_start3A_436, %dma_start3A_437] : memref<32x26x32xf32, #tpu.memory_space<vmem>> -> memref<1x26x32xf32, #tpu.memory_space<vmem>>
    %dma_start3A_439 = tpu.memref_squeeze %dma_start3A_438 : memref<1x26x32xf32, #tpu.memory_space<vmem>> -> memref<26x32xf32, #tpu.memory_space<vmem>>
    %dma_start3A_440 = arith.constant 0 : i32
    %dma_start3A_441 = tpu.memref_slice %arg5[%dma_start3A_434, %dma_start3A_440] : memref<512x26xi32, #tpu.memory_space<vmem>> -> memref<1x26xi32, #tpu.memory_space<vmem>>
    %dma_start3A_442 = tpu.memref_squeeze %dma_start3A_441 : memref<1x26xi32, #tpu.memory_space<vmem>> -> memref<26xi32, #tpu.memory_space<vmem>>
    %dma_start3A_443 = arith.constant 0 : i32
    %dma_start3A_444 = arith.constant 0 : i32
    %dma_start3A_445 = tpu.memref_slice %arg3[%dma_start3A_443, %dma_start3A_444] : memref<1000000x32xf32, #tpu.memory_space<hbm>> -> memref<1000000x32xf32, #tpu.memory_space<hbm>>
    tpu.enqueue_indirect_dma source(%dma_start3A_445 : memref<1000000x32xf32, #tpu.memory_space<hbm>>) target(%dma_start3A_439 : memref<26x32xf32, #tpu.memory_space<vmem>>) offsets(%dma_start3A_442 : memref<26xi32, #tpu.memory_space<vmem>>) semaphore(%arg9 : memref<!tpu.dma_semaphore, #tpu.memory_space<semaphore_mem>>)
    %dma_start3A_446 = arith.constant 37 : i32
    %dma_start3A_447 = arith.constant 5 : i32
    %dma_start3A_448 = arith.constant 0 : i32
    %dma_start3A_449 = arith.constant 0 : i32
    %dma_start3A_450 = tpu.memref_slice %arg7[%dma_start3A_447, %dma_start3A_448, %dma_start3A_449] : memref<32x26x32xf32, #tpu.memory_space<vmem>> -> memref<1x26x32xf32, #tpu.memory_space<vmem>>
    %dma_start3A_451 = tpu.memref_squeeze %dma_start3A_450 : memref<1x26x32xf32, #tpu.memory_space<vmem>> -> memref<26x32xf32, #tpu.memory_space<vmem>>
    %dma_start3A_452 = arith.constant 0 : i32
    %dma_start3A_453 = tpu.memref_slice %arg5[%dma_start3A_446, %dma_start3A_452] : memref<512x26xi32, #tpu.memory_space<vmem>> -> memref<1x26xi32, #tpu.memory_space<vmem>>
    %dma_start3A_454 = tpu.memref_squeeze %dma_start3A_453 : memref<1x26xi32, #tpu.memory_space<vmem>> -> memref<26xi32, #tpu.memory_space<vmem>>
    %dma_start3A_455 = arith.constant 0 : i32
    %dma_start3A_456 = arith.constant 0 : i32
    %dma_start3A_457 = tpu.memref_slice %arg3[%dma_start3A_455, %dma_start3A_456] : memref<1000000x32xf32, #tpu.memory_space<hbm>> -> memref<1000000x32xf32, #tpu.memory_space<hbm>>
    tpu.enqueue_indirect_dma source(%dma_start3A_457 : memref<1000000x32xf32, #tpu.memory_space<hbm>>) target(%dma_start3A_451 : memref<26x32xf32, #tpu.memory_space<vmem>>) offsets(%dma_start3A_454 : memref<26xi32, #tpu.memory_space<vmem>>) semaphore(%arg9 : memref<!tpu.dma_semaphore, #tpu.memory_space<semaphore_mem>>)
    %dma_start3A_458 = arith.constant 38 : i32
    %dma_start3A_459 = arith.constant 6 : i32
    %dma_start3A_460 = arith.constant 0 : i32
    %dma_start3A_461 = arith.constant 0 : i32
    %dma_start3A_462 = tpu.memref_slice %arg7[%dma_start3A_459, %dma_start3A_460, %dma_start3A_461] : memref<32x26x32xf32, #tpu.memory_space<vmem>> -> memref<1x26x32xf32, #tpu.memory_space<vmem>>
    %dma_start3A_463 = tpu.memref_squeeze %dma_start3A_462 : memref<1x26x32xf32, #tpu.memory_space<vmem>> -> memref<26x32xf32, #tpu.memory_space<vmem>>
    %dma_start3A_464 = arith.constant 0 : i32
    %dma_start3A_465 = tpu.memref_slice %arg5[%dma_start3A_458, %dma_start3A_464] : memref<512x26xi32, #tpu.memory_space<vmem>> -> memref<1x26xi32, #tpu.memory_space<vmem>>
    %dma_start3A_466 = tpu.memref_squeeze %dma_start3A_465 : memref<1x26xi32, #tpu.memory_space<vmem>> -> memref<26xi32, #tpu.memory_space<vmem>>
    %dma_start3A_467 = arith.constant 0 : i32
    %dma_start3A_468 = arith.constant 0 : i32
    %dma_start3A_469 = tpu.memref_slice %arg3[%dma_start3A_467, %dma_start3A_468] : memref<1000000x32xf32, #tpu.memory_space<hbm>> -> memref<1000000x32xf32, #tpu.memory_space<hbm>>
    tpu.enqueue_indirect_dma source(%dma_start3A_469 : memref<1000000x32xf32, #tpu.memory_space<hbm>>) target(%dma_start3A_463 : memref<26x32xf32, #tpu.memory_space<vmem>>) offsets(%dma_start3A_466 : memref<26xi32, #tpu.memory_space<vmem>>) semaphore(%arg9 : memref<!tpu.dma_semaphore, #tpu.memory_space<semaphore_mem>>)
    %dma_start3A_470 = arith.constant 39 : i32
    %dma_start3A_471 = arith.constant 7 : i32
    %dma_start3A_472 = arith.constant 0 : i32
    %dma_start3A_473 = arith.constant 0 : i32
    %dma_start3A_474 = tpu.memref_slice %arg7[%dma_start3A_471, %dma_start3A_472, %dma_start3A_473] : memref<32x26x32xf32, #tpu.memory_space<vmem>> -> memref<1x26x32xf32, #tpu.memory_space<vmem>>
    %dma_start3A_475 = tpu.memref_squeeze %dma_start3A_474 : memref<1x26x32xf32, #tpu.memory_space<vmem>> -> memref<26x32xf32, #tpu.memory_space<vmem>>
    %dma_start3A_476 = arith.constant 0 : i32
    %dma_start3A_477 = tpu.memref_slice %arg5[%dma_start3A_470, %dma_start3A_476] : memref<512x26xi32, #tpu.memory_space<vmem>> -> memref<1x26xi32, #tpu.memory_space<vmem>>
    %dma_start3A_478 = tpu.memref_squeeze %dma_start3A_477 : memref<1x26xi32, #tpu.memory_space<vmem>> -> memref<26xi32, #tpu.memory_space<vmem>>
    %dma_start3A_479 = arith.constant 0 : i32
    %dma_start3A_480 = arith.constant 0 : i32
    %dma_start3A_481 = tpu.memref_slice %arg3[%dma_start3A_479, %dma_start3A_480] : memref<1000000x32xf32, #tpu.memory_space<hbm>> -> memref<1000000x32xf32, #tpu.memory_space<hbm>>
    tpu.enqueue_indirect_dma source(%dma_start3A_481 : memref<1000000x32xf32, #tpu.memory_space<hbm>>) target(%dma_start3A_475 : memref<26x32xf32, #tpu.memory_space<vmem>>) offsets(%dma_start3A_478 : memref<26xi32, #tpu.memory_space<vmem>>) semaphore(%arg9 : memref<!tpu.dma_semaphore, #tpu.memory_space<semaphore_mem>>)
    %dma_start3A_482 = arith.constant 40 : i32
    %dma_start3A_483 = arith.constant 8 : i32
    %dma_start3A_484 = arith.constant 0 : i32
    %dma_start3A_485 = arith.constant 0 : i32
    %dma_start3A_486 = tpu.memref_slice %arg7[%dma_start3A_483, %dma_start3A_484, %dma_start3A_485] : memref<32x26x32xf32, #tpu.memory_space<vmem>> -> memref<1x26x32xf32, #tpu.memory_space<vmem>>
    %dma_start3A_487 = tpu.memref_squeeze %dma_start3A_486 : memref<1x26x32xf32, #tpu.memory_space<vmem>> -> memref<26x32xf32, #tpu.memory_space<vmem>>
    %dma_start3A_488 = arith.constant 0 : i32
    %dma_start3A_489 = tpu.memref_slice %arg5[%dma_start3A_482, %dma_start3A_488] : memref<512x26xi32, #tpu.memory_space<vmem>> -> memref<1x26xi32, #tpu.memory_space<vmem>>
    %dma_start3A_490 = tpu.memref_squeeze %dma_start3A_489 : memref<1x26xi32, #tpu.memory_space<vmem>> -> memref<26xi32, #tpu.memory_space<vmem>>
    %dma_start3A_491 = arith.constant 0 : i32
    %dma_start3A_492 = arith.constant 0 : i32
    %dma_start3A_493 = tpu.memref_slice %arg3[%dma_start3A_491, %dma_start3A_492] : memref<1000000x32xf32, #tpu.memory_space<hbm>> -> memref<1000000x32xf32, #tpu.memory_space<hbm>>
    tpu.enqueue_indirect_dma source(%dma_start3A_493 : memref<1000000x32xf32, #tpu.memory_space<hbm>>) target(%dma_start3A_487 : memref<26x32xf32, #tpu.memory_space<vmem>>) offsets(%dma_start3A_490 : memref<26xi32, #tpu.memory_space<vmem>>) semaphore(%arg9 : memref<!tpu.dma_semaphore, #tpu.memory_space<semaphore_mem>>)
    %dma_start3A_494 = arith.constant 41 : i32
    %dma_start3A_495 = arith.constant 9 : i32
    %dma_start3A_496 = arith.constant 0 : i32
    %dma_start3A_497 = arith.constant 0 : i32
    %dma_start3A_498 = tpu.memref_slice %arg7[%dma_start3A_495, %dma_start3A_496, %dma_start3A_497] : memref<32x26x32xf32, #tpu.memory_space<vmem>> -> memref<1x26x32xf32, #tpu.memory_space<vmem>>
    %dma_start3A_499 = tpu.memref_squeeze %dma_start3A_498 : memref<1x26x32xf32, #tpu.memory_space<vmem>> -> memref<26x32xf32, #tpu.memory_space<vmem>>
    %dma_start3A_500 = arith.constant 0 : i32
    %dma_start3A_501 = tpu.memref_slice %arg5[%dma_start3A_494, %dma_start3A_500] : memref<512x26xi32, #tpu.memory_space<vmem>> -> memref<1x26xi32, #tpu.memory_space<vmem>>
    %dma_start3A_502 = tpu.memref_squeeze %dma_start3A_501 : memref<1x26xi32, #tpu.memory_space<vmem>> -> memref<26xi32, #tpu.memory_space<vmem>>
    %dma_start3A_503 = arith.constant 0 : i32
    %dma_start3A_504 = arith.constant 0 : i32
    %dma_start3A_505 = tpu.memref_slice %arg3[%dma_start3A_503, %dma_start3A_504] : memref<1000000x32xf32, #tpu.memory_space<hbm>> -> memref<1000000x32xf32, #tpu.memory_space<hbm>>
    tpu.enqueue_indirect_dma source(%dma_start3A_505 : memref<1000000x32xf32, #tpu.memory_space<hbm>>) target(%dma_start3A_499 : memref<26x32xf32, #tpu.memory_space<vmem>>) offsets(%dma_start3A_502 : memref<26xi32, #tpu.memory_space<vmem>>) semaphore(%arg9 : memref<!tpu.dma_semaphore, #tpu.memory_space<semaphore_mem>>)
    %dma_start3A_506 = arith.constant 42 : i32
    %dma_start3A_507 = arith.constant 10 : i32
    %dma_start3A_508 = arith.constant 0 : i32
    %dma_start3A_509 = arith.constant 0 : i32
    %dma_start3A_510 = tpu.memref_slice %arg7[%dma_start3A_507, %dma_start3A_508, %dma_start3A_509] : memref<32x26x32xf32, #tpu.memory_space<vmem>> -> memref<1x26x32xf32, #tpu.memory_space<vmem>>
    %dma_start3A_511 = tpu.memref_squeeze %dma_start3A_510 : memref<1x26x32xf32, #tpu.memory_space<vmem>> -> memref<26x32xf32, #tpu.memory_space<vmem>>
    %dma_start3A_512 = arith.constant 0 : i32
    %dma_start3A_513 = tpu.memref_slice %arg5[%dma_start3A_506, %dma_start3A_512] : memref<512x26xi32, #tpu.memory_space<vmem>> -> memref<1x26xi32, #tpu.memory_space<vmem>>
    %dma_start3A_514 = tpu.memref_squeeze %dma_start3A_513 : memref<1x26xi32, #tpu.memory_space<vmem>> -> memref<26xi32, #tpu.memory_space<vmem>>
    %dma_start3A_515 = arith.constant 0 : i32
    %dma_start3A_516 = arith.constant 0 : i32
    %dma_start3A_517 = tpu.memref_slice %arg3[%dma_start3A_515, %dma_start3A_516] : memref<1000000x32xf32, #tpu.memory_space<hbm>> -> memref<1000000x32xf32, #tpu.memory_space<hbm>>
    tpu.enqueue_indirect_dma source(%dma_start3A_517 : memref<1000000x32xf32, #tpu.memory_space<hbm>>) target(%dma_start3A_511 : memref<26x32xf32, #tpu.memory_space<vmem>>) offsets(%dma_start3A_514 : memref<26xi32, #tpu.memory_space<vmem>>) semaphore(%arg9 : memref<!tpu.dma_semaphore, #tpu.memory_space<semaphore_mem>>)
    %dma_start3A_518 = arith.constant 43 : i32
    %dma_start3A_519 = arith.constant 11 : i32
    %dma_start3A_520 = arith.constant 0 : i32
    %dma_start3A_521 = arith.constant 0 : i32
    %dma_start3A_522 = tpu.memref_slice %arg7[%dma_start3A_519, %dma_start3A_520, %dma_start3A_521] : memref<32x26x32xf32, #tpu.memory_space<vmem>> -> memref<1x26x32xf32, #tpu.memory_space<vmem>>
    %dma_start3A_523 = tpu.memref_squeeze %dma_start3A_522 : memref<1x26x32xf32, #tpu.memory_space<vmem>> -> memref<26x32xf32, #tpu.memory_space<vmem>>
    %dma_start3A_524 = arith.constant 0 : i32
    %dma_start3A_525 = tpu.memref_slice %arg5[%dma_start3A_518, %dma_start3A_524] : memref<512x26xi32, #tpu.memory_space<vmem>> -> memref<1x26xi32, #tpu.memory_space<vmem>>
    %dma_start3A_526 = tpu.memref_squeeze %dma_start3A_525 : memref<1x26xi32, #tpu.memory_space<vmem>> -> memref<26xi32, #tpu.memory_space<vmem>>
    %dma_start3A_527 = arith.constant 0 : i32
    %dma_start3A_528 = arith.constant 0 : i32
    %dma_start3A_529 = tpu.memref_slice %arg3[%dma_start3A_527, %dma_start3A_528] : memref<1000000x32xf32, #tpu.memory_space<hbm>> -> memref<1000000x32xf32, #tpu.memory_space<hbm>>
    tpu.enqueue_indirect_dma source(%dma_start3A_529 : memref<1000000x32xf32, #tpu.memory_space<hbm>>) target(%dma_start3A_523 : memref<26x32xf32, #tpu.memory_space<vmem>>) offsets(%dma_start3A_526 : memref<26xi32, #tpu.memory_space<vmem>>) semaphore(%arg9 : memref<!tpu.dma_semaphore, #tpu.memory_space<semaphore_mem>>)
    %dma_start3A_530 = arith.constant 44 : i32
    %dma_start3A_531 = arith.constant 12 : i32
    %dma_start3A_532 = arith.constant 0 : i32
    %dma_start3A_533 = arith.constant 0 : i32
    %dma_start3A_534 = tpu.memref_slice %arg7[%dma_start3A_531, %dma_start3A_532, %dma_start3A_533] : memref<32x26x32xf32, #tpu.memory_space<vmem>> -> memref<1x26x32xf32, #tpu.memory_space<vmem>>
    %dma_start3A_535 = tpu.memref_squeeze %dma_start3A_534 : memref<1x26x32xf32, #tpu.memory_space<vmem>> -> memref<26x32xf32, #tpu.memory_space<vmem>>
    %dma_start3A_536 = arith.constant 0 : i32
    %dma_start3A_537 = tpu.memref_slice %arg5[%dma_start3A_530, %dma_start3A_536] : memref<512x26xi32, #tpu.memory_space<vmem>> -> memref<1x26xi32, #tpu.memory_space<vmem>>
    %dma_start3A_538 = tpu.memref_squeeze %dma_start3A_537 : memref<1x26xi32, #tpu.memory_space<vmem>> -> memref<26xi32, #tpu.memory_space<vmem>>
    %dma_start3A_539 = arith.constant 0 : i32
    %dma_start3A_540 = arith.constant 0 : i32
    %dma_start3A_541 = tpu.memref_slice %arg3[%dma_start3A_539, %dma_start3A_540] : memref<1000000x32xf32, #tpu.memory_space<hbm>> -> memref<1000000x32xf32, #tpu.memory_space<hbm>>
    tpu.enqueue_indirect_dma source(%dma_start3A_541 : memref<1000000x32xf32, #tpu.memory_space<hbm>>) target(%dma_start3A_535 : memref<26x32xf32, #tpu.memory_space<vmem>>) offsets(%dma_start3A_538 : memref<26xi32, #tpu.memory_space<vmem>>) semaphore(%arg9 : memref<!tpu.dma_semaphore, #tpu.memory_space<semaphore_mem>>)
    %dma_start3A_542 = arith.constant 45 : i32
    %dma_start3A_543 = arith.constant 13 : i32
    %dma_start3A_544 = arith.constant 0 : i32
    %dma_start3A_545 = arith.constant 0 : i32
    %dma_start3A_546 = tpu.memref_slice %arg7[%dma_start3A_543, %dma_start3A_544, %dma_start3A_545] : memref<32x26x32xf32, #tpu.memory_space<vmem>> -> memref<1x26x32xf32, #tpu.memory_space<vmem>>
    %dma_start3A_547 = tpu.memref_squeeze %dma_start3A_546 : memref<1x26x32xf32, #tpu.memory_space<vmem>> -> memref<26x32xf32, #tpu.memory_space<vmem>>
    %dma_start3A_548 = arith.constant 0 : i32
    %dma_start3A_549 = tpu.memref_slice %arg5[%dma_start3A_542, %dma_start3A_548] : memref<512x26xi32, #tpu.memory_space<vmem>> -> memref<1x26xi32, #tpu.memory_space<vmem>>
    %dma_start3A_550 = tpu.memref_squeeze %dma_start3A_549 : memref<1x26xi32, #tpu.memory_space<vmem>> -> memref<26xi32, #tpu.memory_space<vmem>>
    %dma_start3A_551 = arith.constant 0 : i32
    %dma_start3A_552 = arith.constant 0 : i32
    %dma_start3A_553 = tpu.memref_slice %arg3[%dma_start3A_551, %dma_start3A_552] : memref<1000000x32xf32, #tpu.memory_space<hbm>> -> memref<1000000x32xf32, #tpu.memory_space<hbm>>
    tpu.enqueue_indirect_dma source(%dma_start3A_553 : memref<1000000x32xf32, #tpu.memory_space<hbm>>) target(%dma_start3A_547 : memref<26x32xf32, #tpu.memory_space<vmem>>) offsets(%dma_start3A_550 : memref<26xi32, #tpu.memory_space<vmem>>) semaphore(%arg9 : memref<!tpu.dma_semaphore, #tpu.memory_space<semaphore_mem>>)
    %dma_start3A_554 = arith.constant 46 : i32
    %dma_start3A_555 = arith.constant 14 : i32
    %dma_start3A_556 = arith.constant 0 : i32
    %dma_start3A_557 = arith.constant 0 : i32
    %dma_start3A_558 = tpu.memref_slice %arg7[%dma_start3A_555, %dma_start3A_556, %dma_start3A_557] : memref<32x26x32xf32, #tpu.memory_space<vmem>> -> memref<1x26x32xf32, #tpu.memory_space<vmem>>
    %dma_start3A_559 = tpu.memref_squeeze %dma_start3A_558 : memref<1x26x32xf32, #tpu.memory_space<vmem>> -> memref<26x32xf32, #tpu.memory_space<vmem>>
    %dma_start3A_560 = arith.constant 0 : i32
    %dma_start3A_561 = tpu.memref_slice %arg5[%dma_start3A_554, %dma_start3A_560] : memref<512x26xi32, #tpu.memory_space<vmem>> -> memref<1x26xi32, #tpu.memory_space<vmem>>
    %dma_start3A_562 = tpu.memref_squeeze %dma_start3A_561 : memref<1x26xi32, #tpu.memory_space<vmem>> -> memref<26xi32, #tpu.memory_space<vmem>>
    %dma_start3A_563 = arith.constant 0 : i32
    %dma_start3A_564 = arith.constant 0 : i32
    %dma_start3A_565 = tpu.memref_slice %arg3[%dma_start3A_563, %dma_start3A_564] : memref<1000000x32xf32, #tpu.memory_space<hbm>> -> memref<1000000x32xf32, #tpu.memory_space<hbm>>
    tpu.enqueue_indirect_dma source(%dma_start3A_565 : memref<1000000x32xf32, #tpu.memory_space<hbm>>) target(%dma_start3A_559 : memref<26x32xf32, #tpu.memory_space<vmem>>) offsets(%dma_start3A_562 : memref<26xi32, #tpu.memory_space<vmem>>) semaphore(%arg9 : memref<!tpu.dma_semaphore, #tpu.memory_space<semaphore_mem>>)
    %dma_start3A_566 = arith.constant 47 : i32
    %dma_start3A_567 = arith.constant 15 : i32
    %dma_start3A_568 = arith.constant 0 : i32
    %dma_start3A_569 = arith.constant 0 : i32
    %dma_start3A_570 = tpu.memref_slice %arg7[%dma_start3A_567, %dma_start3A_568, %dma_start3A_569] : memref<32x26x32xf32, #tpu.memory_space<vmem>> -> memref<1x26x32xf32, #tpu.memory_space<vmem>>
    %dma_start3A_571 = tpu.memref_squeeze %dma_start3A_570 : memref<1x26x32xf32, #tpu.memory_space<vmem>> -> memref<26x32xf32, #tpu.memory_space<vmem>>
    %dma_start3A_572 = arith.constant 0 : i32
    %dma_start3A_573 = tpu.memref_slice %arg5[%dma_start3A_566, %dma_start3A_572] : memref<512x26xi32, #tpu.memory_space<vmem>> -> memref<1x26xi32, #tpu.memory_space<vmem>>
    %dma_start3A_574 = tpu.memref_squeeze %dma_start3A_573 : memref<1x26xi32, #tpu.memory_space<vmem>> -> memref<26xi32, #tpu.memory_space<vmem>>
    %dma_start3A_575 = arith.constant 0 : i32
    %dma_start3A_576 = arith.constant 0 : i32
    %dma_start3A_577 = tpu.memref_slice %arg3[%dma_start3A_575, %dma_start3A_576] : memref<1000000x32xf32, #tpu.memory_space<hbm>> -> memref<1000000x32xf32, #tpu.memory_space<hbm>>
    tpu.enqueue_indirect_dma source(%dma_start3A_577 : memref<1000000x32xf32, #tpu.memory_space<hbm>>) target(%dma_start3A_571 : memref<26x32xf32, #tpu.memory_space<vmem>>) offsets(%dma_start3A_574 : memref<26xi32, #tpu.memory_space<vmem>>) semaphore(%arg9 : memref<!tpu.dma_semaphore, #tpu.memory_space<semaphore_mem>>)
    %dma_start3A_578 = arith.constant 48 : i32
    %dma_start3A_579 = arith.constant 16 : i32
    %dma_start3A_580 = arith.constant 0 : i32
    %dma_start3A_581 = arith.constant 0 : i32
    %dma_start3A_582 = tpu.memref_slice %arg7[%dma_start3A_579, %dma_start3A_580, %dma_start3A_581] : memref<32x26x32xf32, #tpu.memory_space<vmem>> -> memref<1x26x32xf32, #tpu.memory_space<vmem>>
    %dma_start3A_583 = tpu.memref_squeeze %dma_start3A_582 : memref<1x26x32xf32, #tpu.memory_space<vmem>> -> memref<26x32xf32, #tpu.memory_space<vmem>>
    %dma_start3A_584 = arith.constant 0 : i32
    %dma_start3A_585 = tpu.memref_slice %arg5[%dma_start3A_578, %dma_start3A_584] : memref<512x26xi32, #tpu.memory_space<vmem>> -> memref<1x26xi32, #tpu.memory_space<vmem>>
    %dma_start3A_586 = tpu.memref_squeeze %dma_start3A_585 : memref<1x26xi32, #tpu.memory_space<vmem>> -> memref<26xi32, #tpu.memory_space<vmem>>
    %dma_start3A_587 = arith.constant 0 : i32
    %dma_start3A_588 = arith.constant 0 : i32
    %dma_start3A_589 = tpu.memref_slice %arg3[%dma_start3A_587, %dma_start3A_588] : memref<1000000x32xf32, #tpu.memory_space<hbm>> -> memref<1000000x32xf32, #tpu.memory_space<hbm>>
    tpu.enqueue_indirect_dma source(%dma_start3A_589 : memref<1000000x32xf32, #tpu.memory_space<hbm>>) target(%dma_start3A_583 : memref<26x32xf32, #tpu.memory_space<vmem>>) offsets(%dma_start3A_586 : memref<26xi32, #tpu.memory_space<vmem>>) semaphore(%arg9 : memref<!tpu.dma_semaphore, #tpu.memory_space<semaphore_mem>>)
    %dma_start3A_590 = arith.constant 49 : i32
    %dma_start3A_591 = arith.constant 17 : i32
    %dma_start3A_592 = arith.constant 0 : i32
    %dma_start3A_593 = arith.constant 0 : i32
    %dma_start3A_594 = tpu.memref_slice %arg7[%dma_start3A_591, %dma_start3A_592, %dma_start3A_593] : memref<32x26x32xf32, #tpu.memory_space<vmem>> -> memref<1x26x32xf32, #tpu.memory_space<vmem>>
    %dma_start3A_595 = tpu.memref_squeeze %dma_start3A_594 : memref<1x26x32xf32, #tpu.memory_space<vmem>> -> memref<26x32xf32, #tpu.memory_space<vmem>>
    %dma_start3A_596 = arith.constant 0 : i32
    %dma_start3A_597 = tpu.memref_slice %arg5[%dma_start3A_590, %dma_start3A_596] : memref<512x26xi32, #tpu.memory_space<vmem>> -> memref<1x26xi32, #tpu.memory_space<vmem>>
    %dma_start3A_598 = tpu.memref_squeeze %dma_start3A_597 : memref<1x26xi32, #tpu.memory_space<vmem>> -> memref<26xi32, #tpu.memory_space<vmem>>
    %dma_start3A_599 = arith.constant 0 : i32
    %dma_start3A_600 = arith.constant 0 : i32
    %dma_start3A_601 = tpu.memref_slice %arg3[%dma_start3A_599, %dma_start3A_600] : memref<1000000x32xf32, #tpu.memory_space<hbm>> -> memref<1000000x32xf32, #tpu.memory_space<hbm>>
    tpu.enqueue_indirect_dma source(%dma_start3A_601 : memref<1000000x32xf32, #tpu.memory_space<hbm>>) target(%dma_start3A_595 : memref<26x32xf32, #tpu.memory_space<vmem>>) offsets(%dma_start3A_598 : memref<26xi32, #tpu.memory_space<vmem>>) semaphore(%arg9 : memref<!tpu.dma_semaphore, #tpu.memory_space<semaphore_mem>>)
    %dma_start3A_602 = arith.constant 50 : i32
    %dma_start3A_603 = arith.constant 18 : i32
    %dma_start3A_604 = arith.constant 0 : i32
    %dma_start3A_605 = arith.constant 0 : i32
    %dma_start3A_606 = tpu.memref_slice %arg7[%dma_start3A_603, %dma_start3A_604, %dma_start3A_605] : memref<32x26x32xf32, #tpu.memory_space<vmem>> -> memref<1x26x32xf32, #tpu.memory_space<vmem>>
    %dma_start3A_607 = tpu.memref_squeeze %dma_start3A_606 : memref<1x26x32xf32, #tpu.memory_space<vmem>> -> memref<26x32xf32, #tpu.memory_space<vmem>>
    %dma_start3A_608 = arith.constant 0 : i32
    %dma_start3A_609 = tpu.memref_slice %arg5[%dma_start3A_602, %dma_start3A_608] : memref<512x26xi32, #tpu.memory_space<vmem>> -> memref<1x26xi32, #tpu.memory_space<vmem>>
    %dma_start3A_610 = tpu.memref_squeeze %dma_start3A_609 : memref<1x26xi32, #tpu.memory_space<vmem>> -> memref<26xi32, #tpu.memory_space<vmem>>
    %dma_start3A_611 = arith.constant 0 : i32
    %dma_start3A_612 = arith.constant 0 : i32
    %dma_start3A_613 = tpu.memref_slice %arg3[%dma_start3A_611, %dma_start3A_612] : memref<1000000x32xf32, #tpu.memory_space<hbm>> -> memref<1000000x32xf32, #tpu.memory_space<hbm>>
    tpu.enqueue_indirect_dma source(%dma_start3A_613 : memref<1000000x32xf32, #tpu.memory_space<hbm>>) target(%dma_start3A_607 : memref<26x32xf32, #tpu.memory_space<vmem>>) offsets(%dma_start3A_610 : memref<26xi32, #tpu.memory_space<vmem>>) semaphore(%arg9 : memref<!tpu.dma_semaphore, #tpu.memory_space<semaphore_mem>>)
    %dma_start3A_614 = arith.constant 51 : i32
    %dma_start3A_615 = arith.constant 19 : i32
    %dma_start3A_616 = arith.constant 0 : i32
    %dma_start3A_617 = arith.constant 0 : i32
    %dma_start3A_618 = tpu.memref_slice %arg7[%dma_start3A_615, %dma_start3A_616, %dma_start3A_617] : memref<32x26x32xf32, #tpu.memory_space<vmem>> -> memref<1x26x32xf32, #tpu.memory_space<vmem>>
    %dma_start3A_619 = tpu.memref_squeeze %dma_start3A_618 : memref<1x26x32xf32, #tpu.memory_space<vmem>> -> memref<26x32xf32, #tpu.memory_space<vmem>>
    %dma_start3A_620 = arith.constant 0 : i32
    %dma_start3A_621 = tpu.memref_slice %arg5[%dma_start3A_614, %dma_start3A_620] : memref<512x26xi32, #tpu.memory_space<vmem>> -> memref<1x26xi32, #tpu.memory_space<vmem>>
    %dma_start3A_622 = tpu.memref_squeeze %dma_start3A_621 : memref<1x26xi32, #tpu.memory_space<vmem>> -> memref<26xi32, #tpu.memory_space<vmem>>
    %dma_start3A_623 = arith.constant 0 : i32
    %dma_start3A_624 = arith.constant 0 : i32
    %dma_start3A_625 = tpu.memref_slice %arg3[%dma_start3A_623, %dma_start3A_624] : memref<1000000x32xf32, #tpu.memory_space<hbm>> -> memref<1000000x32xf32, #tpu.memory_space<hbm>>
    tpu.enqueue_indirect_dma source(%dma_start3A_625 : memref<1000000x32xf32, #tpu.memory_space<hbm>>) target(%dma_start3A_619 : memref<26x32xf32, #tpu.memory_space<vmem>>) offsets(%dma_start3A_622 : memref<26xi32, #tpu.memory_space<vmem>>) semaphore(%arg9 : memref<!tpu.dma_semaphore, #tpu.memory_space<semaphore_mem>>)
    %dma_start3A_626 = arith.constant 52 : i32
    %dma_start3A_627 = arith.constant 20 : i32
    %dma_start3A_628 = arith.constant 0 : i32
    %dma_start3A_629 = arith.constant 0 : i32
    %dma_start3A_630 = tpu.memref_slice %arg7[%dma_start3A_627, %dma_start3A_628, %dma_start3A_629] : memref<32x26x32xf32, #tpu.memory_space<vmem>> -> memref<1x26x32xf32, #tpu.memory_space<vmem>>
    %dma_start3A_631 = tpu.memref_squeeze %dma_start3A_630 : memref<1x26x32xf32, #tpu.memory_space<vmem>> -> memref<26x32xf32, #tpu.memory_space<vmem>>
    %dma_start3A_632 = arith.constant 0 : i32
    %dma_start3A_633 = tpu.memref_slice %arg5[%dma_start3A_626, %dma_start3A_632] : memref<512x26xi32, #tpu.memory_space<vmem>> -> memref<1x26xi32, #tpu.memory_space<vmem>>
    %dma_start3A_634 = tpu.memref_squeeze %dma_start3A_633 : memref<1x26xi32, #tpu.memory_space<vmem>> -> memref<26xi32, #tpu.memory_space<vmem>>
    %dma_start3A_635 = arith.constant 0 : i32
    %dma_start3A_636 = arith.constant 0 : i32
    %dma_start3A_637 = tpu.memref_slice %arg3[%dma_start3A_635, %dma_start3A_636] : memref<1000000x32xf32, #tpu.memory_space<hbm>> -> memref<1000000x32xf32, #tpu.memory_space<hbm>>
    tpu.enqueue_indirect_dma source(%dma_start3A_637 : memref<1000000x32xf32, #tpu.memory_space<hbm>>) target(%dma_start3A_631 : memref<26x32xf32, #tpu.memory_space<vmem>>) offsets(%dma_start3A_634 : memref<26xi32, #tpu.memory_space<vmem>>) semaphore(%arg9 : memref<!tpu.dma_semaphore, #tpu.memory_space<semaphore_mem>>)
    %dma_start3A_638 = arith.constant 53 : i32
    %dma_start3A_639 = arith.constant 21 : i32
    %dma_start3A_640 = arith.constant 0 : i32
    %dma_start3A_641 = arith.constant 0 : i32
    %dma_start3A_642 = tpu.memref_slice %arg7[%dma_start3A_639, %dma_start3A_640, %dma_start3A_641] : memref<32x26x32xf32, #tpu.memory_space<vmem>> -> memref<1x26x32xf32, #tpu.memory_space<vmem>>
    %dma_start3A_643 = tpu.memref_squeeze %dma_start3A_642 : memref<1x26x32xf32, #tpu.memory_space<vmem>> -> memref<26x32xf32, #tpu.memory_space<vmem>>
    %dma_start3A_644 = arith.constant 0 : i32
    %dma_start3A_645 = tpu.memref_slice %arg5[%dma_start3A_638, %dma_start3A_644] : memref<512x26xi32, #tpu.memory_space<vmem>> -> memref<1x26xi32, #tpu.memory_space<vmem>>
    %dma_start3A_646 = tpu.memref_squeeze %dma_start3A_645 : memref<1x26xi32, #tpu.memory_space<vmem>> -> memref<26xi32, #tpu.memory_space<vmem>>
    %dma_start3A_647 = arith.constant 0 : i32
    %dma_start3A_648 = arith.constant 0 : i32
    %dma_start3A_649 = tpu.memref_slice %arg3[%dma_start3A_647, %dma_start3A_648] : memref<1000000x32xf32, #tpu.memory_space<hbm>> -> memref<1000000x32xf32, #tpu.memory_space<hbm>>
    tpu.enqueue_indirect_dma source(%dma_start3A_649 : memref<1000000x32xf32, #tpu.memory_space<hbm>>) target(%dma_start3A_643 : memref<26x32xf32, #tpu.memory_space<vmem>>) offsets(%dma_start3A_646 : memref<26xi32, #tpu.memory_space<vmem>>) semaphore(%arg9 : memref<!tpu.dma_semaphore, #tpu.memory_space<semaphore_mem>>)
    %dma_start3A_650 = arith.constant 54 : i32
    %dma_start3A_651 = arith.constant 22 : i32
    %dma_start3A_652 = arith.constant 0 : i32
    %dma_start3A_653 = arith.constant 0 : i32
    %dma_start3A_654 = tpu.memref_slice %arg7[%dma_start3A_651, %dma_start3A_652, %dma_start3A_653] : memref<32x26x32xf32, #tpu.memory_space<vmem>> -> memref<1x26x32xf32, #tpu.memory_space<vmem>>
    %dma_start3A_655 = tpu.memref_squeeze %dma_start3A_654 : memref<1x26x32xf32, #tpu.memory_space<vmem>> -> memref<26x32xf32, #tpu.memory_space<vmem>>
    %dma_start3A_656 = arith.constant 0 : i32
    %dma_start3A_657 = tpu.memref_slice %arg5[%dma_start3A_650, %dma_start3A_656] : memref<512x26xi32, #tpu.memory_space<vmem>> -> memref<1x26xi32, #tpu.memory_space<vmem>>
    %dma_start3A_658 = tpu.memref_squeeze %dma_start3A_657 : memref<1x26xi32, #tpu.memory_space<vmem>> -> memref<26xi32, #tpu.memory_space<vmem>>
    %dma_start3A_659 = arith.constant 0 : i32
    %dma_start3A_660 = arith.constant 0 : i32
    %dma_start3A_661 = tpu.memref_slice %arg3[%dma_start3A_659, %dma_start3A_660] : memref<1000000x32xf32, #tpu.memory_space<hbm>> -> memref<1000000x32xf32, #tpu.memory_space<hbm>>
    tpu.enqueue_indirect_dma source(%dma_start3A_661 : memref<1000000x32xf32, #tpu.memory_space<hbm>>) target(%dma_start3A_655 : memref<26x32xf32, #tpu.memory_space<vmem>>) offsets(%dma_start3A_658 : memref<26xi32, #tpu.memory_space<vmem>>) semaphore(%arg9 : memref<!tpu.dma_semaphore, #tpu.memory_space<semaphore_mem>>)
    %dma_start3A_662 = arith.constant 55 : i32
    %dma_start3A_663 = arith.constant 23 : i32
    %dma_start3A_664 = arith.constant 0 : i32
    %dma_start3A_665 = arith.constant 0 : i32
    %dma_start3A_666 = tpu.memref_slice %arg7[%dma_start3A_663, %dma_start3A_664, %dma_start3A_665] : memref<32x26x32xf32, #tpu.memory_space<vmem>> -> memref<1x26x32xf32, #tpu.memory_space<vmem>>
    %dma_start3A_667 = tpu.memref_squeeze %dma_start3A_666 : memref<1x26x32xf32, #tpu.memory_space<vmem>> -> memref<26x32xf32, #tpu.memory_space<vmem>>
    %dma_start3A_668 = arith.constant 0 : i32
    %dma_start3A_669 = tpu.memref_slice %arg5[%dma_start3A_662, %dma_start3A_668] : memref<512x26xi32, #tpu.memory_space<vmem>> -> memref<1x26xi32, #tpu.memory_space<vmem>>
    %dma_start3A_670 = tpu.memref_squeeze %dma_start3A_669 : memref<1x26xi32, #tpu.memory_space<vmem>> -> memref<26xi32, #tpu.memory_space<vmem>>
    %dma_start3A_671 = arith.constant 0 : i32
    %dma_start3A_672 = arith.constant 0 : i32
    %dma_start3A_673 = tpu.memref_slice %arg3[%dma_start3A_671, %dma_start3A_672] : memref<1000000x32xf32, #tpu.memory_space<hbm>> -> memref<1000000x32xf32, #tpu.memory_space<hbm>>
    tpu.enqueue_indirect_dma source(%dma_start3A_673 : memref<1000000x32xf32, #tpu.memory_space<hbm>>) target(%dma_start3A_667 : memref<26x32xf32, #tpu.memory_space<vmem>>) offsets(%dma_start3A_670 : memref<26xi32, #tpu.memory_space<vmem>>) semaphore(%arg9 : memref<!tpu.dma_semaphore, #tpu.memory_space<semaphore_mem>>)
    %dma_start3A_674 = arith.constant 56 : i32
    %dma_start3A_675 = arith.constant 24 : i32
    %dma_start3A_676 = arith.constant 0 : i32
    %dma_start3A_677 = arith.constant 0 : i32
    %dma_start3A_678 = tpu.memref_slice %arg7[%dma_start3A_675, %dma_start3A_676, %dma_start3A_677] : memref<32x26x32xf32, #tpu.memory_space<vmem>> -> memref<1x26x32xf32, #tpu.memory_space<vmem>>
    %dma_start3A_679 = tpu.memref_squeeze %dma_start3A_678 : memref<1x26x32xf32, #tpu.memory_space<vmem>> -> memref<26x32xf32, #tpu.memory_space<vmem>>
    %dma_start3A_680 = arith.constant 0 : i32
    %dma_start3A_681 = tpu.memref_slice %arg5[%dma_start3A_674, %dma_start3A_680] : memref<512x26xi32, #tpu.memory_space<vmem>> -> memref<1x26xi32, #tpu.memory_space<vmem>>
    %dma_start3A_682 = tpu.memref_squeeze %dma_start3A_681 : memref<1x26xi32, #tpu.memory_space<vmem>> -> memref<26xi32, #tpu.memory_space<vmem>>
    %dma_start3A_683 = arith.constant 0 : i32
    %dma_start3A_684 = arith.constant 0 : i32
    %dma_start3A_685 = tpu.memref_slice %arg3[%dma_start3A_683, %dma_start3A_684] : memref<1000000x32xf32, #tpu.memory_space<hbm>> -> memref<1000000x32xf32, #tpu.memory_space<hbm>>
    tpu.enqueue_indirect_dma source(%dma_start3A_685 : memref<1000000x32xf32, #tpu.memory_space<hbm>>) target(%dma_start3A_679 : memref<26x32xf32, #tpu.memory_space<vmem>>) offsets(%dma_start3A_682 : memref<26xi32, #tpu.memory_space<vmem>>) semaphore(%arg9 : memref<!tpu.dma_semaphore, #tpu.memory_space<semaphore_mem>>)
    %dma_start3A_686 = arith.constant 57 : i32
    %dma_start3A_687 = arith.constant 25 : i32
    %dma_start3A_688 = arith.constant 0 : i32
    %dma_start3A_689 = arith.constant 0 : i32
    %dma_start3A_690 = tpu.memref_slice %arg7[%dma_start3A_687, %dma_start3A_688, %dma_start3A_689] : memref<32x26x32xf32, #tpu.memory_space<vmem>> -> memref<1x26x32xf32, #tpu.memory_space<vmem>>
    %dma_start3A_691 = tpu.memref_squeeze %dma_start3A_690 : memref<1x26x32xf32, #tpu.memory_space<vmem>> -> memref<26x32xf32, #tpu.memory_space<vmem>>
    %dma_start3A_692 = arith.constant 0 : i32
    %dma_start3A_693 = tpu.memref_slice %arg5[%dma_start3A_686, %dma_start3A_692] : memref<512x26xi32, #tpu.memory_space<vmem>> -> memref<1x26xi32, #tpu.memory_space<vmem>>
    %dma_start3A_694 = tpu.memref_squeeze %dma_start3A_693 : memref<1x26xi32, #tpu.memory_space<vmem>> -> memref<26xi32, #tpu.memory_space<vmem>>
    %dma_start3A_695 = arith.constant 0 : i32
    %dma_start3A_696 = arith.constant 0 : i32
    %dma_start3A_697 = tpu.memref_slice %arg3[%dma_start3A_695, %dma_start3A_696] : memref<1000000x32xf32, #tpu.memory_space<hbm>> -> memref<1000000x32xf32, #tpu.memory_space<hbm>>
    tpu.enqueue_indirect_dma source(%dma_start3A_697 : memref<1000000x32xf32, #tpu.memory_space<hbm>>) target(%dma_start3A_691 : memref<26x32xf32, #tpu.memory_space<vmem>>) offsets(%dma_start3A_694 : memref<26xi32, #tpu.memory_space<vmem>>) semaphore(%arg9 : memref<!tpu.dma_semaphore, #tpu.memory_space<semaphore_mem>>)
    %dma_start3A_698 = arith.constant 58 : i32
    %dma_start3A_699 = arith.constant 26 : i32
    %dma_start3A_700 = arith.constant 0 : i32
    %dma_start3A_701 = arith.constant 0 : i32
    %dma_start3A_702 = tpu.memref_slice %arg7[%dma_start3A_699, %dma_start3A_700, %dma_start3A_701] : memref<32x26x32xf32, #tpu.memory_space<vmem>> -> memref<1x26x32xf32, #tpu.memory_space<vmem>>
    %dma_start3A_703 = tpu.memref_squeeze %dma_start3A_702 : memref<1x26x32xf32, #tpu.memory_space<vmem>> -> memref<26x32xf32, #tpu.memory_space<vmem>>
    %dma_start3A_704 = arith.constant 0 : i32
    %dma_start3A_705 = tpu.memref_slice %arg5[%dma_start3A_698, %dma_start3A_704] : memref<512x26xi32, #tpu.memory_space<vmem>> -> memref<1x26xi32, #tpu.memory_space<vmem>>
    %dma_start3A_706 = tpu.memref_squeeze %dma_start3A_705 : memref<1x26xi32, #tpu.memory_space<vmem>> -> memref<26xi32, #tpu.memory_space<vmem>>
    %dma_start3A_707 = arith.constant 0 : i32
    %dma_start3A_708 = arith.constant 0 : i32
    %dma_start3A_709 = tpu.memref_slice %arg3[%dma_start3A_707, %dma_start3A_708] : memref<1000000x32xf32, #tpu.memory_space<hbm>> -> memref<1000000x32xf32, #tpu.memory_space<hbm>>
    tpu.enqueue_indirect_dma source(%dma_start3A_709 : memref<1000000x32xf32, #tpu.memory_space<hbm>>) target(%dma_start3A_703 : memref<26x32xf32, #tpu.memory_space<vmem>>) offsets(%dma_start3A_706 : memref<26xi32, #tpu.memory_space<vmem>>) semaphore(%arg9 : memref<!tpu.dma_semaphore, #tpu.memory_space<semaphore_mem>>)
    %dma_start3A_710 = arith.constant 59 : i32
    %dma_start3A_711 = arith.constant 27 : i32
    %dma_start3A_712 = arith.constant 0 : i32
    %dma_start3A_713 = arith.constant 0 : i32
    %dma_start3A_714 = tpu.memref_slice %arg7[%dma_start3A_711, %dma_start3A_712, %dma_start3A_713] : memref<32x26x32xf32, #tpu.memory_space<vmem>> -> memref<1x26x32xf32, #tpu.memory_space<vmem>>
    %dma_start3A_715 = tpu.memref_squeeze %dma_start3A_714 : memref<1x26x32xf32, #tpu.memory_space<vmem>> -> memref<26x32xf32, #tpu.memory_space<vmem>>
    %dma_start3A_716 = arith.constant 0 : i32
    %dma_start3A_717 = tpu.memref_slice %arg5[%dma_start3A_710, %dma_start3A_716] : memref<512x26xi32, #tpu.memory_space<vmem>> -> memref<1x26xi32, #tpu.memory_space<vmem>>
    %dma_start3A_718 = tpu.memref_squeeze %dma_start3A_717 : memref<1x26xi32, #tpu.memory_space<vmem>> -> memref<26xi32, #tpu.memory_space<vmem>>
    %dma_start3A_719 = arith.constant 0 : i32
    %dma_start3A_720 = arith.constant 0 : i32
    %dma_start3A_721 = tpu.memref_slice %arg3[%dma_start3A_719, %dma_start3A_720] : memref<1000000x32xf32, #tpu.memory_space<hbm>> -> memref<1000000x32xf32, #tpu.memory_space<hbm>>
    tpu.enqueue_indirect_dma source(%dma_start3A_721 : memref<1000000x32xf32, #tpu.memory_space<hbm>>) target(%dma_start3A_715 : memref<26x32xf32, #tpu.memory_space<vmem>>) offsets(%dma_start3A_718 : memref<26xi32, #tpu.memory_space<vmem>>) semaphore(%arg9 : memref<!tpu.dma_semaphore, #tpu.memory_space<semaphore_mem>>)
    %dma_start3A_722 = arith.constant 60 : i32
    %dma_start3A_723 = arith.constant 28 : i32
    %dma_start3A_724 = arith.constant 0 : i32
    %dma_start3A_725 = arith.constant 0 : i32
    %dma_start3A_726 = tpu.memref_slice %arg7[%dma_start3A_723, %dma_start3A_724, %dma_start3A_725] : memref<32x26x32xf32, #tpu.memory_space<vmem>> -> memref<1x26x32xf32, #tpu.memory_space<vmem>>
    %dma_start3A_727 = tpu.memref_squeeze %dma_start3A_726 : memref<1x26x32xf32, #tpu.memory_space<vmem>> -> memref<26x32xf32, #tpu.memory_space<vmem>>
    %dma_start3A_728 = arith.constant 0 : i32
    %dma_start3A_729 = tpu.memref_slice %arg5[%dma_start3A_722, %dma_start3A_728] : memref<512x26xi32, #tpu.memory_space<vmem>> -> memref<1x26xi32, #tpu.memory_space<vmem>>
    %dma_start3A_730 = tpu.memref_squeeze %dma_start3A_729 : memref<1x26xi32, #tpu.memory_space<vmem>> -> memref<26xi32, #tpu.memory_space<vmem>>
    %dma_start3A_731 = arith.constant 0 : i32
    %dma_start3A_732 = arith.constant 0 : i32
    %dma_start3A_733 = tpu.memref_slice %arg3[%dma_start3A_731, %dma_start3A_732] : memref<1000000x32xf32, #tpu.memory_space<hbm>> -> memref<1000000x32xf32, #tpu.memory_space<hbm>>
    tpu.enqueue_indirect_dma source(%dma_start3A_733 : memref<1000000x32xf32, #tpu.memory_space<hbm>>) target(%dma_start3A_727 : memref<26x32xf32, #tpu.memory_space<vmem>>) offsets(%dma_start3A_730 : memref<26xi32, #tpu.memory_space<vmem>>) semaphore(%arg9 : memref<!tpu.dma_semaphore, #tpu.memory_space<semaphore_mem>>)
    %dma_start3A_734 = arith.constant 61 : i32
    %dma_start3A_735 = arith.constant 29 : i32
    %dma_start3A_736 = arith.constant 0 : i32
    %dma_start3A_737 = arith.constant 0 : i32
    %dma_start3A_738 = tpu.memref_slice %arg7[%dma_start3A_735, %dma_start3A_736, %dma_start3A_737] : memref<32x26x32xf32, #tpu.memory_space<vmem>> -> memref<1x26x32xf32, #tpu.memory_space<vmem>>
    %dma_start3A_739 = tpu.memref_squeeze %dma_start3A_738 : memref<1x26x32xf32, #tpu.memory_space<vmem>> -> memref<26x32xf32, #tpu.memory_space<vmem>>
    %dma_start3A_740 = arith.constant 0 : i32
    %dma_start3A_741 = tpu.memref_slice %arg5[%dma_start3A_734, %dma_start3A_740] : memref<512x26xi32, #tpu.memory_space<vmem>> -> memref<1x26xi32, #tpu.memory_space<vmem>>
    %dma_start3A_742 = tpu.memref_squeeze %dma_start3A_741 : memref<1x26xi32, #tpu.memory_space<vmem>> -> memref<26xi32, #tpu.memory_space<vmem>>
    %dma_start3A_743 = arith.constant 0 : i32
    %dma_start3A_744 = arith.constant 0 : i32
    %dma_start3A_745 = tpu.memref_slice %arg3[%dma_start3A_743, %dma_start3A_744] : memref<1000000x32xf32, #tpu.memory_space<hbm>> -> memref<1000000x32xf32, #tpu.memory_space<hbm>>
    tpu.enqueue_indirect_dma source(%dma_start3A_745 : memref<1000000x32xf32, #tpu.memory_space<hbm>>) target(%dma_start3A_739 : memref<26x32xf32, #tpu.memory_space<vmem>>) offsets(%dma_start3A_742 : memref<26xi32, #tpu.memory_space<vmem>>) semaphore(%arg9 : memref<!tpu.dma_semaphore, #tpu.memory_space<semaphore_mem>>)
    %dma_start3A_746 = arith.constant 62 : i32
    %dma_start3A_747 = arith.constant 30 : i32
    %dma_start3A_748 = arith.constant 0 : i32
    %dma_start3A_749 = arith.constant 0 : i32
    %dma_start3A_750 = tpu.memref_slice %arg7[%dma_start3A_747, %dma_start3A_748, %dma_start3A_749] : memref<32x26x32xf32, #tpu.memory_space<vmem>> -> memref<1x26x32xf32, #tpu.memory_space<vmem>>
    %dma_start3A_751 = tpu.memref_squeeze %dma_start3A_750 : memref<1x26x32xf32, #tpu.memory_space<vmem>> -> memref<26x32xf32, #tpu.memory_space<vmem>>
    %dma_start3A_752 = arith.constant 0 : i32
    %dma_start3A_753 = tpu.memref_slice %arg5[%dma_start3A_746, %dma_start3A_752] : memref<512x26xi32, #tpu.memory_space<vmem>> -> memref<1x26xi32, #tpu.memory_space<vmem>>
    %dma_start3A_754 = tpu.memref_squeeze %dma_start3A_753 : memref<1x26xi32, #tpu.memory_space<vmem>> -> memref<26xi32, #tpu.memory_space<vmem>>
    %dma_start3A_755 = arith.constant 0 : i32
    %dma_start3A_756 = arith.constant 0 : i32
    %dma_start3A_757 = tpu.memref_slice %arg3[%dma_start3A_755, %dma_start3A_756] : memref<1000000x32xf32, #tpu.memory_space<hbm>> -> memref<1000000x32xf32, #tpu.memory_space<hbm>>
    tpu.enqueue_indirect_dma source(%dma_start3A_757 : memref<1000000x32xf32, #tpu.memory_space<hbm>>) target(%dma_start3A_751 : memref<26x32xf32, #tpu.memory_space<vmem>>) offsets(%dma_start3A_754 : memref<26xi32, #tpu.memory_space<vmem>>) semaphore(%arg9 : memref<!tpu.dma_semaphore, #tpu.memory_space<semaphore_mem>>)
    %dma_start3A_758 = arith.constant 63 : i32
    %dma_start3A_759 = arith.constant 31 : i32
    %dma_start3A_760 = arith.constant 0 : i32
    %dma_start3A_761 = arith.constant 0 : i32
    %dma_start3A_762 = tpu.memref_slice %arg7[%dma_start3A_759, %dma_start3A_760, %dma_start3A_761] : memref<32x26x32xf32, #tpu.memory_space<vmem>> -> memref<1x26x32xf32, #tpu.memory_space<vmem>>
    %dma_start3A_763 = tpu.memref_squeeze %dma_start3A_762 : memref<1x26x32xf32, #tpu.memory_space<vmem>> -> memref<26x32xf32, #tpu.memory_space<vmem>>
    %dma_start3A_764 = arith.constant 0 : i32
    %dma_start3A_765 = tpu.memref_slice %arg5[%dma_start3A_758, %dma_start3A_764] : memref<512x26xi32, #tpu.memory_space<vmem>> -> memref<1x26xi32, #tpu.memory_space<vmem>>
    %dma_start3A_766 = tpu.memref_squeeze %dma_start3A_765 : memref<1x26xi32, #tpu.memory_space<vmem>> -> memref<26xi32, #tpu.memory_space<vmem>>
    %dma_start3A_767 = arith.constant 0 : i32
    %dma_start3A_768 = arith.constant 0 : i32
    %dma_start3A_769 = tpu.memref_slice %arg3[%dma_start3A_767, %dma_start3A_768] : memref<1000000x32xf32, #tpu.memory_space<hbm>> -> memref<1000000x32xf32, #tpu.memory_space<hbm>>
    tpu.enqueue_indirect_dma source(%dma_start3A_769 : memref<1000000x32xf32, #tpu.memory_space<hbm>>) target(%dma_start3A_763 : memref<26x32xf32, #tpu.memory_space<vmem>>) offsets(%dma_start3A_766 : memref<26xi32, #tpu.memory_space<vmem>>) semaphore(%arg9 : memref<!tpu.dma_semaphore, #tpu.memory_space<semaphore_mem>>)
    %scan3A = arith.constant 0 : i32
    %scan3A_770 = arith.constant 7 : i32
    %scan3A_771 = arith.addi %scan3A, %scan3A_770 : i32
    %scan3A_772 = arith.constant 1 : i32
    scf.for %scan3A_1569 = %scan3A to %scan3A_771 step %scan3A_772  : i32 {
      %mul3A_1570 = arith.constant 1 : i32
      %mul3A_1571 = arith.muli %scan3A_1569, %mul3A_1570 : i32
      %add3A_1572 = arith.constant 0 : i32
      %add3A_1573 = arith.addi %add3A_1572, %mul3A_1571 : i32
      %mul3A_1574 = arith.constant 2 : i32
      %mul3A_1575 = arith.muli %add3A_1573, %mul3A_1574 : i32
      %dma_wait3A_1576 = arith.constant 0 : i32
      %dma_wait3A_1577 = arith.constant 0 : i32
      %dma_wait3A_1578 = arith.constant 0 : i32
      %dma_wait3A_1579 = arith.constant 0 : i32
      %dma_wait3A_1580 = tpu.memref_slice %arg6[%dma_wait3A_1577, %dma_wait3A_1578, %dma_wait3A_1579] : memref<32x26x32xf32, #tpu.memory_space<vmem>> -> memref<1x26x32xf32, #tpu.memory_space<vmem>>
      %dma_wait3A_1581 = tpu.memref_squeeze %dma_wait3A_1580 : memref<1x26x32xf32, #tpu.memory_space<vmem>> -> memref<26x32xf32, #tpu.memory_space<vmem>>
      %dma_wait3A_1582 = arith.constant 0 : i32
      %dma_wait3A_1583 = tpu.memref_slice %arg5[%dma_wait3A_1576, %dma_wait3A_1582] : memref<512x26xi32, #tpu.memory_space<vmem>> -> memref<1x26xi32, #tpu.memory_space<vmem>>
      %dma_wait3A_1584 = tpu.memref_squeeze %dma_wait3A_1583 : memref<1x26xi32, #tpu.memory_space<vmem>> -> memref<26xi32, #tpu.memory_space<vmem>>
      %dma_wait3A_1585 = arith.constant 0 : i32
      %dma_wait3A_1586 = arith.constant 0 : i32
      %dma_wait3A_1587 = tpu.memref_slice %arg3[%dma_wait3A_1585, %dma_wait3A_1586] : memref<1000000x32xf32, #tpu.memory_space<hbm>> -> memref<1000000x32xf32, #tpu.memory_space<hbm>>
      tpu.wait_indirect_dma semaphore(%arg8 : memref<!tpu.dma_semaphore, #tpu.memory_space<semaphore_mem>>) src(%dma_wait3A_1587 : memref<1000000x32xf32, #tpu.memory_space<hbm>>) dst(%dma_wait3A_1581 : memref<26x32xf32, #tpu.memory_space<vmem>>)
      %dma_wait3A_1588 = arith.constant 1 : i32
      %dma_wait3A_1589 = arith.constant 1 : i32
      %dma_wait3A_1590 = arith.constant 0 : i32
      %dma_wait3A_1591 = arith.constant 0 : i32
      %dma_wait3A_1592 = tpu.memref_slice %arg6[%dma_wait3A_1589, %dma_wait3A_1590, %dma_wait3A_1591] : memref<32x26x32xf32, #tpu.memory_space<vmem>> -> memref<1x26x32xf32, #tpu.memory_space<vmem>>
      %dma_wait3A_1593 = tpu.memref_squeeze %dma_wait3A_1592 : memref<1x26x32xf32, #tpu.memory_space<vmem>> -> memref<26x32xf32, #tpu.memory_space<vmem>>
      %dma_wait3A_1594 = arith.constant 0 : i32
      %dma_wait3A_1595 = tpu.memref_slice %arg5[%dma_wait3A_1588, %dma_wait3A_1594] : memref<512x26xi32, #tpu.memory_space<vmem>> -> memref<1x26xi32, #tpu.memory_space<vmem>>
      %dma_wait3A_1596 = tpu.memref_squeeze %dma_wait3A_1595 : memref<1x26xi32, #tpu.memory_space<vmem>> -> memref<26xi32, #tpu.memory_space<vmem>>
      %dma_wait3A_1597 = arith.constant 0 : i32
      %dma_wait3A_1598 = arith.constant 0 : i32
      %dma_wait3A_1599 = tpu.memref_slice %arg3[%dma_wait3A_1597, %dma_wait3A_1598] : memref<1000000x32xf32, #tpu.memory_space<hbm>> -> memref<1000000x32xf32, #tpu.memory_space<hbm>>
      tpu.wait_indirect_dma semaphore(%arg8 : memref<!tpu.dma_semaphore, #tpu.memory_space<semaphore_mem>>) src(%dma_wait3A_1599 : memref<1000000x32xf32, #tpu.memory_space<hbm>>) dst(%dma_wait3A_1593 : memref<26x32xf32, #tpu.memory_space<vmem>>)
      %dma_wait3A_1600 = arith.constant 2 : i32
      %dma_wait3A_1601 = arith.constant 2 : i32
      %dma_wait3A_1602 = arith.constant 0 : i32
      %dma_wait3A_1603 = arith.constant 0 : i32
      %dma_wait3A_1604 = tpu.memref_slice %arg6[%dma_wait3A_1601, %dma_wait3A_1602, %dma_wait3A_1603] : memref<32x26x32xf32, #tpu.memory_space<vmem>> -> memref<1x26x32xf32, #tpu.memory_space<vmem>>
      %dma_wait3A_1605 = tpu.memref_squeeze %dma_wait3A_1604 : memref<1x26x32xf32, #tpu.memory_space<vmem>> -> memref<26x32xf32, #tpu.memory_space<vmem>>
      %dma_wait3A_1606 = arith.constant 0 : i32
      %dma_wait3A_1607 = tpu.memref_slice %arg5[%dma_wait3A_1600, %dma_wait3A_1606] : memref<512x26xi32, #tpu.memory_space<vmem>> -> memref<1x26xi32, #tpu.memory_space<vmem>>
      %dma_wait3A_1608 = tpu.memref_squeeze %dma_wait3A_1607 : memref<1x26xi32, #tpu.memory_space<vmem>> -> memref<26xi32, #tpu.memory_space<vmem>>
      %dma_wait3A_1609 = arith.constant 0 : i32
      %dma_wait3A_1610 = arith.constant 0 : i32
      %dma_wait3A_1611 = tpu.memref_slice %arg3[%dma_wait3A_1609, %dma_wait3A_1610] : memref<1000000x32xf32, #tpu.memory_space<hbm>> -> memref<1000000x32xf32, #tpu.memory_space<hbm>>
      tpu.wait_indirect_dma semaphore(%arg8 : memref<!tpu.dma_semaphore, #tpu.memory_space<semaphore_mem>>) src(%dma_wait3A_1611 : memref<1000000x32xf32, #tpu.memory_space<hbm>>) dst(%dma_wait3A_1605 : memref<26x32xf32, #tpu.memory_space<vmem>>)
      %dma_wait3A_1612 = arith.constant 3 : i32
      %dma_wait3A_1613 = arith.constant 3 : i32
      %dma_wait3A_1614 = arith.constant 0 : i32
      %dma_wait3A_1615 = arith.constant 0 : i32
      %dma_wait3A_1616 = tpu.memref_slice %arg6[%dma_wait3A_1613, %dma_wait3A_1614, %dma_wait3A_1615] : memref<32x26x32xf32, #tpu.memory_space<vmem>> -> memref<1x26x32xf32, #tpu.memory_space<vmem>>
      %dma_wait3A_1617 = tpu.memref_squeeze %dma_wait3A_1616 : memref<1x26x32xf32, #tpu.memory_space<vmem>> -> memref<26x32xf32, #tpu.memory_space<vmem>>
      %dma_wait3A_1618 = arith.constant 0 : i32
      %dma_wait3A_1619 = tpu.memref_slice %arg5[%dma_wait3A_1612, %dma_wait3A_1618] : memref<512x26xi32, #tpu.memory_space<vmem>> -> memref<1x26xi32, #tpu.memory_space<vmem>>
      %dma_wait3A_1620 = tpu.memref_squeeze %dma_wait3A_1619 : memref<1x26xi32, #tpu.memory_space<vmem>> -> memref<26xi32, #tpu.memory_space<vmem>>
      %dma_wait3A_1621 = arith.constant 0 : i32
      %dma_wait3A_1622 = arith.constant 0 : i32
      %dma_wait3A_1623 = tpu.memref_slice %arg3[%dma_wait3A_1621, %dma_wait3A_1622] : memref<1000000x32xf32, #tpu.memory_space<hbm>> -> memref<1000000x32xf32, #tpu.memory_space<hbm>>
      tpu.wait_indirect_dma semaphore(%arg8 : memref<!tpu.dma_semaphore, #tpu.memory_space<semaphore_mem>>) src(%dma_wait3A_1623 : memref<1000000x32xf32, #tpu.memory_space<hbm>>) dst(%dma_wait3A_1617 : memref<26x32xf32, #tpu.memory_space<vmem>>)
      %dma_wait3A_1624 = arith.constant 4 : i32
      %dma_wait3A_1625 = arith.constant 4 : i32
      %dma_wait3A_1626 = arith.constant 0 : i32
      %dma_wait3A_1627 = arith.constant 0 : i32
      %dma_wait3A_1628 = tpu.memref_slice %arg6[%dma_wait3A_1625, %dma_wait3A_1626, %dma_wait3A_1627] : memref<32x26x32xf32, #tpu.memory_space<vmem>> -> memref<1x26x32xf32, #tpu.memory_space<vmem>>
      %dma_wait3A_1629 = tpu.memref_squeeze %dma_wait3A_1628 : memref<1x26x32xf32, #tpu.memory_space<vmem>> -> memref<26x32xf32, #tpu.memory_space<vmem>>
      %dma_wait3A_1630 = arith.constant 0 : i32
      %dma_wait3A_1631 = tpu.memref_slice %arg5[%dma_wait3A_1624, %dma_wait3A_1630] : memref<512x26xi32, #tpu.memory_space<vmem>> -> memref<1x26xi32, #tpu.memory_space<vmem>>
      %dma_wait3A_1632 = tpu.memref_squeeze %dma_wait3A_1631 : memref<1x26xi32, #tpu.memory_space<vmem>> -> memref<26xi32, #tpu.memory_space<vmem>>
      %dma_wait3A_1633 = arith.constant 0 : i32
      %dma_wait3A_1634 = arith.constant 0 : i32
      %dma_wait3A_1635 = tpu.memref_slice %arg3[%dma_wait3A_1633, %dma_wait3A_1634] : memref<1000000x32xf32, #tpu.memory_space<hbm>> -> memref<1000000x32xf32, #tpu.memory_space<hbm>>
      tpu.wait_indirect_dma semaphore(%arg8 : memref<!tpu.dma_semaphore, #tpu.memory_space<semaphore_mem>>) src(%dma_wait3A_1635 : memref<1000000x32xf32, #tpu.memory_space<hbm>>) dst(%dma_wait3A_1629 : memref<26x32xf32, #tpu.memory_space<vmem>>)
      %dma_wait3A_1636 = arith.constant 5 : i32
      %dma_wait3A_1637 = arith.constant 5 : i32
      %dma_wait3A_1638 = arith.constant 0 : i32
      %dma_wait3A_1639 = arith.constant 0 : i32
      %dma_wait3A_1640 = tpu.memref_slice %arg6[%dma_wait3A_1637, %dma_wait3A_1638, %dma_wait3A_1639] : memref<32x26x32xf32, #tpu.memory_space<vmem>> -> memref<1x26x32xf32, #tpu.memory_space<vmem>>
      %dma_wait3A_1641 = tpu.memref_squeeze %dma_wait3A_1640 : memref<1x26x32xf32, #tpu.memory_space<vmem>> -> memref<26x32xf32, #tpu.memory_space<vmem>>
      %dma_wait3A_1642 = arith.constant 0 : i32
      %dma_wait3A_1643 = tpu.memref_slice %arg5[%dma_wait3A_1636, %dma_wait3A_1642] : memref<512x26xi32, #tpu.memory_space<vmem>> -> memref<1x26xi32, #tpu.memory_space<vmem>>
      %dma_wait3A_1644 = tpu.memref_squeeze %dma_wait3A_1643 : memref<1x26xi32, #tpu.memory_space<vmem>> -> memref<26xi32, #tpu.memory_space<vmem>>
      %dma_wait3A_1645 = arith.constant 0 : i32
      %dma_wait3A_1646 = arith.constant 0 : i32
      %dma_wait3A_1647 = tpu.memref_slice %arg3[%dma_wait3A_1645, %dma_wait3A_1646] : memref<1000000x32xf32, #tpu.memory_space<hbm>> -> memref<1000000x32xf32, #tpu.memory_space<hbm>>
      tpu.wait_indirect_dma semaphore(%arg8 : memref<!tpu.dma_semaphore, #tpu.memory_space<semaphore_mem>>) src(%dma_wait3A_1647 : memref<1000000x32xf32, #tpu.memory_space<hbm>>) dst(%dma_wait3A_1641 : memref<26x32xf32, #tpu.memory_space<vmem>>)
      %dma_wait3A_1648 = arith.constant 6 : i32
      %dma_wait3A_1649 = arith.constant 6 : i32
      %dma_wait3A_1650 = arith.constant 0 : i32
      %dma_wait3A_1651 = arith.constant 0 : i32
      %dma_wait3A_1652 = tpu.memref_slice %arg6[%dma_wait3A_1649, %dma_wait3A_1650, %dma_wait3A_1651] : memref<32x26x32xf32, #tpu.memory_space<vmem>> -> memref<1x26x32xf32, #tpu.memory_space<vmem>>
      %dma_wait3A_1653 = tpu.memref_squeeze %dma_wait3A_1652 : memref<1x26x32xf32, #tpu.memory_space<vmem>> -> memref<26x32xf32, #tpu.memory_space<vmem>>
      %dma_wait3A_1654 = arith.constant 0 : i32
      %dma_wait3A_1655 = tpu.memref_slice %arg5[%dma_wait3A_1648, %dma_wait3A_1654] : memref<512x26xi32, #tpu.memory_space<vmem>> -> memref<1x26xi32, #tpu.memory_space<vmem>>
      %dma_wait3A_1656 = tpu.memref_squeeze %dma_wait3A_1655 : memref<1x26xi32, #tpu.memory_space<vmem>> -> memref<26xi32, #tpu.memory_space<vmem>>
      %dma_wait3A_1657 = arith.constant 0 : i32
      %dma_wait3A_1658 = arith.constant 0 : i32
      %dma_wait3A_1659 = tpu.memref_slice %arg3[%dma_wait3A_1657, %dma_wait3A_1658] : memref<1000000x32xf32, #tpu.memory_space<hbm>> -> memref<1000000x32xf32, #tpu.memory_space<hbm>>
      tpu.wait_indirect_dma semaphore(%arg8 : memref<!tpu.dma_semaphore, #tpu.memory_space<semaphore_mem>>) src(%dma_wait3A_1659 : memref<1000000x32xf32, #tpu.memory_space<hbm>>) dst(%dma_wait3A_1653 : memref<26x32xf32, #tpu.memory_space<vmem>>)
      %dma_wait3A_1660 = arith.constant 7 : i32
      %dma_wait3A_1661 = arith.constant 7 : i32
      %dma_wait3A_1662 = arith.constant 0 : i32
      %dma_wait3A_1663 = arith.constant 0 : i32
      %dma_wait3A_1664 = tpu.memref_slice %arg6[%dma_wait3A_1661, %dma_wait3A_1662, %dma_wait3A_1663] : memref<32x26x32xf32, #tpu.memory_space<vmem>> -> memref<1x26x32xf32, #tpu.memory_space<vmem>>
      %dma_wait3A_1665 = tpu.memref_squeeze %dma_wait3A_1664 : memref<1x26x32xf32, #tpu.memory_space<vmem>> -> memref<26x32xf32, #tpu.memory_space<vmem>>
      %dma_wait3A_1666 = arith.constant 0 : i32
      %dma_wait3A_1667 = tpu.memref_slice %arg5[%dma_wait3A_1660, %dma_wait3A_1666] : memref<512x26xi32, #tpu.memory_space<vmem>> -> memref<1x26xi32, #tpu.memory_space<vmem>>
      %dma_wait3A_1668 = tpu.memref_squeeze %dma_wait3A_1667 : memref<1x26xi32, #tpu.memory_space<vmem>> -> memref<26xi32, #tpu.memory_space<vmem>>
      %dma_wait3A_1669 = arith.constant 0 : i32
      %dma_wait3A_1670 = arith.constant 0 : i32
      %dma_wait3A_1671 = tpu.memref_slice %arg3[%dma_wait3A_1669, %dma_wait3A_1670] : memref<1000000x32xf32, #tpu.memory_space<hbm>> -> memref<1000000x32xf32, #tpu.memory_space<hbm>>
      tpu.wait_indirect_dma semaphore(%arg8 : memref<!tpu.dma_semaphore, #tpu.memory_space<semaphore_mem>>) src(%dma_wait3A_1671 : memref<1000000x32xf32, #tpu.memory_space<hbm>>) dst(%dma_wait3A_1665 : memref<26x32xf32, #tpu.memory_space<vmem>>)
      %dma_wait3A_1672 = arith.constant 8 : i32
      %dma_wait3A_1673 = arith.constant 8 : i32
      %dma_wait3A_1674 = arith.constant 0 : i32
      %dma_wait3A_1675 = arith.constant 0 : i32
      %dma_wait3A_1676 = tpu.memref_slice %arg6[%dma_wait3A_1673, %dma_wait3A_1674, %dma_wait3A_1675] : memref<32x26x32xf32, #tpu.memory_space<vmem>> -> memref<1x26x32xf32, #tpu.memory_space<vmem>>
      %dma_wait3A_1677 = tpu.memref_squeeze %dma_wait3A_1676 : memref<1x26x32xf32, #tpu.memory_space<vmem>> -> memref<26x32xf32, #tpu.memory_space<vmem>>
      %dma_wait3A_1678 = arith.constant 0 : i32
      %dma_wait3A_1679 = tpu.memref_slice %arg5[%dma_wait3A_1672, %dma_wait3A_1678] : memref<512x26xi32, #tpu.memory_space<vmem>> -> memref<1x26xi32, #tpu.memory_space<vmem>>
      %dma_wait3A_1680 = tpu.memref_squeeze %dma_wait3A_1679 : memref<1x26xi32, #tpu.memory_space<vmem>> -> memref<26xi32, #tpu.memory_space<vmem>>
      %dma_wait3A_1681 = arith.constant 0 : i32
      %dma_wait3A_1682 = arith.constant 0 : i32
      %dma_wait3A_1683 = tpu.memref_slice %arg3[%dma_wait3A_1681, %dma_wait3A_1682] : memref<1000000x32xf32, #tpu.memory_space<hbm>> -> memref<1000000x32xf32, #tpu.memory_space<hbm>>
      tpu.wait_indirect_dma semaphore(%arg8 : memref<!tpu.dma_semaphore, #tpu.memory_space<semaphore_mem>>) src(%dma_wait3A_1683 : memref<1000000x32xf32, #tpu.memory_space<hbm>>) dst(%dma_wait3A_1677 : memref<26x32xf32, #tpu.memory_space<vmem>>)
      %dma_wait3A_1684 = arith.constant 9 : i32
      %dma_wait3A_1685 = arith.constant 9 : i32
      %dma_wait3A_1686 = arith.constant 0 : i32
      %dma_wait3A_1687 = arith.constant 0 : i32
      %dma_wait3A_1688 = tpu.memref_slice %arg6[%dma_wait3A_1685, %dma_wait3A_1686, %dma_wait3A_1687] : memref<32x26x32xf32, #tpu.memory_space<vmem>> -> memref<1x26x32xf32, #tpu.memory_space<vmem>>
      %dma_wait3A_1689 = tpu.memref_squeeze %dma_wait3A_1688 : memref<1x26x32xf32, #tpu.memory_space<vmem>> -> memref<26x32xf32, #tpu.memory_space<vmem>>
      %dma_wait3A_1690 = arith.constant 0 : i32
      %dma_wait3A_1691 = tpu.memref_slice %arg5[%dma_wait3A_1684, %dma_wait3A_1690] : memref<512x26xi32, #tpu.memory_space<vmem>> -> memref<1x26xi32, #tpu.memory_space<vmem>>
      %dma_wait3A_1692 = tpu.memref_squeeze %dma_wait3A_1691 : memref<1x26xi32, #tpu.memory_space<vmem>> -> memref<26xi32, #tpu.memory_space<vmem>>
      %dma_wait3A_1693 = arith.constant 0 : i32
      %dma_wait3A_1694 = arith.constant 0 : i32
      %dma_wait3A_1695 = tpu.memref_slice %arg3[%dma_wait3A_1693, %dma_wait3A_1694] : memref<1000000x32xf32, #tpu.memory_space<hbm>> -> memref<1000000x32xf32, #tpu.memory_space<hbm>>
      tpu.wait_indirect_dma semaphore(%arg8 : memref<!tpu.dma_semaphore, #tpu.memory_space<semaphore_mem>>) src(%dma_wait3A_1695 : memref<1000000x32xf32, #tpu.memory_space<hbm>>) dst(%dma_wait3A_1689 : memref<26x32xf32, #tpu.memory_space<vmem>>)
      %dma_wait3A_1696 = arith.constant 10 : i32
      %dma_wait3A_1697 = arith.constant 10 : i32
      %dma_wait3A_1698 = arith.constant 0 : i32
      %dma_wait3A_1699 = arith.constant 0 : i32
      %dma_wait3A_1700 = tpu.memref_slice %arg6[%dma_wait3A_1697, %dma_wait3A_1698, %dma_wait3A_1699] : memref<32x26x32xf32, #tpu.memory_space<vmem>> -> memref<1x26x32xf32, #tpu.memory_space<vmem>>
      %dma_wait3A_1701 = tpu.memref_squeeze %dma_wait3A_1700 : memref<1x26x32xf32, #tpu.memory_space<vmem>> -> memref<26x32xf32, #tpu.memory_space<vmem>>
      %dma_wait3A_1702 = arith.constant 0 : i32
      %dma_wait3A_1703 = tpu.memref_slice %arg5[%dma_wait3A_1696, %dma_wait3A_1702] : memref<512x26xi32, #tpu.memory_space<vmem>> -> memref<1x26xi32, #tpu.memory_space<vmem>>
      %dma_wait3A_1704 = tpu.memref_squeeze %dma_wait3A_1703 : memref<1x26xi32, #tpu.memory_space<vmem>> -> memref<26xi32, #tpu.memory_space<vmem>>
      %dma_wait3A_1705 = arith.constant 0 : i32
      %dma_wait3A_1706 = arith.constant 0 : i32
      %dma_wait3A_1707 = tpu.memref_slice %arg3[%dma_wait3A_1705, %dma_wait3A_1706] : memref<1000000x32xf32, #tpu.memory_space<hbm>> -> memref<1000000x32xf32, #tpu.memory_space<hbm>>
      tpu.wait_indirect_dma semaphore(%arg8 : memref<!tpu.dma_semaphore, #tpu.memory_space<semaphore_mem>>) src(%dma_wait3A_1707 : memref<1000000x32xf32, #tpu.memory_space<hbm>>) dst(%dma_wait3A_1701 : memref<26x32xf32, #tpu.memory_space<vmem>>)
      %dma_wait3A_1708 = arith.constant 11 : i32
      %dma_wait3A_1709 = arith.constant 11 : i32
      %dma_wait3A_1710 = arith.constant 0 : i32
      %dma_wait3A_1711 = arith.constant 0 : i32
      %dma_wait3A_1712 = tpu.memref_slice %arg6[%dma_wait3A_1709, %dma_wait3A_1710, %dma_wait3A_1711] : memref<32x26x32xf32, #tpu.memory_space<vmem>> -> memref<1x26x32xf32, #tpu.memory_space<vmem>>
      %dma_wait3A_1713 = tpu.memref_squeeze %dma_wait3A_1712 : memref<1x26x32xf32, #tpu.memory_space<vmem>> -> memref<26x32xf32, #tpu.memory_space<vmem>>
      %dma_wait3A_1714 = arith.constant 0 : i32
      %dma_wait3A_1715 = tpu.memref_slice %arg5[%dma_wait3A_1708, %dma_wait3A_1714] : memref<512x26xi32, #tpu.memory_space<vmem>> -> memref<1x26xi32, #tpu.memory_space<vmem>>
      %dma_wait3A_1716 = tpu.memref_squeeze %dma_wait3A_1715 : memref<1x26xi32, #tpu.memory_space<vmem>> -> memref<26xi32, #tpu.memory_space<vmem>>
      %dma_wait3A_1717 = arith.constant 0 : i32
      %dma_wait3A_1718 = arith.constant 0 : i32
      %dma_wait3A_1719 = tpu.memref_slice %arg3[%dma_wait3A_1717, %dma_wait3A_1718] : memref<1000000x32xf32, #tpu.memory_space<hbm>> -> memref<1000000x32xf32, #tpu.memory_space<hbm>>
      tpu.wait_indirect_dma semaphore(%arg8 : memref<!tpu.dma_semaphore, #tpu.memory_space<semaphore_mem>>) src(%dma_wait3A_1719 : memref<1000000x32xf32, #tpu.memory_space<hbm>>) dst(%dma_wait3A_1713 : memref<26x32xf32, #tpu.memory_space<vmem>>)
      %dma_wait3A_1720 = arith.constant 12 : i32
      %dma_wait3A_1721 = arith.constant 12 : i32
      %dma_wait3A_1722 = arith.constant 0 : i32
      %dma_wait3A_1723 = arith.constant 0 : i32
      %dma_wait3A_1724 = tpu.memref_slice %arg6[%dma_wait3A_1721, %dma_wait3A_1722, %dma_wait3A_1723] : memref<32x26x32xf32, #tpu.memory_space<vmem>> -> memref<1x26x32xf32, #tpu.memory_space<vmem>>
      %dma_wait3A_1725 = tpu.memref_squeeze %dma_wait3A_1724 : memref<1x26x32xf32, #tpu.memory_space<vmem>> -> memref<26x32xf32, #tpu.memory_space<vmem>>
      %dma_wait3A_1726 = arith.constant 0 : i32
      %dma_wait3A_1727 = tpu.memref_slice %arg5[%dma_wait3A_1720, %dma_wait3A_1726] : memref<512x26xi32, #tpu.memory_space<vmem>> -> memref<1x26xi32, #tpu.memory_space<vmem>>
      %dma_wait3A_1728 = tpu.memref_squeeze %dma_wait3A_1727 : memref<1x26xi32, #tpu.memory_space<vmem>> -> memref<26xi32, #tpu.memory_space<vmem>>
      %dma_wait3A_1729 = arith.constant 0 : i32
      %dma_wait3A_1730 = arith.constant 0 : i32
      %dma_wait3A_1731 = tpu.memref_slice %arg3[%dma_wait3A_1729, %dma_wait3A_1730] : memref<1000000x32xf32, #tpu.memory_space<hbm>> -> memref<1000000x32xf32, #tpu.memory_space<hbm>>
      tpu.wait_indirect_dma semaphore(%arg8 : memref<!tpu.dma_semaphore, #tpu.memory_space<semaphore_mem>>) src(%dma_wait3A_1731 : memref<1000000x32xf32, #tpu.memory_space<hbm>>) dst(%dma_wait3A_1725 : memref<26x32xf32, #tpu.memory_space<vmem>>)
      %dma_wait3A_1732 = arith.constant 13 : i32
      %dma_wait3A_1733 = arith.constant 13 : i32
      %dma_wait3A_1734 = arith.constant 0 : i32
      %dma_wait3A_1735 = arith.constant 0 : i32
      %dma_wait3A_1736 = tpu.memref_slice %arg6[%dma_wait3A_1733, %dma_wait3A_1734, %dma_wait3A_1735] : memref<32x26x32xf32, #tpu.memory_space<vmem>> -> memref<1x26x32xf32, #tpu.memory_space<vmem>>
      %dma_wait3A_1737 = tpu.memref_squeeze %dma_wait3A_1736 : memref<1x26x32xf32, #tpu.memory_space<vmem>> -> memref<26x32xf32, #tpu.memory_space<vmem>>
      %dma_wait3A_1738 = arith.constant 0 : i32
      %dma_wait3A_1739 = tpu.memref_slice %arg5[%dma_wait3A_1732, %dma_wait3A_1738] : memref<512x26xi32, #tpu.memory_space<vmem>> -> memref<1x26xi32, #tpu.memory_space<vmem>>
      %dma_wait3A_1740 = tpu.memref_squeeze %dma_wait3A_1739 : memref<1x26xi32, #tpu.memory_space<vmem>> -> memref<26xi32, #tpu.memory_space<vmem>>
      %dma_wait3A_1741 = arith.constant 0 : i32
      %dma_wait3A_1742 = arith.constant 0 : i32
      %dma_wait3A_1743 = tpu.memref_slice %arg3[%dma_wait3A_1741, %dma_wait3A_1742] : memref<1000000x32xf32, #tpu.memory_space<hbm>> -> memref<1000000x32xf32, #tpu.memory_space<hbm>>
      tpu.wait_indirect_dma semaphore(%arg8 : memref<!tpu.dma_semaphore, #tpu.memory_space<semaphore_mem>>) src(%dma_wait3A_1743 : memref<1000000x32xf32, #tpu.memory_space<hbm>>) dst(%dma_wait3A_1737 : memref<26x32xf32, #tpu.memory_space<vmem>>)
      %dma_wait3A_1744 = arith.constant 14 : i32
      %dma_wait3A_1745 = arith.constant 14 : i32
      %dma_wait3A_1746 = arith.constant 0 : i32
      %dma_wait3A_1747 = arith.constant 0 : i32
      %dma_wait3A_1748 = tpu.memref_slice %arg6[%dma_wait3A_1745, %dma_wait3A_1746, %dma_wait3A_1747] : memref<32x26x32xf32, #tpu.memory_space<vmem>> -> memref<1x26x32xf32, #tpu.memory_space<vmem>>
      %dma_wait3A_1749 = tpu.memref_squeeze %dma_wait3A_1748 : memref<1x26x32xf32, #tpu.memory_space<vmem>> -> memref<26x32xf32, #tpu.memory_space<vmem>>
      %dma_wait3A_1750 = arith.constant 0 : i32
      %dma_wait3A_1751 = tpu.memref_slice %arg5[%dma_wait3A_1744, %dma_wait3A_1750] : memref<512x26xi32, #tpu.memory_space<vmem>> -> memref<1x26xi32, #tpu.memory_space<vmem>>
      %dma_wait3A_1752 = tpu.memref_squeeze %dma_wait3A_1751 : memref<1x26xi32, #tpu.memory_space<vmem>> -> memref<26xi32, #tpu.memory_space<vmem>>
      %dma_wait3A_1753 = arith.constant 0 : i32
      %dma_wait3A_1754 = arith.constant 0 : i32
      %dma_wait3A_1755 = tpu.memref_slice %arg3[%dma_wait3A_1753, %dma_wait3A_1754] : memref<1000000x32xf32, #tpu.memory_space<hbm>> -> memref<1000000x32xf32, #tpu.memory_space<hbm>>
      tpu.wait_indirect_dma semaphore(%arg8 : memref<!tpu.dma_semaphore, #tpu.memory_space<semaphore_mem>>) src(%dma_wait3A_1755 : memref<1000000x32xf32, #tpu.memory_space<hbm>>) dst(%dma_wait3A_1749 : memref<26x32xf32, #tpu.memory_space<vmem>>)
      %dma_wait3A_1756 = arith.constant 15 : i32
      %dma_wait3A_1757 = arith.constant 15 : i32
      %dma_wait3A_1758 = arith.constant 0 : i32
      %dma_wait3A_1759 = arith.constant 0 : i32
      %dma_wait3A_1760 = tpu.memref_slice %arg6[%dma_wait3A_1757, %dma_wait3A_1758, %dma_wait3A_1759] : memref<32x26x32xf32, #tpu.memory_space<vmem>> -> memref<1x26x32xf32, #tpu.memory_space<vmem>>
      %dma_wait3A_1761 = tpu.memref_squeeze %dma_wait3A_1760 : memref<1x26x32xf32, #tpu.memory_space<vmem>> -> memref<26x32xf32, #tpu.memory_space<vmem>>
      %dma_wait3A_1762 = arith.constant 0 : i32
      %dma_wait3A_1763 = tpu.memref_slice %arg5[%dma_wait3A_1756, %dma_wait3A_1762] : memref<512x26xi32, #tpu.memory_space<vmem>> -> memref<1x26xi32, #tpu.memory_space<vmem>>
      %dma_wait3A_1764 = tpu.memref_squeeze %dma_wait3A_1763 : memref<1x26xi32, #tpu.memory_space<vmem>> -> memref<26xi32, #tpu.memory_space<vmem>>
      %dma_wait3A_1765 = arith.constant 0 : i32
      %dma_wait3A_1766 = arith.constant 0 : i32
      %dma_wait3A_1767 = tpu.memref_slice %arg3[%dma_wait3A_1765, %dma_wait3A_1766] : memref<1000000x32xf32, #tpu.memory_space<hbm>> -> memref<1000000x32xf32, #tpu.memory_space<hbm>>
      tpu.wait_indirect_dma semaphore(%arg8 : memref<!tpu.dma_semaphore, #tpu.memory_space<semaphore_mem>>) src(%dma_wait3A_1767 : memref<1000000x32xf32, #tpu.memory_space<hbm>>) dst(%dma_wait3A_1761 : memref<26x32xf32, #tpu.memory_space<vmem>>)
      %dma_wait3A_1768 = arith.constant 16 : i32
      %dma_wait3A_1769 = arith.constant 16 : i32
      %dma_wait3A_1770 = arith.constant 0 : i32
      %dma_wait3A_1771 = arith.constant 0 : i32
      %dma_wait3A_1772 = tpu.memref_slice %arg6[%dma_wait3A_1769, %dma_wait3A_1770, %dma_wait3A_1771] : memref<32x26x32xf32, #tpu.memory_space<vmem>> -> memref<1x26x32xf32, #tpu.memory_space<vmem>>
      %dma_wait3A_1773 = tpu.memref_squeeze %dma_wait3A_1772 : memref<1x26x32xf32, #tpu.memory_space<vmem>> -> memref<26x32xf32, #tpu.memory_space<vmem>>
      %dma_wait3A_1774 = arith.constant 0 : i32
      %dma_wait3A_1775 = tpu.memref_slice %arg5[%dma_wait3A_1768, %dma_wait3A_1774] : memref<512x26xi32, #tpu.memory_space<vmem>> -> memref<1x26xi32, #tpu.memory_space<vmem>>
      %dma_wait3A_1776 = tpu.memref_squeeze %dma_wait3A_1775 : memref<1x26xi32, #tpu.memory_space<vmem>> -> memref<26xi32, #tpu.memory_space<vmem>>
      %dma_wait3A_1777 = arith.constant 0 : i32
      %dma_wait3A_1778 = arith.constant 0 : i32
      %dma_wait3A_1779 = tpu.memref_slice %arg3[%dma_wait3A_1777, %dma_wait3A_1778] : memref<1000000x32xf32, #tpu.memory_space<hbm>> -> memref<1000000x32xf32, #tpu.memory_space<hbm>>
      tpu.wait_indirect_dma semaphore(%arg8 : memref<!tpu.dma_semaphore, #tpu.memory_space<semaphore_mem>>) src(%dma_wait3A_1779 : memref<1000000x32xf32, #tpu.memory_space<hbm>>) dst(%dma_wait3A_1773 : memref<26x32xf32, #tpu.memory_space<vmem>>)
      %dma_wait3A_1780 = arith.constant 17 : i32
      %dma_wait3A_1781 = arith.constant 17 : i32
      %dma_wait3A_1782 = arith.constant 0 : i32
      %dma_wait3A_1783 = arith.constant 0 : i32
      %dma_wait3A_1784 = tpu.memref_slice %arg6[%dma_wait3A_1781, %dma_wait3A_1782, %dma_wait3A_1783] : memref<32x26x32xf32, #tpu.memory_space<vmem>> -> memref<1x26x32xf32, #tpu.memory_space<vmem>>
      %dma_wait3A_1785 = tpu.memref_squeeze %dma_wait3A_1784 : memref<1x26x32xf32, #tpu.memory_space<vmem>> -> memref<26x32xf32, #tpu.memory_space<vmem>>
      %dma_wait3A_1786 = arith.constant 0 : i32
      %dma_wait3A_1787 = tpu.memref_slice %arg5[%dma_wait3A_1780, %dma_wait3A_1786] : memref<512x26xi32, #tpu.memory_space<vmem>> -> memref<1x26xi32, #tpu.memory_space<vmem>>
      %dma_wait3A_1788 = tpu.memref_squeeze %dma_wait3A_1787 : memref<1x26xi32, #tpu.memory_space<vmem>> -> memref<26xi32, #tpu.memory_space<vmem>>
      %dma_wait3A_1789 = arith.constant 0 : i32
      %dma_wait3A_1790 = arith.constant 0 : i32
      %dma_wait3A_1791 = tpu.memref_slice %arg3[%dma_wait3A_1789, %dma_wait3A_1790] : memref<1000000x32xf32, #tpu.memory_space<hbm>> -> memref<1000000x32xf32, #tpu.memory_space<hbm>>
      tpu.wait_indirect_dma semaphore(%arg8 : memref<!tpu.dma_semaphore, #tpu.memory_space<semaphore_mem>>) src(%dma_wait3A_1791 : memref<1000000x32xf32, #tpu.memory_space<hbm>>) dst(%dma_wait3A_1785 : memref<26x32xf32, #tpu.memory_space<vmem>>)
      %dma_wait3A_1792 = arith.constant 18 : i32
      %dma_wait3A_1793 = arith.constant 18 : i32
      %dma_wait3A_1794 = arith.constant 0 : i32
      %dma_wait3A_1795 = arith.constant 0 : i32
      %dma_wait3A_1796 = tpu.memref_slice %arg6[%dma_wait3A_1793, %dma_wait3A_1794, %dma_wait3A_1795] : memref<32x26x32xf32, #tpu.memory_space<vmem>> -> memref<1x26x32xf32, #tpu.memory_space<vmem>>
      %dma_wait3A_1797 = tpu.memref_squeeze %dma_wait3A_1796 : memref<1x26x32xf32, #tpu.memory_space<vmem>> -> memref<26x32xf32, #tpu.memory_space<vmem>>
      %dma_wait3A_1798 = arith.constant 0 : i32
      %dma_wait3A_1799 = tpu.memref_slice %arg5[%dma_wait3A_1792, %dma_wait3A_1798] : memref<512x26xi32, #tpu.memory_space<vmem>> -> memref<1x26xi32, #tpu.memory_space<vmem>>
      %dma_wait3A_1800 = tpu.memref_squeeze %dma_wait3A_1799 : memref<1x26xi32, #tpu.memory_space<vmem>> -> memref<26xi32, #tpu.memory_space<vmem>>
      %dma_wait3A_1801 = arith.constant 0 : i32
      %dma_wait3A_1802 = arith.constant 0 : i32
      %dma_wait3A_1803 = tpu.memref_slice %arg3[%dma_wait3A_1801, %dma_wait3A_1802] : memref<1000000x32xf32, #tpu.memory_space<hbm>> -> memref<1000000x32xf32, #tpu.memory_space<hbm>>
      tpu.wait_indirect_dma semaphore(%arg8 : memref<!tpu.dma_semaphore, #tpu.memory_space<semaphore_mem>>) src(%dma_wait3A_1803 : memref<1000000x32xf32, #tpu.memory_space<hbm>>) dst(%dma_wait3A_1797 : memref<26x32xf32, #tpu.memory_space<vmem>>)
      %dma_wait3A_1804 = arith.constant 19 : i32
      %dma_wait3A_1805 = arith.constant 19 : i32
      %dma_wait3A_1806 = arith.constant 0 : i32
      %dma_wait3A_1807 = arith.constant 0 : i32
      %dma_wait3A_1808 = tpu.memref_slice %arg6[%dma_wait3A_1805, %dma_wait3A_1806, %dma_wait3A_1807] : memref<32x26x32xf32, #tpu.memory_space<vmem>> -> memref<1x26x32xf32, #tpu.memory_space<vmem>>
      %dma_wait3A_1809 = tpu.memref_squeeze %dma_wait3A_1808 : memref<1x26x32xf32, #tpu.memory_space<vmem>> -> memref<26x32xf32, #tpu.memory_space<vmem>>
      %dma_wait3A_1810 = arith.constant 0 : i32
      %dma_wait3A_1811 = tpu.memref_slice %arg5[%dma_wait3A_1804, %dma_wait3A_1810] : memref<512x26xi32, #tpu.memory_space<vmem>> -> memref<1x26xi32, #tpu.memory_space<vmem>>
      %dma_wait3A_1812 = tpu.memref_squeeze %dma_wait3A_1811 : memref<1x26xi32, #tpu.memory_space<vmem>> -> memref<26xi32, #tpu.memory_space<vmem>>
      %dma_wait3A_1813 = arith.constant 0 : i32
      %dma_wait3A_1814 = arith.constant 0 : i32
      %dma_wait3A_1815 = tpu.memref_slice %arg3[%dma_wait3A_1813, %dma_wait3A_1814] : memref<1000000x32xf32, #tpu.memory_space<hbm>> -> memref<1000000x32xf32, #tpu.memory_space<hbm>>
      tpu.wait_indirect_dma semaphore(%arg8 : memref<!tpu.dma_semaphore, #tpu.memory_space<semaphore_mem>>) src(%dma_wait3A_1815 : memref<1000000x32xf32, #tpu.memory_space<hbm>>) dst(%dma_wait3A_1809 : memref<26x32xf32, #tpu.memory_space<vmem>>)
      %dma_wait3A_1816 = arith.constant 20 : i32
      %dma_wait3A_1817 = arith.constant 20 : i32
      %dma_wait3A_1818 = arith.constant 0 : i32
      %dma_wait3A_1819 = arith.constant 0 : i32
      %dma_wait3A_1820 = tpu.memref_slice %arg6[%dma_wait3A_1817, %dma_wait3A_1818, %dma_wait3A_1819] : memref<32x26x32xf32, #tpu.memory_space<vmem>> -> memref<1x26x32xf32, #tpu.memory_space<vmem>>
      %dma_wait3A_1821 = tpu.memref_squeeze %dma_wait3A_1820 : memref<1x26x32xf32, #tpu.memory_space<vmem>> -> memref<26x32xf32, #tpu.memory_space<vmem>>
      %dma_wait3A_1822 = arith.constant 0 : i32
      %dma_wait3A_1823 = tpu.memref_slice %arg5[%dma_wait3A_1816, %dma_wait3A_1822] : memref<512x26xi32, #tpu.memory_space<vmem>> -> memref<1x26xi32, #tpu.memory_space<vmem>>
      %dma_wait3A_1824 = tpu.memref_squeeze %dma_wait3A_1823 : memref<1x26xi32, #tpu.memory_space<vmem>> -> memref<26xi32, #tpu.memory_space<vmem>>
      %dma_wait3A_1825 = arith.constant 0 : i32
      %dma_wait3A_1826 = arith.constant 0 : i32
      %dma_wait3A_1827 = tpu.memref_slice %arg3[%dma_wait3A_1825, %dma_wait3A_1826] : memref<1000000x32xf32, #tpu.memory_space<hbm>> -> memref<1000000x32xf32, #tpu.memory_space<hbm>>
      tpu.wait_indirect_dma semaphore(%arg8 : memref<!tpu.dma_semaphore, #tpu.memory_space<semaphore_mem>>) src(%dma_wait3A_1827 : memref<1000000x32xf32, #tpu.memory_space<hbm>>) dst(%dma_wait3A_1821 : memref<26x32xf32, #tpu.memory_space<vmem>>)
      %dma_wait3A_1828 = arith.constant 21 : i32
      %dma_wait3A_1829 = arith.constant 21 : i32
      %dma_wait3A_1830 = arith.constant 0 : i32
      %dma_wait3A_1831 = arith.constant 0 : i32
      %dma_wait3A_1832 = tpu.memref_slice %arg6[%dma_wait3A_1829, %dma_wait3A_1830, %dma_wait3A_1831] : memref<32x26x32xf32, #tpu.memory_space<vmem>> -> memref<1x26x32xf32, #tpu.memory_space<vmem>>
      %dma_wait3A_1833 = tpu.memref_squeeze %dma_wait3A_1832 : memref<1x26x32xf32, #tpu.memory_space<vmem>> -> memref<26x32xf32, #tpu.memory_space<vmem>>
      %dma_wait3A_1834 = arith.constant 0 : i32
      %dma_wait3A_1835 = tpu.memref_slice %arg5[%dma_wait3A_1828, %dma_wait3A_1834] : memref<512x26xi32, #tpu.memory_space<vmem>> -> memref<1x26xi32, #tpu.memory_space<vmem>>
      %dma_wait3A_1836 = tpu.memref_squeeze %dma_wait3A_1835 : memref<1x26xi32, #tpu.memory_space<vmem>> -> memref<26xi32, #tpu.memory_space<vmem>>
      %dma_wait3A_1837 = arith.constant 0 : i32
      %dma_wait3A_1838 = arith.constant 0 : i32
      %dma_wait3A_1839 = tpu.memref_slice %arg3[%dma_wait3A_1837, %dma_wait3A_1838] : memref<1000000x32xf32, #tpu.memory_space<hbm>> -> memref<1000000x32xf32, #tpu.memory_space<hbm>>
      tpu.wait_indirect_dma semaphore(%arg8 : memref<!tpu.dma_semaphore, #tpu.memory_space<semaphore_mem>>) src(%dma_wait3A_1839 : memref<1000000x32xf32, #tpu.memory_space<hbm>>) dst(%dma_wait3A_1833 : memref<26x32xf32, #tpu.memory_space<vmem>>)
      %dma_wait3A_1840 = arith.constant 22 : i32
      %dma_wait3A_1841 = arith.constant 22 : i32
      %dma_wait3A_1842 = arith.constant 0 : i32
      %dma_wait3A_1843 = arith.constant 0 : i32
      %dma_wait3A_1844 = tpu.memref_slice %arg6[%dma_wait3A_1841, %dma_wait3A_1842, %dma_wait3A_1843] : memref<32x26x32xf32, #tpu.memory_space<vmem>> -> memref<1x26x32xf32, #tpu.memory_space<vmem>>
      %dma_wait3A_1845 = tpu.memref_squeeze %dma_wait3A_1844 : memref<1x26x32xf32, #tpu.memory_space<vmem>> -> memref<26x32xf32, #tpu.memory_space<vmem>>
      %dma_wait3A_1846 = arith.constant 0 : i32
      %dma_wait3A_1847 = tpu.memref_slice %arg5[%dma_wait3A_1840, %dma_wait3A_1846] : memref<512x26xi32, #tpu.memory_space<vmem>> -> memref<1x26xi32, #tpu.memory_space<vmem>>
      %dma_wait3A_1848 = tpu.memref_squeeze %dma_wait3A_1847 : memref<1x26xi32, #tpu.memory_space<vmem>> -> memref<26xi32, #tpu.memory_space<vmem>>
      %dma_wait3A_1849 = arith.constant 0 : i32
      %dma_wait3A_1850 = arith.constant 0 : i32
      %dma_wait3A_1851 = tpu.memref_slice %arg3[%dma_wait3A_1849, %dma_wait3A_1850] : memref<1000000x32xf32, #tpu.memory_space<hbm>> -> memref<1000000x32xf32, #tpu.memory_space<hbm>>
      tpu.wait_indirect_dma semaphore(%arg8 : memref<!tpu.dma_semaphore, #tpu.memory_space<semaphore_mem>>) src(%dma_wait3A_1851 : memref<1000000x32xf32, #tpu.memory_space<hbm>>) dst(%dma_wait3A_1845 : memref<26x32xf32, #tpu.memory_space<vmem>>)
      %dma_wait3A_1852 = arith.constant 23 : i32
      %dma_wait3A_1853 = arith.constant 23 : i32
      %dma_wait3A_1854 = arith.constant 0 : i32
      %dma_wait3A_1855 = arith.constant 0 : i32
      %dma_wait3A_1856 = tpu.memref_slice %arg6[%dma_wait3A_1853, %dma_wait3A_1854, %dma_wait3A_1855] : memref<32x26x32xf32, #tpu.memory_space<vmem>> -> memref<1x26x32xf32, #tpu.memory_space<vmem>>
      %dma_wait3A_1857 = tpu.memref_squeeze %dma_wait3A_1856 : memref<1x26x32xf32, #tpu.memory_space<vmem>> -> memref<26x32xf32, #tpu.memory_space<vmem>>
      %dma_wait3A_1858 = arith.constant 0 : i32
      %dma_wait3A_1859 = tpu.memref_slice %arg5[%dma_wait3A_1852, %dma_wait3A_1858] : memref<512x26xi32, #tpu.memory_space<vmem>> -> memref<1x26xi32, #tpu.memory_space<vmem>>
      %dma_wait3A_1860 = tpu.memref_squeeze %dma_wait3A_1859 : memref<1x26xi32, #tpu.memory_space<vmem>> -> memref<26xi32, #tpu.memory_space<vmem>>
      %dma_wait3A_1861 = arith.constant 0 : i32
      %dma_wait3A_1862 = arith.constant 0 : i32
      %dma_wait3A_1863 = tpu.memref_slice %arg3[%dma_wait3A_1861, %dma_wait3A_1862] : memref<1000000x32xf32, #tpu.memory_space<hbm>> -> memref<1000000x32xf32, #tpu.memory_space<hbm>>
      tpu.wait_indirect_dma semaphore(%arg8 : memref<!tpu.dma_semaphore, #tpu.memory_space<semaphore_mem>>) src(%dma_wait3A_1863 : memref<1000000x32xf32, #tpu.memory_space<hbm>>) dst(%dma_wait3A_1857 : memref<26x32xf32, #tpu.memory_space<vmem>>)
      %dma_wait3A_1864 = arith.constant 24 : i32
      %dma_wait3A_1865 = arith.constant 24 : i32
      %dma_wait3A_1866 = arith.constant 0 : i32
      %dma_wait3A_1867 = arith.constant 0 : i32
      %dma_wait3A_1868 = tpu.memref_slice %arg6[%dma_wait3A_1865, %dma_wait3A_1866, %dma_wait3A_1867] : memref<32x26x32xf32, #tpu.memory_space<vmem>> -> memref<1x26x32xf32, #tpu.memory_space<vmem>>
      %dma_wait3A_1869 = tpu.memref_squeeze %dma_wait3A_1868 : memref<1x26x32xf32, #tpu.memory_space<vmem>> -> memref<26x32xf32, #tpu.memory_space<vmem>>
      %dma_wait3A_1870 = arith.constant 0 : i32
      %dma_wait3A_1871 = tpu.memref_slice %arg5[%dma_wait3A_1864, %dma_wait3A_1870] : memref<512x26xi32, #tpu.memory_space<vmem>> -> memref<1x26xi32, #tpu.memory_space<vmem>>
      %dma_wait3A_1872 = tpu.memref_squeeze %dma_wait3A_1871 : memref<1x26xi32, #tpu.memory_space<vmem>> -> memref<26xi32, #tpu.memory_space<vmem>>
      %dma_wait3A_1873 = arith.constant 0 : i32
      %dma_wait3A_1874 = arith.constant 0 : i32
      %dma_wait3A_1875 = tpu.memref_slice %arg3[%dma_wait3A_1873, %dma_wait3A_1874] : memref<1000000x32xf32, #tpu.memory_space<hbm>> -> memref<1000000x32xf32, #tpu.memory_space<hbm>>
      tpu.wait_indirect_dma semaphore(%arg8 : memref<!tpu.dma_semaphore, #tpu.memory_space<semaphore_mem>>) src(%dma_wait3A_1875 : memref<1000000x32xf32, #tpu.memory_space<hbm>>) dst(%dma_wait3A_1869 : memref<26x32xf32, #tpu.memory_space<vmem>>)
      %dma_wait3A_1876 = arith.constant 25 : i32
      %dma_wait3A_1877 = arith.constant 25 : i32
      %dma_wait3A_1878 = arith.constant 0 : i32
      %dma_wait3A_1879 = arith.constant 0 : i32
      %dma_wait3A_1880 = tpu.memref_slice %arg6[%dma_wait3A_1877, %dma_wait3A_1878, %dma_wait3A_1879] : memref<32x26x32xf32, #tpu.memory_space<vmem>> -> memref<1x26x32xf32, #tpu.memory_space<vmem>>
      %dma_wait3A_1881 = tpu.memref_squeeze %dma_wait3A_1880 : memref<1x26x32xf32, #tpu.memory_space<vmem>> -> memref<26x32xf32, #tpu.memory_space<vmem>>
      %dma_wait3A_1882 = arith.constant 0 : i32
      %dma_wait3A_1883 = tpu.memref_slice %arg5[%dma_wait3A_1876, %dma_wait3A_1882] : memref<512x26xi32, #tpu.memory_space<vmem>> -> memref<1x26xi32, #tpu.memory_space<vmem>>
      %dma_wait3A_1884 = tpu.memref_squeeze %dma_wait3A_1883 : memref<1x26xi32, #tpu.memory_space<vmem>> -> memref<26xi32, #tpu.memory_space<vmem>>
      %dma_wait3A_1885 = arith.constant 0 : i32
      %dma_wait3A_1886 = arith.constant 0 : i32
      %dma_wait3A_1887 = tpu.memref_slice %arg3[%dma_wait3A_1885, %dma_wait3A_1886] : memref<1000000x32xf32, #tpu.memory_space<hbm>> -> memref<1000000x32xf32, #tpu.memory_space<hbm>>
      tpu.wait_indirect_dma semaphore(%arg8 : memref<!tpu.dma_semaphore, #tpu.memory_space<semaphore_mem>>) src(%dma_wait3A_1887 : memref<1000000x32xf32, #tpu.memory_space<hbm>>) dst(%dma_wait3A_1881 : memref<26x32xf32, #tpu.memory_space<vmem>>)
      %dma_wait3A_1888 = arith.constant 26 : i32
      %dma_wait3A_1889 = arith.constant 26 : i32
      %dma_wait3A_1890 = arith.constant 0 : i32
      %dma_wait3A_1891 = arith.constant 0 : i32
      %dma_wait3A_1892 = tpu.memref_slice %arg6[%dma_wait3A_1889, %dma_wait3A_1890, %dma_wait3A_1891] : memref<32x26x32xf32, #tpu.memory_space<vmem>> -> memref<1x26x32xf32, #tpu.memory_space<vmem>>
      %dma_wait3A_1893 = tpu.memref_squeeze %dma_wait3A_1892 : memref<1x26x32xf32, #tpu.memory_space<vmem>> -> memref<26x32xf32, #tpu.memory_space<vmem>>
      %dma_wait3A_1894 = arith.constant 0 : i32
      %dma_wait3A_1895 = tpu.memref_slice %arg5[%dma_wait3A_1888, %dma_wait3A_1894] : memref<512x26xi32, #tpu.memory_space<vmem>> -> memref<1x26xi32, #tpu.memory_space<vmem>>
      %dma_wait3A_1896 = tpu.memref_squeeze %dma_wait3A_1895 : memref<1x26xi32, #tpu.memory_space<vmem>> -> memref<26xi32, #tpu.memory_space<vmem>>
      %dma_wait3A_1897 = arith.constant 0 : i32
      %dma_wait3A_1898 = arith.constant 0 : i32
      %dma_wait3A_1899 = tpu.memref_slice %arg3[%dma_wait3A_1897, %dma_wait3A_1898] : memref<1000000x32xf32, #tpu.memory_space<hbm>> -> memref<1000000x32xf32, #tpu.memory_space<hbm>>
      tpu.wait_indirect_dma semaphore(%arg8 : memref<!tpu.dma_semaphore, #tpu.memory_space<semaphore_mem>>) src(%dma_wait3A_1899 : memref<1000000x32xf32, #tpu.memory_space<hbm>>) dst(%dma_wait3A_1893 : memref<26x32xf32, #tpu.memory_space<vmem>>)
      %dma_wait3A_1900 = arith.constant 27 : i32
      %dma_wait3A_1901 = arith.constant 27 : i32
      %dma_wait3A_1902 = arith.constant 0 : i32
      %dma_wait3A_1903 = arith.constant 0 : i32
      %dma_wait3A_1904 = tpu.memref_slice %arg6[%dma_wait3A_1901, %dma_wait3A_1902, %dma_wait3A_1903] : memref<32x26x32xf32, #tpu.memory_space<vmem>> -> memref<1x26x32xf32, #tpu.memory_space<vmem>>
      %dma_wait3A_1905 = tpu.memref_squeeze %dma_wait3A_1904 : memref<1x26x32xf32, #tpu.memory_space<vmem>> -> memref<26x32xf32, #tpu.memory_space<vmem>>
      %dma_wait3A_1906 = arith.constant 0 : i32
      %dma_wait3A_1907 = tpu.memref_slice %arg5[%dma_wait3A_1900, %dma_wait3A_1906] : memref<512x26xi32, #tpu.memory_space<vmem>> -> memref<1x26xi32, #tpu.memory_space<vmem>>
      %dma_wait3A_1908 = tpu.memref_squeeze %dma_wait3A_1907 : memref<1x26xi32, #tpu.memory_space<vmem>> -> memref<26xi32, #tpu.memory_space<vmem>>
      %dma_wait3A_1909 = arith.constant 0 : i32
      %dma_wait3A_1910 = arith.constant 0 : i32
      %dma_wait3A_1911 = tpu.memref_slice %arg3[%dma_wait3A_1909, %dma_wait3A_1910] : memref<1000000x32xf32, #tpu.memory_space<hbm>> -> memref<1000000x32xf32, #tpu.memory_space<hbm>>
      tpu.wait_indirect_dma semaphore(%arg8 : memref<!tpu.dma_semaphore, #tpu.memory_space<semaphore_mem>>) src(%dma_wait3A_1911 : memref<1000000x32xf32, #tpu.memory_space<hbm>>) dst(%dma_wait3A_1905 : memref<26x32xf32, #tpu.memory_space<vmem>>)
      %dma_wait3A_1912 = arith.constant 28 : i32
      %dma_wait3A_1913 = arith.constant 28 : i32
      %dma_wait3A_1914 = arith.constant 0 : i32
      %dma_wait3A_1915 = arith.constant 0 : i32
      %dma_wait3A_1916 = tpu.memref_slice %arg6[%dma_wait3A_1913, %dma_wait3A_1914, %dma_wait3A_1915] : memref<32x26x32xf32, #tpu.memory_space<vmem>> -> memref<1x26x32xf32, #tpu.memory_space<vmem>>
      %dma_wait3A_1917 = tpu.memref_squeeze %dma_wait3A_1916 : memref<1x26x32xf32, #tpu.memory_space<vmem>> -> memref<26x32xf32, #tpu.memory_space<vmem>>
      %dma_wait3A_1918 = arith.constant 0 : i32
      %dma_wait3A_1919 = tpu.memref_slice %arg5[%dma_wait3A_1912, %dma_wait3A_1918] : memref<512x26xi32, #tpu.memory_space<vmem>> -> memref<1x26xi32, #tpu.memory_space<vmem>>
      %dma_wait3A_1920 = tpu.memref_squeeze %dma_wait3A_1919 : memref<1x26xi32, #tpu.memory_space<vmem>> -> memref<26xi32, #tpu.memory_space<vmem>>
      %dma_wait3A_1921 = arith.constant 0 : i32
      %dma_wait3A_1922 = arith.constant 0 : i32
      %dma_wait3A_1923 = tpu.memref_slice %arg3[%dma_wait3A_1921, %dma_wait3A_1922] : memref<1000000x32xf32, #tpu.memory_space<hbm>> -> memref<1000000x32xf32, #tpu.memory_space<hbm>>
      tpu.wait_indirect_dma semaphore(%arg8 : memref<!tpu.dma_semaphore, #tpu.memory_space<semaphore_mem>>) src(%dma_wait3A_1923 : memref<1000000x32xf32, #tpu.memory_space<hbm>>) dst(%dma_wait3A_1917 : memref<26x32xf32, #tpu.memory_space<vmem>>)
      %dma_wait3A_1924 = arith.constant 29 : i32
      %dma_wait3A_1925 = arith.constant 29 : i32
      %dma_wait3A_1926 = arith.constant 0 : i32
      %dma_wait3A_1927 = arith.constant 0 : i32
      %dma_wait3A_1928 = tpu.memref_slice %arg6[%dma_wait3A_1925, %dma_wait3A_1926, %dma_wait3A_1927] : memref<32x26x32xf32, #tpu.memory_space<vmem>> -> memref<1x26x32xf32, #tpu.memory_space<vmem>>
      %dma_wait3A_1929 = tpu.memref_squeeze %dma_wait3A_1928 : memref<1x26x32xf32, #tpu.memory_space<vmem>> -> memref<26x32xf32, #tpu.memory_space<vmem>>
      %dma_wait3A_1930 = arith.constant 0 : i32
      %dma_wait3A_1931 = tpu.memref_slice %arg5[%dma_wait3A_1924, %dma_wait3A_1930] : memref<512x26xi32, #tpu.memory_space<vmem>> -> memref<1x26xi32, #tpu.memory_space<vmem>>
      %dma_wait3A_1932 = tpu.memref_squeeze %dma_wait3A_1931 : memref<1x26xi32, #tpu.memory_space<vmem>> -> memref<26xi32, #tpu.memory_space<vmem>>
      %dma_wait3A_1933 = arith.constant 0 : i32
      %dma_wait3A_1934 = arith.constant 0 : i32
      %dma_wait3A_1935 = tpu.memref_slice %arg3[%dma_wait3A_1933, %dma_wait3A_1934] : memref<1000000x32xf32, #tpu.memory_space<hbm>> -> memref<1000000x32xf32, #tpu.memory_space<hbm>>
      tpu.wait_indirect_dma semaphore(%arg8 : memref<!tpu.dma_semaphore, #tpu.memory_space<semaphore_mem>>) src(%dma_wait3A_1935 : memref<1000000x32xf32, #tpu.memory_space<hbm>>) dst(%dma_wait3A_1929 : memref<26x32xf32, #tpu.memory_space<vmem>>)
      %dma_wait3A_1936 = arith.constant 30 : i32
      %dma_wait3A_1937 = arith.constant 30 : i32
      %dma_wait3A_1938 = arith.constant 0 : i32
      %dma_wait3A_1939 = arith.constant 0 : i32
      %dma_wait3A_1940 = tpu.memref_slice %arg6[%dma_wait3A_1937, %dma_wait3A_1938, %dma_wait3A_1939] : memref<32x26x32xf32, #tpu.memory_space<vmem>> -> memref<1x26x32xf32, #tpu.memory_space<vmem>>
      %dma_wait3A_1941 = tpu.memref_squeeze %dma_wait3A_1940 : memref<1x26x32xf32, #tpu.memory_space<vmem>> -> memref<26x32xf32, #tpu.memory_space<vmem>>
      %dma_wait3A_1942 = arith.constant 0 : i32
      %dma_wait3A_1943 = tpu.memref_slice %arg5[%dma_wait3A_1936, %dma_wait3A_1942] : memref<512x26xi32, #tpu.memory_space<vmem>> -> memref<1x26xi32, #tpu.memory_space<vmem>>
      %dma_wait3A_1944 = tpu.memref_squeeze %dma_wait3A_1943 : memref<1x26xi32, #tpu.memory_space<vmem>> -> memref<26xi32, #tpu.memory_space<vmem>>
      %dma_wait3A_1945 = arith.constant 0 : i32
      %dma_wait3A_1946 = arith.constant 0 : i32
      %dma_wait3A_1947 = tpu.memref_slice %arg3[%dma_wait3A_1945, %dma_wait3A_1946] : memref<1000000x32xf32, #tpu.memory_space<hbm>> -> memref<1000000x32xf32, #tpu.memory_space<hbm>>
      tpu.wait_indirect_dma semaphore(%arg8 : memref<!tpu.dma_semaphore, #tpu.memory_space<semaphore_mem>>) src(%dma_wait3A_1947 : memref<1000000x32xf32, #tpu.memory_space<hbm>>) dst(%dma_wait3A_1941 : memref<26x32xf32, #tpu.memory_space<vmem>>)
      %dma_wait3A_1948 = arith.constant 31 : i32
      %dma_wait3A_1949 = arith.constant 31 : i32
      %dma_wait3A_1950 = arith.constant 0 : i32
      %dma_wait3A_1951 = arith.constant 0 : i32
      %dma_wait3A_1952 = tpu.memref_slice %arg6[%dma_wait3A_1949, %dma_wait3A_1950, %dma_wait3A_1951] : memref<32x26x32xf32, #tpu.memory_space<vmem>> -> memref<1x26x32xf32, #tpu.memory_space<vmem>>
      %dma_wait3A_1953 = tpu.memref_squeeze %dma_wait3A_1952 : memref<1x26x32xf32, #tpu.memory_space<vmem>> -> memref<26x32xf32, #tpu.memory_space<vmem>>
      %dma_wait3A_1954 = arith.constant 0 : i32
      %dma_wait3A_1955 = tpu.memref_slice %arg5[%dma_wait3A_1948, %dma_wait3A_1954] : memref<512x26xi32, #tpu.memory_space<vmem>> -> memref<1x26xi32, #tpu.memory_space<vmem>>
      %dma_wait3A_1956 = tpu.memref_squeeze %dma_wait3A_1955 : memref<1x26xi32, #tpu.memory_space<vmem>> -> memref<26xi32, #tpu.memory_space<vmem>>
      %dma_wait3A_1957 = arith.constant 0 : i32
      %dma_wait3A_1958 = arith.constant 0 : i32
      %dma_wait3A_1959 = tpu.memref_slice %arg3[%dma_wait3A_1957, %dma_wait3A_1958] : memref<1000000x32xf32, #tpu.memory_space<hbm>> -> memref<1000000x32xf32, #tpu.memory_space<hbm>>
      tpu.wait_indirect_dma semaphore(%arg8 : memref<!tpu.dma_semaphore, #tpu.memory_space<semaphore_mem>>) src(%dma_wait3A_1959 : memref<1000000x32xf32, #tpu.memory_space<hbm>>) dst(%dma_wait3A_1953 : memref<26x32xf32, #tpu.memory_space<vmem>>)
      %mul3A_1960 = arith.constant 32 : i32
      %mul3A_1961 = arith.muli %mul3A_1575, %mul3A_1960 : i32
      %add3A_1962 = arith.addi %mul3A_2, %mul3A_1961 : i32
      %dma_start3A_1963 = arith.constant 0 : i32
      %dma_start3A_1964 = arith.constant 0 : i32
      %dma_start3A_1965 = tpu.memref_slice %arg4[%add3A_1962, %dma_start3A_1963, %dma_start3A_1964] : memref<16384x26x32xf32, #tpu.memory_space<hbm>> -> memref<32x26x32xf32, #tpu.memory_space<hbm>>
      %dma_start3A_1966 = arith.constant 0 : i32
      %dma_start3A_1967 = arith.constant 0 : i32
      %dma_start3A_1968 = tpu.memref_slice %arg4[%add3A_1962, %dma_start3A_1966, %dma_start3A_1967] : memref<16384x26x32xf32, #tpu.memory_space<hbm>> -> memref<32x26x32xf32, #tpu.memory_space<hbm>>
      tpu.enqueue_dma source(%arg6 : memref<32x26x32xf32, #tpu.memory_space<vmem>>) target(%dma_start3A_1968 : memref<32x26x32xf32, #tpu.memory_space<hbm>>) target_semaphore(%arg10 : memref<!tpu.dma_semaphore, #tpu.memory_space<semaphore_mem>>)
      %dma_wait3A_1969 = arith.constant 0 : i32
      %dma_wait3A_1970 = arith.constant 0 : i32
      %dma_wait3A_1971 = arith.constant 0 : i32
      %dma_wait3A_1972 = arith.constant 0 : i32
      %dma_wait3A_1973 = tpu.memref_slice %arg7[%dma_wait3A_1970, %dma_wait3A_1971, %dma_wait3A_1972] : memref<32x26x32xf32, #tpu.memory_space<vmem>> -> memref<1x26x32xf32, #tpu.memory_space<vmem>>
      %dma_wait3A_1974 = tpu.memref_squeeze %dma_wait3A_1973 : memref<1x26x32xf32, #tpu.memory_space<vmem>> -> memref<26x32xf32, #tpu.memory_space<vmem>>
      %dma_wait3A_1975 = arith.constant 0 : i32
      %dma_wait3A_1976 = tpu.memref_slice %arg5[%dma_wait3A_1969, %dma_wait3A_1975] : memref<512x26xi32, #tpu.memory_space<vmem>> -> memref<1x26xi32, #tpu.memory_space<vmem>>
      %dma_wait3A_1977 = tpu.memref_squeeze %dma_wait3A_1976 : memref<1x26xi32, #tpu.memory_space<vmem>> -> memref<26xi32, #tpu.memory_space<vmem>>
      %dma_wait3A_1978 = arith.constant 0 : i32
      %dma_wait3A_1979 = arith.constant 0 : i32
      %dma_wait3A_1980 = tpu.memref_slice %arg3[%dma_wait3A_1978, %dma_wait3A_1979] : memref<1000000x32xf32, #tpu.memory_space<hbm>> -> memref<1000000x32xf32, #tpu.memory_space<hbm>>
      tpu.wait_indirect_dma semaphore(%arg9 : memref<!tpu.dma_semaphore, #tpu.memory_space<semaphore_mem>>) src(%dma_wait3A_1980 : memref<1000000x32xf32, #tpu.memory_space<hbm>>) dst(%dma_wait3A_1974 : memref<26x32xf32, #tpu.memory_space<vmem>>)
      %dma_wait3A_1981 = arith.constant 1 : i32
      %dma_wait3A_1982 = arith.constant 1 : i32
      %dma_wait3A_1983 = arith.constant 0 : i32
      %dma_wait3A_1984 = arith.constant 0 : i32
      %dma_wait3A_1985 = tpu.memref_slice %arg7[%dma_wait3A_1982, %dma_wait3A_1983, %dma_wait3A_1984] : memref<32x26x32xf32, #tpu.memory_space<vmem>> -> memref<1x26x32xf32, #tpu.memory_space<vmem>>
      %dma_wait3A_1986 = tpu.memref_squeeze %dma_wait3A_1985 : memref<1x26x32xf32, #tpu.memory_space<vmem>> -> memref<26x32xf32, #tpu.memory_space<vmem>>
      %dma_wait3A_1987 = arith.constant 0 : i32
      %dma_wait3A_1988 = tpu.memref_slice %arg5[%dma_wait3A_1981, %dma_wait3A_1987] : memref<512x26xi32, #tpu.memory_space<vmem>> -> memref<1x26xi32, #tpu.memory_space<vmem>>
      %dma_wait3A_1989 = tpu.memref_squeeze %dma_wait3A_1988 : memref<1x26xi32, #tpu.memory_space<vmem>> -> memref<26xi32, #tpu.memory_space<vmem>>
      %dma_wait3A_1990 = arith.constant 0 : i32
      %dma_wait3A_1991 = arith.constant 0 : i32
      %dma_wait3A_1992 = tpu.memref_slice %arg3[%dma_wait3A_1990, %dma_wait3A_1991] : memref<1000000x32xf32, #tpu.memory_space<hbm>> -> memref<1000000x32xf32, #tpu.memory_space<hbm>>
      tpu.wait_indirect_dma semaphore(%arg9 : memref<!tpu.dma_semaphore, #tpu.memory_space<semaphore_mem>>) src(%dma_wait3A_1992 : memref<1000000x32xf32, #tpu.memory_space<hbm>>) dst(%dma_wait3A_1986 : memref<26x32xf32, #tpu.memory_space<vmem>>)
      %dma_wait3A_1993 = arith.constant 2 : i32
      %dma_wait3A_1994 = arith.constant 2 : i32
      %dma_wait3A_1995 = arith.constant 0 : i32
      %dma_wait3A_1996 = arith.constant 0 : i32
      %dma_wait3A_1997 = tpu.memref_slice %arg7[%dma_wait3A_1994, %dma_wait3A_1995, %dma_wait3A_1996] : memref<32x26x32xf32, #tpu.memory_space<vmem>> -> memref<1x26x32xf32, #tpu.memory_space<vmem>>
      %dma_wait3A_1998 = tpu.memref_squeeze %dma_wait3A_1997 : memref<1x26x32xf32, #tpu.memory_space<vmem>> -> memref<26x32xf32, #tpu.memory_space<vmem>>
      %dma_wait3A_1999 = arith.constant 0 : i32
      %dma_wait3A_2000 = tpu.memref_slice %arg5[%dma_wait3A_1993, %dma_wait3A_1999] : memref<512x26xi32, #tpu.memory_space<vmem>> -> memref<1x26xi32, #tpu.memory_space<vmem>>
      %dma_wait3A_2001 = tpu.memref_squeeze %dma_wait3A_2000 : memref<1x26xi32, #tpu.memory_space<vmem>> -> memref<26xi32, #tpu.memory_space<vmem>>
      %dma_wait3A_2002 = arith.constant 0 : i32
      %dma_wait3A_2003 = arith.constant 0 : i32
      %dma_wait3A_2004 = tpu.memref_slice %arg3[%dma_wait3A_2002, %dma_wait3A_2003] : memref<1000000x32xf32, #tpu.memory_space<hbm>> -> memref<1000000x32xf32, #tpu.memory_space<hbm>>
      tpu.wait_indirect_dma semaphore(%arg9 : memref<!tpu.dma_semaphore, #tpu.memory_space<semaphore_mem>>) src(%dma_wait3A_2004 : memref<1000000x32xf32, #tpu.memory_space<hbm>>) dst(%dma_wait3A_1998 : memref<26x32xf32, #tpu.memory_space<vmem>>)
      %dma_wait3A_2005 = arith.constant 3 : i32
      %dma_wait3A_2006 = arith.constant 3 : i32
      %dma_wait3A_2007 = arith.constant 0 : i32
      %dma_wait3A_2008 = arith.constant 0 : i32
      %dma_wait3A_2009 = tpu.memref_slice %arg7[%dma_wait3A_2006, %dma_wait3A_2007, %dma_wait3A_2008] : memref<32x26x32xf32, #tpu.memory_space<vmem>> -> memref<1x26x32xf32, #tpu.memory_space<vmem>>
      %dma_wait3A_2010 = tpu.memref_squeeze %dma_wait3A_2009 : memref<1x26x32xf32, #tpu.memory_space<vmem>> -> memref<26x32xf32, #tpu.memory_space<vmem>>
      %dma_wait3A_2011 = arith.constant 0 : i32
      %dma_wait3A_2012 = tpu.memref_slice %arg5[%dma_wait3A_2005, %dma_wait3A_2011] : memref<512x26xi32, #tpu.memory_space<vmem>> -> memref<1x26xi32, #tpu.memory_space<vmem>>
      %dma_wait3A_2013 = tpu.memref_squeeze %dma_wait3A_2012 : memref<1x26xi32, #tpu.memory_space<vmem>> -> memref<26xi32, #tpu.memory_space<vmem>>
      %dma_wait3A_2014 = arith.constant 0 : i32
      %dma_wait3A_2015 = arith.constant 0 : i32
      %dma_wait3A_2016 = tpu.memref_slice %arg3[%dma_wait3A_2014, %dma_wait3A_2015] : memref<1000000x32xf32, #tpu.memory_space<hbm>> -> memref<1000000x32xf32, #tpu.memory_space<hbm>>
      tpu.wait_indirect_dma semaphore(%arg9 : memref<!tpu.dma_semaphore, #tpu.memory_space<semaphore_mem>>) src(%dma_wait3A_2016 : memref<1000000x32xf32, #tpu.memory_space<hbm>>) dst(%dma_wait3A_2010 : memref<26x32xf32, #tpu.memory_space<vmem>>)
      %dma_wait3A_2017 = arith.constant 4 : i32
      %dma_wait3A_2018 = arith.constant 4 : i32
      %dma_wait3A_2019 = arith.constant 0 : i32
      %dma_wait3A_2020 = arith.constant 0 : i32
      %dma_wait3A_2021 = tpu.memref_slice %arg7[%dma_wait3A_2018, %dma_wait3A_2019, %dma_wait3A_2020] : memref<32x26x32xf32, #tpu.memory_space<vmem>> -> memref<1x26x32xf32, #tpu.memory_space<vmem>>
      %dma_wait3A_2022 = tpu.memref_squeeze %dma_wait3A_2021 : memref<1x26x32xf32, #tpu.memory_space<vmem>> -> memref<26x32xf32, #tpu.memory_space<vmem>>
      %dma_wait3A_2023 = arith.constant 0 : i32
      %dma_wait3A_2024 = tpu.memref_slice %arg5[%dma_wait3A_2017, %dma_wait3A_2023] : memref<512x26xi32, #tpu.memory_space<vmem>> -> memref<1x26xi32, #tpu.memory_space<vmem>>
      %dma_wait3A_2025 = tpu.memref_squeeze %dma_wait3A_2024 : memref<1x26xi32, #tpu.memory_space<vmem>> -> memref<26xi32, #tpu.memory_space<vmem>>
      %dma_wait3A_2026 = arith.constant 0 : i32
      %dma_wait3A_2027 = arith.constant 0 : i32
      %dma_wait3A_2028 = tpu.memref_slice %arg3[%dma_wait3A_2026, %dma_wait3A_2027] : memref<1000000x32xf32, #tpu.memory_space<hbm>> -> memref<1000000x32xf32, #tpu.memory_space<hbm>>
      tpu.wait_indirect_dma semaphore(%arg9 : memref<!tpu.dma_semaphore, #tpu.memory_space<semaphore_mem>>) src(%dma_wait3A_2028 : memref<1000000x32xf32, #tpu.memory_space<hbm>>) dst(%dma_wait3A_2022 : memref<26x32xf32, #tpu.memory_space<vmem>>)
      %dma_wait3A_2029 = arith.constant 5 : i32
      %dma_wait3A_2030 = arith.constant 5 : i32
      %dma_wait3A_2031 = arith.constant 0 : i32
      %dma_wait3A_2032 = arith.constant 0 : i32
      %dma_wait3A_2033 = tpu.memref_slice %arg7[%dma_wait3A_2030, %dma_wait3A_2031, %dma_wait3A_2032] : memref<32x26x32xf32, #tpu.memory_space<vmem>> -> memref<1x26x32xf32, #tpu.memory_space<vmem>>
      %dma_wait3A_2034 = tpu.memref_squeeze %dma_wait3A_2033 : memref<1x26x32xf32, #tpu.memory_space<vmem>> -> memref<26x32xf32, #tpu.memory_space<vmem>>
      %dma_wait3A_2035 = arith.constant 0 : i32
      %dma_wait3A_2036 = tpu.memref_slice %arg5[%dma_wait3A_2029, %dma_wait3A_2035] : memref<512x26xi32, #tpu.memory_space<vmem>> -> memref<1x26xi32, #tpu.memory_space<vmem>>
      %dma_wait3A_2037 = tpu.memref_squeeze %dma_wait3A_2036 : memref<1x26xi32, #tpu.memory_space<vmem>> -> memref<26xi32, #tpu.memory_space<vmem>>
      %dma_wait3A_2038 = arith.constant 0 : i32
      %dma_wait3A_2039 = arith.constant 0 : i32
      %dma_wait3A_2040 = tpu.memref_slice %arg3[%dma_wait3A_2038, %dma_wait3A_2039] : memref<1000000x32xf32, #tpu.memory_space<hbm>> -> memref<1000000x32xf32, #tpu.memory_space<hbm>>
      tpu.wait_indirect_dma semaphore(%arg9 : memref<!tpu.dma_semaphore, #tpu.memory_space<semaphore_mem>>) src(%dma_wait3A_2040 : memref<1000000x32xf32, #tpu.memory_space<hbm>>) dst(%dma_wait3A_2034 : memref<26x32xf32, #tpu.memory_space<vmem>>)
      %dma_wait3A_2041 = arith.constant 6 : i32
      %dma_wait3A_2042 = arith.constant 6 : i32
      %dma_wait3A_2043 = arith.constant 0 : i32
      %dma_wait3A_2044 = arith.constant 0 : i32
      %dma_wait3A_2045 = tpu.memref_slice %arg7[%dma_wait3A_2042, %dma_wait3A_2043, %dma_wait3A_2044] : memref<32x26x32xf32, #tpu.memory_space<vmem>> -> memref<1x26x32xf32, #tpu.memory_space<vmem>>
      %dma_wait3A_2046 = tpu.memref_squeeze %dma_wait3A_2045 : memref<1x26x32xf32, #tpu.memory_space<vmem>> -> memref<26x32xf32, #tpu.memory_space<vmem>>
      %dma_wait3A_2047 = arith.constant 0 : i32
      %dma_wait3A_2048 = tpu.memref_slice %arg5[%dma_wait3A_2041, %dma_wait3A_2047] : memref<512x26xi32, #tpu.memory_space<vmem>> -> memref<1x26xi32, #tpu.memory_space<vmem>>
      %dma_wait3A_2049 = tpu.memref_squeeze %dma_wait3A_2048 : memref<1x26xi32, #tpu.memory_space<vmem>> -> memref<26xi32, #tpu.memory_space<vmem>>
      %dma_wait3A_2050 = arith.constant 0 : i32
      %dma_wait3A_2051 = arith.constant 0 : i32
      %dma_wait3A_2052 = tpu.memref_slice %arg3[%dma_wait3A_2050, %dma_wait3A_2051] : memref<1000000x32xf32, #tpu.memory_space<hbm>> -> memref<1000000x32xf32, #tpu.memory_space<hbm>>
      tpu.wait_indirect_dma semaphore(%arg9 : memref<!tpu.dma_semaphore, #tpu.memory_space<semaphore_mem>>) src(%dma_wait3A_2052 : memref<1000000x32xf32, #tpu.memory_space<hbm>>) dst(%dma_wait3A_2046 : memref<26x32xf32, #tpu.memory_space<vmem>>)
      %dma_wait3A_2053 = arith.constant 7 : i32
      %dma_wait3A_2054 = arith.constant 7 : i32
      %dma_wait3A_2055 = arith.constant 0 : i32
      %dma_wait3A_2056 = arith.constant 0 : i32
      %dma_wait3A_2057 = tpu.memref_slice %arg7[%dma_wait3A_2054, %dma_wait3A_2055, %dma_wait3A_2056] : memref<32x26x32xf32, #tpu.memory_space<vmem>> -> memref<1x26x32xf32, #tpu.memory_space<vmem>>
      %dma_wait3A_2058 = tpu.memref_squeeze %dma_wait3A_2057 : memref<1x26x32xf32, #tpu.memory_space<vmem>> -> memref<26x32xf32, #tpu.memory_space<vmem>>
      %dma_wait3A_2059 = arith.constant 0 : i32
      %dma_wait3A_2060 = tpu.memref_slice %arg5[%dma_wait3A_2053, %dma_wait3A_2059] : memref<512x26xi32, #tpu.memory_space<vmem>> -> memref<1x26xi32, #tpu.memory_space<vmem>>
      %dma_wait3A_2061 = tpu.memref_squeeze %dma_wait3A_2060 : memref<1x26xi32, #tpu.memory_space<vmem>> -> memref<26xi32, #tpu.memory_space<vmem>>
      %dma_wait3A_2062 = arith.constant 0 : i32
      %dma_wait3A_2063 = arith.constant 0 : i32
      %dma_wait3A_2064 = tpu.memref_slice %arg3[%dma_wait3A_2062, %dma_wait3A_2063] : memref<1000000x32xf32, #tpu.memory_space<hbm>> -> memref<1000000x32xf32, #tpu.memory_space<hbm>>
      tpu.wait_indirect_dma semaphore(%arg9 : memref<!tpu.dma_semaphore, #tpu.memory_space<semaphore_mem>>) src(%dma_wait3A_2064 : memref<1000000x32xf32, #tpu.memory_space<hbm>>) dst(%dma_wait3A_2058 : memref<26x32xf32, #tpu.memory_space<vmem>>)
      %dma_wait3A_2065 = arith.constant 8 : i32
      %dma_wait3A_2066 = arith.constant 8 : i32
      %dma_wait3A_2067 = arith.constant 0 : i32
      %dma_wait3A_2068 = arith.constant 0 : i32
      %dma_wait3A_2069 = tpu.memref_slice %arg7[%dma_wait3A_2066, %dma_wait3A_2067, %dma_wait3A_2068] : memref<32x26x32xf32, #tpu.memory_space<vmem>> -> memref<1x26x32xf32, #tpu.memory_space<vmem>>
      %dma_wait3A_2070 = tpu.memref_squeeze %dma_wait3A_2069 : memref<1x26x32xf32, #tpu.memory_space<vmem>> -> memref<26x32xf32, #tpu.memory_space<vmem>>
      %dma_wait3A_2071 = arith.constant 0 : i32
      %dma_wait3A_2072 = tpu.memref_slice %arg5[%dma_wait3A_2065, %dma_wait3A_2071] : memref<512x26xi32, #tpu.memory_space<vmem>> -> memref<1x26xi32, #tpu.memory_space<vmem>>
      %dma_wait3A_2073 = tpu.memref_squeeze %dma_wait3A_2072 : memref<1x26xi32, #tpu.memory_space<vmem>> -> memref<26xi32, #tpu.memory_space<vmem>>
      %dma_wait3A_2074 = arith.constant 0 : i32
      %dma_wait3A_2075 = arith.constant 0 : i32
      %dma_wait3A_2076 = tpu.memref_slice %arg3[%dma_wait3A_2074, %dma_wait3A_2075] : memref<1000000x32xf32, #tpu.memory_space<hbm>> -> memref<1000000x32xf32, #tpu.memory_space<hbm>>
      tpu.wait_indirect_dma semaphore(%arg9 : memref<!tpu.dma_semaphore, #tpu.memory_space<semaphore_mem>>) src(%dma_wait3A_2076 : memref<1000000x32xf32, #tpu.memory_space<hbm>>) dst(%dma_wait3A_2070 : memref<26x32xf32, #tpu.memory_space<vmem>>)
      %dma_wait3A_2077 = arith.constant 9 : i32
      %dma_wait3A_2078 = arith.constant 9 : i32
      %dma_wait3A_2079 = arith.constant 0 : i32
      %dma_wait3A_2080 = arith.constant 0 : i32
      %dma_wait3A_2081 = tpu.memref_slice %arg7[%dma_wait3A_2078, %dma_wait3A_2079, %dma_wait3A_2080] : memref<32x26x32xf32, #tpu.memory_space<vmem>> -> memref<1x26x32xf32, #tpu.memory_space<vmem>>
      %dma_wait3A_2082 = tpu.memref_squeeze %dma_wait3A_2081 : memref<1x26x32xf32, #tpu.memory_space<vmem>> -> memref<26x32xf32, #tpu.memory_space<vmem>>
      %dma_wait3A_2083 = arith.constant 0 : i32
      %dma_wait3A_2084 = tpu.memref_slice %arg5[%dma_wait3A_2077, %dma_wait3A_2083] : memref<512x26xi32, #tpu.memory_space<vmem>> -> memref<1x26xi32, #tpu.memory_space<vmem>>
      %dma_wait3A_2085 = tpu.memref_squeeze %dma_wait3A_2084 : memref<1x26xi32, #tpu.memory_space<vmem>> -> memref<26xi32, #tpu.memory_space<vmem>>
      %dma_wait3A_2086 = arith.constant 0 : i32
      %dma_wait3A_2087 = arith.constant 0 : i32
      %dma_wait3A_2088 = tpu.memref_slice %arg3[%dma_wait3A_2086, %dma_wait3A_2087] : memref<1000000x32xf32, #tpu.memory_space<hbm>> -> memref<1000000x32xf32, #tpu.memory_space<hbm>>
      tpu.wait_indirect_dma semaphore(%arg9 : memref<!tpu.dma_semaphore, #tpu.memory_space<semaphore_mem>>) src(%dma_wait3A_2088 : memref<1000000x32xf32, #tpu.memory_space<hbm>>) dst(%dma_wait3A_2082 : memref<26x32xf32, #tpu.memory_space<vmem>>)
      %dma_wait3A_2089 = arith.constant 10 : i32
      %dma_wait3A_2090 = arith.constant 10 : i32
      %dma_wait3A_2091 = arith.constant 0 : i32
      %dma_wait3A_2092 = arith.constant 0 : i32
      %dma_wait3A_2093 = tpu.memref_slice %arg7[%dma_wait3A_2090, %dma_wait3A_2091, %dma_wait3A_2092] : memref<32x26x32xf32, #tpu.memory_space<vmem>> -> memref<1x26x32xf32, #tpu.memory_space<vmem>>
      %dma_wait3A_2094 = tpu.memref_squeeze %dma_wait3A_2093 : memref<1x26x32xf32, #tpu.memory_space<vmem>> -> memref<26x32xf32, #tpu.memory_space<vmem>>
      %dma_wait3A_2095 = arith.constant 0 : i32
      %dma_wait3A_2096 = tpu.memref_slice %arg5[%dma_wait3A_2089, %dma_wait3A_2095] : memref<512x26xi32, #tpu.memory_space<vmem>> -> memref<1x26xi32, #tpu.memory_space<vmem>>
      %dma_wait3A_2097 = tpu.memref_squeeze %dma_wait3A_2096 : memref<1x26xi32, #tpu.memory_space<vmem>> -> memref<26xi32, #tpu.memory_space<vmem>>
      %dma_wait3A_2098 = arith.constant 0 : i32
      %dma_wait3A_2099 = arith.constant 0 : i32
      %dma_wait3A_2100 = tpu.memref_slice %arg3[%dma_wait3A_2098, %dma_wait3A_2099] : memref<1000000x32xf32, #tpu.memory_space<hbm>> -> memref<1000000x32xf32, #tpu.memory_space<hbm>>
      tpu.wait_indirect_dma semaphore(%arg9 : memref<!tpu.dma_semaphore, #tpu.memory_space<semaphore_mem>>) src(%dma_wait3A_2100 : memref<1000000x32xf32, #tpu.memory_space<hbm>>) dst(%dma_wait3A_2094 : memref<26x32xf32, #tpu.memory_space<vmem>>)
      %dma_wait3A_2101 = arith.constant 11 : i32
      %dma_wait3A_2102 = arith.constant 11 : i32
      %dma_wait3A_2103 = arith.constant 0 : i32
      %dma_wait3A_2104 = arith.constant 0 : i32
      %dma_wait3A_2105 = tpu.memref_slice %arg7[%dma_wait3A_2102, %dma_wait3A_2103, %dma_wait3A_2104] : memref<32x26x32xf32, #tpu.memory_space<vmem>> -> memref<1x26x32xf32, #tpu.memory_space<vmem>>
      %dma_wait3A_2106 = tpu.memref_squeeze %dma_wait3A_2105 : memref<1x26x32xf32, #tpu.memory_space<vmem>> -> memref<26x32xf32, #tpu.memory_space<vmem>>
      %dma_wait3A_2107 = arith.constant 0 : i32
      %dma_wait3A_2108 = tpu.memref_slice %arg5[%dma_wait3A_2101, %dma_wait3A_2107] : memref<512x26xi32, #tpu.memory_space<vmem>> -> memref<1x26xi32, #tpu.memory_space<vmem>>
      %dma_wait3A_2109 = tpu.memref_squeeze %dma_wait3A_2108 : memref<1x26xi32, #tpu.memory_space<vmem>> -> memref<26xi32, #tpu.memory_space<vmem>>
      %dma_wait3A_2110 = arith.constant 0 : i32
      %dma_wait3A_2111 = arith.constant 0 : i32
      %dma_wait3A_2112 = tpu.memref_slice %arg3[%dma_wait3A_2110, %dma_wait3A_2111] : memref<1000000x32xf32, #tpu.memory_space<hbm>> -> memref<1000000x32xf32, #tpu.memory_space<hbm>>
      tpu.wait_indirect_dma semaphore(%arg9 : memref<!tpu.dma_semaphore, #tpu.memory_space<semaphore_mem>>) src(%dma_wait3A_2112 : memref<1000000x32xf32, #tpu.memory_space<hbm>>) dst(%dma_wait3A_2106 : memref<26x32xf32, #tpu.memory_space<vmem>>)
      %dma_wait3A_2113 = arith.constant 12 : i32
      %dma_wait3A_2114 = arith.constant 12 : i32
      %dma_wait3A_2115 = arith.constant 0 : i32
      %dma_wait3A_2116 = arith.constant 0 : i32
      %dma_wait3A_2117 = tpu.memref_slice %arg7[%dma_wait3A_2114, %dma_wait3A_2115, %dma_wait3A_2116] : memref<32x26x32xf32, #tpu.memory_space<vmem>> -> memref<1x26x32xf32, #tpu.memory_space<vmem>>
      %dma_wait3A_2118 = tpu.memref_squeeze %dma_wait3A_2117 : memref<1x26x32xf32, #tpu.memory_space<vmem>> -> memref<26x32xf32, #tpu.memory_space<vmem>>
      %dma_wait3A_2119 = arith.constant 0 : i32
      %dma_wait3A_2120 = tpu.memref_slice %arg5[%dma_wait3A_2113, %dma_wait3A_2119] : memref<512x26xi32, #tpu.memory_space<vmem>> -> memref<1x26xi32, #tpu.memory_space<vmem>>
      %dma_wait3A_2121 = tpu.memref_squeeze %dma_wait3A_2120 : memref<1x26xi32, #tpu.memory_space<vmem>> -> memref<26xi32, #tpu.memory_space<vmem>>
      %dma_wait3A_2122 = arith.constant 0 : i32
      %dma_wait3A_2123 = arith.constant 0 : i32
      %dma_wait3A_2124 = tpu.memref_slice %arg3[%dma_wait3A_2122, %dma_wait3A_2123] : memref<1000000x32xf32, #tpu.memory_space<hbm>> -> memref<1000000x32xf32, #tpu.memory_space<hbm>>
      tpu.wait_indirect_dma semaphore(%arg9 : memref<!tpu.dma_semaphore, #tpu.memory_space<semaphore_mem>>) src(%dma_wait3A_2124 : memref<1000000x32xf32, #tpu.memory_space<hbm>>) dst(%dma_wait3A_2118 : memref<26x32xf32, #tpu.memory_space<vmem>>)
      %dma_wait3A_2125 = arith.constant 13 : i32
      %dma_wait3A_2126 = arith.constant 13 : i32
      %dma_wait3A_2127 = arith.constant 0 : i32
      %dma_wait3A_2128 = arith.constant 0 : i32
      %dma_wait3A_2129 = tpu.memref_slice %arg7[%dma_wait3A_2126, %dma_wait3A_2127, %dma_wait3A_2128] : memref<32x26x32xf32, #tpu.memory_space<vmem>> -> memref<1x26x32xf32, #tpu.memory_space<vmem>>
      %dma_wait3A_2130 = tpu.memref_squeeze %dma_wait3A_2129 : memref<1x26x32xf32, #tpu.memory_space<vmem>> -> memref<26x32xf32, #tpu.memory_space<vmem>>
      %dma_wait3A_2131 = arith.constant 0 : i32
      %dma_wait3A_2132 = tpu.memref_slice %arg5[%dma_wait3A_2125, %dma_wait3A_2131] : memref<512x26xi32, #tpu.memory_space<vmem>> -> memref<1x26xi32, #tpu.memory_space<vmem>>
      %dma_wait3A_2133 = tpu.memref_squeeze %dma_wait3A_2132 : memref<1x26xi32, #tpu.memory_space<vmem>> -> memref<26xi32, #tpu.memory_space<vmem>>
      %dma_wait3A_2134 = arith.constant 0 : i32
      %dma_wait3A_2135 = arith.constant 0 : i32
      %dma_wait3A_2136 = tpu.memref_slice %arg3[%dma_wait3A_2134, %dma_wait3A_2135] : memref<1000000x32xf32, #tpu.memory_space<hbm>> -> memref<1000000x32xf32, #tpu.memory_space<hbm>>
      tpu.wait_indirect_dma semaphore(%arg9 : memref<!tpu.dma_semaphore, #tpu.memory_space<semaphore_mem>>) src(%dma_wait3A_2136 : memref<1000000x32xf32, #tpu.memory_space<hbm>>) dst(%dma_wait3A_2130 : memref<26x32xf32, #tpu.memory_space<vmem>>)
      %dma_wait3A_2137 = arith.constant 14 : i32
      %dma_wait3A_2138 = arith.constant 14 : i32
      %dma_wait3A_2139 = arith.constant 0 : i32
      %dma_wait3A_2140 = arith.constant 0 : i32
      %dma_wait3A_2141 = tpu.memref_slice %arg7[%dma_wait3A_2138, %dma_wait3A_2139, %dma_wait3A_2140] : memref<32x26x32xf32, #tpu.memory_space<vmem>> -> memref<1x26x32xf32, #tpu.memory_space<vmem>>
      %dma_wait3A_2142 = tpu.memref_squeeze %dma_wait3A_2141 : memref<1x26x32xf32, #tpu.memory_space<vmem>> -> memref<26x32xf32, #tpu.memory_space<vmem>>
      %dma_wait3A_2143 = arith.constant 0 : i32
      %dma_wait3A_2144 = tpu.memref_slice %arg5[%dma_wait3A_2137, %dma_wait3A_2143] : memref<512x26xi32, #tpu.memory_space<vmem>> -> memref<1x26xi32, #tpu.memory_space<vmem>>
      %dma_wait3A_2145 = tpu.memref_squeeze %dma_wait3A_2144 : memref<1x26xi32, #tpu.memory_space<vmem>> -> memref<26xi32, #tpu.memory_space<vmem>>
      %dma_wait3A_2146 = arith.constant 0 : i32
      %dma_wait3A_2147 = arith.constant 0 : i32
      %dma_wait3A_2148 = tpu.memref_slice %arg3[%dma_wait3A_2146, %dma_wait3A_2147] : memref<1000000x32xf32, #tpu.memory_space<hbm>> -> memref<1000000x32xf32, #tpu.memory_space<hbm>>
      tpu.wait_indirect_dma semaphore(%arg9 : memref<!tpu.dma_semaphore, #tpu.memory_space<semaphore_mem>>) src(%dma_wait3A_2148 : memref<1000000x32xf32, #tpu.memory_space<hbm>>) dst(%dma_wait3A_2142 : memref<26x32xf32, #tpu.memory_space<vmem>>)
      %dma_wait3A_2149 = arith.constant 15 : i32
      %dma_wait3A_2150 = arith.constant 15 : i32
      %dma_wait3A_2151 = arith.constant 0 : i32
      %dma_wait3A_2152 = arith.constant 0 : i32
      %dma_wait3A_2153 = tpu.memref_slice %arg7[%dma_wait3A_2150, %dma_wait3A_2151, %dma_wait3A_2152] : memref<32x26x32xf32, #tpu.memory_space<vmem>> -> memref<1x26x32xf32, #tpu.memory_space<vmem>>
      %dma_wait3A_2154 = tpu.memref_squeeze %dma_wait3A_2153 : memref<1x26x32xf32, #tpu.memory_space<vmem>> -> memref<26x32xf32, #tpu.memory_space<vmem>>
      %dma_wait3A_2155 = arith.constant 0 : i32
      %dma_wait3A_2156 = tpu.memref_slice %arg5[%dma_wait3A_2149, %dma_wait3A_2155] : memref<512x26xi32, #tpu.memory_space<vmem>> -> memref<1x26xi32, #tpu.memory_space<vmem>>
      %dma_wait3A_2157 = tpu.memref_squeeze %dma_wait3A_2156 : memref<1x26xi32, #tpu.memory_space<vmem>> -> memref<26xi32, #tpu.memory_space<vmem>>
      %dma_wait3A_2158 = arith.constant 0 : i32
      %dma_wait3A_2159 = arith.constant 0 : i32
      %dma_wait3A_2160 = tpu.memref_slice %arg3[%dma_wait3A_2158, %dma_wait3A_2159] : memref<1000000x32xf32, #tpu.memory_space<hbm>> -> memref<1000000x32xf32, #tpu.memory_space<hbm>>
      tpu.wait_indirect_dma semaphore(%arg9 : memref<!tpu.dma_semaphore, #tpu.memory_space<semaphore_mem>>) src(%dma_wait3A_2160 : memref<1000000x32xf32, #tpu.memory_space<hbm>>) dst(%dma_wait3A_2154 : memref<26x32xf32, #tpu.memory_space<vmem>>)
      %dma_wait3A_2161 = arith.constant 16 : i32
      %dma_wait3A_2162 = arith.constant 16 : i32
      %dma_wait3A_2163 = arith.constant 0 : i32
      %dma_wait3A_2164 = arith.constant 0 : i32
      %dma_wait3A_2165 = tpu.memref_slice %arg7[%dma_wait3A_2162, %dma_wait3A_2163, %dma_wait3A_2164] : memref<32x26x32xf32, #tpu.memory_space<vmem>> -> memref<1x26x32xf32, #tpu.memory_space<vmem>>
      %dma_wait3A_2166 = tpu.memref_squeeze %dma_wait3A_2165 : memref<1x26x32xf32, #tpu.memory_space<vmem>> -> memref<26x32xf32, #tpu.memory_space<vmem>>
      %dma_wait3A_2167 = arith.constant 0 : i32
      %dma_wait3A_2168 = tpu.memref_slice %arg5[%dma_wait3A_2161, %dma_wait3A_2167] : memref<512x26xi32, #tpu.memory_space<vmem>> -> memref<1x26xi32, #tpu.memory_space<vmem>>
      %dma_wait3A_2169 = tpu.memref_squeeze %dma_wait3A_2168 : memref<1x26xi32, #tpu.memory_space<vmem>> -> memref<26xi32, #tpu.memory_space<vmem>>
      %dma_wait3A_2170 = arith.constant 0 : i32
      %dma_wait3A_2171 = arith.constant 0 : i32
      %dma_wait3A_2172 = tpu.memref_slice %arg3[%dma_wait3A_2170, %dma_wait3A_2171] : memref<1000000x32xf32, #tpu.memory_space<hbm>> -> memref<1000000x32xf32, #tpu.memory_space<hbm>>
      tpu.wait_indirect_dma semaphore(%arg9 : memref<!tpu.dma_semaphore, #tpu.memory_space<semaphore_mem>>) src(%dma_wait3A_2172 : memref<1000000x32xf32, #tpu.memory_space<hbm>>) dst(%dma_wait3A_2166 : memref<26x32xf32, #tpu.memory_space<vmem>>)
      %dma_wait3A_2173 = arith.constant 17 : i32
      %dma_wait3A_2174 = arith.constant 17 : i32
      %dma_wait3A_2175 = arith.constant 0 : i32
      %dma_wait3A_2176 = arith.constant 0 : i32
      %dma_wait3A_2177 = tpu.memref_slice %arg7[%dma_wait3A_2174, %dma_wait3A_2175, %dma_wait3A_2176] : memref<32x26x32xf32, #tpu.memory_space<vmem>> -> memref<1x26x32xf32, #tpu.memory_space<vmem>>
      %dma_wait3A_2178 = tpu.memref_squeeze %dma_wait3A_2177 : memref<1x26x32xf32, #tpu.memory_space<vmem>> -> memref<26x32xf32, #tpu.memory_space<vmem>>
      %dma_wait3A_2179 = arith.constant 0 : i32
      %dma_wait3A_2180 = tpu.memref_slice %arg5[%dma_wait3A_2173, %dma_wait3A_2179] : memref<512x26xi32, #tpu.memory_space<vmem>> -> memref<1x26xi32, #tpu.memory_space<vmem>>
      %dma_wait3A_2181 = tpu.memref_squeeze %dma_wait3A_2180 : memref<1x26xi32, #tpu.memory_space<vmem>> -> memref<26xi32, #tpu.memory_space<vmem>>
      %dma_wait3A_2182 = arith.constant 0 : i32
      %dma_wait3A_2183 = arith.constant 0 : i32
      %dma_wait3A_2184 = tpu.memref_slice %arg3[%dma_wait3A_2182, %dma_wait3A_2183] : memref<1000000x32xf32, #tpu.memory_space<hbm>> -> memref<1000000x32xf32, #tpu.memory_space<hbm>>
      tpu.wait_indirect_dma semaphore(%arg9 : memref<!tpu.dma_semaphore, #tpu.memory_space<semaphore_mem>>) src(%dma_wait3A_2184 : memref<1000000x32xf32, #tpu.memory_space<hbm>>) dst(%dma_wait3A_2178 : memref<26x32xf32, #tpu.memory_space<vmem>>)
      %dma_wait3A_2185 = arith.constant 18 : i32
      %dma_wait3A_2186 = arith.constant 18 : i32
      %dma_wait3A_2187 = arith.constant 0 : i32
      %dma_wait3A_2188 = arith.constant 0 : i32
      %dma_wait3A_2189 = tpu.memref_slice %arg7[%dma_wait3A_2186, %dma_wait3A_2187, %dma_wait3A_2188] : memref<32x26x32xf32, #tpu.memory_space<vmem>> -> memref<1x26x32xf32, #tpu.memory_space<vmem>>
      %dma_wait3A_2190 = tpu.memref_squeeze %dma_wait3A_2189 : memref<1x26x32xf32, #tpu.memory_space<vmem>> -> memref<26x32xf32, #tpu.memory_space<vmem>>
      %dma_wait3A_2191 = arith.constant 0 : i32
      %dma_wait3A_2192 = tpu.memref_slice %arg5[%dma_wait3A_2185, %dma_wait3A_2191] : memref<512x26xi32, #tpu.memory_space<vmem>> -> memref<1x26xi32, #tpu.memory_space<vmem>>
      %dma_wait3A_2193 = tpu.memref_squeeze %dma_wait3A_2192 : memref<1x26xi32, #tpu.memory_space<vmem>> -> memref<26xi32, #tpu.memory_space<vmem>>
      %dma_wait3A_2194 = arith.constant 0 : i32
      %dma_wait3A_2195 = arith.constant 0 : i32
      %dma_wait3A_2196 = tpu.memref_slice %arg3[%dma_wait3A_2194, %dma_wait3A_2195] : memref<1000000x32xf32, #tpu.memory_space<hbm>> -> memref<1000000x32xf32, #tpu.memory_space<hbm>>
      tpu.wait_indirect_dma semaphore(%arg9 : memref<!tpu.dma_semaphore, #tpu.memory_space<semaphore_mem>>) src(%dma_wait3A_2196 : memref<1000000x32xf32, #tpu.memory_space<hbm>>) dst(%dma_wait3A_2190 : memref<26x32xf32, #tpu.memory_space<vmem>>)
      %dma_wait3A_2197 = arith.constant 19 : i32
      %dma_wait3A_2198 = arith.constant 19 : i32
      %dma_wait3A_2199 = arith.constant 0 : i32
      %dma_wait3A_2200 = arith.constant 0 : i32
      %dma_wait3A_2201 = tpu.memref_slice %arg7[%dma_wait3A_2198, %dma_wait3A_2199, %dma_wait3A_2200] : memref<32x26x32xf32, #tpu.memory_space<vmem>> -> memref<1x26x32xf32, #tpu.memory_space<vmem>>
      %dma_wait3A_2202 = tpu.memref_squeeze %dma_wait3A_2201 : memref<1x26x32xf32, #tpu.memory_space<vmem>> -> memref<26x32xf32, #tpu.memory_space<vmem>>
      %dma_wait3A_2203 = arith.constant 0 : i32
      %dma_wait3A_2204 = tpu.memref_slice %arg5[%dma_wait3A_2197, %dma_wait3A_2203] : memref<512x26xi32, #tpu.memory_space<vmem>> -> memref<1x26xi32, #tpu.memory_space<vmem>>
      %dma_wait3A_2205 = tpu.memref_squeeze %dma_wait3A_2204 : memref<1x26xi32, #tpu.memory_space<vmem>> -> memref<26xi32, #tpu.memory_space<vmem>>
      %dma_wait3A_2206 = arith.constant 0 : i32
      %dma_wait3A_2207 = arith.constant 0 : i32
      %dma_wait3A_2208 = tpu.memref_slice %arg3[%dma_wait3A_2206, %dma_wait3A_2207] : memref<1000000x32xf32, #tpu.memory_space<hbm>> -> memref<1000000x32xf32, #tpu.memory_space<hbm>>
      tpu.wait_indirect_dma semaphore(%arg9 : memref<!tpu.dma_semaphore, #tpu.memory_space<semaphore_mem>>) src(%dma_wait3A_2208 : memref<1000000x32xf32, #tpu.memory_space<hbm>>) dst(%dma_wait3A_2202 : memref<26x32xf32, #tpu.memory_space<vmem>>)
      %dma_wait3A_2209 = arith.constant 20 : i32
      %dma_wait3A_2210 = arith.constant 20 : i32
      %dma_wait3A_2211 = arith.constant 0 : i32
      %dma_wait3A_2212 = arith.constant 0 : i32
      %dma_wait3A_2213 = tpu.memref_slice %arg7[%dma_wait3A_2210, %dma_wait3A_2211, %dma_wait3A_2212] : memref<32x26x32xf32, #tpu.memory_space<vmem>> -> memref<1x26x32xf32, #tpu.memory_space<vmem>>
      %dma_wait3A_2214 = tpu.memref_squeeze %dma_wait3A_2213 : memref<1x26x32xf32, #tpu.memory_space<vmem>> -> memref<26x32xf32, #tpu.memory_space<vmem>>
      %dma_wait3A_2215 = arith.constant 0 : i32
      %dma_wait3A_2216 = tpu.memref_slice %arg5[%dma_wait3A_2209, %dma_wait3A_2215] : memref<512x26xi32, #tpu.memory_space<vmem>> -> memref<1x26xi32, #tpu.memory_space<vmem>>
      %dma_wait3A_2217 = tpu.memref_squeeze %dma_wait3A_2216 : memref<1x26xi32, #tpu.memory_space<vmem>> -> memref<26xi32, #tpu.memory_space<vmem>>
      %dma_wait3A_2218 = arith.constant 0 : i32
      %dma_wait3A_2219 = arith.constant 0 : i32
      %dma_wait3A_2220 = tpu.memref_slice %arg3[%dma_wait3A_2218, %dma_wait3A_2219] : memref<1000000x32xf32, #tpu.memory_space<hbm>> -> memref<1000000x32xf32, #tpu.memory_space<hbm>>
      tpu.wait_indirect_dma semaphore(%arg9 : memref<!tpu.dma_semaphore, #tpu.memory_space<semaphore_mem>>) src(%dma_wait3A_2220 : memref<1000000x32xf32, #tpu.memory_space<hbm>>) dst(%dma_wait3A_2214 : memref<26x32xf32, #tpu.memory_space<vmem>>)
      %dma_wait3A_2221 = arith.constant 21 : i32
      %dma_wait3A_2222 = arith.constant 21 : i32
      %dma_wait3A_2223 = arith.constant 0 : i32
      %dma_wait3A_2224 = arith.constant 0 : i32
      %dma_wait3A_2225 = tpu.memref_slice %arg7[%dma_wait3A_2222, %dma_wait3A_2223, %dma_wait3A_2224] : memref<32x26x32xf32, #tpu.memory_space<vmem>> -> memref<1x26x32xf32, #tpu.memory_space<vmem>>
      %dma_wait3A_2226 = tpu.memref_squeeze %dma_wait3A_2225 : memref<1x26x32xf32, #tpu.memory_space<vmem>> -> memref<26x32xf32, #tpu.memory_space<vmem>>
      %dma_wait3A_2227 = arith.constant 0 : i32
      %dma_wait3A_2228 = tpu.memref_slice %arg5[%dma_wait3A_2221, %dma_wait3A_2227] : memref<512x26xi32, #tpu.memory_space<vmem>> -> memref<1x26xi32, #tpu.memory_space<vmem>>
      %dma_wait3A_2229 = tpu.memref_squeeze %dma_wait3A_2228 : memref<1x26xi32, #tpu.memory_space<vmem>> -> memref<26xi32, #tpu.memory_space<vmem>>
      %dma_wait3A_2230 = arith.constant 0 : i32
      %dma_wait3A_2231 = arith.constant 0 : i32
      %dma_wait3A_2232 = tpu.memref_slice %arg3[%dma_wait3A_2230, %dma_wait3A_2231] : memref<1000000x32xf32, #tpu.memory_space<hbm>> -> memref<1000000x32xf32, #tpu.memory_space<hbm>>
      tpu.wait_indirect_dma semaphore(%arg9 : memref<!tpu.dma_semaphore, #tpu.memory_space<semaphore_mem>>) src(%dma_wait3A_2232 : memref<1000000x32xf32, #tpu.memory_space<hbm>>) dst(%dma_wait3A_2226 : memref<26x32xf32, #tpu.memory_space<vmem>>)
      %dma_wait3A_2233 = arith.constant 22 : i32
      %dma_wait3A_2234 = arith.constant 22 : i32
      %dma_wait3A_2235 = arith.constant 0 : i32
      %dma_wait3A_2236 = arith.constant 0 : i32
      %dma_wait3A_2237 = tpu.memref_slice %arg7[%dma_wait3A_2234, %dma_wait3A_2235, %dma_wait3A_2236] : memref<32x26x32xf32, #tpu.memory_space<vmem>> -> memref<1x26x32xf32, #tpu.memory_space<vmem>>
      %dma_wait3A_2238 = tpu.memref_squeeze %dma_wait3A_2237 : memref<1x26x32xf32, #tpu.memory_space<vmem>> -> memref<26x32xf32, #tpu.memory_space<vmem>>
      %dma_wait3A_2239 = arith.constant 0 : i32
      %dma_wait3A_2240 = tpu.memref_slice %arg5[%dma_wait3A_2233, %dma_wait3A_2239] : memref<512x26xi32, #tpu.memory_space<vmem>> -> memref<1x26xi32, #tpu.memory_space<vmem>>
      %dma_wait3A_2241 = tpu.memref_squeeze %dma_wait3A_2240 : memref<1x26xi32, #tpu.memory_space<vmem>> -> memref<26xi32, #tpu.memory_space<vmem>>
      %dma_wait3A_2242 = arith.constant 0 : i32
      %dma_wait3A_2243 = arith.constant 0 : i32
      %dma_wait3A_2244 = tpu.memref_slice %arg3[%dma_wait3A_2242, %dma_wait3A_2243] : memref<1000000x32xf32, #tpu.memory_space<hbm>> -> memref<1000000x32xf32, #tpu.memory_space<hbm>>
      tpu.wait_indirect_dma semaphore(%arg9 : memref<!tpu.dma_semaphore, #tpu.memory_space<semaphore_mem>>) src(%dma_wait3A_2244 : memref<1000000x32xf32, #tpu.memory_space<hbm>>) dst(%dma_wait3A_2238 : memref<26x32xf32, #tpu.memory_space<vmem>>)
      %dma_wait3A_2245 = arith.constant 23 : i32
      %dma_wait3A_2246 = arith.constant 23 : i32
      %dma_wait3A_2247 = arith.constant 0 : i32
      %dma_wait3A_2248 = arith.constant 0 : i32
      %dma_wait3A_2249 = tpu.memref_slice %arg7[%dma_wait3A_2246, %dma_wait3A_2247, %dma_wait3A_2248] : memref<32x26x32xf32, #tpu.memory_space<vmem>> -> memref<1x26x32xf32, #tpu.memory_space<vmem>>
      %dma_wait3A_2250 = tpu.memref_squeeze %dma_wait3A_2249 : memref<1x26x32xf32, #tpu.memory_space<vmem>> -> memref<26x32xf32, #tpu.memory_space<vmem>>
      %dma_wait3A_2251 = arith.constant 0 : i32
      %dma_wait3A_2252 = tpu.memref_slice %arg5[%dma_wait3A_2245, %dma_wait3A_2251] : memref<512x26xi32, #tpu.memory_space<vmem>> -> memref<1x26xi32, #tpu.memory_space<vmem>>
      %dma_wait3A_2253 = tpu.memref_squeeze %dma_wait3A_2252 : memref<1x26xi32, #tpu.memory_space<vmem>> -> memref<26xi32, #tpu.memory_space<vmem>>
      %dma_wait3A_2254 = arith.constant 0 : i32
      %dma_wait3A_2255 = arith.constant 0 : i32
      %dma_wait3A_2256 = tpu.memref_slice %arg3[%dma_wait3A_2254, %dma_wait3A_2255] : memref<1000000x32xf32, #tpu.memory_space<hbm>> -> memref<1000000x32xf32, #tpu.memory_space<hbm>>
      tpu.wait_indirect_dma semaphore(%arg9 : memref<!tpu.dma_semaphore, #tpu.memory_space<semaphore_mem>>) src(%dma_wait3A_2256 : memref<1000000x32xf32, #tpu.memory_space<hbm>>) dst(%dma_wait3A_2250 : memref<26x32xf32, #tpu.memory_space<vmem>>)
      %dma_wait3A_2257 = arith.constant 24 : i32
      %dma_wait3A_2258 = arith.constant 24 : i32
      %dma_wait3A_2259 = arith.constant 0 : i32
      %dma_wait3A_2260 = arith.constant 0 : i32
      %dma_wait3A_2261 = tpu.memref_slice %arg7[%dma_wait3A_2258, %dma_wait3A_2259, %dma_wait3A_2260] : memref<32x26x32xf32, #tpu.memory_space<vmem>> -> memref<1x26x32xf32, #tpu.memory_space<vmem>>
      %dma_wait3A_2262 = tpu.memref_squeeze %dma_wait3A_2261 : memref<1x26x32xf32, #tpu.memory_space<vmem>> -> memref<26x32xf32, #tpu.memory_space<vmem>>
      %dma_wait3A_2263 = arith.constant 0 : i32
      %dma_wait3A_2264 = tpu.memref_slice %arg5[%dma_wait3A_2257, %dma_wait3A_2263] : memref<512x26xi32, #tpu.memory_space<vmem>> -> memref<1x26xi32, #tpu.memory_space<vmem>>
      %dma_wait3A_2265 = tpu.memref_squeeze %dma_wait3A_2264 : memref<1x26xi32, #tpu.memory_space<vmem>> -> memref<26xi32, #tpu.memory_space<vmem>>
      %dma_wait3A_2266 = arith.constant 0 : i32
      %dma_wait3A_2267 = arith.constant 0 : i32
      %dma_wait3A_2268 = tpu.memref_slice %arg3[%dma_wait3A_2266, %dma_wait3A_2267] : memref<1000000x32xf32, #tpu.memory_space<hbm>> -> memref<1000000x32xf32, #tpu.memory_space<hbm>>
      tpu.wait_indirect_dma semaphore(%arg9 : memref<!tpu.dma_semaphore, #tpu.memory_space<semaphore_mem>>) src(%dma_wait3A_2268 : memref<1000000x32xf32, #tpu.memory_space<hbm>>) dst(%dma_wait3A_2262 : memref<26x32xf32, #tpu.memory_space<vmem>>)
      %dma_wait3A_2269 = arith.constant 25 : i32
      %dma_wait3A_2270 = arith.constant 25 : i32
      %dma_wait3A_2271 = arith.constant 0 : i32
      %dma_wait3A_2272 = arith.constant 0 : i32
      %dma_wait3A_2273 = tpu.memref_slice %arg7[%dma_wait3A_2270, %dma_wait3A_2271, %dma_wait3A_2272] : memref<32x26x32xf32, #tpu.memory_space<vmem>> -> memref<1x26x32xf32, #tpu.memory_space<vmem>>
      %dma_wait3A_2274 = tpu.memref_squeeze %dma_wait3A_2273 : memref<1x26x32xf32, #tpu.memory_space<vmem>> -> memref<26x32xf32, #tpu.memory_space<vmem>>
      %dma_wait3A_2275 = arith.constant 0 : i32
      %dma_wait3A_2276 = tpu.memref_slice %arg5[%dma_wait3A_2269, %dma_wait3A_2275] : memref<512x26xi32, #tpu.memory_space<vmem>> -> memref<1x26xi32, #tpu.memory_space<vmem>>
      %dma_wait3A_2277 = tpu.memref_squeeze %dma_wait3A_2276 : memref<1x26xi32, #tpu.memory_space<vmem>> -> memref<26xi32, #tpu.memory_space<vmem>>
      %dma_wait3A_2278 = arith.constant 0 : i32
      %dma_wait3A_2279 = arith.constant 0 : i32
      %dma_wait3A_2280 = tpu.memref_slice %arg3[%dma_wait3A_2278, %dma_wait3A_2279] : memref<1000000x32xf32, #tpu.memory_space<hbm>> -> memref<1000000x32xf32, #tpu.memory_space<hbm>>
      tpu.wait_indirect_dma semaphore(%arg9 : memref<!tpu.dma_semaphore, #tpu.memory_space<semaphore_mem>>) src(%dma_wait3A_2280 : memref<1000000x32xf32, #tpu.memory_space<hbm>>) dst(%dma_wait3A_2274 : memref<26x32xf32, #tpu.memory_space<vmem>>)
      %dma_wait3A_2281 = arith.constant 26 : i32
      %dma_wait3A_2282 = arith.constant 26 : i32
      %dma_wait3A_2283 = arith.constant 0 : i32
      %dma_wait3A_2284 = arith.constant 0 : i32
      %dma_wait3A_2285 = tpu.memref_slice %arg7[%dma_wait3A_2282, %dma_wait3A_2283, %dma_wait3A_2284] : memref<32x26x32xf32, #tpu.memory_space<vmem>> -> memref<1x26x32xf32, #tpu.memory_space<vmem>>
      %dma_wait3A_2286 = tpu.memref_squeeze %dma_wait3A_2285 : memref<1x26x32xf32, #tpu.memory_space<vmem>> -> memref<26x32xf32, #tpu.memory_space<vmem>>
      %dma_wait3A_2287 = arith.constant 0 : i32
      %dma_wait3A_2288 = tpu.memref_slice %arg5[%dma_wait3A_2281, %dma_wait3A_2287] : memref<512x26xi32, #tpu.memory_space<vmem>> -> memref<1x26xi32, #tpu.memory_space<vmem>>
      %dma_wait3A_2289 = tpu.memref_squeeze %dma_wait3A_2288 : memref<1x26xi32, #tpu.memory_space<vmem>> -> memref<26xi32, #tpu.memory_space<vmem>>
      %dma_wait3A_2290 = arith.constant 0 : i32
      %dma_wait3A_2291 = arith.constant 0 : i32
      %dma_wait3A_2292 = tpu.memref_slice %arg3[%dma_wait3A_2290, %dma_wait3A_2291] : memref<1000000x32xf32, #tpu.memory_space<hbm>> -> memref<1000000x32xf32, #tpu.memory_space<hbm>>
      tpu.wait_indirect_dma semaphore(%arg9 : memref<!tpu.dma_semaphore, #tpu.memory_space<semaphore_mem>>) src(%dma_wait3A_2292 : memref<1000000x32xf32, #tpu.memory_space<hbm>>) dst(%dma_wait3A_2286 : memref<26x32xf32, #tpu.memory_space<vmem>>)
      %dma_wait3A_2293 = arith.constant 27 : i32
      %dma_wait3A_2294 = arith.constant 27 : i32
      %dma_wait3A_2295 = arith.constant 0 : i32
      %dma_wait3A_2296 = arith.constant 0 : i32
      %dma_wait3A_2297 = tpu.memref_slice %arg7[%dma_wait3A_2294, %dma_wait3A_2295, %dma_wait3A_2296] : memref<32x26x32xf32, #tpu.memory_space<vmem>> -> memref<1x26x32xf32, #tpu.memory_space<vmem>>
      %dma_wait3A_2298 = tpu.memref_squeeze %dma_wait3A_2297 : memref<1x26x32xf32, #tpu.memory_space<vmem>> -> memref<26x32xf32, #tpu.memory_space<vmem>>
      %dma_wait3A_2299 = arith.constant 0 : i32
      %dma_wait3A_2300 = tpu.memref_slice %arg5[%dma_wait3A_2293, %dma_wait3A_2299] : memref<512x26xi32, #tpu.memory_space<vmem>> -> memref<1x26xi32, #tpu.memory_space<vmem>>
      %dma_wait3A_2301 = tpu.memref_squeeze %dma_wait3A_2300 : memref<1x26xi32, #tpu.memory_space<vmem>> -> memref<26xi32, #tpu.memory_space<vmem>>
      %dma_wait3A_2302 = arith.constant 0 : i32
      %dma_wait3A_2303 = arith.constant 0 : i32
      %dma_wait3A_2304 = tpu.memref_slice %arg3[%dma_wait3A_2302, %dma_wait3A_2303] : memref<1000000x32xf32, #tpu.memory_space<hbm>> -> memref<1000000x32xf32, #tpu.memory_space<hbm>>
      tpu.wait_indirect_dma semaphore(%arg9 : memref<!tpu.dma_semaphore, #tpu.memory_space<semaphore_mem>>) src(%dma_wait3A_2304 : memref<1000000x32xf32, #tpu.memory_space<hbm>>) dst(%dma_wait3A_2298 : memref<26x32xf32, #tpu.memory_space<vmem>>)
      %dma_wait3A_2305 = arith.constant 28 : i32
      %dma_wait3A_2306 = arith.constant 28 : i32
      %dma_wait3A_2307 = arith.constant 0 : i32
      %dma_wait3A_2308 = arith.constant 0 : i32
      %dma_wait3A_2309 = tpu.memref_slice %arg7[%dma_wait3A_2306, %dma_wait3A_2307, %dma_wait3A_2308] : memref<32x26x32xf32, #tpu.memory_space<vmem>> -> memref<1x26x32xf32, #tpu.memory_space<vmem>>
      %dma_wait3A_2310 = tpu.memref_squeeze %dma_wait3A_2309 : memref<1x26x32xf32, #tpu.memory_space<vmem>> -> memref<26x32xf32, #tpu.memory_space<vmem>>
      %dma_wait3A_2311 = arith.constant 0 : i32
      %dma_wait3A_2312 = tpu.memref_slice %arg5[%dma_wait3A_2305, %dma_wait3A_2311] : memref<512x26xi32, #tpu.memory_space<vmem>> -> memref<1x26xi32, #tpu.memory_space<vmem>>
      %dma_wait3A_2313 = tpu.memref_squeeze %dma_wait3A_2312 : memref<1x26xi32, #tpu.memory_space<vmem>> -> memref<26xi32, #tpu.memory_space<vmem>>
      %dma_wait3A_2314 = arith.constant 0 : i32
      %dma_wait3A_2315 = arith.constant 0 : i32
      %dma_wait3A_2316 = tpu.memref_slice %arg3[%dma_wait3A_2314, %dma_wait3A_2315] : memref<1000000x32xf32, #tpu.memory_space<hbm>> -> memref<1000000x32xf32, #tpu.memory_space<hbm>>
      tpu.wait_indirect_dma semaphore(%arg9 : memref<!tpu.dma_semaphore, #tpu.memory_space<semaphore_mem>>) src(%dma_wait3A_2316 : memref<1000000x32xf32, #tpu.memory_space<hbm>>) dst(%dma_wait3A_2310 : memref<26x32xf32, #tpu.memory_space<vmem>>)
      %dma_wait3A_2317 = arith.constant 29 : i32
      %dma_wait3A_2318 = arith.constant 29 : i32
      %dma_wait3A_2319 = arith.constant 0 : i32
      %dma_wait3A_2320 = arith.constant 0 : i32
      %dma_wait3A_2321 = tpu.memref_slice %arg7[%dma_wait3A_2318, %dma_wait3A_2319, %dma_wait3A_2320] : memref<32x26x32xf32, #tpu.memory_space<vmem>> -> memref<1x26x32xf32, #tpu.memory_space<vmem>>
      %dma_wait3A_2322 = tpu.memref_squeeze %dma_wait3A_2321 : memref<1x26x32xf32, #tpu.memory_space<vmem>> -> memref<26x32xf32, #tpu.memory_space<vmem>>
      %dma_wait3A_2323 = arith.constant 0 : i32
      %dma_wait3A_2324 = tpu.memref_slice %arg5[%dma_wait3A_2317, %dma_wait3A_2323] : memref<512x26xi32, #tpu.memory_space<vmem>> -> memref<1x26xi32, #tpu.memory_space<vmem>>
      %dma_wait3A_2325 = tpu.memref_squeeze %dma_wait3A_2324 : memref<1x26xi32, #tpu.memory_space<vmem>> -> memref<26xi32, #tpu.memory_space<vmem>>
      %dma_wait3A_2326 = arith.constant 0 : i32
      %dma_wait3A_2327 = arith.constant 0 : i32
      %dma_wait3A_2328 = tpu.memref_slice %arg3[%dma_wait3A_2326, %dma_wait3A_2327] : memref<1000000x32xf32, #tpu.memory_space<hbm>> -> memref<1000000x32xf32, #tpu.memory_space<hbm>>
      tpu.wait_indirect_dma semaphore(%arg9 : memref<!tpu.dma_semaphore, #tpu.memory_space<semaphore_mem>>) src(%dma_wait3A_2328 : memref<1000000x32xf32, #tpu.memory_space<hbm>>) dst(%dma_wait3A_2322 : memref<26x32xf32, #tpu.memory_space<vmem>>)
      %dma_wait3A_2329 = arith.constant 30 : i32
      %dma_wait3A_2330 = arith.constant 30 : i32
      %dma_wait3A_2331 = arith.constant 0 : i32
      %dma_wait3A_2332 = arith.constant 0 : i32
      %dma_wait3A_2333 = tpu.memref_slice %arg7[%dma_wait3A_2330, %dma_wait3A_2331, %dma_wait3A_2332] : memref<32x26x32xf32, #tpu.memory_space<vmem>> -> memref<1x26x32xf32, #tpu.memory_space<vmem>>
      %dma_wait3A_2334 = tpu.memref_squeeze %dma_wait3A_2333 : memref<1x26x32xf32, #tpu.memory_space<vmem>> -> memref<26x32xf32, #tpu.memory_space<vmem>>
      %dma_wait3A_2335 = arith.constant 0 : i32
      %dma_wait3A_2336 = tpu.memref_slice %arg5[%dma_wait3A_2329, %dma_wait3A_2335] : memref<512x26xi32, #tpu.memory_space<vmem>> -> memref<1x26xi32, #tpu.memory_space<vmem>>
      %dma_wait3A_2337 = tpu.memref_squeeze %dma_wait3A_2336 : memref<1x26xi32, #tpu.memory_space<vmem>> -> memref<26xi32, #tpu.memory_space<vmem>>
      %dma_wait3A_2338 = arith.constant 0 : i32
      %dma_wait3A_2339 = arith.constant 0 : i32
      %dma_wait3A_2340 = tpu.memref_slice %arg3[%dma_wait3A_2338, %dma_wait3A_2339] : memref<1000000x32xf32, #tpu.memory_space<hbm>> -> memref<1000000x32xf32, #tpu.memory_space<hbm>>
      tpu.wait_indirect_dma semaphore(%arg9 : memref<!tpu.dma_semaphore, #tpu.memory_space<semaphore_mem>>) src(%dma_wait3A_2340 : memref<1000000x32xf32, #tpu.memory_space<hbm>>) dst(%dma_wait3A_2334 : memref<26x32xf32, #tpu.memory_space<vmem>>)
      %dma_wait3A_2341 = arith.constant 31 : i32
      %dma_wait3A_2342 = arith.constant 31 : i32
      %dma_wait3A_2343 = arith.constant 0 : i32
      %dma_wait3A_2344 = arith.constant 0 : i32
      %dma_wait3A_2345 = tpu.memref_slice %arg7[%dma_wait3A_2342, %dma_wait3A_2343, %dma_wait3A_2344] : memref<32x26x32xf32, #tpu.memory_space<vmem>> -> memref<1x26x32xf32, #tpu.memory_space<vmem>>
      %dma_wait3A_2346 = tpu.memref_squeeze %dma_wait3A_2345 : memref<1x26x32xf32, #tpu.memory_space<vmem>> -> memref<26x32xf32, #tpu.memory_space<vmem>>
      %dma_wait3A_2347 = arith.constant 0 : i32
      %dma_wait3A_2348 = tpu.memref_slice %arg5[%dma_wait3A_2341, %dma_wait3A_2347] : memref<512x26xi32, #tpu.memory_space<vmem>> -> memref<1x26xi32, #tpu.memory_space<vmem>>
      %dma_wait3A_2349 = tpu.memref_squeeze %dma_wait3A_2348 : memref<1x26xi32, #tpu.memory_space<vmem>> -> memref<26xi32, #tpu.memory_space<vmem>>
      %dma_wait3A_2350 = arith.constant 0 : i32
      %dma_wait3A_2351 = arith.constant 0 : i32
      %dma_wait3A_2352 = tpu.memref_slice %arg3[%dma_wait3A_2350, %dma_wait3A_2351] : memref<1000000x32xf32, #tpu.memory_space<hbm>> -> memref<1000000x32xf32, #tpu.memory_space<hbm>>
      tpu.wait_indirect_dma semaphore(%arg9 : memref<!tpu.dma_semaphore, #tpu.memory_space<semaphore_mem>>) src(%dma_wait3A_2352 : memref<1000000x32xf32, #tpu.memory_space<hbm>>) dst(%dma_wait3A_2346 : memref<26x32xf32, #tpu.memory_space<vmem>>)
      %add3A_2353 = arith.constant 1 : i32
      %add3A_2354 = arith.addi %mul3A_1575, %add3A_2353 : i32
      %mul3A_2355 = arith.constant 32 : i32
      %mul3A_2356 = arith.muli %add3A_2354, %mul3A_2355 : i32
      %add3A_2357 = arith.addi %mul3A_2, %mul3A_2356 : i32
      %dma_start3A_2358 = arith.constant 0 : i32
      %dma_start3A_2359 = arith.constant 0 : i32
      %dma_start3A_2360 = tpu.memref_slice %arg4[%add3A_2357, %dma_start3A_2358, %dma_start3A_2359] : memref<16384x26x32xf32, #tpu.memory_space<hbm>> -> memref<32x26x32xf32, #tpu.memory_space<hbm>>
      %dma_start3A_2361 = arith.constant 0 : i32
      %dma_start3A_2362 = arith.constant 0 : i32
      %dma_start3A_2363 = tpu.memref_slice %arg4[%add3A_2357, %dma_start3A_2361, %dma_start3A_2362] : memref<16384x26x32xf32, #tpu.memory_space<hbm>> -> memref<32x26x32xf32, #tpu.memory_space<hbm>>
      tpu.enqueue_dma source(%arg7 : memref<32x26x32xf32, #tpu.memory_space<vmem>>) target(%dma_start3A_2363 : memref<32x26x32xf32, #tpu.memory_space<hbm>>) target_semaphore(%arg11 : memref<!tpu.dma_semaphore, #tpu.memory_space<semaphore_mem>>)
      %dma_wait3A_2364 = arith.constant 0 : i32
      %dma_wait3A_2365 = arith.constant 0 : i32
      %dma_wait3A_2366 = tpu.memref_slice %arg4[%mul3A_2, %dma_wait3A_2364, %dma_wait3A_2365] : memref<16384x26x32xf32, #tpu.memory_space<hbm>> -> memref<32x26x32xf32, #tpu.memory_space<hbm>>
      %dma_wait3A_2367 = arith.constant 0 : i32
      %dma_wait3A_2368 = arith.constant 0 : i32
      %dma_wait3A_2369 = tpu.memref_slice %arg4[%mul3A_2, %dma_wait3A_2367, %dma_wait3A_2368] : memref<16384x26x32xf32, #tpu.memory_space<hbm>> -> memref<32x26x32xf32, #tpu.memory_space<hbm>>
      tpu.wait_dma2 semaphore(%arg10 : memref<!tpu.dma_semaphore, #tpu.memory_space<semaphore_mem>>) src(%arg6 : memref<32x26x32xf32, #tpu.memory_space<vmem>>) dst(%dma_wait3A_2369 : memref<32x26x32xf32, #tpu.memory_space<hbm>>)
      %add3A_2370 = arith.constant 2 : i32
      %add3A_2371 = arith.addi %mul3A_1575, %add3A_2370 : i32
      %mul3A_2372 = arith.constant 32 : i32
      %mul3A_2373 = arith.muli %add3A_2371, %mul3A_2372 : i32
      %add3A_2374 = arith.constant 0 : i32
      %add3A_2375 = arith.addi %mul3A_2373, %add3A_2374 : i32
      %dma_start3A_2376 = arith.constant 0 : i32
      %dma_start3A_2377 = arith.constant 0 : i32
      %dma_start3A_2378 = arith.constant 0 : i32
      %dma_start3A_2379 = tpu.memref_slice %arg6[%dma_start3A_2376, %dma_start3A_2377, %dma_start3A_2378] : memref<32x26x32xf32, #tpu.memory_space<vmem>> -> memref<1x26x32xf32, #tpu.memory_space<vmem>>
      %dma_start3A_2380 = tpu.memref_squeeze %dma_start3A_2379 : memref<1x26x32xf32, #tpu.memory_space<vmem>> -> memref<26x32xf32, #tpu.memory_space<vmem>>
      %dma_start3A_2381 = arith.constant 0 : i32
      %dma_start3A_2382 = tpu.memref_slice %arg5[%add3A_2375, %dma_start3A_2381] : memref<512x26xi32, #tpu.memory_space<vmem>> -> memref<1x26xi32, #tpu.memory_space<vmem>>
      %dma_start3A_2383 = tpu.memref_squeeze %dma_start3A_2382 : memref<1x26xi32, #tpu.memory_space<vmem>> -> memref<26xi32, #tpu.memory_space<vmem>>
      %dma_start3A_2384 = arith.constant 0 : i32
      %dma_start3A_2385 = arith.constant 0 : i32
      %dma_start3A_2386 = tpu.memref_slice %arg3[%dma_start3A_2384, %dma_start3A_2385] : memref<1000000x32xf32, #tpu.memory_space<hbm>> -> memref<1000000x32xf32, #tpu.memory_space<hbm>>
      tpu.enqueue_indirect_dma source(%dma_start3A_2386 : memref<1000000x32xf32, #tpu.memory_space<hbm>>) target(%dma_start3A_2380 : memref<26x32xf32, #tpu.memory_space<vmem>>) offsets(%dma_start3A_2383 : memref<26xi32, #tpu.memory_space<vmem>>) semaphore(%arg8 : memref<!tpu.dma_semaphore, #tpu.memory_space<semaphore_mem>>)
      %mul3A_2387 = arith.constant 32 : i32
      %mul3A_2388 = arith.muli %add3A_2371, %mul3A_2387 : i32
      %add3A_2389 = arith.constant 1 : i32
      %add3A_2390 = arith.addi %mul3A_2388, %add3A_2389 : i32
      %dma_start3A_2391 = arith.constant 1 : i32
      %dma_start3A_2392 = arith.constant 0 : i32
      %dma_start3A_2393 = arith.constant 0 : i32
      %dma_start3A_2394 = tpu.memref_slice %arg6[%dma_start3A_2391, %dma_start3A_2392, %dma_start3A_2393] : memref<32x26x32xf32, #tpu.memory_space<vmem>> -> memref<1x26x32xf32, #tpu.memory_space<vmem>>
      %dma_start3A_2395 = tpu.memref_squeeze %dma_start3A_2394 : memref<1x26x32xf32, #tpu.memory_space<vmem>> -> memref<26x32xf32, #tpu.memory_space<vmem>>
      %dma_start3A_2396 = arith.constant 0 : i32
      %dma_start3A_2397 = tpu.memref_slice %arg5[%add3A_2390, %dma_start3A_2396] : memref<512x26xi32, #tpu.memory_space<vmem>> -> memref<1x26xi32, #tpu.memory_space<vmem>>
      %dma_start3A_2398 = tpu.memref_squeeze %dma_start3A_2397 : memref<1x26xi32, #tpu.memory_space<vmem>> -> memref<26xi32, #tpu.memory_space<vmem>>
      %dma_start3A_2399 = arith.constant 0 : i32
      %dma_start3A_2400 = arith.constant 0 : i32
      %dma_start3A_2401 = tpu.memref_slice %arg3[%dma_start3A_2399, %dma_start3A_2400] : memref<1000000x32xf32, #tpu.memory_space<hbm>> -> memref<1000000x32xf32, #tpu.memory_space<hbm>>
      tpu.enqueue_indirect_dma source(%dma_start3A_2401 : memref<1000000x32xf32, #tpu.memory_space<hbm>>) target(%dma_start3A_2395 : memref<26x32xf32, #tpu.memory_space<vmem>>) offsets(%dma_start3A_2398 : memref<26xi32, #tpu.memory_space<vmem>>) semaphore(%arg8 : memref<!tpu.dma_semaphore, #tpu.memory_space<semaphore_mem>>)
      %mul3A_2402 = arith.constant 32 : i32
      %mul3A_2403 = arith.muli %add3A_2371, %mul3A_2402 : i32
      %add3A_2404 = arith.constant 2 : i32
      %add3A_2405 = arith.addi %mul3A_2403, %add3A_2404 : i32
      %dma_start3A_2406 = arith.constant 2 : i32
      %dma_start3A_2407 = arith.constant 0 : i32
      %dma_start3A_2408 = arith.constant 0 : i32
      %dma_start3A_2409 = tpu.memref_slice %arg6[%dma_start3A_2406, %dma_start3A_2407, %dma_start3A_2408] : memref<32x26x32xf32, #tpu.memory_space<vmem>> -> memref<1x26x32xf32, #tpu.memory_space<vmem>>
      %dma_start3A_2410 = tpu.memref_squeeze %dma_start3A_2409 : memref<1x26x32xf32, #tpu.memory_space<vmem>> -> memref<26x32xf32, #tpu.memory_space<vmem>>
      %dma_start3A_2411 = arith.constant 0 : i32
      %dma_start3A_2412 = tpu.memref_slice %arg5[%add3A_2405, %dma_start3A_2411] : memref<512x26xi32, #tpu.memory_space<vmem>> -> memref<1x26xi32, #tpu.memory_space<vmem>>
      %dma_start3A_2413 = tpu.memref_squeeze %dma_start3A_2412 : memref<1x26xi32, #tpu.memory_space<vmem>> -> memref<26xi32, #tpu.memory_space<vmem>>
      %dma_start3A_2414 = arith.constant 0 : i32
      %dma_start3A_2415 = arith.constant 0 : i32
      %dma_start3A_2416 = tpu.memref_slice %arg3[%dma_start3A_2414, %dma_start3A_2415] : memref<1000000x32xf32, #tpu.memory_space<hbm>> -> memref<1000000x32xf32, #tpu.memory_space<hbm>>
      tpu.enqueue_indirect_dma source(%dma_start3A_2416 : memref<1000000x32xf32, #tpu.memory_space<hbm>>) target(%dma_start3A_2410 : memref<26x32xf32, #tpu.memory_space<vmem>>) offsets(%dma_start3A_2413 : memref<26xi32, #tpu.memory_space<vmem>>) semaphore(%arg8 : memref<!tpu.dma_semaphore, #tpu.memory_space<semaphore_mem>>)
      %mul3A_2417 = arith.constant 32 : i32
      %mul3A_2418 = arith.muli %add3A_2371, %mul3A_2417 : i32
      %add3A_2419 = arith.constant 3 : i32
      %add3A_2420 = arith.addi %mul3A_2418, %add3A_2419 : i32
      %dma_start3A_2421 = arith.constant 3 : i32
      %dma_start3A_2422 = arith.constant 0 : i32
      %dma_start3A_2423 = arith.constant 0 : i32
      %dma_start3A_2424 = tpu.memref_slice %arg6[%dma_start3A_2421, %dma_start3A_2422, %dma_start3A_2423] : memref<32x26x32xf32, #tpu.memory_space<vmem>> -> memref<1x26x32xf32, #tpu.memory_space<vmem>>
      %dma_start3A_2425 = tpu.memref_squeeze %dma_start3A_2424 : memref<1x26x32xf32, #tpu.memory_space<vmem>> -> memref<26x32xf32, #tpu.memory_space<vmem>>
      %dma_start3A_2426 = arith.constant 0 : i32
      %dma_start3A_2427 = tpu.memref_slice %arg5[%add3A_2420, %dma_start3A_2426] : memref<512x26xi32, #tpu.memory_space<vmem>> -> memref<1x26xi32, #tpu.memory_space<vmem>>
      %dma_start3A_2428 = tpu.memref_squeeze %dma_start3A_2427 : memref<1x26xi32, #tpu.memory_space<vmem>> -> memref<26xi32, #tpu.memory_space<vmem>>
      %dma_start3A_2429 = arith.constant 0 : i32
      %dma_start3A_2430 = arith.constant 0 : i32
      %dma_start3A_2431 = tpu.memref_slice %arg3[%dma_start3A_2429, %dma_start3A_2430] : memref<1000000x32xf32, #tpu.memory_space<hbm>> -> memref<1000000x32xf32, #tpu.memory_space<hbm>>
      tpu.enqueue_indirect_dma source(%dma_start3A_2431 : memref<1000000x32xf32, #tpu.memory_space<hbm>>) target(%dma_start3A_2425 : memref<26x32xf32, #tpu.memory_space<vmem>>) offsets(%dma_start3A_2428 : memref<26xi32, #tpu.memory_space<vmem>>) semaphore(%arg8 : memref<!tpu.dma_semaphore, #tpu.memory_space<semaphore_mem>>)
      %mul3A_2432 = arith.constant 32 : i32
      %mul3A_2433 = arith.muli %add3A_2371, %mul3A_2432 : i32
      %add3A_2434 = arith.constant 4 : i32
      %add3A_2435 = arith.addi %mul3A_2433, %add3A_2434 : i32
      %dma_start3A_2436 = arith.constant 4 : i32
      %dma_start3A_2437 = arith.constant 0 : i32
      %dma_start3A_2438 = arith.constant 0 : i32
      %dma_start3A_2439 = tpu.memref_slice %arg6[%dma_start3A_2436, %dma_start3A_2437, %dma_start3A_2438] : memref<32x26x32xf32, #tpu.memory_space<vmem>> -> memref<1x26x32xf32, #tpu.memory_space<vmem>>
      %dma_start3A_2440 = tpu.memref_squeeze %dma_start3A_2439 : memref<1x26x32xf32, #tpu.memory_space<vmem>> -> memref<26x32xf32, #tpu.memory_space<vmem>>
      %dma_start3A_2441 = arith.constant 0 : i32
      %dma_start3A_2442 = tpu.memref_slice %arg5[%add3A_2435, %dma_start3A_2441] : memref<512x26xi32, #tpu.memory_space<vmem>> -> memref<1x26xi32, #tpu.memory_space<vmem>>
      %dma_start3A_2443 = tpu.memref_squeeze %dma_start3A_2442 : memref<1x26xi32, #tpu.memory_space<vmem>> -> memref<26xi32, #tpu.memory_space<vmem>>
      %dma_start3A_2444 = arith.constant 0 : i32
      %dma_start3A_2445 = arith.constant 0 : i32
      %dma_start3A_2446 = tpu.memref_slice %arg3[%dma_start3A_2444, %dma_start3A_2445] : memref<1000000x32xf32, #tpu.memory_space<hbm>> -> memref<1000000x32xf32, #tpu.memory_space<hbm>>
      tpu.enqueue_indirect_dma source(%dma_start3A_2446 : memref<1000000x32xf32, #tpu.memory_space<hbm>>) target(%dma_start3A_2440 : memref<26x32xf32, #tpu.memory_space<vmem>>) offsets(%dma_start3A_2443 : memref<26xi32, #tpu.memory_space<vmem>>) semaphore(%arg8 : memref<!tpu.dma_semaphore, #tpu.memory_space<semaphore_mem>>)
      %mul3A_2447 = arith.constant 32 : i32
      %mul3A_2448 = arith.muli %add3A_2371, %mul3A_2447 : i32
      %add3A_2449 = arith.constant 5 : i32
      %add3A_2450 = arith.addi %mul3A_2448, %add3A_2449 : i32
      %dma_start3A_2451 = arith.constant 5 : i32
      %dma_start3A_2452 = arith.constant 0 : i32
      %dma_start3A_2453 = arith.constant 0 : i32
      %dma_start3A_2454 = tpu.memref_slice %arg6[%dma_start3A_2451, %dma_start3A_2452, %dma_start3A_2453] : memref<32x26x32xf32, #tpu.memory_space<vmem>> -> memref<1x26x32xf32, #tpu.memory_space<vmem>>
      %dma_start3A_2455 = tpu.memref_squeeze %dma_start3A_2454 : memref<1x26x32xf32, #tpu.memory_space<vmem>> -> memref<26x32xf32, #tpu.memory_space<vmem>>
      %dma_start3A_2456 = arith.constant 0 : i32
      %dma_start3A_2457 = tpu.memref_slice %arg5[%add3A_2450, %dma_start3A_2456] : memref<512x26xi32, #tpu.memory_space<vmem>> -> memref<1x26xi32, #tpu.memory_space<vmem>>
      %dma_start3A_2458 = tpu.memref_squeeze %dma_start3A_2457 : memref<1x26xi32, #tpu.memory_space<vmem>> -> memref<26xi32, #tpu.memory_space<vmem>>
      %dma_start3A_2459 = arith.constant 0 : i32
      %dma_start3A_2460 = arith.constant 0 : i32
      %dma_start3A_2461 = tpu.memref_slice %arg3[%dma_start3A_2459, %dma_start3A_2460] : memref<1000000x32xf32, #tpu.memory_space<hbm>> -> memref<1000000x32xf32, #tpu.memory_space<hbm>>
      tpu.enqueue_indirect_dma source(%dma_start3A_2461 : memref<1000000x32xf32, #tpu.memory_space<hbm>>) target(%dma_start3A_2455 : memref<26x32xf32, #tpu.memory_space<vmem>>) offsets(%dma_start3A_2458 : memref<26xi32, #tpu.memory_space<vmem>>) semaphore(%arg8 : memref<!tpu.dma_semaphore, #tpu.memory_space<semaphore_mem>>)
      %mul3A_2462 = arith.constant 32 : i32
      %mul3A_2463 = arith.muli %add3A_2371, %mul3A_2462 : i32
      %add3A_2464 = arith.constant 6 : i32
      %add3A_2465 = arith.addi %mul3A_2463, %add3A_2464 : i32
      %dma_start3A_2466 = arith.constant 6 : i32
      %dma_start3A_2467 = arith.constant 0 : i32
      %dma_start3A_2468 = arith.constant 0 : i32
      %dma_start3A_2469 = tpu.memref_slice %arg6[%dma_start3A_2466, %dma_start3A_2467, %dma_start3A_2468] : memref<32x26x32xf32, #tpu.memory_space<vmem>> -> memref<1x26x32xf32, #tpu.memory_space<vmem>>
      %dma_start3A_2470 = tpu.memref_squeeze %dma_start3A_2469 : memref<1x26x32xf32, #tpu.memory_space<vmem>> -> memref<26x32xf32, #tpu.memory_space<vmem>>
      %dma_start3A_2471 = arith.constant 0 : i32
      %dma_start3A_2472 = tpu.memref_slice %arg5[%add3A_2465, %dma_start3A_2471] : memref<512x26xi32, #tpu.memory_space<vmem>> -> memref<1x26xi32, #tpu.memory_space<vmem>>
      %dma_start3A_2473 = tpu.memref_squeeze %dma_start3A_2472 : memref<1x26xi32, #tpu.memory_space<vmem>> -> memref<26xi32, #tpu.memory_space<vmem>>
      %dma_start3A_2474 = arith.constant 0 : i32
      %dma_start3A_2475 = arith.constant 0 : i32
      %dma_start3A_2476 = tpu.memref_slice %arg3[%dma_start3A_2474, %dma_start3A_2475] : memref<1000000x32xf32, #tpu.memory_space<hbm>> -> memref<1000000x32xf32, #tpu.memory_space<hbm>>
      tpu.enqueue_indirect_dma source(%dma_start3A_2476 : memref<1000000x32xf32, #tpu.memory_space<hbm>>) target(%dma_start3A_2470 : memref<26x32xf32, #tpu.memory_space<vmem>>) offsets(%dma_start3A_2473 : memref<26xi32, #tpu.memory_space<vmem>>) semaphore(%arg8 : memref<!tpu.dma_semaphore, #tpu.memory_space<semaphore_mem>>)
      %mul3A_2477 = arith.constant 32 : i32
      %mul3A_2478 = arith.muli %add3A_2371, %mul3A_2477 : i32
      %add3A_2479 = arith.constant 7 : i32
      %add3A_2480 = arith.addi %mul3A_2478, %add3A_2479 : i32
      %dma_start3A_2481 = arith.constant 7 : i32
      %dma_start3A_2482 = arith.constant 0 : i32
      %dma_start3A_2483 = arith.constant 0 : i32
      %dma_start3A_2484 = tpu.memref_slice %arg6[%dma_start3A_2481, %dma_start3A_2482, %dma_start3A_2483] : memref<32x26x32xf32, #tpu.memory_space<vmem>> -> memref<1x26x32xf32, #tpu.memory_space<vmem>>
      %dma_start3A_2485 = tpu.memref_squeeze %dma_start3A_2484 : memref<1x26x32xf32, #tpu.memory_space<vmem>> -> memref<26x32xf32, #tpu.memory_space<vmem>>
      %dma_start3A_2486 = arith.constant 0 : i32
      %dma_start3A_2487 = tpu.memref_slice %arg5[%add3A_2480, %dma_start3A_2486] : memref<512x26xi32, #tpu.memory_space<vmem>> -> memref<1x26xi32, #tpu.memory_space<vmem>>
      %dma_start3A_2488 = tpu.memref_squeeze %dma_start3A_2487 : memref<1x26xi32, #tpu.memory_space<vmem>> -> memref<26xi32, #tpu.memory_space<vmem>>
      %dma_start3A_2489 = arith.constant 0 : i32
      %dma_start3A_2490 = arith.constant 0 : i32
      %dma_start3A_2491 = tpu.memref_slice %arg3[%dma_start3A_2489, %dma_start3A_2490] : memref<1000000x32xf32, #tpu.memory_space<hbm>> -> memref<1000000x32xf32, #tpu.memory_space<hbm>>
      tpu.enqueue_indirect_dma source(%dma_start3A_2491 : memref<1000000x32xf32, #tpu.memory_space<hbm>>) target(%dma_start3A_2485 : memref<26x32xf32, #tpu.memory_space<vmem>>) offsets(%dma_start3A_2488 : memref<26xi32, #tpu.memory_space<vmem>>) semaphore(%arg8 : memref<!tpu.dma_semaphore, #tpu.memory_space<semaphore_mem>>)
      %mul3A_2492 = arith.constant 32 : i32
      %mul3A_2493 = arith.muli %add3A_2371, %mul3A_2492 : i32
      %add3A_2494 = arith.constant 8 : i32
      %add3A_2495 = arith.addi %mul3A_2493, %add3A_2494 : i32
      %dma_start3A_2496 = arith.constant 8 : i32
      %dma_start3A_2497 = arith.constant 0 : i32
      %dma_start3A_2498 = arith.constant 0 : i32
      %dma_start3A_2499 = tpu.memref_slice %arg6[%dma_start3A_2496, %dma_start3A_2497, %dma_start3A_2498] : memref<32x26x32xf32, #tpu.memory_space<vmem>> -> memref<1x26x32xf32, #tpu.memory_space<vmem>>
      %dma_start3A_2500 = tpu.memref_squeeze %dma_start3A_2499 : memref<1x26x32xf32, #tpu.memory_space<vmem>> -> memref<26x32xf32, #tpu.memory_space<vmem>>
      %dma_start3A_2501 = arith.constant 0 : i32
      %dma_start3A_2502 = tpu.memref_slice %arg5[%add3A_2495, %dma_start3A_2501] : memref<512x26xi32, #tpu.memory_space<vmem>> -> memref<1x26xi32, #tpu.memory_space<vmem>>
      %dma_start3A_2503 = tpu.memref_squeeze %dma_start3A_2502 : memref<1x26xi32, #tpu.memory_space<vmem>> -> memref<26xi32, #tpu.memory_space<vmem>>
      %dma_start3A_2504 = arith.constant 0 : i32
      %dma_start3A_2505 = arith.constant 0 : i32
      %dma_start3A_2506 = tpu.memref_slice %arg3[%dma_start3A_2504, %dma_start3A_2505] : memref<1000000x32xf32, #tpu.memory_space<hbm>> -> memref<1000000x32xf32, #tpu.memory_space<hbm>>
      tpu.enqueue_indirect_dma source(%dma_start3A_2506 : memref<1000000x32xf32, #tpu.memory_space<hbm>>) target(%dma_start3A_2500 : memref<26x32xf32, #tpu.memory_space<vmem>>) offsets(%dma_start3A_2503 : memref<26xi32, #tpu.memory_space<vmem>>) semaphore(%arg8 : memref<!tpu.dma_semaphore, #tpu.memory_space<semaphore_mem>>)
      %mul3A_2507 = arith.constant 32 : i32
      %mul3A_2508 = arith.muli %add3A_2371, %mul3A_2507 : i32
      %add3A_2509 = arith.constant 9 : i32
      %add3A_2510 = arith.addi %mul3A_2508, %add3A_2509 : i32
      %dma_start3A_2511 = arith.constant 9 : i32
      %dma_start3A_2512 = arith.constant 0 : i32
      %dma_start3A_2513 = arith.constant 0 : i32
      %dma_start3A_2514 = tpu.memref_slice %arg6[%dma_start3A_2511, %dma_start3A_2512, %dma_start3A_2513] : memref<32x26x32xf32, #tpu.memory_space<vmem>> -> memref<1x26x32xf32, #tpu.memory_space<vmem>>
      %dma_start3A_2515 = tpu.memref_squeeze %dma_start3A_2514 : memref<1x26x32xf32, #tpu.memory_space<vmem>> -> memref<26x32xf32, #tpu.memory_space<vmem>>
      %dma_start3A_2516 = arith.constant 0 : i32
      %dma_start3A_2517 = tpu.memref_slice %arg5[%add3A_2510, %dma_start3A_2516] : memref<512x26xi32, #tpu.memory_space<vmem>> -> memref<1x26xi32, #tpu.memory_space<vmem>>
      %dma_start3A_2518 = tpu.memref_squeeze %dma_start3A_2517 : memref<1x26xi32, #tpu.memory_space<vmem>> -> memref<26xi32, #tpu.memory_space<vmem>>
      %dma_start3A_2519 = arith.constant 0 : i32
      %dma_start3A_2520 = arith.constant 0 : i32
      %dma_start3A_2521 = tpu.memref_slice %arg3[%dma_start3A_2519, %dma_start3A_2520] : memref<1000000x32xf32, #tpu.memory_space<hbm>> -> memref<1000000x32xf32, #tpu.memory_space<hbm>>
      tpu.enqueue_indirect_dma source(%dma_start3A_2521 : memref<1000000x32xf32, #tpu.memory_space<hbm>>) target(%dma_start3A_2515 : memref<26x32xf32, #tpu.memory_space<vmem>>) offsets(%dma_start3A_2518 : memref<26xi32, #tpu.memory_space<vmem>>) semaphore(%arg8 : memref<!tpu.dma_semaphore, #tpu.memory_space<semaphore_mem>>)
      %mul3A_2522 = arith.constant 32 : i32
      %mul3A_2523 = arith.muli %add3A_2371, %mul3A_2522 : i32
      %add3A_2524 = arith.constant 10 : i32
      %add3A_2525 = arith.addi %mul3A_2523, %add3A_2524 : i32
      %dma_start3A_2526 = arith.constant 10 : i32
      %dma_start3A_2527 = arith.constant 0 : i32
      %dma_start3A_2528 = arith.constant 0 : i32
      %dma_start3A_2529 = tpu.memref_slice %arg6[%dma_start3A_2526, %dma_start3A_2527, %dma_start3A_2528] : memref<32x26x32xf32, #tpu.memory_space<vmem>> -> memref<1x26x32xf32, #tpu.memory_space<vmem>>
      %dma_start3A_2530 = tpu.memref_squeeze %dma_start3A_2529 : memref<1x26x32xf32, #tpu.memory_space<vmem>> -> memref<26x32xf32, #tpu.memory_space<vmem>>
      %dma_start3A_2531 = arith.constant 0 : i32
      %dma_start3A_2532 = tpu.memref_slice %arg5[%add3A_2525, %dma_start3A_2531] : memref<512x26xi32, #tpu.memory_space<vmem>> -> memref<1x26xi32, #tpu.memory_space<vmem>>
      %dma_start3A_2533 = tpu.memref_squeeze %dma_start3A_2532 : memref<1x26xi32, #tpu.memory_space<vmem>> -> memref<26xi32, #tpu.memory_space<vmem>>
      %dma_start3A_2534 = arith.constant 0 : i32
      %dma_start3A_2535 = arith.constant 0 : i32
      %dma_start3A_2536 = tpu.memref_slice %arg3[%dma_start3A_2534, %dma_start3A_2535] : memref<1000000x32xf32, #tpu.memory_space<hbm>> -> memref<1000000x32xf32, #tpu.memory_space<hbm>>
      tpu.enqueue_indirect_dma source(%dma_start3A_2536 : memref<1000000x32xf32, #tpu.memory_space<hbm>>) target(%dma_start3A_2530 : memref<26x32xf32, #tpu.memory_space<vmem>>) offsets(%dma_start3A_2533 : memref<26xi32, #tpu.memory_space<vmem>>) semaphore(%arg8 : memref<!tpu.dma_semaphore, #tpu.memory_space<semaphore_mem>>)
      %mul3A_2537 = arith.constant 32 : i32
      %mul3A_2538 = arith.muli %add3A_2371, %mul3A_2537 : i32
      %add3A_2539 = arith.constant 11 : i32
      %add3A_2540 = arith.addi %mul3A_2538, %add3A_2539 : i32
      %dma_start3A_2541 = arith.constant 11 : i32
      %dma_start3A_2542 = arith.constant 0 : i32
      %dma_start3A_2543 = arith.constant 0 : i32
      %dma_start3A_2544 = tpu.memref_slice %arg6[%dma_start3A_2541, %dma_start3A_2542, %dma_start3A_2543] : memref<32x26x32xf32, #tpu.memory_space<vmem>> -> memref<1x26x32xf32, #tpu.memory_space<vmem>>
      %dma_start3A_2545 = tpu.memref_squeeze %dma_start3A_2544 : memref<1x26x32xf32, #tpu.memory_space<vmem>> -> memref<26x32xf32, #tpu.memory_space<vmem>>
      %dma_start3A_2546 = arith.constant 0 : i32
      %dma_start3A_2547 = tpu.memref_slice %arg5[%add3A_2540, %dma_start3A_2546] : memref<512x26xi32, #tpu.memory_space<vmem>> -> memref<1x26xi32, #tpu.memory_space<vmem>>
      %dma_start3A_2548 = tpu.memref_squeeze %dma_start3A_2547 : memref<1x26xi32, #tpu.memory_space<vmem>> -> memref<26xi32, #tpu.memory_space<vmem>>
      %dma_start3A_2549 = arith.constant 0 : i32
      %dma_start3A_2550 = arith.constant 0 : i32
      %dma_start3A_2551 = tpu.memref_slice %arg3[%dma_start3A_2549, %dma_start3A_2550] : memref<1000000x32xf32, #tpu.memory_space<hbm>> -> memref<1000000x32xf32, #tpu.memory_space<hbm>>
      tpu.enqueue_indirect_dma source(%dma_start3A_2551 : memref<1000000x32xf32, #tpu.memory_space<hbm>>) target(%dma_start3A_2545 : memref<26x32xf32, #tpu.memory_space<vmem>>) offsets(%dma_start3A_2548 : memref<26xi32, #tpu.memory_space<vmem>>) semaphore(%arg8 : memref<!tpu.dma_semaphore, #tpu.memory_space<semaphore_mem>>)
      %mul3A_2552 = arith.constant 32 : i32
      %mul3A_2553 = arith.muli %add3A_2371, %mul3A_2552 : i32
      %add3A_2554 = arith.constant 12 : i32
      %add3A_2555 = arith.addi %mul3A_2553, %add3A_2554 : i32
      %dma_start3A_2556 = arith.constant 12 : i32
      %dma_start3A_2557 = arith.constant 0 : i32
      %dma_start3A_2558 = arith.constant 0 : i32
      %dma_start3A_2559 = tpu.memref_slice %arg6[%dma_start3A_2556, %dma_start3A_2557, %dma_start3A_2558] : memref<32x26x32xf32, #tpu.memory_space<vmem>> -> memref<1x26x32xf32, #tpu.memory_space<vmem>>
      %dma_start3A_2560 = tpu.memref_squeeze %dma_start3A_2559 : memref<1x26x32xf32, #tpu.memory_space<vmem>> -> memref<26x32xf32, #tpu.memory_space<vmem>>
      %dma_start3A_2561 = arith.constant 0 : i32
      %dma_start3A_2562 = tpu.memref_slice %arg5[%add3A_2555, %dma_start3A_2561] : memref<512x26xi32, #tpu.memory_space<vmem>> -> memref<1x26xi32, #tpu.memory_space<vmem>>
      %dma_start3A_2563 = tpu.memref_squeeze %dma_start3A_2562 : memref<1x26xi32, #tpu.memory_space<vmem>> -> memref<26xi32, #tpu.memory_space<vmem>>
      %dma_start3A_2564 = arith.constant 0 : i32
      %dma_start3A_2565 = arith.constant 0 : i32
      %dma_start3A_2566 = tpu.memref_slice %arg3[%dma_start3A_2564, %dma_start3A_2565] : memref<1000000x32xf32, #tpu.memory_space<hbm>> -> memref<1000000x32xf32, #tpu.memory_space<hbm>>
      tpu.enqueue_indirect_dma source(%dma_start3A_2566 : memref<1000000x32xf32, #tpu.memory_space<hbm>>) target(%dma_start3A_2560 : memref<26x32xf32, #tpu.memory_space<vmem>>) offsets(%dma_start3A_2563 : memref<26xi32, #tpu.memory_space<vmem>>) semaphore(%arg8 : memref<!tpu.dma_semaphore, #tpu.memory_space<semaphore_mem>>)
      %mul3A_2567 = arith.constant 32 : i32
      %mul3A_2568 = arith.muli %add3A_2371, %mul3A_2567 : i32
      %add3A_2569 = arith.constant 13 : i32
      %add3A_2570 = arith.addi %mul3A_2568, %add3A_2569 : i32
      %dma_start3A_2571 = arith.constant 13 : i32
      %dma_start3A_2572 = arith.constant 0 : i32
      %dma_start3A_2573 = arith.constant 0 : i32
      %dma_start3A_2574 = tpu.memref_slice %arg6[%dma_start3A_2571, %dma_start3A_2572, %dma_start3A_2573] : memref<32x26x32xf32, #tpu.memory_space<vmem>> -> memref<1x26x32xf32, #tpu.memory_space<vmem>>
      %dma_start3A_2575 = tpu.memref_squeeze %dma_start3A_2574 : memref<1x26x32xf32, #tpu.memory_space<vmem>> -> memref<26x32xf32, #tpu.memory_space<vmem>>
      %dma_start3A_2576 = arith.constant 0 : i32
      %dma_start3A_2577 = tpu.memref_slice %arg5[%add3A_2570, %dma_start3A_2576] : memref<512x26xi32, #tpu.memory_space<vmem>> -> memref<1x26xi32, #tpu.memory_space<vmem>>
      %dma_start3A_2578 = tpu.memref_squeeze %dma_start3A_2577 : memref<1x26xi32, #tpu.memory_space<vmem>> -> memref<26xi32, #tpu.memory_space<vmem>>
      %dma_start3A_2579 = arith.constant 0 : i32
      %dma_start3A_2580 = arith.constant 0 : i32
      %dma_start3A_2581 = tpu.memref_slice %arg3[%dma_start3A_2579, %dma_start3A_2580] : memref<1000000x32xf32, #tpu.memory_space<hbm>> -> memref<1000000x32xf32, #tpu.memory_space<hbm>>
      tpu.enqueue_indirect_dma source(%dma_start3A_2581 : memref<1000000x32xf32, #tpu.memory_space<hbm>>) target(%dma_start3A_2575 : memref<26x32xf32, #tpu.memory_space<vmem>>) offsets(%dma_start3A_2578 : memref<26xi32, #tpu.memory_space<vmem>>) semaphore(%arg8 : memref<!tpu.dma_semaphore, #tpu.memory_space<semaphore_mem>>)
      %mul3A_2582 = arith.constant 32 : i32
      %mul3A_2583 = arith.muli %add3A_2371, %mul3A_2582 : i32
      %add3A_2584 = arith.constant 14 : i32
      %add3A_2585 = arith.addi %mul3A_2583, %add3A_2584 : i32
      %dma_start3A_2586 = arith.constant 14 : i32
      %dma_start3A_2587 = arith.constant 0 : i32
      %dma_start3A_2588 = arith.constant 0 : i32
      %dma_start3A_2589 = tpu.memref_slice %arg6[%dma_start3A_2586, %dma_start3A_2587, %dma_start3A_2588] : memref<32x26x32xf32, #tpu.memory_space<vmem>> -> memref<1x26x32xf32, #tpu.memory_space<vmem>>
      %dma_start3A_2590 = tpu.memref_squeeze %dma_start3A_2589 : memref<1x26x32xf32, #tpu.memory_space<vmem>> -> memref<26x32xf32, #tpu.memory_space<vmem>>
      %dma_start3A_2591 = arith.constant 0 : i32
      %dma_start3A_2592 = tpu.memref_slice %arg5[%add3A_2585, %dma_start3A_2591] : memref<512x26xi32, #tpu.memory_space<vmem>> -> memref<1x26xi32, #tpu.memory_space<vmem>>
      %dma_start3A_2593 = tpu.memref_squeeze %dma_start3A_2592 : memref<1x26xi32, #tpu.memory_space<vmem>> -> memref<26xi32, #tpu.memory_space<vmem>>
      %dma_start3A_2594 = arith.constant 0 : i32
      %dma_start3A_2595 = arith.constant 0 : i32
      %dma_start3A_2596 = tpu.memref_slice %arg3[%dma_start3A_2594, %dma_start3A_2595] : memref<1000000x32xf32, #tpu.memory_space<hbm>> -> memref<1000000x32xf32, #tpu.memory_space<hbm>>
      tpu.enqueue_indirect_dma source(%dma_start3A_2596 : memref<1000000x32xf32, #tpu.memory_space<hbm>>) target(%dma_start3A_2590 : memref<26x32xf32, #tpu.memory_space<vmem>>) offsets(%dma_start3A_2593 : memref<26xi32, #tpu.memory_space<vmem>>) semaphore(%arg8 : memref<!tpu.dma_semaphore, #tpu.memory_space<semaphore_mem>>)
      %mul3A_2597 = arith.constant 32 : i32
      %mul3A_2598 = arith.muli %add3A_2371, %mul3A_2597 : i32
      %add3A_2599 = arith.constant 15 : i32
      %add3A_2600 = arith.addi %mul3A_2598, %add3A_2599 : i32
      %dma_start3A_2601 = arith.constant 15 : i32
      %dma_start3A_2602 = arith.constant 0 : i32
      %dma_start3A_2603 = arith.constant 0 : i32
      %dma_start3A_2604 = tpu.memref_slice %arg6[%dma_start3A_2601, %dma_start3A_2602, %dma_start3A_2603] : memref<32x26x32xf32, #tpu.memory_space<vmem>> -> memref<1x26x32xf32, #tpu.memory_space<vmem>>
      %dma_start3A_2605 = tpu.memref_squeeze %dma_start3A_2604 : memref<1x26x32xf32, #tpu.memory_space<vmem>> -> memref<26x32xf32, #tpu.memory_space<vmem>>
      %dma_start3A_2606 = arith.constant 0 : i32
      %dma_start3A_2607 = tpu.memref_slice %arg5[%add3A_2600, %dma_start3A_2606] : memref<512x26xi32, #tpu.memory_space<vmem>> -> memref<1x26xi32, #tpu.memory_space<vmem>>
      %dma_start3A_2608 = tpu.memref_squeeze %dma_start3A_2607 : memref<1x26xi32, #tpu.memory_space<vmem>> -> memref<26xi32, #tpu.memory_space<vmem>>
      %dma_start3A_2609 = arith.constant 0 : i32
      %dma_start3A_2610 = arith.constant 0 : i32
      %dma_start3A_2611 = tpu.memref_slice %arg3[%dma_start3A_2609, %dma_start3A_2610] : memref<1000000x32xf32, #tpu.memory_space<hbm>> -> memref<1000000x32xf32, #tpu.memory_space<hbm>>
      tpu.enqueue_indirect_dma source(%dma_start3A_2611 : memref<1000000x32xf32, #tpu.memory_space<hbm>>) target(%dma_start3A_2605 : memref<26x32xf32, #tpu.memory_space<vmem>>) offsets(%dma_start3A_2608 : memref<26xi32, #tpu.memory_space<vmem>>) semaphore(%arg8 : memref<!tpu.dma_semaphore, #tpu.memory_space<semaphore_mem>>)
      %mul3A_2612 = arith.constant 32 : i32
      %mul3A_2613 = arith.muli %add3A_2371, %mul3A_2612 : i32
      %add3A_2614 = arith.constant 16 : i32
      %add3A_2615 = arith.addi %mul3A_2613, %add3A_2614 : i32
      %dma_start3A_2616 = arith.constant 16 : i32
      %dma_start3A_2617 = arith.constant 0 : i32
      %dma_start3A_2618 = arith.constant 0 : i32
      %dma_start3A_2619 = tpu.memref_slice %arg6[%dma_start3A_2616, %dma_start3A_2617, %dma_start3A_2618] : memref<32x26x32xf32, #tpu.memory_space<vmem>> -> memref<1x26x32xf32, #tpu.memory_space<vmem>>
      %dma_start3A_2620 = tpu.memref_squeeze %dma_start3A_2619 : memref<1x26x32xf32, #tpu.memory_space<vmem>> -> memref<26x32xf32, #tpu.memory_space<vmem>>
      %dma_start3A_2621 = arith.constant 0 : i32
      %dma_start3A_2622 = tpu.memref_slice %arg5[%add3A_2615, %dma_start3A_2621] : memref<512x26xi32, #tpu.memory_space<vmem>> -> memref<1x26xi32, #tpu.memory_space<vmem>>
      %dma_start3A_2623 = tpu.memref_squeeze %dma_start3A_2622 : memref<1x26xi32, #tpu.memory_space<vmem>> -> memref<26xi32, #tpu.memory_space<vmem>>
      %dma_start3A_2624 = arith.constant 0 : i32
      %dma_start3A_2625 = arith.constant 0 : i32
      %dma_start3A_2626 = tpu.memref_slice %arg3[%dma_start3A_2624, %dma_start3A_2625] : memref<1000000x32xf32, #tpu.memory_space<hbm>> -> memref<1000000x32xf32, #tpu.memory_space<hbm>>
      tpu.enqueue_indirect_dma source(%dma_start3A_2626 : memref<1000000x32xf32, #tpu.memory_space<hbm>>) target(%dma_start3A_2620 : memref<26x32xf32, #tpu.memory_space<vmem>>) offsets(%dma_start3A_2623 : memref<26xi32, #tpu.memory_space<vmem>>) semaphore(%arg8 : memref<!tpu.dma_semaphore, #tpu.memory_space<semaphore_mem>>)
      %mul3A_2627 = arith.constant 32 : i32
      %mul3A_2628 = arith.muli %add3A_2371, %mul3A_2627 : i32
      %add3A_2629 = arith.constant 17 : i32
      %add3A_2630 = arith.addi %mul3A_2628, %add3A_2629 : i32
      %dma_start3A_2631 = arith.constant 17 : i32
      %dma_start3A_2632 = arith.constant 0 : i32
      %dma_start3A_2633 = arith.constant 0 : i32
      %dma_start3A_2634 = tpu.memref_slice %arg6[%dma_start3A_2631, %dma_start3A_2632, %dma_start3A_2633] : memref<32x26x32xf32, #tpu.memory_space<vmem>> -> memref<1x26x32xf32, #tpu.memory_space<vmem>>
      %dma_start3A_2635 = tpu.memref_squeeze %dma_start3A_2634 : memref<1x26x32xf32, #tpu.memory_space<vmem>> -> memref<26x32xf32, #tpu.memory_space<vmem>>
      %dma_start3A_2636 = arith.constant 0 : i32
      %dma_start3A_2637 = tpu.memref_slice %arg5[%add3A_2630, %dma_start3A_2636] : memref<512x26xi32, #tpu.memory_space<vmem>> -> memref<1x26xi32, #tpu.memory_space<vmem>>
      %dma_start3A_2638 = tpu.memref_squeeze %dma_start3A_2637 : memref<1x26xi32, #tpu.memory_space<vmem>> -> memref<26xi32, #tpu.memory_space<vmem>>
      %dma_start3A_2639 = arith.constant 0 : i32
      %dma_start3A_2640 = arith.constant 0 : i32
      %dma_start3A_2641 = tpu.memref_slice %arg3[%dma_start3A_2639, %dma_start3A_2640] : memref<1000000x32xf32, #tpu.memory_space<hbm>> -> memref<1000000x32xf32, #tpu.memory_space<hbm>>
      tpu.enqueue_indirect_dma source(%dma_start3A_2641 : memref<1000000x32xf32, #tpu.memory_space<hbm>>) target(%dma_start3A_2635 : memref<26x32xf32, #tpu.memory_space<vmem>>) offsets(%dma_start3A_2638 : memref<26xi32, #tpu.memory_space<vmem>>) semaphore(%arg8 : memref<!tpu.dma_semaphore, #tpu.memory_space<semaphore_mem>>)
      %mul3A_2642 = arith.constant 32 : i32
      %mul3A_2643 = arith.muli %add3A_2371, %mul3A_2642 : i32
      %add3A_2644 = arith.constant 18 : i32
      %add3A_2645 = arith.addi %mul3A_2643, %add3A_2644 : i32
      %dma_start3A_2646 = arith.constant 18 : i32
      %dma_start3A_2647 = arith.constant 0 : i32
      %dma_start3A_2648 = arith.constant 0 : i32
      %dma_start3A_2649 = tpu.memref_slice %arg6[%dma_start3A_2646, %dma_start3A_2647, %dma_start3A_2648] : memref<32x26x32xf32, #tpu.memory_space<vmem>> -> memref<1x26x32xf32, #tpu.memory_space<vmem>>
      %dma_start3A_2650 = tpu.memref_squeeze %dma_start3A_2649 : memref<1x26x32xf32, #tpu.memory_space<vmem>> -> memref<26x32xf32, #tpu.memory_space<vmem>>
      %dma_start3A_2651 = arith.constant 0 : i32
      %dma_start3A_2652 = tpu.memref_slice %arg5[%add3A_2645, %dma_start3A_2651] : memref<512x26xi32, #tpu.memory_space<vmem>> -> memref<1x26xi32, #tpu.memory_space<vmem>>
      %dma_start3A_2653 = tpu.memref_squeeze %dma_start3A_2652 : memref<1x26xi32, #tpu.memory_space<vmem>> -> memref<26xi32, #tpu.memory_space<vmem>>
      %dma_start3A_2654 = arith.constant 0 : i32
      %dma_start3A_2655 = arith.constant 0 : i32
      %dma_start3A_2656 = tpu.memref_slice %arg3[%dma_start3A_2654, %dma_start3A_2655] : memref<1000000x32xf32, #tpu.memory_space<hbm>> -> memref<1000000x32xf32, #tpu.memory_space<hbm>>
      tpu.enqueue_indirect_dma source(%dma_start3A_2656 : memref<1000000x32xf32, #tpu.memory_space<hbm>>) target(%dma_start3A_2650 : memref<26x32xf32, #tpu.memory_space<vmem>>) offsets(%dma_start3A_2653 : memref<26xi32, #tpu.memory_space<vmem>>) semaphore(%arg8 : memref<!tpu.dma_semaphore, #tpu.memory_space<semaphore_mem>>)
      %mul3A_2657 = arith.constant 32 : i32
      %mul3A_2658 = arith.muli %add3A_2371, %mul3A_2657 : i32
      %add3A_2659 = arith.constant 19 : i32
      %add3A_2660 = arith.addi %mul3A_2658, %add3A_2659 : i32
      %dma_start3A_2661 = arith.constant 19 : i32
      %dma_start3A_2662 = arith.constant 0 : i32
      %dma_start3A_2663 = arith.constant 0 : i32
      %dma_start3A_2664 = tpu.memref_slice %arg6[%dma_start3A_2661, %dma_start3A_2662, %dma_start3A_2663] : memref<32x26x32xf32, #tpu.memory_space<vmem>> -> memref<1x26x32xf32, #tpu.memory_space<vmem>>
      %dma_start3A_2665 = tpu.memref_squeeze %dma_start3A_2664 : memref<1x26x32xf32, #tpu.memory_space<vmem>> -> memref<26x32xf32, #tpu.memory_space<vmem>>
      %dma_start3A_2666 = arith.constant 0 : i32
      %dma_start3A_2667 = tpu.memref_slice %arg5[%add3A_2660, %dma_start3A_2666] : memref<512x26xi32, #tpu.memory_space<vmem>> -> memref<1x26xi32, #tpu.memory_space<vmem>>
      %dma_start3A_2668 = tpu.memref_squeeze %dma_start3A_2667 : memref<1x26xi32, #tpu.memory_space<vmem>> -> memref<26xi32, #tpu.memory_space<vmem>>
      %dma_start3A_2669 = arith.constant 0 : i32
      %dma_start3A_2670 = arith.constant 0 : i32
      %dma_start3A_2671 = tpu.memref_slice %arg3[%dma_start3A_2669, %dma_start3A_2670] : memref<1000000x32xf32, #tpu.memory_space<hbm>> -> memref<1000000x32xf32, #tpu.memory_space<hbm>>
      tpu.enqueue_indirect_dma source(%dma_start3A_2671 : memref<1000000x32xf32, #tpu.memory_space<hbm>>) target(%dma_start3A_2665 : memref<26x32xf32, #tpu.memory_space<vmem>>) offsets(%dma_start3A_2668 : memref<26xi32, #tpu.memory_space<vmem>>) semaphore(%arg8 : memref<!tpu.dma_semaphore, #tpu.memory_space<semaphore_mem>>)
      %mul3A_2672 = arith.constant 32 : i32
      %mul3A_2673 = arith.muli %add3A_2371, %mul3A_2672 : i32
      %add3A_2674 = arith.constant 20 : i32
      %add3A_2675 = arith.addi %mul3A_2673, %add3A_2674 : i32
      %dma_start3A_2676 = arith.constant 20 : i32
      %dma_start3A_2677 = arith.constant 0 : i32
      %dma_start3A_2678 = arith.constant 0 : i32
      %dma_start3A_2679 = tpu.memref_slice %arg6[%dma_start3A_2676, %dma_start3A_2677, %dma_start3A_2678] : memref<32x26x32xf32, #tpu.memory_space<vmem>> -> memref<1x26x32xf32, #tpu.memory_space<vmem>>
      %dma_start3A_2680 = tpu.memref_squeeze %dma_start3A_2679 : memref<1x26x32xf32, #tpu.memory_space<vmem>> -> memref<26x32xf32, #tpu.memory_space<vmem>>
      %dma_start3A_2681 = arith.constant 0 : i32
      %dma_start3A_2682 = tpu.memref_slice %arg5[%add3A_2675, %dma_start3A_2681] : memref<512x26xi32, #tpu.memory_space<vmem>> -> memref<1x26xi32, #tpu.memory_space<vmem>>
      %dma_start3A_2683 = tpu.memref_squeeze %dma_start3A_2682 : memref<1x26xi32, #tpu.memory_space<vmem>> -> memref<26xi32, #tpu.memory_space<vmem>>
      %dma_start3A_2684 = arith.constant 0 : i32
      %dma_start3A_2685 = arith.constant 0 : i32
      %dma_start3A_2686 = tpu.memref_slice %arg3[%dma_start3A_2684, %dma_start3A_2685] : memref<1000000x32xf32, #tpu.memory_space<hbm>> -> memref<1000000x32xf32, #tpu.memory_space<hbm>>
      tpu.enqueue_indirect_dma source(%dma_start3A_2686 : memref<1000000x32xf32, #tpu.memory_space<hbm>>) target(%dma_start3A_2680 : memref<26x32xf32, #tpu.memory_space<vmem>>) offsets(%dma_start3A_2683 : memref<26xi32, #tpu.memory_space<vmem>>) semaphore(%arg8 : memref<!tpu.dma_semaphore, #tpu.memory_space<semaphore_mem>>)
      %mul3A_2687 = arith.constant 32 : i32
      %mul3A_2688 = arith.muli %add3A_2371, %mul3A_2687 : i32
      %add3A_2689 = arith.constant 21 : i32
      %add3A_2690 = arith.addi %mul3A_2688, %add3A_2689 : i32
      %dma_start3A_2691 = arith.constant 21 : i32
      %dma_start3A_2692 = arith.constant 0 : i32
      %dma_start3A_2693 = arith.constant 0 : i32
      %dma_start3A_2694 = tpu.memref_slice %arg6[%dma_start3A_2691, %dma_start3A_2692, %dma_start3A_2693] : memref<32x26x32xf32, #tpu.memory_space<vmem>> -> memref<1x26x32xf32, #tpu.memory_space<vmem>>
      %dma_start3A_2695 = tpu.memref_squeeze %dma_start3A_2694 : memref<1x26x32xf32, #tpu.memory_space<vmem>> -> memref<26x32xf32, #tpu.memory_space<vmem>>
      %dma_start3A_2696 = arith.constant 0 : i32
      %dma_start3A_2697 = tpu.memref_slice %arg5[%add3A_2690, %dma_start3A_2696] : memref<512x26xi32, #tpu.memory_space<vmem>> -> memref<1x26xi32, #tpu.memory_space<vmem>>
      %dma_start3A_2698 = tpu.memref_squeeze %dma_start3A_2697 : memref<1x26xi32, #tpu.memory_space<vmem>> -> memref<26xi32, #tpu.memory_space<vmem>>
      %dma_start3A_2699 = arith.constant 0 : i32
      %dma_start3A_2700 = arith.constant 0 : i32
      %dma_start3A_2701 = tpu.memref_slice %arg3[%dma_start3A_2699, %dma_start3A_2700] : memref<1000000x32xf32, #tpu.memory_space<hbm>> -> memref<1000000x32xf32, #tpu.memory_space<hbm>>
      tpu.enqueue_indirect_dma source(%dma_start3A_2701 : memref<1000000x32xf32, #tpu.memory_space<hbm>>) target(%dma_start3A_2695 : memref<26x32xf32, #tpu.memory_space<vmem>>) offsets(%dma_start3A_2698 : memref<26xi32, #tpu.memory_space<vmem>>) semaphore(%arg8 : memref<!tpu.dma_semaphore, #tpu.memory_space<semaphore_mem>>)
      %mul3A_2702 = arith.constant 32 : i32
      %mul3A_2703 = arith.muli %add3A_2371, %mul3A_2702 : i32
      %add3A_2704 = arith.constant 22 : i32
      %add3A_2705 = arith.addi %mul3A_2703, %add3A_2704 : i32
      %dma_start3A_2706 = arith.constant 22 : i32
      %dma_start3A_2707 = arith.constant 0 : i32
      %dma_start3A_2708 = arith.constant 0 : i32
      %dma_start3A_2709 = tpu.memref_slice %arg6[%dma_start3A_2706, %dma_start3A_2707, %dma_start3A_2708] : memref<32x26x32xf32, #tpu.memory_space<vmem>> -> memref<1x26x32xf32, #tpu.memory_space<vmem>>
      %dma_start3A_2710 = tpu.memref_squeeze %dma_start3A_2709 : memref<1x26x32xf32, #tpu.memory_space<vmem>> -> memref<26x32xf32, #tpu.memory_space<vmem>>
      %dma_start3A_2711 = arith.constant 0 : i32
      %dma_start3A_2712 = tpu.memref_slice %arg5[%add3A_2705, %dma_start3A_2711] : memref<512x26xi32, #tpu.memory_space<vmem>> -> memref<1x26xi32, #tpu.memory_space<vmem>>
      %dma_start3A_2713 = tpu.memref_squeeze %dma_start3A_2712 : memref<1x26xi32, #tpu.memory_space<vmem>> -> memref<26xi32, #tpu.memory_space<vmem>>
      %dma_start3A_2714 = arith.constant 0 : i32
      %dma_start3A_2715 = arith.constant 0 : i32
      %dma_start3A_2716 = tpu.memref_slice %arg3[%dma_start3A_2714, %dma_start3A_2715] : memref<1000000x32xf32, #tpu.memory_space<hbm>> -> memref<1000000x32xf32, #tpu.memory_space<hbm>>
      tpu.enqueue_indirect_dma source(%dma_start3A_2716 : memref<1000000x32xf32, #tpu.memory_space<hbm>>) target(%dma_start3A_2710 : memref<26x32xf32, #tpu.memory_space<vmem>>) offsets(%dma_start3A_2713 : memref<26xi32, #tpu.memory_space<vmem>>) semaphore(%arg8 : memref<!tpu.dma_semaphore, #tpu.memory_space<semaphore_mem>>)
      %mul3A_2717 = arith.constant 32 : i32
      %mul3A_2718 = arith.muli %add3A_2371, %mul3A_2717 : i32
      %add3A_2719 = arith.constant 23 : i32
      %add3A_2720 = arith.addi %mul3A_2718, %add3A_2719 : i32
      %dma_start3A_2721 = arith.constant 23 : i32
      %dma_start3A_2722 = arith.constant 0 : i32
      %dma_start3A_2723 = arith.constant 0 : i32
      %dma_start3A_2724 = tpu.memref_slice %arg6[%dma_start3A_2721, %dma_start3A_2722, %dma_start3A_2723] : memref<32x26x32xf32, #tpu.memory_space<vmem>> -> memref<1x26x32xf32, #tpu.memory_space<vmem>>
      %dma_start3A_2725 = tpu.memref_squeeze %dma_start3A_2724 : memref<1x26x32xf32, #tpu.memory_space<vmem>> -> memref<26x32xf32, #tpu.memory_space<vmem>>
      %dma_start3A_2726 = arith.constant 0 : i32
      %dma_start3A_2727 = tpu.memref_slice %arg5[%add3A_2720, %dma_start3A_2726] : memref<512x26xi32, #tpu.memory_space<vmem>> -> memref<1x26xi32, #tpu.memory_space<vmem>>
      %dma_start3A_2728 = tpu.memref_squeeze %dma_start3A_2727 : memref<1x26xi32, #tpu.memory_space<vmem>> -> memref<26xi32, #tpu.memory_space<vmem>>
      %dma_start3A_2729 = arith.constant 0 : i32
      %dma_start3A_2730 = arith.constant 0 : i32
      %dma_start3A_2731 = tpu.memref_slice %arg3[%dma_start3A_2729, %dma_start3A_2730] : memref<1000000x32xf32, #tpu.memory_space<hbm>> -> memref<1000000x32xf32, #tpu.memory_space<hbm>>
      tpu.enqueue_indirect_dma source(%dma_start3A_2731 : memref<1000000x32xf32, #tpu.memory_space<hbm>>) target(%dma_start3A_2725 : memref<26x32xf32, #tpu.memory_space<vmem>>) offsets(%dma_start3A_2728 : memref<26xi32, #tpu.memory_space<vmem>>) semaphore(%arg8 : memref<!tpu.dma_semaphore, #tpu.memory_space<semaphore_mem>>)
      %mul3A_2732 = arith.constant 32 : i32
      %mul3A_2733 = arith.muli %add3A_2371, %mul3A_2732 : i32
      %add3A_2734 = arith.constant 24 : i32
      %add3A_2735 = arith.addi %mul3A_2733, %add3A_2734 : i32
      %dma_start3A_2736 = arith.constant 24 : i32
      %dma_start3A_2737 = arith.constant 0 : i32
      %dma_start3A_2738 = arith.constant 0 : i32
      %dma_start3A_2739 = tpu.memref_slice %arg6[%dma_start3A_2736, %dma_start3A_2737, %dma_start3A_2738] : memref<32x26x32xf32, #tpu.memory_space<vmem>> -> memref<1x26x32xf32, #tpu.memory_space<vmem>>
      %dma_start3A_2740 = tpu.memref_squeeze %dma_start3A_2739 : memref<1x26x32xf32, #tpu.memory_space<vmem>> -> memref<26x32xf32, #tpu.memory_space<vmem>>
      %dma_start3A_2741 = arith.constant 0 : i32
      %dma_start3A_2742 = tpu.memref_slice %arg5[%add3A_2735, %dma_start3A_2741] : memref<512x26xi32, #tpu.memory_space<vmem>> -> memref<1x26xi32, #tpu.memory_space<vmem>>
      %dma_start3A_2743 = tpu.memref_squeeze %dma_start3A_2742 : memref<1x26xi32, #tpu.memory_space<vmem>> -> memref<26xi32, #tpu.memory_space<vmem>>
      %dma_start3A_2744 = arith.constant 0 : i32
      %dma_start3A_2745 = arith.constant 0 : i32
      %dma_start3A_2746 = tpu.memref_slice %arg3[%dma_start3A_2744, %dma_start3A_2745] : memref<1000000x32xf32, #tpu.memory_space<hbm>> -> memref<1000000x32xf32, #tpu.memory_space<hbm>>
      tpu.enqueue_indirect_dma source(%dma_start3A_2746 : memref<1000000x32xf32, #tpu.memory_space<hbm>>) target(%dma_start3A_2740 : memref<26x32xf32, #tpu.memory_space<vmem>>) offsets(%dma_start3A_2743 : memref<26xi32, #tpu.memory_space<vmem>>) semaphore(%arg8 : memref<!tpu.dma_semaphore, #tpu.memory_space<semaphore_mem>>)
      %mul3A_2747 = arith.constant 32 : i32
      %mul3A_2748 = arith.muli %add3A_2371, %mul3A_2747 : i32
      %add3A_2749 = arith.constant 25 : i32
      %add3A_2750 = arith.addi %mul3A_2748, %add3A_2749 : i32
      %dma_start3A_2751 = arith.constant 25 : i32
      %dma_start3A_2752 = arith.constant 0 : i32
      %dma_start3A_2753 = arith.constant 0 : i32
      %dma_start3A_2754 = tpu.memref_slice %arg6[%dma_start3A_2751, %dma_start3A_2752, %dma_start3A_2753] : memref<32x26x32xf32, #tpu.memory_space<vmem>> -> memref<1x26x32xf32, #tpu.memory_space<vmem>>
      %dma_start3A_2755 = tpu.memref_squeeze %dma_start3A_2754 : memref<1x26x32xf32, #tpu.memory_space<vmem>> -> memref<26x32xf32, #tpu.memory_space<vmem>>
      %dma_start3A_2756 = arith.constant 0 : i32
      %dma_start3A_2757 = tpu.memref_slice %arg5[%add3A_2750, %dma_start3A_2756] : memref<512x26xi32, #tpu.memory_space<vmem>> -> memref<1x26xi32, #tpu.memory_space<vmem>>
      %dma_start3A_2758 = tpu.memref_squeeze %dma_start3A_2757 : memref<1x26xi32, #tpu.memory_space<vmem>> -> memref<26xi32, #tpu.memory_space<vmem>>
      %dma_start3A_2759 = arith.constant 0 : i32
      %dma_start3A_2760 = arith.constant 0 : i32
      %dma_start3A_2761 = tpu.memref_slice %arg3[%dma_start3A_2759, %dma_start3A_2760] : memref<1000000x32xf32, #tpu.memory_space<hbm>> -> memref<1000000x32xf32, #tpu.memory_space<hbm>>
      tpu.enqueue_indirect_dma source(%dma_start3A_2761 : memref<1000000x32xf32, #tpu.memory_space<hbm>>) target(%dma_start3A_2755 : memref<26x32xf32, #tpu.memory_space<vmem>>) offsets(%dma_start3A_2758 : memref<26xi32, #tpu.memory_space<vmem>>) semaphore(%arg8 : memref<!tpu.dma_semaphore, #tpu.memory_space<semaphore_mem>>)
      %mul3A_2762 = arith.constant 32 : i32
      %mul3A_2763 = arith.muli %add3A_2371, %mul3A_2762 : i32
      %add3A_2764 = arith.constant 26 : i32
      %add3A_2765 = arith.addi %mul3A_2763, %add3A_2764 : i32
      %dma_start3A_2766 = arith.constant 26 : i32
      %dma_start3A_2767 = arith.constant 0 : i32
      %dma_start3A_2768 = arith.constant 0 : i32
      %dma_start3A_2769 = tpu.memref_slice %arg6[%dma_start3A_2766, %dma_start3A_2767, %dma_start3A_2768] : memref<32x26x32xf32, #tpu.memory_space<vmem>> -> memref<1x26x32xf32, #tpu.memory_space<vmem>>
      %dma_start3A_2770 = tpu.memref_squeeze %dma_start3A_2769 : memref<1x26x32xf32, #tpu.memory_space<vmem>> -> memref<26x32xf32, #tpu.memory_space<vmem>>
      %dma_start3A_2771 = arith.constant 0 : i32
      %dma_start3A_2772 = tpu.memref_slice %arg5[%add3A_2765, %dma_start3A_2771] : memref<512x26xi32, #tpu.memory_space<vmem>> -> memref<1x26xi32, #tpu.memory_space<vmem>>
      %dma_start3A_2773 = tpu.memref_squeeze %dma_start3A_2772 : memref<1x26xi32, #tpu.memory_space<vmem>> -> memref<26xi32, #tpu.memory_space<vmem>>
      %dma_start3A_2774 = arith.constant 0 : i32
      %dma_start3A_2775 = arith.constant 0 : i32
      %dma_start3A_2776 = tpu.memref_slice %arg3[%dma_start3A_2774, %dma_start3A_2775] : memref<1000000x32xf32, #tpu.memory_space<hbm>> -> memref<1000000x32xf32, #tpu.memory_space<hbm>>
      tpu.enqueue_indirect_dma source(%dma_start3A_2776 : memref<1000000x32xf32, #tpu.memory_space<hbm>>) target(%dma_start3A_2770 : memref<26x32xf32, #tpu.memory_space<vmem>>) offsets(%dma_start3A_2773 : memref<26xi32, #tpu.memory_space<vmem>>) semaphore(%arg8 : memref<!tpu.dma_semaphore, #tpu.memory_space<semaphore_mem>>)
      %mul3A_2777 = arith.constant 32 : i32
      %mul3A_2778 = arith.muli %add3A_2371, %mul3A_2777 : i32
      %add3A_2779 = arith.constant 27 : i32
      %add3A_2780 = arith.addi %mul3A_2778, %add3A_2779 : i32
      %dma_start3A_2781 = arith.constant 27 : i32
      %dma_start3A_2782 = arith.constant 0 : i32
      %dma_start3A_2783 = arith.constant 0 : i32
      %dma_start3A_2784 = tpu.memref_slice %arg6[%dma_start3A_2781, %dma_start3A_2782, %dma_start3A_2783] : memref<32x26x32xf32, #tpu.memory_space<vmem>> -> memref<1x26x32xf32, #tpu.memory_space<vmem>>
      %dma_start3A_2785 = tpu.memref_squeeze %dma_start3A_2784 : memref<1x26x32xf32, #tpu.memory_space<vmem>> -> memref<26x32xf32, #tpu.memory_space<vmem>>
      %dma_start3A_2786 = arith.constant 0 : i32
      %dma_start3A_2787 = tpu.memref_slice %arg5[%add3A_2780, %dma_start3A_2786] : memref<512x26xi32, #tpu.memory_space<vmem>> -> memref<1x26xi32, #tpu.memory_space<vmem>>
      %dma_start3A_2788 = tpu.memref_squeeze %dma_start3A_2787 : memref<1x26xi32, #tpu.memory_space<vmem>> -> memref<26xi32, #tpu.memory_space<vmem>>
      %dma_start3A_2789 = arith.constant 0 : i32
      %dma_start3A_2790 = arith.constant 0 : i32
      %dma_start3A_2791 = tpu.memref_slice %arg3[%dma_start3A_2789, %dma_start3A_2790] : memref<1000000x32xf32, #tpu.memory_space<hbm>> -> memref<1000000x32xf32, #tpu.memory_space<hbm>>
      tpu.enqueue_indirect_dma source(%dma_start3A_2791 : memref<1000000x32xf32, #tpu.memory_space<hbm>>) target(%dma_start3A_2785 : memref<26x32xf32, #tpu.memory_space<vmem>>) offsets(%dma_start3A_2788 : memref<26xi32, #tpu.memory_space<vmem>>) semaphore(%arg8 : memref<!tpu.dma_semaphore, #tpu.memory_space<semaphore_mem>>)
      %mul3A_2792 = arith.constant 32 : i32
      %mul3A_2793 = arith.muli %add3A_2371, %mul3A_2792 : i32
      %add3A_2794 = arith.constant 28 : i32
      %add3A_2795 = arith.addi %mul3A_2793, %add3A_2794 : i32
      %dma_start3A_2796 = arith.constant 28 : i32
      %dma_start3A_2797 = arith.constant 0 : i32
      %dma_start3A_2798 = arith.constant 0 : i32
      %dma_start3A_2799 = tpu.memref_slice %arg6[%dma_start3A_2796, %dma_start3A_2797, %dma_start3A_2798] : memref<32x26x32xf32, #tpu.memory_space<vmem>> -> memref<1x26x32xf32, #tpu.memory_space<vmem>>
      %dma_start3A_2800 = tpu.memref_squeeze %dma_start3A_2799 : memref<1x26x32xf32, #tpu.memory_space<vmem>> -> memref<26x32xf32, #tpu.memory_space<vmem>>
      %dma_start3A_2801 = arith.constant 0 : i32
      %dma_start3A_2802 = tpu.memref_slice %arg5[%add3A_2795, %dma_start3A_2801] : memref<512x26xi32, #tpu.memory_space<vmem>> -> memref<1x26xi32, #tpu.memory_space<vmem>>
      %dma_start3A_2803 = tpu.memref_squeeze %dma_start3A_2802 : memref<1x26xi32, #tpu.memory_space<vmem>> -> memref<26xi32, #tpu.memory_space<vmem>>
      %dma_start3A_2804 = arith.constant 0 : i32
      %dma_start3A_2805 = arith.constant 0 : i32
      %dma_start3A_2806 = tpu.memref_slice %arg3[%dma_start3A_2804, %dma_start3A_2805] : memref<1000000x32xf32, #tpu.memory_space<hbm>> -> memref<1000000x32xf32, #tpu.memory_space<hbm>>
      tpu.enqueue_indirect_dma source(%dma_start3A_2806 : memref<1000000x32xf32, #tpu.memory_space<hbm>>) target(%dma_start3A_2800 : memref<26x32xf32, #tpu.memory_space<vmem>>) offsets(%dma_start3A_2803 : memref<26xi32, #tpu.memory_space<vmem>>) semaphore(%arg8 : memref<!tpu.dma_semaphore, #tpu.memory_space<semaphore_mem>>)
      %mul3A_2807 = arith.constant 32 : i32
      %mul3A_2808 = arith.muli %add3A_2371, %mul3A_2807 : i32
      %add3A_2809 = arith.constant 29 : i32
      %add3A_2810 = arith.addi %mul3A_2808, %add3A_2809 : i32
      %dma_start3A_2811 = arith.constant 29 : i32
      %dma_start3A_2812 = arith.constant 0 : i32
      %dma_start3A_2813 = arith.constant 0 : i32
      %dma_start3A_2814 = tpu.memref_slice %arg6[%dma_start3A_2811, %dma_start3A_2812, %dma_start3A_2813] : memref<32x26x32xf32, #tpu.memory_space<vmem>> -> memref<1x26x32xf32, #tpu.memory_space<vmem>>
      %dma_start3A_2815 = tpu.memref_squeeze %dma_start3A_2814 : memref<1x26x32xf32, #tpu.memory_space<vmem>> -> memref<26x32xf32, #tpu.memory_space<vmem>>
      %dma_start3A_2816 = arith.constant 0 : i32
      %dma_start3A_2817 = tpu.memref_slice %arg5[%add3A_2810, %dma_start3A_2816] : memref<512x26xi32, #tpu.memory_space<vmem>> -> memref<1x26xi32, #tpu.memory_space<vmem>>
      %dma_start3A_2818 = tpu.memref_squeeze %dma_start3A_2817 : memref<1x26xi32, #tpu.memory_space<vmem>> -> memref<26xi32, #tpu.memory_space<vmem>>
      %dma_start3A_2819 = arith.constant 0 : i32
      %dma_start3A_2820 = arith.constant 0 : i32
      %dma_start3A_2821 = tpu.memref_slice %arg3[%dma_start3A_2819, %dma_start3A_2820] : memref<1000000x32xf32, #tpu.memory_space<hbm>> -> memref<1000000x32xf32, #tpu.memory_space<hbm>>
      tpu.enqueue_indirect_dma source(%dma_start3A_2821 : memref<1000000x32xf32, #tpu.memory_space<hbm>>) target(%dma_start3A_2815 : memref<26x32xf32, #tpu.memory_space<vmem>>) offsets(%dma_start3A_2818 : memref<26xi32, #tpu.memory_space<vmem>>) semaphore(%arg8 : memref<!tpu.dma_semaphore, #tpu.memory_space<semaphore_mem>>)
      %mul3A_2822 = arith.constant 32 : i32
      %mul3A_2823 = arith.muli %add3A_2371, %mul3A_2822 : i32
      %add3A_2824 = arith.constant 30 : i32
      %add3A_2825 = arith.addi %mul3A_2823, %add3A_2824 : i32
      %dma_start3A_2826 = arith.constant 30 : i32
      %dma_start3A_2827 = arith.constant 0 : i32
      %dma_start3A_2828 = arith.constant 0 : i32
      %dma_start3A_2829 = tpu.memref_slice %arg6[%dma_start3A_2826, %dma_start3A_2827, %dma_start3A_2828] : memref<32x26x32xf32, #tpu.memory_space<vmem>> -> memref<1x26x32xf32, #tpu.memory_space<vmem>>
      %dma_start3A_2830 = tpu.memref_squeeze %dma_start3A_2829 : memref<1x26x32xf32, #tpu.memory_space<vmem>> -> memref<26x32xf32, #tpu.memory_space<vmem>>
      %dma_start3A_2831 = arith.constant 0 : i32
      %dma_start3A_2832 = tpu.memref_slice %arg5[%add3A_2825, %dma_start3A_2831] : memref<512x26xi32, #tpu.memory_space<vmem>> -> memref<1x26xi32, #tpu.memory_space<vmem>>
      %dma_start3A_2833 = tpu.memref_squeeze %dma_start3A_2832 : memref<1x26xi32, #tpu.memory_space<vmem>> -> memref<26xi32, #tpu.memory_space<vmem>>
      %dma_start3A_2834 = arith.constant 0 : i32
      %dma_start3A_2835 = arith.constant 0 : i32
      %dma_start3A_2836 = tpu.memref_slice %arg3[%dma_start3A_2834, %dma_start3A_2835] : memref<1000000x32xf32, #tpu.memory_space<hbm>> -> memref<1000000x32xf32, #tpu.memory_space<hbm>>
      tpu.enqueue_indirect_dma source(%dma_start3A_2836 : memref<1000000x32xf32, #tpu.memory_space<hbm>>) target(%dma_start3A_2830 : memref<26x32xf32, #tpu.memory_space<vmem>>) offsets(%dma_start3A_2833 : memref<26xi32, #tpu.memory_space<vmem>>) semaphore(%arg8 : memref<!tpu.dma_semaphore, #tpu.memory_space<semaphore_mem>>)
      %mul3A_2837 = arith.constant 32 : i32
      %mul3A_2838 = arith.muli %add3A_2371, %mul3A_2837 : i32
      %add3A_2839 = arith.constant 31 : i32
      %add3A_2840 = arith.addi %mul3A_2838, %add3A_2839 : i32
      %dma_start3A_2841 = arith.constant 31 : i32
      %dma_start3A_2842 = arith.constant 0 : i32
      %dma_start3A_2843 = arith.constant 0 : i32
      %dma_start3A_2844 = tpu.memref_slice %arg6[%dma_start3A_2841, %dma_start3A_2842, %dma_start3A_2843] : memref<32x26x32xf32, #tpu.memory_space<vmem>> -> memref<1x26x32xf32, #tpu.memory_space<vmem>>
      %dma_start3A_2845 = tpu.memref_squeeze %dma_start3A_2844 : memref<1x26x32xf32, #tpu.memory_space<vmem>> -> memref<26x32xf32, #tpu.memory_space<vmem>>
      %dma_start3A_2846 = arith.constant 0 : i32
      %dma_start3A_2847 = tpu.memref_slice %arg5[%add3A_2840, %dma_start3A_2846] : memref<512x26xi32, #tpu.memory_space<vmem>> -> memref<1x26xi32, #tpu.memory_space<vmem>>
      %dma_start3A_2848 = tpu.memref_squeeze %dma_start3A_2847 : memref<1x26xi32, #tpu.memory_space<vmem>> -> memref<26xi32, #tpu.memory_space<vmem>>
      %dma_start3A_2849 = arith.constant 0 : i32
      %dma_start3A_2850 = arith.constant 0 : i32
      %dma_start3A_2851 = tpu.memref_slice %arg3[%dma_start3A_2849, %dma_start3A_2850] : memref<1000000x32xf32, #tpu.memory_space<hbm>> -> memref<1000000x32xf32, #tpu.memory_space<hbm>>
      tpu.enqueue_indirect_dma source(%dma_start3A_2851 : memref<1000000x32xf32, #tpu.memory_space<hbm>>) target(%dma_start3A_2845 : memref<26x32xf32, #tpu.memory_space<vmem>>) offsets(%dma_start3A_2848 : memref<26xi32, #tpu.memory_space<vmem>>) semaphore(%arg8 : memref<!tpu.dma_semaphore, #tpu.memory_space<semaphore_mem>>)
      %dma_wait3A_2852 = arith.constant 0 : i32
      %dma_wait3A_2853 = arith.constant 0 : i32
      %dma_wait3A_2854 = tpu.memref_slice %arg4[%mul3A_2, %dma_wait3A_2852, %dma_wait3A_2853] : memref<16384x26x32xf32, #tpu.memory_space<hbm>> -> memref<32x26x32xf32, #tpu.memory_space<hbm>>
      %dma_wait3A_2855 = arith.constant 0 : i32
      %dma_wait3A_2856 = arith.constant 0 : i32
      %dma_wait3A_2857 = tpu.memref_slice %arg4[%mul3A_2, %dma_wait3A_2855, %dma_wait3A_2856] : memref<16384x26x32xf32, #tpu.memory_space<hbm>> -> memref<32x26x32xf32, #tpu.memory_space<hbm>>
      tpu.wait_dma2 semaphore(%arg11 : memref<!tpu.dma_semaphore, #tpu.memory_space<semaphore_mem>>) src(%arg7 : memref<32x26x32xf32, #tpu.memory_space<vmem>>) dst(%dma_wait3A_2857 : memref<32x26x32xf32, #tpu.memory_space<hbm>>)
      %add3A_2858 = arith.constant 3 : i32
      %add3A_2859 = arith.addi %mul3A_1575, %add3A_2858 : i32
      %mul3A_2860 = arith.constant 32 : i32
      %mul3A_2861 = arith.muli %add3A_2859, %mul3A_2860 : i32
      %add3A_2862 = arith.constant 0 : i32
      %add3A_2863 = arith.addi %mul3A_2861, %add3A_2862 : i32
      %dma_start3A_2864 = arith.constant 0 : i32
      %dma_start3A_2865 = arith.constant 0 : i32
      %dma_start3A_2866 = arith.constant 0 : i32
      %dma_start3A_2867 = tpu.memref_slice %arg7[%dma_start3A_2864, %dma_start3A_2865, %dma_start3A_2866] : memref<32x26x32xf32, #tpu.memory_space<vmem>> -> memref<1x26x32xf32, #tpu.memory_space<vmem>>
      %dma_start3A_2868 = tpu.memref_squeeze %dma_start3A_2867 : memref<1x26x32xf32, #tpu.memory_space<vmem>> -> memref<26x32xf32, #tpu.memory_space<vmem>>
      %dma_start3A_2869 = arith.constant 0 : i32
      %dma_start3A_2870 = tpu.memref_slice %arg5[%add3A_2863, %dma_start3A_2869] : memref<512x26xi32, #tpu.memory_space<vmem>> -> memref<1x26xi32, #tpu.memory_space<vmem>>
      %dma_start3A_2871 = tpu.memref_squeeze %dma_start3A_2870 : memref<1x26xi32, #tpu.memory_space<vmem>> -> memref<26xi32, #tpu.memory_space<vmem>>
      %dma_start3A_2872 = arith.constant 0 : i32
      %dma_start3A_2873 = arith.constant 0 : i32
      %dma_start3A_2874 = tpu.memref_slice %arg3[%dma_start3A_2872, %dma_start3A_2873] : memref<1000000x32xf32, #tpu.memory_space<hbm>> -> memref<1000000x32xf32, #tpu.memory_space<hbm>>
      tpu.enqueue_indirect_dma source(%dma_start3A_2874 : memref<1000000x32xf32, #tpu.memory_space<hbm>>) target(%dma_start3A_2868 : memref<26x32xf32, #tpu.memory_space<vmem>>) offsets(%dma_start3A_2871 : memref<26xi32, #tpu.memory_space<vmem>>) semaphore(%arg9 : memref<!tpu.dma_semaphore, #tpu.memory_space<semaphore_mem>>)
      %mul3A_2875 = arith.constant 32 : i32
      %mul3A_2876 = arith.muli %add3A_2859, %mul3A_2875 : i32
      %add3A_2877 = arith.constant 1 : i32
      %add3A_2878 = arith.addi %mul3A_2876, %add3A_2877 : i32
      %dma_start3A_2879 = arith.constant 1 : i32
      %dma_start3A_2880 = arith.constant 0 : i32
      %dma_start3A_2881 = arith.constant 0 : i32
      %dma_start3A_2882 = tpu.memref_slice %arg7[%dma_start3A_2879, %dma_start3A_2880, %dma_start3A_2881] : memref<32x26x32xf32, #tpu.memory_space<vmem>> -> memref<1x26x32xf32, #tpu.memory_space<vmem>>
      %dma_start3A_2883 = tpu.memref_squeeze %dma_start3A_2882 : memref<1x26x32xf32, #tpu.memory_space<vmem>> -> memref<26x32xf32, #tpu.memory_space<vmem>>
      %dma_start3A_2884 = arith.constant 0 : i32
      %dma_start3A_2885 = tpu.memref_slice %arg5[%add3A_2878, %dma_start3A_2884] : memref<512x26xi32, #tpu.memory_space<vmem>> -> memref<1x26xi32, #tpu.memory_space<vmem>>
      %dma_start3A_2886 = tpu.memref_squeeze %dma_start3A_2885 : memref<1x26xi32, #tpu.memory_space<vmem>> -> memref<26xi32, #tpu.memory_space<vmem>>
      %dma_start3A_2887 = arith.constant 0 : i32
      %dma_start3A_2888 = arith.constant 0 : i32
      %dma_start3A_2889 = tpu.memref_slice %arg3[%dma_start3A_2887, %dma_start3A_2888] : memref<1000000x32xf32, #tpu.memory_space<hbm>> -> memref<1000000x32xf32, #tpu.memory_space<hbm>>
      tpu.enqueue_indirect_dma source(%dma_start3A_2889 : memref<1000000x32xf32, #tpu.memory_space<hbm>>) target(%dma_start3A_2883 : memref<26x32xf32, #tpu.memory_space<vmem>>) offsets(%dma_start3A_2886 : memref<26xi32, #tpu.memory_space<vmem>>) semaphore(%arg9 : memref<!tpu.dma_semaphore, #tpu.memory_space<semaphore_mem>>)
      %mul3A_2890 = arith.constant 32 : i32
      %mul3A_2891 = arith.muli %add3A_2859, %mul3A_2890 : i32
      %add3A_2892 = arith.constant 2 : i32
      %add3A_2893 = arith.addi %mul3A_2891, %add3A_2892 : i32
      %dma_start3A_2894 = arith.constant 2 : i32
      %dma_start3A_2895 = arith.constant 0 : i32
      %dma_start3A_2896 = arith.constant 0 : i32
      %dma_start3A_2897 = tpu.memref_slice %arg7[%dma_start3A_2894, %dma_start3A_2895, %dma_start3A_2896] : memref<32x26x32xf32, #tpu.memory_space<vmem>> -> memref<1x26x32xf32, #tpu.memory_space<vmem>>
      %dma_start3A_2898 = tpu.memref_squeeze %dma_start3A_2897 : memref<1x26x32xf32, #tpu.memory_space<vmem>> -> memref<26x32xf32, #tpu.memory_space<vmem>>
      %dma_start3A_2899 = arith.constant 0 : i32
      %dma_start3A_2900 = tpu.memref_slice %arg5[%add3A_2893, %dma_start3A_2899] : memref<512x26xi32, #tpu.memory_space<vmem>> -> memref<1x26xi32, #tpu.memory_space<vmem>>
      %dma_start3A_2901 = tpu.memref_squeeze %dma_start3A_2900 : memref<1x26xi32, #tpu.memory_space<vmem>> -> memref<26xi32, #tpu.memory_space<vmem>>
      %dma_start3A_2902 = arith.constant 0 : i32
      %dma_start3A_2903 = arith.constant 0 : i32
      %dma_start3A_2904 = tpu.memref_slice %arg3[%dma_start3A_2902, %dma_start3A_2903] : memref<1000000x32xf32, #tpu.memory_space<hbm>> -> memref<1000000x32xf32, #tpu.memory_space<hbm>>
      tpu.enqueue_indirect_dma source(%dma_start3A_2904 : memref<1000000x32xf32, #tpu.memory_space<hbm>>) target(%dma_start3A_2898 : memref<26x32xf32, #tpu.memory_space<vmem>>) offsets(%dma_start3A_2901 : memref<26xi32, #tpu.memory_space<vmem>>) semaphore(%arg9 : memref<!tpu.dma_semaphore, #tpu.memory_space<semaphore_mem>>)
      %mul3A_2905 = arith.constant 32 : i32
      %mul3A_2906 = arith.muli %add3A_2859, %mul3A_2905 : i32
      %add3A_2907 = arith.constant 3 : i32
      %add3A_2908 = arith.addi %mul3A_2906, %add3A_2907 : i32
      %dma_start3A_2909 = arith.constant 3 : i32
      %dma_start3A_2910 = arith.constant 0 : i32
      %dma_start3A_2911 = arith.constant 0 : i32
      %dma_start3A_2912 = tpu.memref_slice %arg7[%dma_start3A_2909, %dma_start3A_2910, %dma_start3A_2911] : memref<32x26x32xf32, #tpu.memory_space<vmem>> -> memref<1x26x32xf32, #tpu.memory_space<vmem>>
      %dma_start3A_2913 = tpu.memref_squeeze %dma_start3A_2912 : memref<1x26x32xf32, #tpu.memory_space<vmem>> -> memref<26x32xf32, #tpu.memory_space<vmem>>
      %dma_start3A_2914 = arith.constant 0 : i32
      %dma_start3A_2915 = tpu.memref_slice %arg5[%add3A_2908, %dma_start3A_2914] : memref<512x26xi32, #tpu.memory_space<vmem>> -> memref<1x26xi32, #tpu.memory_space<vmem>>
      %dma_start3A_2916 = tpu.memref_squeeze %dma_start3A_2915 : memref<1x26xi32, #tpu.memory_space<vmem>> -> memref<26xi32, #tpu.memory_space<vmem>>
      %dma_start3A_2917 = arith.constant 0 : i32
      %dma_start3A_2918 = arith.constant 0 : i32
      %dma_start3A_2919 = tpu.memref_slice %arg3[%dma_start3A_2917, %dma_start3A_2918] : memref<1000000x32xf32, #tpu.memory_space<hbm>> -> memref<1000000x32xf32, #tpu.memory_space<hbm>>
      tpu.enqueue_indirect_dma source(%dma_start3A_2919 : memref<1000000x32xf32, #tpu.memory_space<hbm>>) target(%dma_start3A_2913 : memref<26x32xf32, #tpu.memory_space<vmem>>) offsets(%dma_start3A_2916 : memref<26xi32, #tpu.memory_space<vmem>>) semaphore(%arg9 : memref<!tpu.dma_semaphore, #tpu.memory_space<semaphore_mem>>)
      %mul3A_2920 = arith.constant 32 : i32
      %mul3A_2921 = arith.muli %add3A_2859, %mul3A_2920 : i32
      %add3A_2922 = arith.constant 4 : i32
      %add3A_2923 = arith.addi %mul3A_2921, %add3A_2922 : i32
      %dma_start3A_2924 = arith.constant 4 : i32
      %dma_start3A_2925 = arith.constant 0 : i32
      %dma_start3A_2926 = arith.constant 0 : i32
      %dma_start3A_2927 = tpu.memref_slice %arg7[%dma_start3A_2924, %dma_start3A_2925, %dma_start3A_2926] : memref<32x26x32xf32, #tpu.memory_space<vmem>> -> memref<1x26x32xf32, #tpu.memory_space<vmem>>
      %dma_start3A_2928 = tpu.memref_squeeze %dma_start3A_2927 : memref<1x26x32xf32, #tpu.memory_space<vmem>> -> memref<26x32xf32, #tpu.memory_space<vmem>>
      %dma_start3A_2929 = arith.constant 0 : i32
      %dma_start3A_2930 = tpu.memref_slice %arg5[%add3A_2923, %dma_start3A_2929] : memref<512x26xi32, #tpu.memory_space<vmem>> -> memref<1x26xi32, #tpu.memory_space<vmem>>
      %dma_start3A_2931 = tpu.memref_squeeze %dma_start3A_2930 : memref<1x26xi32, #tpu.memory_space<vmem>> -> memref<26xi32, #tpu.memory_space<vmem>>
      %dma_start3A_2932 = arith.constant 0 : i32
      %dma_start3A_2933 = arith.constant 0 : i32
      %dma_start3A_2934 = tpu.memref_slice %arg3[%dma_start3A_2932, %dma_start3A_2933] : memref<1000000x32xf32, #tpu.memory_space<hbm>> -> memref<1000000x32xf32, #tpu.memory_space<hbm>>
      tpu.enqueue_indirect_dma source(%dma_start3A_2934 : memref<1000000x32xf32, #tpu.memory_space<hbm>>) target(%dma_start3A_2928 : memref<26x32xf32, #tpu.memory_space<vmem>>) offsets(%dma_start3A_2931 : memref<26xi32, #tpu.memory_space<vmem>>) semaphore(%arg9 : memref<!tpu.dma_semaphore, #tpu.memory_space<semaphore_mem>>)
      %mul3A_2935 = arith.constant 32 : i32
      %mul3A_2936 = arith.muli %add3A_2859, %mul3A_2935 : i32
      %add3A_2937 = arith.constant 5 : i32
      %add3A_2938 = arith.addi %mul3A_2936, %add3A_2937 : i32
      %dma_start3A_2939 = arith.constant 5 : i32
      %dma_start3A_2940 = arith.constant 0 : i32
      %dma_start3A_2941 = arith.constant 0 : i32
      %dma_start3A_2942 = tpu.memref_slice %arg7[%dma_start3A_2939, %dma_start3A_2940, %dma_start3A_2941] : memref<32x26x32xf32, #tpu.memory_space<vmem>> -> memref<1x26x32xf32, #tpu.memory_space<vmem>>
      %dma_start3A_2943 = tpu.memref_squeeze %dma_start3A_2942 : memref<1x26x32xf32, #tpu.memory_space<vmem>> -> memref<26x32xf32, #tpu.memory_space<vmem>>
      %dma_start3A_2944 = arith.constant 0 : i32
      %dma_start3A_2945 = tpu.memref_slice %arg5[%add3A_2938, %dma_start3A_2944] : memref<512x26xi32, #tpu.memory_space<vmem>> -> memref<1x26xi32, #tpu.memory_space<vmem>>
      %dma_start3A_2946 = tpu.memref_squeeze %dma_start3A_2945 : memref<1x26xi32, #tpu.memory_space<vmem>> -> memref<26xi32, #tpu.memory_space<vmem>>
      %dma_start3A_2947 = arith.constant 0 : i32
      %dma_start3A_2948 = arith.constant 0 : i32
      %dma_start3A_2949 = tpu.memref_slice %arg3[%dma_start3A_2947, %dma_start3A_2948] : memref<1000000x32xf32, #tpu.memory_space<hbm>> -> memref<1000000x32xf32, #tpu.memory_space<hbm>>
      tpu.enqueue_indirect_dma source(%dma_start3A_2949 : memref<1000000x32xf32, #tpu.memory_space<hbm>>) target(%dma_start3A_2943 : memref<26x32xf32, #tpu.memory_space<vmem>>) offsets(%dma_start3A_2946 : memref<26xi32, #tpu.memory_space<vmem>>) semaphore(%arg9 : memref<!tpu.dma_semaphore, #tpu.memory_space<semaphore_mem>>)
      %mul3A_2950 = arith.constant 32 : i32
      %mul3A_2951 = arith.muli %add3A_2859, %mul3A_2950 : i32
      %add3A_2952 = arith.constant 6 : i32
      %add3A_2953 = arith.addi %mul3A_2951, %add3A_2952 : i32
      %dma_start3A_2954 = arith.constant 6 : i32
      %dma_start3A_2955 = arith.constant 0 : i32
      %dma_start3A_2956 = arith.constant 0 : i32
      %dma_start3A_2957 = tpu.memref_slice %arg7[%dma_start3A_2954, %dma_start3A_2955, %dma_start3A_2956] : memref<32x26x32xf32, #tpu.memory_space<vmem>> -> memref<1x26x32xf32, #tpu.memory_space<vmem>>
      %dma_start3A_2958 = tpu.memref_squeeze %dma_start3A_2957 : memref<1x26x32xf32, #tpu.memory_space<vmem>> -> memref<26x32xf32, #tpu.memory_space<vmem>>
      %dma_start3A_2959 = arith.constant 0 : i32
      %dma_start3A_2960 = tpu.memref_slice %arg5[%add3A_2953, %dma_start3A_2959] : memref<512x26xi32, #tpu.memory_space<vmem>> -> memref<1x26xi32, #tpu.memory_space<vmem>>
      %dma_start3A_2961 = tpu.memref_squeeze %dma_start3A_2960 : memref<1x26xi32, #tpu.memory_space<vmem>> -> memref<26xi32, #tpu.memory_space<vmem>>
      %dma_start3A_2962 = arith.constant 0 : i32
      %dma_start3A_2963 = arith.constant 0 : i32
      %dma_start3A_2964 = tpu.memref_slice %arg3[%dma_start3A_2962, %dma_start3A_2963] : memref<1000000x32xf32, #tpu.memory_space<hbm>> -> memref<1000000x32xf32, #tpu.memory_space<hbm>>
      tpu.enqueue_indirect_dma source(%dma_start3A_2964 : memref<1000000x32xf32, #tpu.memory_space<hbm>>) target(%dma_start3A_2958 : memref<26x32xf32, #tpu.memory_space<vmem>>) offsets(%dma_start3A_2961 : memref<26xi32, #tpu.memory_space<vmem>>) semaphore(%arg9 : memref<!tpu.dma_semaphore, #tpu.memory_space<semaphore_mem>>)
      %mul3A_2965 = arith.constant 32 : i32
      %mul3A_2966 = arith.muli %add3A_2859, %mul3A_2965 : i32
      %add3A_2967 = arith.constant 7 : i32
      %add3A_2968 = arith.addi %mul3A_2966, %add3A_2967 : i32
      %dma_start3A_2969 = arith.constant 7 : i32
      %dma_start3A_2970 = arith.constant 0 : i32
      %dma_start3A_2971 = arith.constant 0 : i32
      %dma_start3A_2972 = tpu.memref_slice %arg7[%dma_start3A_2969, %dma_start3A_2970, %dma_start3A_2971] : memref<32x26x32xf32, #tpu.memory_space<vmem>> -> memref<1x26x32xf32, #tpu.memory_space<vmem>>
      %dma_start3A_2973 = tpu.memref_squeeze %dma_start3A_2972 : memref<1x26x32xf32, #tpu.memory_space<vmem>> -> memref<26x32xf32, #tpu.memory_space<vmem>>
      %dma_start3A_2974 = arith.constant 0 : i32
      %dma_start3A_2975 = tpu.memref_slice %arg5[%add3A_2968, %dma_start3A_2974] : memref<512x26xi32, #tpu.memory_space<vmem>> -> memref<1x26xi32, #tpu.memory_space<vmem>>
      %dma_start3A_2976 = tpu.memref_squeeze %dma_start3A_2975 : memref<1x26xi32, #tpu.memory_space<vmem>> -> memref<26xi32, #tpu.memory_space<vmem>>
      %dma_start3A_2977 = arith.constant 0 : i32
      %dma_start3A_2978 = arith.constant 0 : i32
      %dma_start3A_2979 = tpu.memref_slice %arg3[%dma_start3A_2977, %dma_start3A_2978] : memref<1000000x32xf32, #tpu.memory_space<hbm>> -> memref<1000000x32xf32, #tpu.memory_space<hbm>>
      tpu.enqueue_indirect_dma source(%dma_start3A_2979 : memref<1000000x32xf32, #tpu.memory_space<hbm>>) target(%dma_start3A_2973 : memref<26x32xf32, #tpu.memory_space<vmem>>) offsets(%dma_start3A_2976 : memref<26xi32, #tpu.memory_space<vmem>>) semaphore(%arg9 : memref<!tpu.dma_semaphore, #tpu.memory_space<semaphore_mem>>)
      %mul3A_2980 = arith.constant 32 : i32
      %mul3A_2981 = arith.muli %add3A_2859, %mul3A_2980 : i32
      %add3A_2982 = arith.constant 8 : i32
      %add3A_2983 = arith.addi %mul3A_2981, %add3A_2982 : i32
      %dma_start3A_2984 = arith.constant 8 : i32
      %dma_start3A_2985 = arith.constant 0 : i32
      %dma_start3A_2986 = arith.constant 0 : i32
      %dma_start3A_2987 = tpu.memref_slice %arg7[%dma_start3A_2984, %dma_start3A_2985, %dma_start3A_2986] : memref<32x26x32xf32, #tpu.memory_space<vmem>> -> memref<1x26x32xf32, #tpu.memory_space<vmem>>
      %dma_start3A_2988 = tpu.memref_squeeze %dma_start3A_2987 : memref<1x26x32xf32, #tpu.memory_space<vmem>> -> memref<26x32xf32, #tpu.memory_space<vmem>>
      %dma_start3A_2989 = arith.constant 0 : i32
      %dma_start3A_2990 = tpu.memref_slice %arg5[%add3A_2983, %dma_start3A_2989] : memref<512x26xi32, #tpu.memory_space<vmem>> -> memref<1x26xi32, #tpu.memory_space<vmem>>
      %dma_start3A_2991 = tpu.memref_squeeze %dma_start3A_2990 : memref<1x26xi32, #tpu.memory_space<vmem>> -> memref<26xi32, #tpu.memory_space<vmem>>
      %dma_start3A_2992 = arith.constant 0 : i32
      %dma_start3A_2993 = arith.constant 0 : i32
      %dma_start3A_2994 = tpu.memref_slice %arg3[%dma_start3A_2992, %dma_start3A_2993] : memref<1000000x32xf32, #tpu.memory_space<hbm>> -> memref<1000000x32xf32, #tpu.memory_space<hbm>>
      tpu.enqueue_indirect_dma source(%dma_start3A_2994 : memref<1000000x32xf32, #tpu.memory_space<hbm>>) target(%dma_start3A_2988 : memref<26x32xf32, #tpu.memory_space<vmem>>) offsets(%dma_start3A_2991 : memref<26xi32, #tpu.memory_space<vmem>>) semaphore(%arg9 : memref<!tpu.dma_semaphore, #tpu.memory_space<semaphore_mem>>)
      %mul3A_2995 = arith.constant 32 : i32
      %mul3A_2996 = arith.muli %add3A_2859, %mul3A_2995 : i32
      %add3A_2997 = arith.constant 9 : i32
      %add3A_2998 = arith.addi %mul3A_2996, %add3A_2997 : i32
      %dma_start3A_2999 = arith.constant 9 : i32
      %dma_start3A_3000 = arith.constant 0 : i32
      %dma_start3A_3001 = arith.constant 0 : i32
      %dma_start3A_3002 = tpu.memref_slice %arg7[%dma_start3A_2999, %dma_start3A_3000, %dma_start3A_3001] : memref<32x26x32xf32, #tpu.memory_space<vmem>> -> memref<1x26x32xf32, #tpu.memory_space<vmem>>
      %dma_start3A_3003 = tpu.memref_squeeze %dma_start3A_3002 : memref<1x26x32xf32, #tpu.memory_space<vmem>> -> memref<26x32xf32, #tpu.memory_space<vmem>>
      %dma_start3A_3004 = arith.constant 0 : i32
      %dma_start3A_3005 = tpu.memref_slice %arg5[%add3A_2998, %dma_start3A_3004] : memref<512x26xi32, #tpu.memory_space<vmem>> -> memref<1x26xi32, #tpu.memory_space<vmem>>
      %dma_start3A_3006 = tpu.memref_squeeze %dma_start3A_3005 : memref<1x26xi32, #tpu.memory_space<vmem>> -> memref<26xi32, #tpu.memory_space<vmem>>
      %dma_start3A_3007 = arith.constant 0 : i32
      %dma_start3A_3008 = arith.constant 0 : i32
      %dma_start3A_3009 = tpu.memref_slice %arg3[%dma_start3A_3007, %dma_start3A_3008] : memref<1000000x32xf32, #tpu.memory_space<hbm>> -> memref<1000000x32xf32, #tpu.memory_space<hbm>>
      tpu.enqueue_indirect_dma source(%dma_start3A_3009 : memref<1000000x32xf32, #tpu.memory_space<hbm>>) target(%dma_start3A_3003 : memref<26x32xf32, #tpu.memory_space<vmem>>) offsets(%dma_start3A_3006 : memref<26xi32, #tpu.memory_space<vmem>>) semaphore(%arg9 : memref<!tpu.dma_semaphore, #tpu.memory_space<semaphore_mem>>)
      %mul3A_3010 = arith.constant 32 : i32
      %mul3A_3011 = arith.muli %add3A_2859, %mul3A_3010 : i32
      %add3A_3012 = arith.constant 10 : i32
      %add3A_3013 = arith.addi %mul3A_3011, %add3A_3012 : i32
      %dma_start3A_3014 = arith.constant 10 : i32
      %dma_start3A_3015 = arith.constant 0 : i32
      %dma_start3A_3016 = arith.constant 0 : i32
      %dma_start3A_3017 = tpu.memref_slice %arg7[%dma_start3A_3014, %dma_start3A_3015, %dma_start3A_3016] : memref<32x26x32xf32, #tpu.memory_space<vmem>> -> memref<1x26x32xf32, #tpu.memory_space<vmem>>
      %dma_start3A_3018 = tpu.memref_squeeze %dma_start3A_3017 : memref<1x26x32xf32, #tpu.memory_space<vmem>> -> memref<26x32xf32, #tpu.memory_space<vmem>>
      %dma_start3A_3019 = arith.constant 0 : i32
      %dma_start3A_3020 = tpu.memref_slice %arg5[%add3A_3013, %dma_start3A_3019] : memref<512x26xi32, #tpu.memory_space<vmem>> -> memref<1x26xi32, #tpu.memory_space<vmem>>
      %dma_start3A_3021 = tpu.memref_squeeze %dma_start3A_3020 : memref<1x26xi32, #tpu.memory_space<vmem>> -> memref<26xi32, #tpu.memory_space<vmem>>
      %dma_start3A_3022 = arith.constant 0 : i32
      %dma_start3A_3023 = arith.constant 0 : i32
      %dma_start3A_3024 = tpu.memref_slice %arg3[%dma_start3A_3022, %dma_start3A_3023] : memref<1000000x32xf32, #tpu.memory_space<hbm>> -> memref<1000000x32xf32, #tpu.memory_space<hbm>>
      tpu.enqueue_indirect_dma source(%dma_start3A_3024 : memref<1000000x32xf32, #tpu.memory_space<hbm>>) target(%dma_start3A_3018 : memref<26x32xf32, #tpu.memory_space<vmem>>) offsets(%dma_start3A_3021 : memref<26xi32, #tpu.memory_space<vmem>>) semaphore(%arg9 : memref<!tpu.dma_semaphore, #tpu.memory_space<semaphore_mem>>)
      %mul3A_3025 = arith.constant 32 : i32
      %mul3A_3026 = arith.muli %add3A_2859, %mul3A_3025 : i32
      %add3A_3027 = arith.constant 11 : i32
      %add3A_3028 = arith.addi %mul3A_3026, %add3A_3027 : i32
      %dma_start3A_3029 = arith.constant 11 : i32
      %dma_start3A_3030 = arith.constant 0 : i32
      %dma_start3A_3031 = arith.constant 0 : i32
      %dma_start3A_3032 = tpu.memref_slice %arg7[%dma_start3A_3029, %dma_start3A_3030, %dma_start3A_3031] : memref<32x26x32xf32, #tpu.memory_space<vmem>> -> memref<1x26x32xf32, #tpu.memory_space<vmem>>
      %dma_start3A_3033 = tpu.memref_squeeze %dma_start3A_3032 : memref<1x26x32xf32, #tpu.memory_space<vmem>> -> memref<26x32xf32, #tpu.memory_space<vmem>>
      %dma_start3A_3034 = arith.constant 0 : i32
      %dma_start3A_3035 = tpu.memref_slice %arg5[%add3A_3028, %dma_start3A_3034] : memref<512x26xi32, #tpu.memory_space<vmem>> -> memref<1x26xi32, #tpu.memory_space<vmem>>
      %dma_start3A_3036 = tpu.memref_squeeze %dma_start3A_3035 : memref<1x26xi32, #tpu.memory_space<vmem>> -> memref<26xi32, #tpu.memory_space<vmem>>
      %dma_start3A_3037 = arith.constant 0 : i32
      %dma_start3A_3038 = arith.constant 0 : i32
      %dma_start3A_3039 = tpu.memref_slice %arg3[%dma_start3A_3037, %dma_start3A_3038] : memref<1000000x32xf32, #tpu.memory_space<hbm>> -> memref<1000000x32xf32, #tpu.memory_space<hbm>>
      tpu.enqueue_indirect_dma source(%dma_start3A_3039 : memref<1000000x32xf32, #tpu.memory_space<hbm>>) target(%dma_start3A_3033 : memref<26x32xf32, #tpu.memory_space<vmem>>) offsets(%dma_start3A_3036 : memref<26xi32, #tpu.memory_space<vmem>>) semaphore(%arg9 : memref<!tpu.dma_semaphore, #tpu.memory_space<semaphore_mem>>)
      %mul3A_3040 = arith.constant 32 : i32
      %mul3A_3041 = arith.muli %add3A_2859, %mul3A_3040 : i32
      %add3A_3042 = arith.constant 12 : i32
      %add3A_3043 = arith.addi %mul3A_3041, %add3A_3042 : i32
      %dma_start3A_3044 = arith.constant 12 : i32
      %dma_start3A_3045 = arith.constant 0 : i32
      %dma_start3A_3046 = arith.constant 0 : i32
      %dma_start3A_3047 = tpu.memref_slice %arg7[%dma_start3A_3044, %dma_start3A_3045, %dma_start3A_3046] : memref<32x26x32xf32, #tpu.memory_space<vmem>> -> memref<1x26x32xf32, #tpu.memory_space<vmem>>
      %dma_start3A_3048 = tpu.memref_squeeze %dma_start3A_3047 : memref<1x26x32xf32, #tpu.memory_space<vmem>> -> memref<26x32xf32, #tpu.memory_space<vmem>>
      %dma_start3A_3049 = arith.constant 0 : i32
      %dma_start3A_3050 = tpu.memref_slice %arg5[%add3A_3043, %dma_start3A_3049] : memref<512x26xi32, #tpu.memory_space<vmem>> -> memref<1x26xi32, #tpu.memory_space<vmem>>
      %dma_start3A_3051 = tpu.memref_squeeze %dma_start3A_3050 : memref<1x26xi32, #tpu.memory_space<vmem>> -> memref<26xi32, #tpu.memory_space<vmem>>
      %dma_start3A_3052 = arith.constant 0 : i32
      %dma_start3A_3053 = arith.constant 0 : i32
      %dma_start3A_3054 = tpu.memref_slice %arg3[%dma_start3A_3052, %dma_start3A_3053] : memref<1000000x32xf32, #tpu.memory_space<hbm>> -> memref<1000000x32xf32, #tpu.memory_space<hbm>>
      tpu.enqueue_indirect_dma source(%dma_start3A_3054 : memref<1000000x32xf32, #tpu.memory_space<hbm>>) target(%dma_start3A_3048 : memref<26x32xf32, #tpu.memory_space<vmem>>) offsets(%dma_start3A_3051 : memref<26xi32, #tpu.memory_space<vmem>>) semaphore(%arg9 : memref<!tpu.dma_semaphore, #tpu.memory_space<semaphore_mem>>)
      %mul3A_3055 = arith.constant 32 : i32
      %mul3A_3056 = arith.muli %add3A_2859, %mul3A_3055 : i32
      %add3A_3057 = arith.constant 13 : i32
      %add3A_3058 = arith.addi %mul3A_3056, %add3A_3057 : i32
      %dma_start3A_3059 = arith.constant 13 : i32
      %dma_start3A_3060 = arith.constant 0 : i32
      %dma_start3A_3061 = arith.constant 0 : i32
      %dma_start3A_3062 = tpu.memref_slice %arg7[%dma_start3A_3059, %dma_start3A_3060, %dma_start3A_3061] : memref<32x26x32xf32, #tpu.memory_space<vmem>> -> memref<1x26x32xf32, #tpu.memory_space<vmem>>
      %dma_start3A_3063 = tpu.memref_squeeze %dma_start3A_3062 : memref<1x26x32xf32, #tpu.memory_space<vmem>> -> memref<26x32xf32, #tpu.memory_space<vmem>>
      %dma_start3A_3064 = arith.constant 0 : i32
      %dma_start3A_3065 = tpu.memref_slice %arg5[%add3A_3058, %dma_start3A_3064] : memref<512x26xi32, #tpu.memory_space<vmem>> -> memref<1x26xi32, #tpu.memory_space<vmem>>
      %dma_start3A_3066 = tpu.memref_squeeze %dma_start3A_3065 : memref<1x26xi32, #tpu.memory_space<vmem>> -> memref<26xi32, #tpu.memory_space<vmem>>
      %dma_start3A_3067 = arith.constant 0 : i32
      %dma_start3A_3068 = arith.constant 0 : i32
      %dma_start3A_3069 = tpu.memref_slice %arg3[%dma_start3A_3067, %dma_start3A_3068] : memref<1000000x32xf32, #tpu.memory_space<hbm>> -> memref<1000000x32xf32, #tpu.memory_space<hbm>>
      tpu.enqueue_indirect_dma source(%dma_start3A_3069 : memref<1000000x32xf32, #tpu.memory_space<hbm>>) target(%dma_start3A_3063 : memref<26x32xf32, #tpu.memory_space<vmem>>) offsets(%dma_start3A_3066 : memref<26xi32, #tpu.memory_space<vmem>>) semaphore(%arg9 : memref<!tpu.dma_semaphore, #tpu.memory_space<semaphore_mem>>)
      %mul3A_3070 = arith.constant 32 : i32
      %mul3A_3071 = arith.muli %add3A_2859, %mul3A_3070 : i32
      %add3A_3072 = arith.constant 14 : i32
      %add3A_3073 = arith.addi %mul3A_3071, %add3A_3072 : i32
      %dma_start3A_3074 = arith.constant 14 : i32
      %dma_start3A_3075 = arith.constant 0 : i32
      %dma_start3A_3076 = arith.constant 0 : i32
      %dma_start3A_3077 = tpu.memref_slice %arg7[%dma_start3A_3074, %dma_start3A_3075, %dma_start3A_3076] : memref<32x26x32xf32, #tpu.memory_space<vmem>> -> memref<1x26x32xf32, #tpu.memory_space<vmem>>
      %dma_start3A_3078 = tpu.memref_squeeze %dma_start3A_3077 : memref<1x26x32xf32, #tpu.memory_space<vmem>> -> memref<26x32xf32, #tpu.memory_space<vmem>>
      %dma_start3A_3079 = arith.constant 0 : i32
      %dma_start3A_3080 = tpu.memref_slice %arg5[%add3A_3073, %dma_start3A_3079] : memref<512x26xi32, #tpu.memory_space<vmem>> -> memref<1x26xi32, #tpu.memory_space<vmem>>
      %dma_start3A_3081 = tpu.memref_squeeze %dma_start3A_3080 : memref<1x26xi32, #tpu.memory_space<vmem>> -> memref<26xi32, #tpu.memory_space<vmem>>
      %dma_start3A_3082 = arith.constant 0 : i32
      %dma_start3A_3083 = arith.constant 0 : i32
      %dma_start3A_3084 = tpu.memref_slice %arg3[%dma_start3A_3082, %dma_start3A_3083] : memref<1000000x32xf32, #tpu.memory_space<hbm>> -> memref<1000000x32xf32, #tpu.memory_space<hbm>>
      tpu.enqueue_indirect_dma source(%dma_start3A_3084 : memref<1000000x32xf32, #tpu.memory_space<hbm>>) target(%dma_start3A_3078 : memref<26x32xf32, #tpu.memory_space<vmem>>) offsets(%dma_start3A_3081 : memref<26xi32, #tpu.memory_space<vmem>>) semaphore(%arg9 : memref<!tpu.dma_semaphore, #tpu.memory_space<semaphore_mem>>)
      %mul3A_3085 = arith.constant 32 : i32
      %mul3A_3086 = arith.muli %add3A_2859, %mul3A_3085 : i32
      %add3A_3087 = arith.constant 15 : i32
      %add3A_3088 = arith.addi %mul3A_3086, %add3A_3087 : i32
      %dma_start3A_3089 = arith.constant 15 : i32
      %dma_start3A_3090 = arith.constant 0 : i32
      %dma_start3A_3091 = arith.constant 0 : i32
      %dma_start3A_3092 = tpu.memref_slice %arg7[%dma_start3A_3089, %dma_start3A_3090, %dma_start3A_3091] : memref<32x26x32xf32, #tpu.memory_space<vmem>> -> memref<1x26x32xf32, #tpu.memory_space<vmem>>
      %dma_start3A_3093 = tpu.memref_squeeze %dma_start3A_3092 : memref<1x26x32xf32, #tpu.memory_space<vmem>> -> memref<26x32xf32, #tpu.memory_space<vmem>>
      %dma_start3A_3094 = arith.constant 0 : i32
      %dma_start3A_3095 = tpu.memref_slice %arg5[%add3A_3088, %dma_start3A_3094] : memref<512x26xi32, #tpu.memory_space<vmem>> -> memref<1x26xi32, #tpu.memory_space<vmem>>
      %dma_start3A_3096 = tpu.memref_squeeze %dma_start3A_3095 : memref<1x26xi32, #tpu.memory_space<vmem>> -> memref<26xi32, #tpu.memory_space<vmem>>
      %dma_start3A_3097 = arith.constant 0 : i32
      %dma_start3A_3098 = arith.constant 0 : i32
      %dma_start3A_3099 = tpu.memref_slice %arg3[%dma_start3A_3097, %dma_start3A_3098] : memref<1000000x32xf32, #tpu.memory_space<hbm>> -> memref<1000000x32xf32, #tpu.memory_space<hbm>>
      tpu.enqueue_indirect_dma source(%dma_start3A_3099 : memref<1000000x32xf32, #tpu.memory_space<hbm>>) target(%dma_start3A_3093 : memref<26x32xf32, #tpu.memory_space<vmem>>) offsets(%dma_start3A_3096 : memref<26xi32, #tpu.memory_space<vmem>>) semaphore(%arg9 : memref<!tpu.dma_semaphore, #tpu.memory_space<semaphore_mem>>)
      %mul3A_3100 = arith.constant 32 : i32
      %mul3A_3101 = arith.muli %add3A_2859, %mul3A_3100 : i32
      %add3A_3102 = arith.constant 16 : i32
      %add3A_3103 = arith.addi %mul3A_3101, %add3A_3102 : i32
      %dma_start3A_3104 = arith.constant 16 : i32
      %dma_start3A_3105 = arith.constant 0 : i32
      %dma_start3A_3106 = arith.constant 0 : i32
      %dma_start3A_3107 = tpu.memref_slice %arg7[%dma_start3A_3104, %dma_start3A_3105, %dma_start3A_3106] : memref<32x26x32xf32, #tpu.memory_space<vmem>> -> memref<1x26x32xf32, #tpu.memory_space<vmem>>
      %dma_start3A_3108 = tpu.memref_squeeze %dma_start3A_3107 : memref<1x26x32xf32, #tpu.memory_space<vmem>> -> memref<26x32xf32, #tpu.memory_space<vmem>>
      %dma_start3A_3109 = arith.constant 0 : i32
      %dma_start3A_3110 = tpu.memref_slice %arg5[%add3A_3103, %dma_start3A_3109] : memref<512x26xi32, #tpu.memory_space<vmem>> -> memref<1x26xi32, #tpu.memory_space<vmem>>
      %dma_start3A_3111 = tpu.memref_squeeze %dma_start3A_3110 : memref<1x26xi32, #tpu.memory_space<vmem>> -> memref<26xi32, #tpu.memory_space<vmem>>
      %dma_start3A_3112 = arith.constant 0 : i32
      %dma_start3A_3113 = arith.constant 0 : i32
      %dma_start3A_3114 = tpu.memref_slice %arg3[%dma_start3A_3112, %dma_start3A_3113] : memref<1000000x32xf32, #tpu.memory_space<hbm>> -> memref<1000000x32xf32, #tpu.memory_space<hbm>>
      tpu.enqueue_indirect_dma source(%dma_start3A_3114 : memref<1000000x32xf32, #tpu.memory_space<hbm>>) target(%dma_start3A_3108 : memref<26x32xf32, #tpu.memory_space<vmem>>) offsets(%dma_start3A_3111 : memref<26xi32, #tpu.memory_space<vmem>>) semaphore(%arg9 : memref<!tpu.dma_semaphore, #tpu.memory_space<semaphore_mem>>)
      %mul3A_3115 = arith.constant 32 : i32
      %mul3A_3116 = arith.muli %add3A_2859, %mul3A_3115 : i32
      %add3A_3117 = arith.constant 17 : i32
      %add3A_3118 = arith.addi %mul3A_3116, %add3A_3117 : i32
      %dma_start3A_3119 = arith.constant 17 : i32
      %dma_start3A_3120 = arith.constant 0 : i32
      %dma_start3A_3121 = arith.constant 0 : i32
      %dma_start3A_3122 = tpu.memref_slice %arg7[%dma_start3A_3119, %dma_start3A_3120, %dma_start3A_3121] : memref<32x26x32xf32, #tpu.memory_space<vmem>> -> memref<1x26x32xf32, #tpu.memory_space<vmem>>
      %dma_start3A_3123 = tpu.memref_squeeze %dma_start3A_3122 : memref<1x26x32xf32, #tpu.memory_space<vmem>> -> memref<26x32xf32, #tpu.memory_space<vmem>>
      %dma_start3A_3124 = arith.constant 0 : i32
      %dma_start3A_3125 = tpu.memref_slice %arg5[%add3A_3118, %dma_start3A_3124] : memref<512x26xi32, #tpu.memory_space<vmem>> -> memref<1x26xi32, #tpu.memory_space<vmem>>
      %dma_start3A_3126 = tpu.memref_squeeze %dma_start3A_3125 : memref<1x26xi32, #tpu.memory_space<vmem>> -> memref<26xi32, #tpu.memory_space<vmem>>
      %dma_start3A_3127 = arith.constant 0 : i32
      %dma_start3A_3128 = arith.constant 0 : i32
      %dma_start3A_3129 = tpu.memref_slice %arg3[%dma_start3A_3127, %dma_start3A_3128] : memref<1000000x32xf32, #tpu.memory_space<hbm>> -> memref<1000000x32xf32, #tpu.memory_space<hbm>>
      tpu.enqueue_indirect_dma source(%dma_start3A_3129 : memref<1000000x32xf32, #tpu.memory_space<hbm>>) target(%dma_start3A_3123 : memref<26x32xf32, #tpu.memory_space<vmem>>) offsets(%dma_start3A_3126 : memref<26xi32, #tpu.memory_space<vmem>>) semaphore(%arg9 : memref<!tpu.dma_semaphore, #tpu.memory_space<semaphore_mem>>)
      %mul3A_3130 = arith.constant 32 : i32
      %mul3A_3131 = arith.muli %add3A_2859, %mul3A_3130 : i32
      %add3A_3132 = arith.constant 18 : i32
      %add3A_3133 = arith.addi %mul3A_3131, %add3A_3132 : i32
      %dma_start3A_3134 = arith.constant 18 : i32
      %dma_start3A_3135 = arith.constant 0 : i32
      %dma_start3A_3136 = arith.constant 0 : i32
      %dma_start3A_3137 = tpu.memref_slice %arg7[%dma_start3A_3134, %dma_start3A_3135, %dma_start3A_3136] : memref<32x26x32xf32, #tpu.memory_space<vmem>> -> memref<1x26x32xf32, #tpu.memory_space<vmem>>
      %dma_start3A_3138 = tpu.memref_squeeze %dma_start3A_3137 : memref<1x26x32xf32, #tpu.memory_space<vmem>> -> memref<26x32xf32, #tpu.memory_space<vmem>>
      %dma_start3A_3139 = arith.constant 0 : i32
      %dma_start3A_3140 = tpu.memref_slice %arg5[%add3A_3133, %dma_start3A_3139] : memref<512x26xi32, #tpu.memory_space<vmem>> -> memref<1x26xi32, #tpu.memory_space<vmem>>
      %dma_start3A_3141 = tpu.memref_squeeze %dma_start3A_3140 : memref<1x26xi32, #tpu.memory_space<vmem>> -> memref<26xi32, #tpu.memory_space<vmem>>
      %dma_start3A_3142 = arith.constant 0 : i32
      %dma_start3A_3143 = arith.constant 0 : i32
      %dma_start3A_3144 = tpu.memref_slice %arg3[%dma_start3A_3142, %dma_start3A_3143] : memref<1000000x32xf32, #tpu.memory_space<hbm>> -> memref<1000000x32xf32, #tpu.memory_space<hbm>>
      tpu.enqueue_indirect_dma source(%dma_start3A_3144 : memref<1000000x32xf32, #tpu.memory_space<hbm>>) target(%dma_start3A_3138 : memref<26x32xf32, #tpu.memory_space<vmem>>) offsets(%dma_start3A_3141 : memref<26xi32, #tpu.memory_space<vmem>>) semaphore(%arg9 : memref<!tpu.dma_semaphore, #tpu.memory_space<semaphore_mem>>)
      %mul3A_3145 = arith.constant 32 : i32
      %mul3A_3146 = arith.muli %add3A_2859, %mul3A_3145 : i32
      %add3A_3147 = arith.constant 19 : i32
      %add3A_3148 = arith.addi %mul3A_3146, %add3A_3147 : i32
      %dma_start3A_3149 = arith.constant 19 : i32
      %dma_start3A_3150 = arith.constant 0 : i32
      %dma_start3A_3151 = arith.constant 0 : i32
      %dma_start3A_3152 = tpu.memref_slice %arg7[%dma_start3A_3149, %dma_start3A_3150, %dma_start3A_3151] : memref<32x26x32xf32, #tpu.memory_space<vmem>> -> memref<1x26x32xf32, #tpu.memory_space<vmem>>
      %dma_start3A_3153 = tpu.memref_squeeze %dma_start3A_3152 : memref<1x26x32xf32, #tpu.memory_space<vmem>> -> memref<26x32xf32, #tpu.memory_space<vmem>>
      %dma_start3A_3154 = arith.constant 0 : i32
      %dma_start3A_3155 = tpu.memref_slice %arg5[%add3A_3148, %dma_start3A_3154] : memref<512x26xi32, #tpu.memory_space<vmem>> -> memref<1x26xi32, #tpu.memory_space<vmem>>
      %dma_start3A_3156 = tpu.memref_squeeze %dma_start3A_3155 : memref<1x26xi32, #tpu.memory_space<vmem>> -> memref<26xi32, #tpu.memory_space<vmem>>
      %dma_start3A_3157 = arith.constant 0 : i32
      %dma_start3A_3158 = arith.constant 0 : i32
      %dma_start3A_3159 = tpu.memref_slice %arg3[%dma_start3A_3157, %dma_start3A_3158] : memref<1000000x32xf32, #tpu.memory_space<hbm>> -> memref<1000000x32xf32, #tpu.memory_space<hbm>>
      tpu.enqueue_indirect_dma source(%dma_start3A_3159 : memref<1000000x32xf32, #tpu.memory_space<hbm>>) target(%dma_start3A_3153 : memref<26x32xf32, #tpu.memory_space<vmem>>) offsets(%dma_start3A_3156 : memref<26xi32, #tpu.memory_space<vmem>>) semaphore(%arg9 : memref<!tpu.dma_semaphore, #tpu.memory_space<semaphore_mem>>)
      %mul3A_3160 = arith.constant 32 : i32
      %mul3A_3161 = arith.muli %add3A_2859, %mul3A_3160 : i32
      %add3A_3162 = arith.constant 20 : i32
      %add3A_3163 = arith.addi %mul3A_3161, %add3A_3162 : i32
      %dma_start3A_3164 = arith.constant 20 : i32
      %dma_start3A_3165 = arith.constant 0 : i32
      %dma_start3A_3166 = arith.constant 0 : i32
      %dma_start3A_3167 = tpu.memref_slice %arg7[%dma_start3A_3164, %dma_start3A_3165, %dma_start3A_3166] : memref<32x26x32xf32, #tpu.memory_space<vmem>> -> memref<1x26x32xf32, #tpu.memory_space<vmem>>
      %dma_start3A_3168 = tpu.memref_squeeze %dma_start3A_3167 : memref<1x26x32xf32, #tpu.memory_space<vmem>> -> memref<26x32xf32, #tpu.memory_space<vmem>>
      %dma_start3A_3169 = arith.constant 0 : i32
      %dma_start3A_3170 = tpu.memref_slice %arg5[%add3A_3163, %dma_start3A_3169] : memref<512x26xi32, #tpu.memory_space<vmem>> -> memref<1x26xi32, #tpu.memory_space<vmem>>
      %dma_start3A_3171 = tpu.memref_squeeze %dma_start3A_3170 : memref<1x26xi32, #tpu.memory_space<vmem>> -> memref<26xi32, #tpu.memory_space<vmem>>
      %dma_start3A_3172 = arith.constant 0 : i32
      %dma_start3A_3173 = arith.constant 0 : i32
      %dma_start3A_3174 = tpu.memref_slice %arg3[%dma_start3A_3172, %dma_start3A_3173] : memref<1000000x32xf32, #tpu.memory_space<hbm>> -> memref<1000000x32xf32, #tpu.memory_space<hbm>>
      tpu.enqueue_indirect_dma source(%dma_start3A_3174 : memref<1000000x32xf32, #tpu.memory_space<hbm>>) target(%dma_start3A_3168 : memref<26x32xf32, #tpu.memory_space<vmem>>) offsets(%dma_start3A_3171 : memref<26xi32, #tpu.memory_space<vmem>>) semaphore(%arg9 : memref<!tpu.dma_semaphore, #tpu.memory_space<semaphore_mem>>)
      %mul3A_3175 = arith.constant 32 : i32
      %mul3A_3176 = arith.muli %add3A_2859, %mul3A_3175 : i32
      %add3A_3177 = arith.constant 21 : i32
      %add3A_3178 = arith.addi %mul3A_3176, %add3A_3177 : i32
      %dma_start3A_3179 = arith.constant 21 : i32
      %dma_start3A_3180 = arith.constant 0 : i32
      %dma_start3A_3181 = arith.constant 0 : i32
      %dma_start3A_3182 = tpu.memref_slice %arg7[%dma_start3A_3179, %dma_start3A_3180, %dma_start3A_3181] : memref<32x26x32xf32, #tpu.memory_space<vmem>> -> memref<1x26x32xf32, #tpu.memory_space<vmem>>
      %dma_start3A_3183 = tpu.memref_squeeze %dma_start3A_3182 : memref<1x26x32xf32, #tpu.memory_space<vmem>> -> memref<26x32xf32, #tpu.memory_space<vmem>>
      %dma_start3A_3184 = arith.constant 0 : i32
      %dma_start3A_3185 = tpu.memref_slice %arg5[%add3A_3178, %dma_start3A_3184] : memref<512x26xi32, #tpu.memory_space<vmem>> -> memref<1x26xi32, #tpu.memory_space<vmem>>
      %dma_start3A_3186 = tpu.memref_squeeze %dma_start3A_3185 : memref<1x26xi32, #tpu.memory_space<vmem>> -> memref<26xi32, #tpu.memory_space<vmem>>
      %dma_start3A_3187 = arith.constant 0 : i32
      %dma_start3A_3188 = arith.constant 0 : i32
      %dma_start3A_3189 = tpu.memref_slice %arg3[%dma_start3A_3187, %dma_start3A_3188] : memref<1000000x32xf32, #tpu.memory_space<hbm>> -> memref<1000000x32xf32, #tpu.memory_space<hbm>>
      tpu.enqueue_indirect_dma source(%dma_start3A_3189 : memref<1000000x32xf32, #tpu.memory_space<hbm>>) target(%dma_start3A_3183 : memref<26x32xf32, #tpu.memory_space<vmem>>) offsets(%dma_start3A_3186 : memref<26xi32, #tpu.memory_space<vmem>>) semaphore(%arg9 : memref<!tpu.dma_semaphore, #tpu.memory_space<semaphore_mem>>)
      %mul3A_3190 = arith.constant 32 : i32
      %mul3A_3191 = arith.muli %add3A_2859, %mul3A_3190 : i32
      %add3A_3192 = arith.constant 22 : i32
      %add3A_3193 = arith.addi %mul3A_3191, %add3A_3192 : i32
      %dma_start3A_3194 = arith.constant 22 : i32
      %dma_start3A_3195 = arith.constant 0 : i32
      %dma_start3A_3196 = arith.constant 0 : i32
      %dma_start3A_3197 = tpu.memref_slice %arg7[%dma_start3A_3194, %dma_start3A_3195, %dma_start3A_3196] : memref<32x26x32xf32, #tpu.memory_space<vmem>> -> memref<1x26x32xf32, #tpu.memory_space<vmem>>
      %dma_start3A_3198 = tpu.memref_squeeze %dma_start3A_3197 : memref<1x26x32xf32, #tpu.memory_space<vmem>> -> memref<26x32xf32, #tpu.memory_space<vmem>>
      %dma_start3A_3199 = arith.constant 0 : i32
      %dma_start3A_3200 = tpu.memref_slice %arg5[%add3A_3193, %dma_start3A_3199] : memref<512x26xi32, #tpu.memory_space<vmem>> -> memref<1x26xi32, #tpu.memory_space<vmem>>
      %dma_start3A_3201 = tpu.memref_squeeze %dma_start3A_3200 : memref<1x26xi32, #tpu.memory_space<vmem>> -> memref<26xi32, #tpu.memory_space<vmem>>
      %dma_start3A_3202 = arith.constant 0 : i32
      %dma_start3A_3203 = arith.constant 0 : i32
      %dma_start3A_3204 = tpu.memref_slice %arg3[%dma_start3A_3202, %dma_start3A_3203] : memref<1000000x32xf32, #tpu.memory_space<hbm>> -> memref<1000000x32xf32, #tpu.memory_space<hbm>>
      tpu.enqueue_indirect_dma source(%dma_start3A_3204 : memref<1000000x32xf32, #tpu.memory_space<hbm>>) target(%dma_start3A_3198 : memref<26x32xf32, #tpu.memory_space<vmem>>) offsets(%dma_start3A_3201 : memref<26xi32, #tpu.memory_space<vmem>>) semaphore(%arg9 : memref<!tpu.dma_semaphore, #tpu.memory_space<semaphore_mem>>)
      %mul3A_3205 = arith.constant 32 : i32
      %mul3A_3206 = arith.muli %add3A_2859, %mul3A_3205 : i32
      %add3A_3207 = arith.constant 23 : i32
      %add3A_3208 = arith.addi %mul3A_3206, %add3A_3207 : i32
      %dma_start3A_3209 = arith.constant 23 : i32
      %dma_start3A_3210 = arith.constant 0 : i32
      %dma_start3A_3211 = arith.constant 0 : i32
      %dma_start3A_3212 = tpu.memref_slice %arg7[%dma_start3A_3209, %dma_start3A_3210, %dma_start3A_3211] : memref<32x26x32xf32, #tpu.memory_space<vmem>> -> memref<1x26x32xf32, #tpu.memory_space<vmem>>
      %dma_start3A_3213 = tpu.memref_squeeze %dma_start3A_3212 : memref<1x26x32xf32, #tpu.memory_space<vmem>> -> memref<26x32xf32, #tpu.memory_space<vmem>>
      %dma_start3A_3214 = arith.constant 0 : i32
      %dma_start3A_3215 = tpu.memref_slice %arg5[%add3A_3208, %dma_start3A_3214] : memref<512x26xi32, #tpu.memory_space<vmem>> -> memref<1x26xi32, #tpu.memory_space<vmem>>
      %dma_start3A_3216 = tpu.memref_squeeze %dma_start3A_3215 : memref<1x26xi32, #tpu.memory_space<vmem>> -> memref<26xi32, #tpu.memory_space<vmem>>
      %dma_start3A_3217 = arith.constant 0 : i32
      %dma_start3A_3218 = arith.constant 0 : i32
      %dma_start3A_3219 = tpu.memref_slice %arg3[%dma_start3A_3217, %dma_start3A_3218] : memref<1000000x32xf32, #tpu.memory_space<hbm>> -> memref<1000000x32xf32, #tpu.memory_space<hbm>>
      tpu.enqueue_indirect_dma source(%dma_start3A_3219 : memref<1000000x32xf32, #tpu.memory_space<hbm>>) target(%dma_start3A_3213 : memref<26x32xf32, #tpu.memory_space<vmem>>) offsets(%dma_start3A_3216 : memref<26xi32, #tpu.memory_space<vmem>>) semaphore(%arg9 : memref<!tpu.dma_semaphore, #tpu.memory_space<semaphore_mem>>)
      %mul3A_3220 = arith.constant 32 : i32
      %mul3A_3221 = arith.muli %add3A_2859, %mul3A_3220 : i32
      %add3A_3222 = arith.constant 24 : i32
      %add3A_3223 = arith.addi %mul3A_3221, %add3A_3222 : i32
      %dma_start3A_3224 = arith.constant 24 : i32
      %dma_start3A_3225 = arith.constant 0 : i32
      %dma_start3A_3226 = arith.constant 0 : i32
      %dma_start3A_3227 = tpu.memref_slice %arg7[%dma_start3A_3224, %dma_start3A_3225, %dma_start3A_3226] : memref<32x26x32xf32, #tpu.memory_space<vmem>> -> memref<1x26x32xf32, #tpu.memory_space<vmem>>
      %dma_start3A_3228 = tpu.memref_squeeze %dma_start3A_3227 : memref<1x26x32xf32, #tpu.memory_space<vmem>> -> memref<26x32xf32, #tpu.memory_space<vmem>>
      %dma_start3A_3229 = arith.constant 0 : i32
      %dma_start3A_3230 = tpu.memref_slice %arg5[%add3A_3223, %dma_start3A_3229] : memref<512x26xi32, #tpu.memory_space<vmem>> -> memref<1x26xi32, #tpu.memory_space<vmem>>
      %dma_start3A_3231 = tpu.memref_squeeze %dma_start3A_3230 : memref<1x26xi32, #tpu.memory_space<vmem>> -> memref<26xi32, #tpu.memory_space<vmem>>
      %dma_start3A_3232 = arith.constant 0 : i32
      %dma_start3A_3233 = arith.constant 0 : i32
      %dma_start3A_3234 = tpu.memref_slice %arg3[%dma_start3A_3232, %dma_start3A_3233] : memref<1000000x32xf32, #tpu.memory_space<hbm>> -> memref<1000000x32xf32, #tpu.memory_space<hbm>>
      tpu.enqueue_indirect_dma source(%dma_start3A_3234 : memref<1000000x32xf32, #tpu.memory_space<hbm>>) target(%dma_start3A_3228 : memref<26x32xf32, #tpu.memory_space<vmem>>) offsets(%dma_start3A_3231 : memref<26xi32, #tpu.memory_space<vmem>>) semaphore(%arg9 : memref<!tpu.dma_semaphore, #tpu.memory_space<semaphore_mem>>)
      %mul3A_3235 = arith.constant 32 : i32
      %mul3A_3236 = arith.muli %add3A_2859, %mul3A_3235 : i32
      %add3A_3237 = arith.constant 25 : i32
      %add3A_3238 = arith.addi %mul3A_3236, %add3A_3237 : i32
      %dma_start3A_3239 = arith.constant 25 : i32
      %dma_start3A_3240 = arith.constant 0 : i32
      %dma_start3A_3241 = arith.constant 0 : i32
      %dma_start3A_3242 = tpu.memref_slice %arg7[%dma_start3A_3239, %dma_start3A_3240, %dma_start3A_3241] : memref<32x26x32xf32, #tpu.memory_space<vmem>> -> memref<1x26x32xf32, #tpu.memory_space<vmem>>
      %dma_start3A_3243 = tpu.memref_squeeze %dma_start3A_3242 : memref<1x26x32xf32, #tpu.memory_space<vmem>> -> memref<26x32xf32, #tpu.memory_space<vmem>>
      %dma_start3A_3244 = arith.constant 0 : i32
      %dma_start3A_3245 = tpu.memref_slice %arg5[%add3A_3238, %dma_start3A_3244] : memref<512x26xi32, #tpu.memory_space<vmem>> -> memref<1x26xi32, #tpu.memory_space<vmem>>
      %dma_start3A_3246 = tpu.memref_squeeze %dma_start3A_3245 : memref<1x26xi32, #tpu.memory_space<vmem>> -> memref<26xi32, #tpu.memory_space<vmem>>
      %dma_start3A_3247 = arith.constant 0 : i32
      %dma_start3A_3248 = arith.constant 0 : i32
      %dma_start3A_3249 = tpu.memref_slice %arg3[%dma_start3A_3247, %dma_start3A_3248] : memref<1000000x32xf32, #tpu.memory_space<hbm>> -> memref<1000000x32xf32, #tpu.memory_space<hbm>>
      tpu.enqueue_indirect_dma source(%dma_start3A_3249 : memref<1000000x32xf32, #tpu.memory_space<hbm>>) target(%dma_start3A_3243 : memref<26x32xf32, #tpu.memory_space<vmem>>) offsets(%dma_start3A_3246 : memref<26xi32, #tpu.memory_space<vmem>>) semaphore(%arg9 : memref<!tpu.dma_semaphore, #tpu.memory_space<semaphore_mem>>)
      %mul3A_3250 = arith.constant 32 : i32
      %mul3A_3251 = arith.muli %add3A_2859, %mul3A_3250 : i32
      %add3A_3252 = arith.constant 26 : i32
      %add3A_3253 = arith.addi %mul3A_3251, %add3A_3252 : i32
      %dma_start3A_3254 = arith.constant 26 : i32
      %dma_start3A_3255 = arith.constant 0 : i32
      %dma_start3A_3256 = arith.constant 0 : i32
      %dma_start3A_3257 = tpu.memref_slice %arg7[%dma_start3A_3254, %dma_start3A_3255, %dma_start3A_3256] : memref<32x26x32xf32, #tpu.memory_space<vmem>> -> memref<1x26x32xf32, #tpu.memory_space<vmem>>
      %dma_start3A_3258 = tpu.memref_squeeze %dma_start3A_3257 : memref<1x26x32xf32, #tpu.memory_space<vmem>> -> memref<26x32xf32, #tpu.memory_space<vmem>>
      %dma_start3A_3259 = arith.constant 0 : i32
      %dma_start3A_3260 = tpu.memref_slice %arg5[%add3A_3253, %dma_start3A_3259] : memref<512x26xi32, #tpu.memory_space<vmem>> -> memref<1x26xi32, #tpu.memory_space<vmem>>
      %dma_start3A_3261 = tpu.memref_squeeze %dma_start3A_3260 : memref<1x26xi32, #tpu.memory_space<vmem>> -> memref<26xi32, #tpu.memory_space<vmem>>
      %dma_start3A_3262 = arith.constant 0 : i32
      %dma_start3A_3263 = arith.constant 0 : i32
      %dma_start3A_3264 = tpu.memref_slice %arg3[%dma_start3A_3262, %dma_start3A_3263] : memref<1000000x32xf32, #tpu.memory_space<hbm>> -> memref<1000000x32xf32, #tpu.memory_space<hbm>>
      tpu.enqueue_indirect_dma source(%dma_start3A_3264 : memref<1000000x32xf32, #tpu.memory_space<hbm>>) target(%dma_start3A_3258 : memref<26x32xf32, #tpu.memory_space<vmem>>) offsets(%dma_start3A_3261 : memref<26xi32, #tpu.memory_space<vmem>>) semaphore(%arg9 : memref<!tpu.dma_semaphore, #tpu.memory_space<semaphore_mem>>)
      %mul3A_3265 = arith.constant 32 : i32
      %mul3A_3266 = arith.muli %add3A_2859, %mul3A_3265 : i32
      %add3A_3267 = arith.constant 27 : i32
      %add3A_3268 = arith.addi %mul3A_3266, %add3A_3267 : i32
      %dma_start3A_3269 = arith.constant 27 : i32
      %dma_start3A_3270 = arith.constant 0 : i32
      %dma_start3A_3271 = arith.constant 0 : i32
      %dma_start3A_3272 = tpu.memref_slice %arg7[%dma_start3A_3269, %dma_start3A_3270, %dma_start3A_3271] : memref<32x26x32xf32, #tpu.memory_space<vmem>> -> memref<1x26x32xf32, #tpu.memory_space<vmem>>
      %dma_start3A_3273 = tpu.memref_squeeze %dma_start3A_3272 : memref<1x26x32xf32, #tpu.memory_space<vmem>> -> memref<26x32xf32, #tpu.memory_space<vmem>>
      %dma_start3A_3274 = arith.constant 0 : i32
      %dma_start3A_3275 = tpu.memref_slice %arg5[%add3A_3268, %dma_start3A_3274] : memref<512x26xi32, #tpu.memory_space<vmem>> -> memref<1x26xi32, #tpu.memory_space<vmem>>
      %dma_start3A_3276 = tpu.memref_squeeze %dma_start3A_3275 : memref<1x26xi32, #tpu.memory_space<vmem>> -> memref<26xi32, #tpu.memory_space<vmem>>
      %dma_start3A_3277 = arith.constant 0 : i32
      %dma_start3A_3278 = arith.constant 0 : i32
      %dma_start3A_3279 = tpu.memref_slice %arg3[%dma_start3A_3277, %dma_start3A_3278] : memref<1000000x32xf32, #tpu.memory_space<hbm>> -> memref<1000000x32xf32, #tpu.memory_space<hbm>>
      tpu.enqueue_indirect_dma source(%dma_start3A_3279 : memref<1000000x32xf32, #tpu.memory_space<hbm>>) target(%dma_start3A_3273 : memref<26x32xf32, #tpu.memory_space<vmem>>) offsets(%dma_start3A_3276 : memref<26xi32, #tpu.memory_space<vmem>>) semaphore(%arg9 : memref<!tpu.dma_semaphore, #tpu.memory_space<semaphore_mem>>)
      %mul3A_3280 = arith.constant 32 : i32
      %mul3A_3281 = arith.muli %add3A_2859, %mul3A_3280 : i32
      %add3A_3282 = arith.constant 28 : i32
      %add3A_3283 = arith.addi %mul3A_3281, %add3A_3282 : i32
      %dma_start3A_3284 = arith.constant 28 : i32
      %dma_start3A_3285 = arith.constant 0 : i32
      %dma_start3A_3286 = arith.constant 0 : i32
      %dma_start3A_3287 = tpu.memref_slice %arg7[%dma_start3A_3284, %dma_start3A_3285, %dma_start3A_3286] : memref<32x26x32xf32, #tpu.memory_space<vmem>> -> memref<1x26x32xf32, #tpu.memory_space<vmem>>
      %dma_start3A_3288 = tpu.memref_squeeze %dma_start3A_3287 : memref<1x26x32xf32, #tpu.memory_space<vmem>> -> memref<26x32xf32, #tpu.memory_space<vmem>>
      %dma_start3A_3289 = arith.constant 0 : i32
      %dma_start3A_3290 = tpu.memref_slice %arg5[%add3A_3283, %dma_start3A_3289] : memref<512x26xi32, #tpu.memory_space<vmem>> -> memref<1x26xi32, #tpu.memory_space<vmem>>
      %dma_start3A_3291 = tpu.memref_squeeze %dma_start3A_3290 : memref<1x26xi32, #tpu.memory_space<vmem>> -> memref<26xi32, #tpu.memory_space<vmem>>
      %dma_start3A_3292 = arith.constant 0 : i32
      %dma_start3A_3293 = arith.constant 0 : i32
      %dma_start3A_3294 = tpu.memref_slice %arg3[%dma_start3A_3292, %dma_start3A_3293] : memref<1000000x32xf32, #tpu.memory_space<hbm>> -> memref<1000000x32xf32, #tpu.memory_space<hbm>>
      tpu.enqueue_indirect_dma source(%dma_start3A_3294 : memref<1000000x32xf32, #tpu.memory_space<hbm>>) target(%dma_start3A_3288 : memref<26x32xf32, #tpu.memory_space<vmem>>) offsets(%dma_start3A_3291 : memref<26xi32, #tpu.memory_space<vmem>>) semaphore(%arg9 : memref<!tpu.dma_semaphore, #tpu.memory_space<semaphore_mem>>)
      %mul3A_3295 = arith.constant 32 : i32
      %mul3A_3296 = arith.muli %add3A_2859, %mul3A_3295 : i32
      %add3A_3297 = arith.constant 29 : i32
      %add3A_3298 = arith.addi %mul3A_3296, %add3A_3297 : i32
      %dma_start3A_3299 = arith.constant 29 : i32
      %dma_start3A_3300 = arith.constant 0 : i32
      %dma_start3A_3301 = arith.constant 0 : i32
      %dma_start3A_3302 = tpu.memref_slice %arg7[%dma_start3A_3299, %dma_start3A_3300, %dma_start3A_3301] : memref<32x26x32xf32, #tpu.memory_space<vmem>> -> memref<1x26x32xf32, #tpu.memory_space<vmem>>
      %dma_start3A_3303 = tpu.memref_squeeze %dma_start3A_3302 : memref<1x26x32xf32, #tpu.memory_space<vmem>> -> memref<26x32xf32, #tpu.memory_space<vmem>>
      %dma_start3A_3304 = arith.constant 0 : i32
      %dma_start3A_3305 = tpu.memref_slice %arg5[%add3A_3298, %dma_start3A_3304] : memref<512x26xi32, #tpu.memory_space<vmem>> -> memref<1x26xi32, #tpu.memory_space<vmem>>
      %dma_start3A_3306 = tpu.memref_squeeze %dma_start3A_3305 : memref<1x26xi32, #tpu.memory_space<vmem>> -> memref<26xi32, #tpu.memory_space<vmem>>
      %dma_start3A_3307 = arith.constant 0 : i32
      %dma_start3A_3308 = arith.constant 0 : i32
      %dma_start3A_3309 = tpu.memref_slice %arg3[%dma_start3A_3307, %dma_start3A_3308] : memref<1000000x32xf32, #tpu.memory_space<hbm>> -> memref<1000000x32xf32, #tpu.memory_space<hbm>>
      tpu.enqueue_indirect_dma source(%dma_start3A_3309 : memref<1000000x32xf32, #tpu.memory_space<hbm>>) target(%dma_start3A_3303 : memref<26x32xf32, #tpu.memory_space<vmem>>) offsets(%dma_start3A_3306 : memref<26xi32, #tpu.memory_space<vmem>>) semaphore(%arg9 : memref<!tpu.dma_semaphore, #tpu.memory_space<semaphore_mem>>)
      %mul3A_3310 = arith.constant 32 : i32
      %mul3A_3311 = arith.muli %add3A_2859, %mul3A_3310 : i32
      %add3A_3312 = arith.constant 30 : i32
      %add3A_3313 = arith.addi %mul3A_3311, %add3A_3312 : i32
      %dma_start3A_3314 = arith.constant 30 : i32
      %dma_start3A_3315 = arith.constant 0 : i32
      %dma_start3A_3316 = arith.constant 0 : i32
      %dma_start3A_3317 = tpu.memref_slice %arg7[%dma_start3A_3314, %dma_start3A_3315, %dma_start3A_3316] : memref<32x26x32xf32, #tpu.memory_space<vmem>> -> memref<1x26x32xf32, #tpu.memory_space<vmem>>
      %dma_start3A_3318 = tpu.memref_squeeze %dma_start3A_3317 : memref<1x26x32xf32, #tpu.memory_space<vmem>> -> memref<26x32xf32, #tpu.memory_space<vmem>>
      %dma_start3A_3319 = arith.constant 0 : i32
      %dma_start3A_3320 = tpu.memref_slice %arg5[%add3A_3313, %dma_start3A_3319] : memref<512x26xi32, #tpu.memory_space<vmem>> -> memref<1x26xi32, #tpu.memory_space<vmem>>
      %dma_start3A_3321 = tpu.memref_squeeze %dma_start3A_3320 : memref<1x26xi32, #tpu.memory_space<vmem>> -> memref<26xi32, #tpu.memory_space<vmem>>
      %dma_start3A_3322 = arith.constant 0 : i32
      %dma_start3A_3323 = arith.constant 0 : i32
      %dma_start3A_3324 = tpu.memref_slice %arg3[%dma_start3A_3322, %dma_start3A_3323] : memref<1000000x32xf32, #tpu.memory_space<hbm>> -> memref<1000000x32xf32, #tpu.memory_space<hbm>>
      tpu.enqueue_indirect_dma source(%dma_start3A_3324 : memref<1000000x32xf32, #tpu.memory_space<hbm>>) target(%dma_start3A_3318 : memref<26x32xf32, #tpu.memory_space<vmem>>) offsets(%dma_start3A_3321 : memref<26xi32, #tpu.memory_space<vmem>>) semaphore(%arg9 : memref<!tpu.dma_semaphore, #tpu.memory_space<semaphore_mem>>)
      %mul3A_3325 = arith.constant 32 : i32
      %mul3A_3326 = arith.muli %add3A_2859, %mul3A_3325 : i32
      %add3A_3327 = arith.constant 31 : i32
      %add3A_3328 = arith.addi %mul3A_3326, %add3A_3327 : i32
      %dma_start3A_3329 = arith.constant 31 : i32
      %dma_start3A_3330 = arith.constant 0 : i32
      %dma_start3A_3331 = arith.constant 0 : i32
      %dma_start3A_3332 = tpu.memref_slice %arg7[%dma_start3A_3329, %dma_start3A_3330, %dma_start3A_3331] : memref<32x26x32xf32, #tpu.memory_space<vmem>> -> memref<1x26x32xf32, #tpu.memory_space<vmem>>
      %dma_start3A_3333 = tpu.memref_squeeze %dma_start3A_3332 : memref<1x26x32xf32, #tpu.memory_space<vmem>> -> memref<26x32xf32, #tpu.memory_space<vmem>>
      %dma_start3A_3334 = arith.constant 0 : i32
      %dma_start3A_3335 = tpu.memref_slice %arg5[%add3A_3328, %dma_start3A_3334] : memref<512x26xi32, #tpu.memory_space<vmem>> -> memref<1x26xi32, #tpu.memory_space<vmem>>
      %dma_start3A_3336 = tpu.memref_squeeze %dma_start3A_3335 : memref<1x26xi32, #tpu.memory_space<vmem>> -> memref<26xi32, #tpu.memory_space<vmem>>
      %dma_start3A_3337 = arith.constant 0 : i32
      %dma_start3A_3338 = arith.constant 0 : i32
      %dma_start3A_3339 = tpu.memref_slice %arg3[%dma_start3A_3337, %dma_start3A_3338] : memref<1000000x32xf32, #tpu.memory_space<hbm>> -> memref<1000000x32xf32, #tpu.memory_space<hbm>>
      tpu.enqueue_indirect_dma source(%dma_start3A_3339 : memref<1000000x32xf32, #tpu.memory_space<hbm>>) target(%dma_start3A_3333 : memref<26x32xf32, #tpu.memory_space<vmem>>) offsets(%dma_start3A_3336 : memref<26xi32, #tpu.memory_space<vmem>>) semaphore(%arg9 : memref<!tpu.dma_semaphore, #tpu.memory_space<semaphore_mem>>)
    }
    %scan3A_773 = arith.constant 7 : i32
    %dma_wait3A = arith.constant 0 : i32
    %dma_wait3A_774 = arith.constant 0 : i32
    %dma_wait3A_775 = arith.constant 0 : i32
    %dma_wait3A_776 = arith.constant 0 : i32
    %dma_wait3A_777 = tpu.memref_slice %arg6[%dma_wait3A_774, %dma_wait3A_775, %dma_wait3A_776] : memref<32x26x32xf32, #tpu.memory_space<vmem>> -> memref<1x26x32xf32, #tpu.memory_space<vmem>>
    %dma_wait3A_778 = tpu.memref_squeeze %dma_wait3A_777 : memref<1x26x32xf32, #tpu.memory_space<vmem>> -> memref<26x32xf32, #tpu.memory_space<vmem>>
    %dma_wait3A_779 = arith.constant 0 : i32
    %dma_wait3A_780 = tpu.memref_slice %arg5[%dma_wait3A, %dma_wait3A_779] : memref<512x26xi32, #tpu.memory_space<vmem>> -> memref<1x26xi32, #tpu.memory_space<vmem>>
    %dma_wait3A_781 = tpu.memref_squeeze %dma_wait3A_780 : memref<1x26xi32, #tpu.memory_space<vmem>> -> memref<26xi32, #tpu.memory_space<vmem>>
    %dma_wait3A_782 = arith.constant 0 : i32
    %dma_wait3A_783 = arith.constant 0 : i32
    %dma_wait3A_784 = tpu.memref_slice %arg3[%dma_wait3A_782, %dma_wait3A_783] : memref<1000000x32xf32, #tpu.memory_space<hbm>> -> memref<1000000x32xf32, #tpu.memory_space<hbm>>
    tpu.wait_indirect_dma semaphore(%arg8 : memref<!tpu.dma_semaphore, #tpu.memory_space<semaphore_mem>>) src(%dma_wait3A_784 : memref<1000000x32xf32, #tpu.memory_space<hbm>>) dst(%dma_wait3A_778 : memref<26x32xf32, #tpu.memory_space<vmem>>)
    %dma_wait3A_785 = arith.constant 1 : i32
    %dma_wait3A_786 = arith.constant 1 : i32
    %dma_wait3A_787 = arith.constant 0 : i32
    %dma_wait3A_788 = arith.constant 0 : i32
    %dma_wait3A_789 = tpu.memref_slice %arg6[%dma_wait3A_786, %dma_wait3A_787, %dma_wait3A_788] : memref<32x26x32xf32, #tpu.memory_space<vmem>> -> memref<1x26x32xf32, #tpu.memory_space<vmem>>
    %dma_wait3A_790 = tpu.memref_squeeze %dma_wait3A_789 : memref<1x26x32xf32, #tpu.memory_space<vmem>> -> memref<26x32xf32, #tpu.memory_space<vmem>>
    %dma_wait3A_791 = arith.constant 0 : i32
    %dma_wait3A_792 = tpu.memref_slice %arg5[%dma_wait3A_785, %dma_wait3A_791] : memref<512x26xi32, #tpu.memory_space<vmem>> -> memref<1x26xi32, #tpu.memory_space<vmem>>
    %dma_wait3A_793 = tpu.memref_squeeze %dma_wait3A_792 : memref<1x26xi32, #tpu.memory_space<vmem>> -> memref<26xi32, #tpu.memory_space<vmem>>
    %dma_wait3A_794 = arith.constant 0 : i32
    %dma_wait3A_795 = arith.constant 0 : i32
    %dma_wait3A_796 = tpu.memref_slice %arg3[%dma_wait3A_794, %dma_wait3A_795] : memref<1000000x32xf32, #tpu.memory_space<hbm>> -> memref<1000000x32xf32, #tpu.memory_space<hbm>>
    tpu.wait_indirect_dma semaphore(%arg8 : memref<!tpu.dma_semaphore, #tpu.memory_space<semaphore_mem>>) src(%dma_wait3A_796 : memref<1000000x32xf32, #tpu.memory_space<hbm>>) dst(%dma_wait3A_790 : memref<26x32xf32, #tpu.memory_space<vmem>>)
    %dma_wait3A_797 = arith.constant 2 : i32
    %dma_wait3A_798 = arith.constant 2 : i32
    %dma_wait3A_799 = arith.constant 0 : i32
    %dma_wait3A_800 = arith.constant 0 : i32
    %dma_wait3A_801 = tpu.memref_slice %arg6[%dma_wait3A_798, %dma_wait3A_799, %dma_wait3A_800] : memref<32x26x32xf32, #tpu.memory_space<vmem>> -> memref<1x26x32xf32, #tpu.memory_space<vmem>>
    %dma_wait3A_802 = tpu.memref_squeeze %dma_wait3A_801 : memref<1x26x32xf32, #tpu.memory_space<vmem>> -> memref<26x32xf32, #tpu.memory_space<vmem>>
    %dma_wait3A_803 = arith.constant 0 : i32
    %dma_wait3A_804 = tpu.memref_slice %arg5[%dma_wait3A_797, %dma_wait3A_803] : memref<512x26xi32, #tpu.memory_space<vmem>> -> memref<1x26xi32, #tpu.memory_space<vmem>>
    %dma_wait3A_805 = tpu.memref_squeeze %dma_wait3A_804 : memref<1x26xi32, #tpu.memory_space<vmem>> -> memref<26xi32, #tpu.memory_space<vmem>>
    %dma_wait3A_806 = arith.constant 0 : i32
    %dma_wait3A_807 = arith.constant 0 : i32
    %dma_wait3A_808 = tpu.memref_slice %arg3[%dma_wait3A_806, %dma_wait3A_807] : memref<1000000x32xf32, #tpu.memory_space<hbm>> -> memref<1000000x32xf32, #tpu.memory_space<hbm>>
    tpu.wait_indirect_dma semaphore(%arg8 : memref<!tpu.dma_semaphore, #tpu.memory_space<semaphore_mem>>) src(%dma_wait3A_808 : memref<1000000x32xf32, #tpu.memory_space<hbm>>) dst(%dma_wait3A_802 : memref<26x32xf32, #tpu.memory_space<vmem>>)
    %dma_wait3A_809 = arith.constant 3 : i32
    %dma_wait3A_810 = arith.constant 3 : i32
    %dma_wait3A_811 = arith.constant 0 : i32
    %dma_wait3A_812 = arith.constant 0 : i32
    %dma_wait3A_813 = tpu.memref_slice %arg6[%dma_wait3A_810, %dma_wait3A_811, %dma_wait3A_812] : memref<32x26x32xf32, #tpu.memory_space<vmem>> -> memref<1x26x32xf32, #tpu.memory_space<vmem>>
    %dma_wait3A_814 = tpu.memref_squeeze %dma_wait3A_813 : memref<1x26x32xf32, #tpu.memory_space<vmem>> -> memref<26x32xf32, #tpu.memory_space<vmem>>
    %dma_wait3A_815 = arith.constant 0 : i32
    %dma_wait3A_816 = tpu.memref_slice %arg5[%dma_wait3A_809, %dma_wait3A_815] : memref<512x26xi32, #tpu.memory_space<vmem>> -> memref<1x26xi32, #tpu.memory_space<vmem>>
    %dma_wait3A_817 = tpu.memref_squeeze %dma_wait3A_816 : memref<1x26xi32, #tpu.memory_space<vmem>> -> memref<26xi32, #tpu.memory_space<vmem>>
    %dma_wait3A_818 = arith.constant 0 : i32
    %dma_wait3A_819 = arith.constant 0 : i32
    %dma_wait3A_820 = tpu.memref_slice %arg3[%dma_wait3A_818, %dma_wait3A_819] : memref<1000000x32xf32, #tpu.memory_space<hbm>> -> memref<1000000x32xf32, #tpu.memory_space<hbm>>
    tpu.wait_indirect_dma semaphore(%arg8 : memref<!tpu.dma_semaphore, #tpu.memory_space<semaphore_mem>>) src(%dma_wait3A_820 : memref<1000000x32xf32, #tpu.memory_space<hbm>>) dst(%dma_wait3A_814 : memref<26x32xf32, #tpu.memory_space<vmem>>)
    %dma_wait3A_821 = arith.constant 4 : i32
    %dma_wait3A_822 = arith.constant 4 : i32
    %dma_wait3A_823 = arith.constant 0 : i32
    %dma_wait3A_824 = arith.constant 0 : i32
    %dma_wait3A_825 = tpu.memref_slice %arg6[%dma_wait3A_822, %dma_wait3A_823, %dma_wait3A_824] : memref<32x26x32xf32, #tpu.memory_space<vmem>> -> memref<1x26x32xf32, #tpu.memory_space<vmem>>
    %dma_wait3A_826 = tpu.memref_squeeze %dma_wait3A_825 : memref<1x26x32xf32, #tpu.memory_space<vmem>> -> memref<26x32xf32, #tpu.memory_space<vmem>>
    %dma_wait3A_827 = arith.constant 0 : i32
    %dma_wait3A_828 = tpu.memref_slice %arg5[%dma_wait3A_821, %dma_wait3A_827] : memref<512x26xi32, #tpu.memory_space<vmem>> -> memref<1x26xi32, #tpu.memory_space<vmem>>
    %dma_wait3A_829 = tpu.memref_squeeze %dma_wait3A_828 : memref<1x26xi32, #tpu.memory_space<vmem>> -> memref<26xi32, #tpu.memory_space<vmem>>
    %dma_wait3A_830 = arith.constant 0 : i32
    %dma_wait3A_831 = arith.constant 0 : i32
    %dma_wait3A_832 = tpu.memref_slice %arg3[%dma_wait3A_830, %dma_wait3A_831] : memref<1000000x32xf32, #tpu.memory_space<hbm>> -> memref<1000000x32xf32, #tpu.memory_space<hbm>>
    tpu.wait_indirect_dma semaphore(%arg8 : memref<!tpu.dma_semaphore, #tpu.memory_space<semaphore_mem>>) src(%dma_wait3A_832 : memref<1000000x32xf32, #tpu.memory_space<hbm>>) dst(%dma_wait3A_826 : memref<26x32xf32, #tpu.memory_space<vmem>>)
    %dma_wait3A_833 = arith.constant 5 : i32
    %dma_wait3A_834 = arith.constant 5 : i32
    %dma_wait3A_835 = arith.constant 0 : i32
    %dma_wait3A_836 = arith.constant 0 : i32
    %dma_wait3A_837 = tpu.memref_slice %arg6[%dma_wait3A_834, %dma_wait3A_835, %dma_wait3A_836] : memref<32x26x32xf32, #tpu.memory_space<vmem>> -> memref<1x26x32xf32, #tpu.memory_space<vmem>>
    %dma_wait3A_838 = tpu.memref_squeeze %dma_wait3A_837 : memref<1x26x32xf32, #tpu.memory_space<vmem>> -> memref<26x32xf32, #tpu.memory_space<vmem>>
    %dma_wait3A_839 = arith.constant 0 : i32
    %dma_wait3A_840 = tpu.memref_slice %arg5[%dma_wait3A_833, %dma_wait3A_839] : memref<512x26xi32, #tpu.memory_space<vmem>> -> memref<1x26xi32, #tpu.memory_space<vmem>>
    %dma_wait3A_841 = tpu.memref_squeeze %dma_wait3A_840 : memref<1x26xi32, #tpu.memory_space<vmem>> -> memref<26xi32, #tpu.memory_space<vmem>>
    %dma_wait3A_842 = arith.constant 0 : i32
    %dma_wait3A_843 = arith.constant 0 : i32
    %dma_wait3A_844 = tpu.memref_slice %arg3[%dma_wait3A_842, %dma_wait3A_843] : memref<1000000x32xf32, #tpu.memory_space<hbm>> -> memref<1000000x32xf32, #tpu.memory_space<hbm>>
    tpu.wait_indirect_dma semaphore(%arg8 : memref<!tpu.dma_semaphore, #tpu.memory_space<semaphore_mem>>) src(%dma_wait3A_844 : memref<1000000x32xf32, #tpu.memory_space<hbm>>) dst(%dma_wait3A_838 : memref<26x32xf32, #tpu.memory_space<vmem>>)
    %dma_wait3A_845 = arith.constant 6 : i32
    %dma_wait3A_846 = arith.constant 6 : i32
    %dma_wait3A_847 = arith.constant 0 : i32
    %dma_wait3A_848 = arith.constant 0 : i32
    %dma_wait3A_849 = tpu.memref_slice %arg6[%dma_wait3A_846, %dma_wait3A_847, %dma_wait3A_848] : memref<32x26x32xf32, #tpu.memory_space<vmem>> -> memref<1x26x32xf32, #tpu.memory_space<vmem>>
    %dma_wait3A_850 = tpu.memref_squeeze %dma_wait3A_849 : memref<1x26x32xf32, #tpu.memory_space<vmem>> -> memref<26x32xf32, #tpu.memory_space<vmem>>
    %dma_wait3A_851 = arith.constant 0 : i32
    %dma_wait3A_852 = tpu.memref_slice %arg5[%dma_wait3A_845, %dma_wait3A_851] : memref<512x26xi32, #tpu.memory_space<vmem>> -> memref<1x26xi32, #tpu.memory_space<vmem>>
    %dma_wait3A_853 = tpu.memref_squeeze %dma_wait3A_852 : memref<1x26xi32, #tpu.memory_space<vmem>> -> memref<26xi32, #tpu.memory_space<vmem>>
    %dma_wait3A_854 = arith.constant 0 : i32
    %dma_wait3A_855 = arith.constant 0 : i32
    %dma_wait3A_856 = tpu.memref_slice %arg3[%dma_wait3A_854, %dma_wait3A_855] : memref<1000000x32xf32, #tpu.memory_space<hbm>> -> memref<1000000x32xf32, #tpu.memory_space<hbm>>
    tpu.wait_indirect_dma semaphore(%arg8 : memref<!tpu.dma_semaphore, #tpu.memory_space<semaphore_mem>>) src(%dma_wait3A_856 : memref<1000000x32xf32, #tpu.memory_space<hbm>>) dst(%dma_wait3A_850 : memref<26x32xf32, #tpu.memory_space<vmem>>)
    %dma_wait3A_857 = arith.constant 7 : i32
    %dma_wait3A_858 = arith.constant 7 : i32
    %dma_wait3A_859 = arith.constant 0 : i32
    %dma_wait3A_860 = arith.constant 0 : i32
    %dma_wait3A_861 = tpu.memref_slice %arg6[%dma_wait3A_858, %dma_wait3A_859, %dma_wait3A_860] : memref<32x26x32xf32, #tpu.memory_space<vmem>> -> memref<1x26x32xf32, #tpu.memory_space<vmem>>
    %dma_wait3A_862 = tpu.memref_squeeze %dma_wait3A_861 : memref<1x26x32xf32, #tpu.memory_space<vmem>> -> memref<26x32xf32, #tpu.memory_space<vmem>>
    %dma_wait3A_863 = arith.constant 0 : i32
    %dma_wait3A_864 = tpu.memref_slice %arg5[%dma_wait3A_857, %dma_wait3A_863] : memref<512x26xi32, #tpu.memory_space<vmem>> -> memref<1x26xi32, #tpu.memory_space<vmem>>
    %dma_wait3A_865 = tpu.memref_squeeze %dma_wait3A_864 : memref<1x26xi32, #tpu.memory_space<vmem>> -> memref<26xi32, #tpu.memory_space<vmem>>
    %dma_wait3A_866 = arith.constant 0 : i32
    %dma_wait3A_867 = arith.constant 0 : i32
    %dma_wait3A_868 = tpu.memref_slice %arg3[%dma_wait3A_866, %dma_wait3A_867] : memref<1000000x32xf32, #tpu.memory_space<hbm>> -> memref<1000000x32xf32, #tpu.memory_space<hbm>>
    tpu.wait_indirect_dma semaphore(%arg8 : memref<!tpu.dma_semaphore, #tpu.memory_space<semaphore_mem>>) src(%dma_wait3A_868 : memref<1000000x32xf32, #tpu.memory_space<hbm>>) dst(%dma_wait3A_862 : memref<26x32xf32, #tpu.memory_space<vmem>>)
    %dma_wait3A_869 = arith.constant 8 : i32
    %dma_wait3A_870 = arith.constant 8 : i32
    %dma_wait3A_871 = arith.constant 0 : i32
    %dma_wait3A_872 = arith.constant 0 : i32
    %dma_wait3A_873 = tpu.memref_slice %arg6[%dma_wait3A_870, %dma_wait3A_871, %dma_wait3A_872] : memref<32x26x32xf32, #tpu.memory_space<vmem>> -> memref<1x26x32xf32, #tpu.memory_space<vmem>>
    %dma_wait3A_874 = tpu.memref_squeeze %dma_wait3A_873 : memref<1x26x32xf32, #tpu.memory_space<vmem>> -> memref<26x32xf32, #tpu.memory_space<vmem>>
    %dma_wait3A_875 = arith.constant 0 : i32
    %dma_wait3A_876 = tpu.memref_slice %arg5[%dma_wait3A_869, %dma_wait3A_875] : memref<512x26xi32, #tpu.memory_space<vmem>> -> memref<1x26xi32, #tpu.memory_space<vmem>>
    %dma_wait3A_877 = tpu.memref_squeeze %dma_wait3A_876 : memref<1x26xi32, #tpu.memory_space<vmem>> -> memref<26xi32, #tpu.memory_space<vmem>>
    %dma_wait3A_878 = arith.constant 0 : i32
    %dma_wait3A_879 = arith.constant 0 : i32
    %dma_wait3A_880 = tpu.memref_slice %arg3[%dma_wait3A_878, %dma_wait3A_879] : memref<1000000x32xf32, #tpu.memory_space<hbm>> -> memref<1000000x32xf32, #tpu.memory_space<hbm>>
    tpu.wait_indirect_dma semaphore(%arg8 : memref<!tpu.dma_semaphore, #tpu.memory_space<semaphore_mem>>) src(%dma_wait3A_880 : memref<1000000x32xf32, #tpu.memory_space<hbm>>) dst(%dma_wait3A_874 : memref<26x32xf32, #tpu.memory_space<vmem>>)
    %dma_wait3A_881 = arith.constant 9 : i32
    %dma_wait3A_882 = arith.constant 9 : i32
    %dma_wait3A_883 = arith.constant 0 : i32
    %dma_wait3A_884 = arith.constant 0 : i32
    %dma_wait3A_885 = tpu.memref_slice %arg6[%dma_wait3A_882, %dma_wait3A_883, %dma_wait3A_884] : memref<32x26x32xf32, #tpu.memory_space<vmem>> -> memref<1x26x32xf32, #tpu.memory_space<vmem>>
    %dma_wait3A_886 = tpu.memref_squeeze %dma_wait3A_885 : memref<1x26x32xf32, #tpu.memory_space<vmem>> -> memref<26x32xf32, #tpu.memory_space<vmem>>
    %dma_wait3A_887 = arith.constant 0 : i32
    %dma_wait3A_888 = tpu.memref_slice %arg5[%dma_wait3A_881, %dma_wait3A_887] : memref<512x26xi32, #tpu.memory_space<vmem>> -> memref<1x26xi32, #tpu.memory_space<vmem>>
    %dma_wait3A_889 = tpu.memref_squeeze %dma_wait3A_888 : memref<1x26xi32, #tpu.memory_space<vmem>> -> memref<26xi32, #tpu.memory_space<vmem>>
    %dma_wait3A_890 = arith.constant 0 : i32
    %dma_wait3A_891 = arith.constant 0 : i32
    %dma_wait3A_892 = tpu.memref_slice %arg3[%dma_wait3A_890, %dma_wait3A_891] : memref<1000000x32xf32, #tpu.memory_space<hbm>> -> memref<1000000x32xf32, #tpu.memory_space<hbm>>
    tpu.wait_indirect_dma semaphore(%arg8 : memref<!tpu.dma_semaphore, #tpu.memory_space<semaphore_mem>>) src(%dma_wait3A_892 : memref<1000000x32xf32, #tpu.memory_space<hbm>>) dst(%dma_wait3A_886 : memref<26x32xf32, #tpu.memory_space<vmem>>)
    %dma_wait3A_893 = arith.constant 10 : i32
    %dma_wait3A_894 = arith.constant 10 : i32
    %dma_wait3A_895 = arith.constant 0 : i32
    %dma_wait3A_896 = arith.constant 0 : i32
    %dma_wait3A_897 = tpu.memref_slice %arg6[%dma_wait3A_894, %dma_wait3A_895, %dma_wait3A_896] : memref<32x26x32xf32, #tpu.memory_space<vmem>> -> memref<1x26x32xf32, #tpu.memory_space<vmem>>
    %dma_wait3A_898 = tpu.memref_squeeze %dma_wait3A_897 : memref<1x26x32xf32, #tpu.memory_space<vmem>> -> memref<26x32xf32, #tpu.memory_space<vmem>>
    %dma_wait3A_899 = arith.constant 0 : i32
    %dma_wait3A_900 = tpu.memref_slice %arg5[%dma_wait3A_893, %dma_wait3A_899] : memref<512x26xi32, #tpu.memory_space<vmem>> -> memref<1x26xi32, #tpu.memory_space<vmem>>
    %dma_wait3A_901 = tpu.memref_squeeze %dma_wait3A_900 : memref<1x26xi32, #tpu.memory_space<vmem>> -> memref<26xi32, #tpu.memory_space<vmem>>
    %dma_wait3A_902 = arith.constant 0 : i32
    %dma_wait3A_903 = arith.constant 0 : i32
    %dma_wait3A_904 = tpu.memref_slice %arg3[%dma_wait3A_902, %dma_wait3A_903] : memref<1000000x32xf32, #tpu.memory_space<hbm>> -> memref<1000000x32xf32, #tpu.memory_space<hbm>>
    tpu.wait_indirect_dma semaphore(%arg8 : memref<!tpu.dma_semaphore, #tpu.memory_space<semaphore_mem>>) src(%dma_wait3A_904 : memref<1000000x32xf32, #tpu.memory_space<hbm>>) dst(%dma_wait3A_898 : memref<26x32xf32, #tpu.memory_space<vmem>>)
    %dma_wait3A_905 = arith.constant 11 : i32
    %dma_wait3A_906 = arith.constant 11 : i32
    %dma_wait3A_907 = arith.constant 0 : i32
    %dma_wait3A_908 = arith.constant 0 : i32
    %dma_wait3A_909 = tpu.memref_slice %arg6[%dma_wait3A_906, %dma_wait3A_907, %dma_wait3A_908] : memref<32x26x32xf32, #tpu.memory_space<vmem>> -> memref<1x26x32xf32, #tpu.memory_space<vmem>>
    %dma_wait3A_910 = tpu.memref_squeeze %dma_wait3A_909 : memref<1x26x32xf32, #tpu.memory_space<vmem>> -> memref<26x32xf32, #tpu.memory_space<vmem>>
    %dma_wait3A_911 = arith.constant 0 : i32
    %dma_wait3A_912 = tpu.memref_slice %arg5[%dma_wait3A_905, %dma_wait3A_911] : memref<512x26xi32, #tpu.memory_space<vmem>> -> memref<1x26xi32, #tpu.memory_space<vmem>>
    %dma_wait3A_913 = tpu.memref_squeeze %dma_wait3A_912 : memref<1x26xi32, #tpu.memory_space<vmem>> -> memref<26xi32, #tpu.memory_space<vmem>>
    %dma_wait3A_914 = arith.constant 0 : i32
    %dma_wait3A_915 = arith.constant 0 : i32
    %dma_wait3A_916 = tpu.memref_slice %arg3[%dma_wait3A_914, %dma_wait3A_915] : memref<1000000x32xf32, #tpu.memory_space<hbm>> -> memref<1000000x32xf32, #tpu.memory_space<hbm>>
    tpu.wait_indirect_dma semaphore(%arg8 : memref<!tpu.dma_semaphore, #tpu.memory_space<semaphore_mem>>) src(%dma_wait3A_916 : memref<1000000x32xf32, #tpu.memory_space<hbm>>) dst(%dma_wait3A_910 : memref<26x32xf32, #tpu.memory_space<vmem>>)
    %dma_wait3A_917 = arith.constant 12 : i32
    %dma_wait3A_918 = arith.constant 12 : i32
    %dma_wait3A_919 = arith.constant 0 : i32
    %dma_wait3A_920 = arith.constant 0 : i32
    %dma_wait3A_921 = tpu.memref_slice %arg6[%dma_wait3A_918, %dma_wait3A_919, %dma_wait3A_920] : memref<32x26x32xf32, #tpu.memory_space<vmem>> -> memref<1x26x32xf32, #tpu.memory_space<vmem>>
    %dma_wait3A_922 = tpu.memref_squeeze %dma_wait3A_921 : memref<1x26x32xf32, #tpu.memory_space<vmem>> -> memref<26x32xf32, #tpu.memory_space<vmem>>
    %dma_wait3A_923 = arith.constant 0 : i32
    %dma_wait3A_924 = tpu.memref_slice %arg5[%dma_wait3A_917, %dma_wait3A_923] : memref<512x26xi32, #tpu.memory_space<vmem>> -> memref<1x26xi32, #tpu.memory_space<vmem>>
    %dma_wait3A_925 = tpu.memref_squeeze %dma_wait3A_924 : memref<1x26xi32, #tpu.memory_space<vmem>> -> memref<26xi32, #tpu.memory_space<vmem>>
    %dma_wait3A_926 = arith.constant 0 : i32
    %dma_wait3A_927 = arith.constant 0 : i32
    %dma_wait3A_928 = tpu.memref_slice %arg3[%dma_wait3A_926, %dma_wait3A_927] : memref<1000000x32xf32, #tpu.memory_space<hbm>> -> memref<1000000x32xf32, #tpu.memory_space<hbm>>
    tpu.wait_indirect_dma semaphore(%arg8 : memref<!tpu.dma_semaphore, #tpu.memory_space<semaphore_mem>>) src(%dma_wait3A_928 : memref<1000000x32xf32, #tpu.memory_space<hbm>>) dst(%dma_wait3A_922 : memref<26x32xf32, #tpu.memory_space<vmem>>)
    %dma_wait3A_929 = arith.constant 13 : i32
    %dma_wait3A_930 = arith.constant 13 : i32
    %dma_wait3A_931 = arith.constant 0 : i32
    %dma_wait3A_932 = arith.constant 0 : i32
    %dma_wait3A_933 = tpu.memref_slice %arg6[%dma_wait3A_930, %dma_wait3A_931, %dma_wait3A_932] : memref<32x26x32xf32, #tpu.memory_space<vmem>> -> memref<1x26x32xf32, #tpu.memory_space<vmem>>
    %dma_wait3A_934 = tpu.memref_squeeze %dma_wait3A_933 : memref<1x26x32xf32, #tpu.memory_space<vmem>> -> memref<26x32xf32, #tpu.memory_space<vmem>>
    %dma_wait3A_935 = arith.constant 0 : i32
    %dma_wait3A_936 = tpu.memref_slice %arg5[%dma_wait3A_929, %dma_wait3A_935] : memref<512x26xi32, #tpu.memory_space<vmem>> -> memref<1x26xi32, #tpu.memory_space<vmem>>
    %dma_wait3A_937 = tpu.memref_squeeze %dma_wait3A_936 : memref<1x26xi32, #tpu.memory_space<vmem>> -> memref<26xi32, #tpu.memory_space<vmem>>
    %dma_wait3A_938 = arith.constant 0 : i32
    %dma_wait3A_939 = arith.constant 0 : i32
    %dma_wait3A_940 = tpu.memref_slice %arg3[%dma_wait3A_938, %dma_wait3A_939] : memref<1000000x32xf32, #tpu.memory_space<hbm>> -> memref<1000000x32xf32, #tpu.memory_space<hbm>>
    tpu.wait_indirect_dma semaphore(%arg8 : memref<!tpu.dma_semaphore, #tpu.memory_space<semaphore_mem>>) src(%dma_wait3A_940 : memref<1000000x32xf32, #tpu.memory_space<hbm>>) dst(%dma_wait3A_934 : memref<26x32xf32, #tpu.memory_space<vmem>>)
    %dma_wait3A_941 = arith.constant 14 : i32
    %dma_wait3A_942 = arith.constant 14 : i32
    %dma_wait3A_943 = arith.constant 0 : i32
    %dma_wait3A_944 = arith.constant 0 : i32
    %dma_wait3A_945 = tpu.memref_slice %arg6[%dma_wait3A_942, %dma_wait3A_943, %dma_wait3A_944] : memref<32x26x32xf32, #tpu.memory_space<vmem>> -> memref<1x26x32xf32, #tpu.memory_space<vmem>>
    %dma_wait3A_946 = tpu.memref_squeeze %dma_wait3A_945 : memref<1x26x32xf32, #tpu.memory_space<vmem>> -> memref<26x32xf32, #tpu.memory_space<vmem>>
    %dma_wait3A_947 = arith.constant 0 : i32
    %dma_wait3A_948 = tpu.memref_slice %arg5[%dma_wait3A_941, %dma_wait3A_947] : memref<512x26xi32, #tpu.memory_space<vmem>> -> memref<1x26xi32, #tpu.memory_space<vmem>>
    %dma_wait3A_949 = tpu.memref_squeeze %dma_wait3A_948 : memref<1x26xi32, #tpu.memory_space<vmem>> -> memref<26xi32, #tpu.memory_space<vmem>>
    %dma_wait3A_950 = arith.constant 0 : i32
    %dma_wait3A_951 = arith.constant 0 : i32
    %dma_wait3A_952 = tpu.memref_slice %arg3[%dma_wait3A_950, %dma_wait3A_951] : memref<1000000x32xf32, #tpu.memory_space<hbm>> -> memref<1000000x32xf32, #tpu.memory_space<hbm>>
    tpu.wait_indirect_dma semaphore(%arg8 : memref<!tpu.dma_semaphore, #tpu.memory_space<semaphore_mem>>) src(%dma_wait3A_952 : memref<1000000x32xf32, #tpu.memory_space<hbm>>) dst(%dma_wait3A_946 : memref<26x32xf32, #tpu.memory_space<vmem>>)
    %dma_wait3A_953 = arith.constant 15 : i32
    %dma_wait3A_954 = arith.constant 15 : i32
    %dma_wait3A_955 = arith.constant 0 : i32
    %dma_wait3A_956 = arith.constant 0 : i32
    %dma_wait3A_957 = tpu.memref_slice %arg6[%dma_wait3A_954, %dma_wait3A_955, %dma_wait3A_956] : memref<32x26x32xf32, #tpu.memory_space<vmem>> -> memref<1x26x32xf32, #tpu.memory_space<vmem>>
    %dma_wait3A_958 = tpu.memref_squeeze %dma_wait3A_957 : memref<1x26x32xf32, #tpu.memory_space<vmem>> -> memref<26x32xf32, #tpu.memory_space<vmem>>
    %dma_wait3A_959 = arith.constant 0 : i32
    %dma_wait3A_960 = tpu.memref_slice %arg5[%dma_wait3A_953, %dma_wait3A_959] : memref<512x26xi32, #tpu.memory_space<vmem>> -> memref<1x26xi32, #tpu.memory_space<vmem>>
    %dma_wait3A_961 = tpu.memref_squeeze %dma_wait3A_960 : memref<1x26xi32, #tpu.memory_space<vmem>> -> memref<26xi32, #tpu.memory_space<vmem>>
    %dma_wait3A_962 = arith.constant 0 : i32
    %dma_wait3A_963 = arith.constant 0 : i32
    %dma_wait3A_964 = tpu.memref_slice %arg3[%dma_wait3A_962, %dma_wait3A_963] : memref<1000000x32xf32, #tpu.memory_space<hbm>> -> memref<1000000x32xf32, #tpu.memory_space<hbm>>
    tpu.wait_indirect_dma semaphore(%arg8 : memref<!tpu.dma_semaphore, #tpu.memory_space<semaphore_mem>>) src(%dma_wait3A_964 : memref<1000000x32xf32, #tpu.memory_space<hbm>>) dst(%dma_wait3A_958 : memref<26x32xf32, #tpu.memory_space<vmem>>)
    %dma_wait3A_965 = arith.constant 16 : i32
    %dma_wait3A_966 = arith.constant 16 : i32
    %dma_wait3A_967 = arith.constant 0 : i32
    %dma_wait3A_968 = arith.constant 0 : i32
    %dma_wait3A_969 = tpu.memref_slice %arg6[%dma_wait3A_966, %dma_wait3A_967, %dma_wait3A_968] : memref<32x26x32xf32, #tpu.memory_space<vmem>> -> memref<1x26x32xf32, #tpu.memory_space<vmem>>
    %dma_wait3A_970 = tpu.memref_squeeze %dma_wait3A_969 : memref<1x26x32xf32, #tpu.memory_space<vmem>> -> memref<26x32xf32, #tpu.memory_space<vmem>>
    %dma_wait3A_971 = arith.constant 0 : i32
    %dma_wait3A_972 = tpu.memref_slice %arg5[%dma_wait3A_965, %dma_wait3A_971] : memref<512x26xi32, #tpu.memory_space<vmem>> -> memref<1x26xi32, #tpu.memory_space<vmem>>
    %dma_wait3A_973 = tpu.memref_squeeze %dma_wait3A_972 : memref<1x26xi32, #tpu.memory_space<vmem>> -> memref<26xi32, #tpu.memory_space<vmem>>
    %dma_wait3A_974 = arith.constant 0 : i32
    %dma_wait3A_975 = arith.constant 0 : i32
    %dma_wait3A_976 = tpu.memref_slice %arg3[%dma_wait3A_974, %dma_wait3A_975] : memref<1000000x32xf32, #tpu.memory_space<hbm>> -> memref<1000000x32xf32, #tpu.memory_space<hbm>>
    tpu.wait_indirect_dma semaphore(%arg8 : memref<!tpu.dma_semaphore, #tpu.memory_space<semaphore_mem>>) src(%dma_wait3A_976 : memref<1000000x32xf32, #tpu.memory_space<hbm>>) dst(%dma_wait3A_970 : memref<26x32xf32, #tpu.memory_space<vmem>>)
    %dma_wait3A_977 = arith.constant 17 : i32
    %dma_wait3A_978 = arith.constant 17 : i32
    %dma_wait3A_979 = arith.constant 0 : i32
    %dma_wait3A_980 = arith.constant 0 : i32
    %dma_wait3A_981 = tpu.memref_slice %arg6[%dma_wait3A_978, %dma_wait3A_979, %dma_wait3A_980] : memref<32x26x32xf32, #tpu.memory_space<vmem>> -> memref<1x26x32xf32, #tpu.memory_space<vmem>>
    %dma_wait3A_982 = tpu.memref_squeeze %dma_wait3A_981 : memref<1x26x32xf32, #tpu.memory_space<vmem>> -> memref<26x32xf32, #tpu.memory_space<vmem>>
    %dma_wait3A_983 = arith.constant 0 : i32
    %dma_wait3A_984 = tpu.memref_slice %arg5[%dma_wait3A_977, %dma_wait3A_983] : memref<512x26xi32, #tpu.memory_space<vmem>> -> memref<1x26xi32, #tpu.memory_space<vmem>>
    %dma_wait3A_985 = tpu.memref_squeeze %dma_wait3A_984 : memref<1x26xi32, #tpu.memory_space<vmem>> -> memref<26xi32, #tpu.memory_space<vmem>>
    %dma_wait3A_986 = arith.constant 0 : i32
    %dma_wait3A_987 = arith.constant 0 : i32
    %dma_wait3A_988 = tpu.memref_slice %arg3[%dma_wait3A_986, %dma_wait3A_987] : memref<1000000x32xf32, #tpu.memory_space<hbm>> -> memref<1000000x32xf32, #tpu.memory_space<hbm>>
    tpu.wait_indirect_dma semaphore(%arg8 : memref<!tpu.dma_semaphore, #tpu.memory_space<semaphore_mem>>) src(%dma_wait3A_988 : memref<1000000x32xf32, #tpu.memory_space<hbm>>) dst(%dma_wait3A_982 : memref<26x32xf32, #tpu.memory_space<vmem>>)
    %dma_wait3A_989 = arith.constant 18 : i32
    %dma_wait3A_990 = arith.constant 18 : i32
    %dma_wait3A_991 = arith.constant 0 : i32
    %dma_wait3A_992 = arith.constant 0 : i32
    %dma_wait3A_993 = tpu.memref_slice %arg6[%dma_wait3A_990, %dma_wait3A_991, %dma_wait3A_992] : memref<32x26x32xf32, #tpu.memory_space<vmem>> -> memref<1x26x32xf32, #tpu.memory_space<vmem>>
    %dma_wait3A_994 = tpu.memref_squeeze %dma_wait3A_993 : memref<1x26x32xf32, #tpu.memory_space<vmem>> -> memref<26x32xf32, #tpu.memory_space<vmem>>
    %dma_wait3A_995 = arith.constant 0 : i32
    %dma_wait3A_996 = tpu.memref_slice %arg5[%dma_wait3A_989, %dma_wait3A_995] : memref<512x26xi32, #tpu.memory_space<vmem>> -> memref<1x26xi32, #tpu.memory_space<vmem>>
    %dma_wait3A_997 = tpu.memref_squeeze %dma_wait3A_996 : memref<1x26xi32, #tpu.memory_space<vmem>> -> memref<26xi32, #tpu.memory_space<vmem>>
    %dma_wait3A_998 = arith.constant 0 : i32
    %dma_wait3A_999 = arith.constant 0 : i32
    %dma_wait3A_1000 = tpu.memref_slice %arg3[%dma_wait3A_998, %dma_wait3A_999] : memref<1000000x32xf32, #tpu.memory_space<hbm>> -> memref<1000000x32xf32, #tpu.memory_space<hbm>>
    tpu.wait_indirect_dma semaphore(%arg8 : memref<!tpu.dma_semaphore, #tpu.memory_space<semaphore_mem>>) src(%dma_wait3A_1000 : memref<1000000x32xf32, #tpu.memory_space<hbm>>) dst(%dma_wait3A_994 : memref<26x32xf32, #tpu.memory_space<vmem>>)
    %dma_wait3A_1001 = arith.constant 19 : i32
    %dma_wait3A_1002 = arith.constant 19 : i32
    %dma_wait3A_1003 = arith.constant 0 : i32
    %dma_wait3A_1004 = arith.constant 0 : i32
    %dma_wait3A_1005 = tpu.memref_slice %arg6[%dma_wait3A_1002, %dma_wait3A_1003, %dma_wait3A_1004] : memref<32x26x32xf32, #tpu.memory_space<vmem>> -> memref<1x26x32xf32, #tpu.memory_space<vmem>>
    %dma_wait3A_1006 = tpu.memref_squeeze %dma_wait3A_1005 : memref<1x26x32xf32, #tpu.memory_space<vmem>> -> memref<26x32xf32, #tpu.memory_space<vmem>>
    %dma_wait3A_1007 = arith.constant 0 : i32
    %dma_wait3A_1008 = tpu.memref_slice %arg5[%dma_wait3A_1001, %dma_wait3A_1007] : memref<512x26xi32, #tpu.memory_space<vmem>> -> memref<1x26xi32, #tpu.memory_space<vmem>>
    %dma_wait3A_1009 = tpu.memref_squeeze %dma_wait3A_1008 : memref<1x26xi32, #tpu.memory_space<vmem>> -> memref<26xi32, #tpu.memory_space<vmem>>
    %dma_wait3A_1010 = arith.constant 0 : i32
    %dma_wait3A_1011 = arith.constant 0 : i32
    %dma_wait3A_1012 = tpu.memref_slice %arg3[%dma_wait3A_1010, %dma_wait3A_1011] : memref<1000000x32xf32, #tpu.memory_space<hbm>> -> memref<1000000x32xf32, #tpu.memory_space<hbm>>
    tpu.wait_indirect_dma semaphore(%arg8 : memref<!tpu.dma_semaphore, #tpu.memory_space<semaphore_mem>>) src(%dma_wait3A_1012 : memref<1000000x32xf32, #tpu.memory_space<hbm>>) dst(%dma_wait3A_1006 : memref<26x32xf32, #tpu.memory_space<vmem>>)
    %dma_wait3A_1013 = arith.constant 20 : i32
    %dma_wait3A_1014 = arith.constant 20 : i32
    %dma_wait3A_1015 = arith.constant 0 : i32
    %dma_wait3A_1016 = arith.constant 0 : i32
    %dma_wait3A_1017 = tpu.memref_slice %arg6[%dma_wait3A_1014, %dma_wait3A_1015, %dma_wait3A_1016] : memref<32x26x32xf32, #tpu.memory_space<vmem>> -> memref<1x26x32xf32, #tpu.memory_space<vmem>>
    %dma_wait3A_1018 = tpu.memref_squeeze %dma_wait3A_1017 : memref<1x26x32xf32, #tpu.memory_space<vmem>> -> memref<26x32xf32, #tpu.memory_space<vmem>>
    %dma_wait3A_1019 = arith.constant 0 : i32
    %dma_wait3A_1020 = tpu.memref_slice %arg5[%dma_wait3A_1013, %dma_wait3A_1019] : memref<512x26xi32, #tpu.memory_space<vmem>> -> memref<1x26xi32, #tpu.memory_space<vmem>>
    %dma_wait3A_1021 = tpu.memref_squeeze %dma_wait3A_1020 : memref<1x26xi32, #tpu.memory_space<vmem>> -> memref<26xi32, #tpu.memory_space<vmem>>
    %dma_wait3A_1022 = arith.constant 0 : i32
    %dma_wait3A_1023 = arith.constant 0 : i32
    %dma_wait3A_1024 = tpu.memref_slice %arg3[%dma_wait3A_1022, %dma_wait3A_1023] : memref<1000000x32xf32, #tpu.memory_space<hbm>> -> memref<1000000x32xf32, #tpu.memory_space<hbm>>
    tpu.wait_indirect_dma semaphore(%arg8 : memref<!tpu.dma_semaphore, #tpu.memory_space<semaphore_mem>>) src(%dma_wait3A_1024 : memref<1000000x32xf32, #tpu.memory_space<hbm>>) dst(%dma_wait3A_1018 : memref<26x32xf32, #tpu.memory_space<vmem>>)
    %dma_wait3A_1025 = arith.constant 21 : i32
    %dma_wait3A_1026 = arith.constant 21 : i32
    %dma_wait3A_1027 = arith.constant 0 : i32
    %dma_wait3A_1028 = arith.constant 0 : i32
    %dma_wait3A_1029 = tpu.memref_slice %arg6[%dma_wait3A_1026, %dma_wait3A_1027, %dma_wait3A_1028] : memref<32x26x32xf32, #tpu.memory_space<vmem>> -> memref<1x26x32xf32, #tpu.memory_space<vmem>>
    %dma_wait3A_1030 = tpu.memref_squeeze %dma_wait3A_1029 : memref<1x26x32xf32, #tpu.memory_space<vmem>> -> memref<26x32xf32, #tpu.memory_space<vmem>>
    %dma_wait3A_1031 = arith.constant 0 : i32
    %dma_wait3A_1032 = tpu.memref_slice %arg5[%dma_wait3A_1025, %dma_wait3A_1031] : memref<512x26xi32, #tpu.memory_space<vmem>> -> memref<1x26xi32, #tpu.memory_space<vmem>>
    %dma_wait3A_1033 = tpu.memref_squeeze %dma_wait3A_1032 : memref<1x26xi32, #tpu.memory_space<vmem>> -> memref<26xi32, #tpu.memory_space<vmem>>
    %dma_wait3A_1034 = arith.constant 0 : i32
    %dma_wait3A_1035 = arith.constant 0 : i32
    %dma_wait3A_1036 = tpu.memref_slice %arg3[%dma_wait3A_1034, %dma_wait3A_1035] : memref<1000000x32xf32, #tpu.memory_space<hbm>> -> memref<1000000x32xf32, #tpu.memory_space<hbm>>
    tpu.wait_indirect_dma semaphore(%arg8 : memref<!tpu.dma_semaphore, #tpu.memory_space<semaphore_mem>>) src(%dma_wait3A_1036 : memref<1000000x32xf32, #tpu.memory_space<hbm>>) dst(%dma_wait3A_1030 : memref<26x32xf32, #tpu.memory_space<vmem>>)
    %dma_wait3A_1037 = arith.constant 22 : i32
    %dma_wait3A_1038 = arith.constant 22 : i32
    %dma_wait3A_1039 = arith.constant 0 : i32
    %dma_wait3A_1040 = arith.constant 0 : i32
    %dma_wait3A_1041 = tpu.memref_slice %arg6[%dma_wait3A_1038, %dma_wait3A_1039, %dma_wait3A_1040] : memref<32x26x32xf32, #tpu.memory_space<vmem>> -> memref<1x26x32xf32, #tpu.memory_space<vmem>>
    %dma_wait3A_1042 = tpu.memref_squeeze %dma_wait3A_1041 : memref<1x26x32xf32, #tpu.memory_space<vmem>> -> memref<26x32xf32, #tpu.memory_space<vmem>>
    %dma_wait3A_1043 = arith.constant 0 : i32
    %dma_wait3A_1044 = tpu.memref_slice %arg5[%dma_wait3A_1037, %dma_wait3A_1043] : memref<512x26xi32, #tpu.memory_space<vmem>> -> memref<1x26xi32, #tpu.memory_space<vmem>>
    %dma_wait3A_1045 = tpu.memref_squeeze %dma_wait3A_1044 : memref<1x26xi32, #tpu.memory_space<vmem>> -> memref<26xi32, #tpu.memory_space<vmem>>
    %dma_wait3A_1046 = arith.constant 0 : i32
    %dma_wait3A_1047 = arith.constant 0 : i32
    %dma_wait3A_1048 = tpu.memref_slice %arg3[%dma_wait3A_1046, %dma_wait3A_1047] : memref<1000000x32xf32, #tpu.memory_space<hbm>> -> memref<1000000x32xf32, #tpu.memory_space<hbm>>
    tpu.wait_indirect_dma semaphore(%arg8 : memref<!tpu.dma_semaphore, #tpu.memory_space<semaphore_mem>>) src(%dma_wait3A_1048 : memref<1000000x32xf32, #tpu.memory_space<hbm>>) dst(%dma_wait3A_1042 : memref<26x32xf32, #tpu.memory_space<vmem>>)
    %dma_wait3A_1049 = arith.constant 23 : i32
    %dma_wait3A_1050 = arith.constant 23 : i32
    %dma_wait3A_1051 = arith.constant 0 : i32
    %dma_wait3A_1052 = arith.constant 0 : i32
    %dma_wait3A_1053 = tpu.memref_slice %arg6[%dma_wait3A_1050, %dma_wait3A_1051, %dma_wait3A_1052] : memref<32x26x32xf32, #tpu.memory_space<vmem>> -> memref<1x26x32xf32, #tpu.memory_space<vmem>>
    %dma_wait3A_1054 = tpu.memref_squeeze %dma_wait3A_1053 : memref<1x26x32xf32, #tpu.memory_space<vmem>> -> memref<26x32xf32, #tpu.memory_space<vmem>>
    %dma_wait3A_1055 = arith.constant 0 : i32
    %dma_wait3A_1056 = tpu.memref_slice %arg5[%dma_wait3A_1049, %dma_wait3A_1055] : memref<512x26xi32, #tpu.memory_space<vmem>> -> memref<1x26xi32, #tpu.memory_space<vmem>>
    %dma_wait3A_1057 = tpu.memref_squeeze %dma_wait3A_1056 : memref<1x26xi32, #tpu.memory_space<vmem>> -> memref<26xi32, #tpu.memory_space<vmem>>
    %dma_wait3A_1058 = arith.constant 0 : i32
    %dma_wait3A_1059 = arith.constant 0 : i32
    %dma_wait3A_1060 = tpu.memref_slice %arg3[%dma_wait3A_1058, %dma_wait3A_1059] : memref<1000000x32xf32, #tpu.memory_space<hbm>> -> memref<1000000x32xf32, #tpu.memory_space<hbm>>
    tpu.wait_indirect_dma semaphore(%arg8 : memref<!tpu.dma_semaphore, #tpu.memory_space<semaphore_mem>>) src(%dma_wait3A_1060 : memref<1000000x32xf32, #tpu.memory_space<hbm>>) dst(%dma_wait3A_1054 : memref<26x32xf32, #tpu.memory_space<vmem>>)
    %dma_wait3A_1061 = arith.constant 24 : i32
    %dma_wait3A_1062 = arith.constant 24 : i32
    %dma_wait3A_1063 = arith.constant 0 : i32
    %dma_wait3A_1064 = arith.constant 0 : i32
    %dma_wait3A_1065 = tpu.memref_slice %arg6[%dma_wait3A_1062, %dma_wait3A_1063, %dma_wait3A_1064] : memref<32x26x32xf32, #tpu.memory_space<vmem>> -> memref<1x26x32xf32, #tpu.memory_space<vmem>>
    %dma_wait3A_1066 = tpu.memref_squeeze %dma_wait3A_1065 : memref<1x26x32xf32, #tpu.memory_space<vmem>> -> memref<26x32xf32, #tpu.memory_space<vmem>>
    %dma_wait3A_1067 = arith.constant 0 : i32
    %dma_wait3A_1068 = tpu.memref_slice %arg5[%dma_wait3A_1061, %dma_wait3A_1067] : memref<512x26xi32, #tpu.memory_space<vmem>> -> memref<1x26xi32, #tpu.memory_space<vmem>>
    %dma_wait3A_1069 = tpu.memref_squeeze %dma_wait3A_1068 : memref<1x26xi32, #tpu.memory_space<vmem>> -> memref<26xi32, #tpu.memory_space<vmem>>
    %dma_wait3A_1070 = arith.constant 0 : i32
    %dma_wait3A_1071 = arith.constant 0 : i32
    %dma_wait3A_1072 = tpu.memref_slice %arg3[%dma_wait3A_1070, %dma_wait3A_1071] : memref<1000000x32xf32, #tpu.memory_space<hbm>> -> memref<1000000x32xf32, #tpu.memory_space<hbm>>
    tpu.wait_indirect_dma semaphore(%arg8 : memref<!tpu.dma_semaphore, #tpu.memory_space<semaphore_mem>>) src(%dma_wait3A_1072 : memref<1000000x32xf32, #tpu.memory_space<hbm>>) dst(%dma_wait3A_1066 : memref<26x32xf32, #tpu.memory_space<vmem>>)
    %dma_wait3A_1073 = arith.constant 25 : i32
    %dma_wait3A_1074 = arith.constant 25 : i32
    %dma_wait3A_1075 = arith.constant 0 : i32
    %dma_wait3A_1076 = arith.constant 0 : i32
    %dma_wait3A_1077 = tpu.memref_slice %arg6[%dma_wait3A_1074, %dma_wait3A_1075, %dma_wait3A_1076] : memref<32x26x32xf32, #tpu.memory_space<vmem>> -> memref<1x26x32xf32, #tpu.memory_space<vmem>>
    %dma_wait3A_1078 = tpu.memref_squeeze %dma_wait3A_1077 : memref<1x26x32xf32, #tpu.memory_space<vmem>> -> memref<26x32xf32, #tpu.memory_space<vmem>>
    %dma_wait3A_1079 = arith.constant 0 : i32
    %dma_wait3A_1080 = tpu.memref_slice %arg5[%dma_wait3A_1073, %dma_wait3A_1079] : memref<512x26xi32, #tpu.memory_space<vmem>> -> memref<1x26xi32, #tpu.memory_space<vmem>>
    %dma_wait3A_1081 = tpu.memref_squeeze %dma_wait3A_1080 : memref<1x26xi32, #tpu.memory_space<vmem>> -> memref<26xi32, #tpu.memory_space<vmem>>
    %dma_wait3A_1082 = arith.constant 0 : i32
    %dma_wait3A_1083 = arith.constant 0 : i32
    %dma_wait3A_1084 = tpu.memref_slice %arg3[%dma_wait3A_1082, %dma_wait3A_1083] : memref<1000000x32xf32, #tpu.memory_space<hbm>> -> memref<1000000x32xf32, #tpu.memory_space<hbm>>
    tpu.wait_indirect_dma semaphore(%arg8 : memref<!tpu.dma_semaphore, #tpu.memory_space<semaphore_mem>>) src(%dma_wait3A_1084 : memref<1000000x32xf32, #tpu.memory_space<hbm>>) dst(%dma_wait3A_1078 : memref<26x32xf32, #tpu.memory_space<vmem>>)
    %dma_wait3A_1085 = arith.constant 26 : i32
    %dma_wait3A_1086 = arith.constant 26 : i32
    %dma_wait3A_1087 = arith.constant 0 : i32
    %dma_wait3A_1088 = arith.constant 0 : i32
    %dma_wait3A_1089 = tpu.memref_slice %arg6[%dma_wait3A_1086, %dma_wait3A_1087, %dma_wait3A_1088] : memref<32x26x32xf32, #tpu.memory_space<vmem>> -> memref<1x26x32xf32, #tpu.memory_space<vmem>>
    %dma_wait3A_1090 = tpu.memref_squeeze %dma_wait3A_1089 : memref<1x26x32xf32, #tpu.memory_space<vmem>> -> memref<26x32xf32, #tpu.memory_space<vmem>>
    %dma_wait3A_1091 = arith.constant 0 : i32
    %dma_wait3A_1092 = tpu.memref_slice %arg5[%dma_wait3A_1085, %dma_wait3A_1091] : memref<512x26xi32, #tpu.memory_space<vmem>> -> memref<1x26xi32, #tpu.memory_space<vmem>>
    %dma_wait3A_1093 = tpu.memref_squeeze %dma_wait3A_1092 : memref<1x26xi32, #tpu.memory_space<vmem>> -> memref<26xi32, #tpu.memory_space<vmem>>
    %dma_wait3A_1094 = arith.constant 0 : i32
    %dma_wait3A_1095 = arith.constant 0 : i32
    %dma_wait3A_1096 = tpu.memref_slice %arg3[%dma_wait3A_1094, %dma_wait3A_1095] : memref<1000000x32xf32, #tpu.memory_space<hbm>> -> memref<1000000x32xf32, #tpu.memory_space<hbm>>
    tpu.wait_indirect_dma semaphore(%arg8 : memref<!tpu.dma_semaphore, #tpu.memory_space<semaphore_mem>>) src(%dma_wait3A_1096 : memref<1000000x32xf32, #tpu.memory_space<hbm>>) dst(%dma_wait3A_1090 : memref<26x32xf32, #tpu.memory_space<vmem>>)
    %dma_wait3A_1097 = arith.constant 27 : i32
    %dma_wait3A_1098 = arith.constant 27 : i32
    %dma_wait3A_1099 = arith.constant 0 : i32
    %dma_wait3A_1100 = arith.constant 0 : i32
    %dma_wait3A_1101 = tpu.memref_slice %arg6[%dma_wait3A_1098, %dma_wait3A_1099, %dma_wait3A_1100] : memref<32x26x32xf32, #tpu.memory_space<vmem>> -> memref<1x26x32xf32, #tpu.memory_space<vmem>>
    %dma_wait3A_1102 = tpu.memref_squeeze %dma_wait3A_1101 : memref<1x26x32xf32, #tpu.memory_space<vmem>> -> memref<26x32xf32, #tpu.memory_space<vmem>>
    %dma_wait3A_1103 = arith.constant 0 : i32
    %dma_wait3A_1104 = tpu.memref_slice %arg5[%dma_wait3A_1097, %dma_wait3A_1103] : memref<512x26xi32, #tpu.memory_space<vmem>> -> memref<1x26xi32, #tpu.memory_space<vmem>>
    %dma_wait3A_1105 = tpu.memref_squeeze %dma_wait3A_1104 : memref<1x26xi32, #tpu.memory_space<vmem>> -> memref<26xi32, #tpu.memory_space<vmem>>
    %dma_wait3A_1106 = arith.constant 0 : i32
    %dma_wait3A_1107 = arith.constant 0 : i32
    %dma_wait3A_1108 = tpu.memref_slice %arg3[%dma_wait3A_1106, %dma_wait3A_1107] : memref<1000000x32xf32, #tpu.memory_space<hbm>> -> memref<1000000x32xf32, #tpu.memory_space<hbm>>
    tpu.wait_indirect_dma semaphore(%arg8 : memref<!tpu.dma_semaphore, #tpu.memory_space<semaphore_mem>>) src(%dma_wait3A_1108 : memref<1000000x32xf32, #tpu.memory_space<hbm>>) dst(%dma_wait3A_1102 : memref<26x32xf32, #tpu.memory_space<vmem>>)
    %dma_wait3A_1109 = arith.constant 28 : i32
    %dma_wait3A_1110 = arith.constant 28 : i32
    %dma_wait3A_1111 = arith.constant 0 : i32
    %dma_wait3A_1112 = arith.constant 0 : i32
    %dma_wait3A_1113 = tpu.memref_slice %arg6[%dma_wait3A_1110, %dma_wait3A_1111, %dma_wait3A_1112] : memref<32x26x32xf32, #tpu.memory_space<vmem>> -> memref<1x26x32xf32, #tpu.memory_space<vmem>>
    %dma_wait3A_1114 = tpu.memref_squeeze %dma_wait3A_1113 : memref<1x26x32xf32, #tpu.memory_space<vmem>> -> memref<26x32xf32, #tpu.memory_space<vmem>>
    %dma_wait3A_1115 = arith.constant 0 : i32
    %dma_wait3A_1116 = tpu.memref_slice %arg5[%dma_wait3A_1109, %dma_wait3A_1115] : memref<512x26xi32, #tpu.memory_space<vmem>> -> memref<1x26xi32, #tpu.memory_space<vmem>>
    %dma_wait3A_1117 = tpu.memref_squeeze %dma_wait3A_1116 : memref<1x26xi32, #tpu.memory_space<vmem>> -> memref<26xi32, #tpu.memory_space<vmem>>
    %dma_wait3A_1118 = arith.constant 0 : i32
    %dma_wait3A_1119 = arith.constant 0 : i32
    %dma_wait3A_1120 = tpu.memref_slice %arg3[%dma_wait3A_1118, %dma_wait3A_1119] : memref<1000000x32xf32, #tpu.memory_space<hbm>> -> memref<1000000x32xf32, #tpu.memory_space<hbm>>
    tpu.wait_indirect_dma semaphore(%arg8 : memref<!tpu.dma_semaphore, #tpu.memory_space<semaphore_mem>>) src(%dma_wait3A_1120 : memref<1000000x32xf32, #tpu.memory_space<hbm>>) dst(%dma_wait3A_1114 : memref<26x32xf32, #tpu.memory_space<vmem>>)
    %dma_wait3A_1121 = arith.constant 29 : i32
    %dma_wait3A_1122 = arith.constant 29 : i32
    %dma_wait3A_1123 = arith.constant 0 : i32
    %dma_wait3A_1124 = arith.constant 0 : i32
    %dma_wait3A_1125 = tpu.memref_slice %arg6[%dma_wait3A_1122, %dma_wait3A_1123, %dma_wait3A_1124] : memref<32x26x32xf32, #tpu.memory_space<vmem>> -> memref<1x26x32xf32, #tpu.memory_space<vmem>>
    %dma_wait3A_1126 = tpu.memref_squeeze %dma_wait3A_1125 : memref<1x26x32xf32, #tpu.memory_space<vmem>> -> memref<26x32xf32, #tpu.memory_space<vmem>>
    %dma_wait3A_1127 = arith.constant 0 : i32
    %dma_wait3A_1128 = tpu.memref_slice %arg5[%dma_wait3A_1121, %dma_wait3A_1127] : memref<512x26xi32, #tpu.memory_space<vmem>> -> memref<1x26xi32, #tpu.memory_space<vmem>>
    %dma_wait3A_1129 = tpu.memref_squeeze %dma_wait3A_1128 : memref<1x26xi32, #tpu.memory_space<vmem>> -> memref<26xi32, #tpu.memory_space<vmem>>
    %dma_wait3A_1130 = arith.constant 0 : i32
    %dma_wait3A_1131 = arith.constant 0 : i32
    %dma_wait3A_1132 = tpu.memref_slice %arg3[%dma_wait3A_1130, %dma_wait3A_1131] : memref<1000000x32xf32, #tpu.memory_space<hbm>> -> memref<1000000x32xf32, #tpu.memory_space<hbm>>
    tpu.wait_indirect_dma semaphore(%arg8 : memref<!tpu.dma_semaphore, #tpu.memory_space<semaphore_mem>>) src(%dma_wait3A_1132 : memref<1000000x32xf32, #tpu.memory_space<hbm>>) dst(%dma_wait3A_1126 : memref<26x32xf32, #tpu.memory_space<vmem>>)
    %dma_wait3A_1133 = arith.constant 30 : i32
    %dma_wait3A_1134 = arith.constant 30 : i32
    %dma_wait3A_1135 = arith.constant 0 : i32
    %dma_wait3A_1136 = arith.constant 0 : i32
    %dma_wait3A_1137 = tpu.memref_slice %arg6[%dma_wait3A_1134, %dma_wait3A_1135, %dma_wait3A_1136] : memref<32x26x32xf32, #tpu.memory_space<vmem>> -> memref<1x26x32xf32, #tpu.memory_space<vmem>>
    %dma_wait3A_1138 = tpu.memref_squeeze %dma_wait3A_1137 : memref<1x26x32xf32, #tpu.memory_space<vmem>> -> memref<26x32xf32, #tpu.memory_space<vmem>>
    %dma_wait3A_1139 = arith.constant 0 : i32
    %dma_wait3A_1140 = tpu.memref_slice %arg5[%dma_wait3A_1133, %dma_wait3A_1139] : memref<512x26xi32, #tpu.memory_space<vmem>> -> memref<1x26xi32, #tpu.memory_space<vmem>>
    %dma_wait3A_1141 = tpu.memref_squeeze %dma_wait3A_1140 : memref<1x26xi32, #tpu.memory_space<vmem>> -> memref<26xi32, #tpu.memory_space<vmem>>
    %dma_wait3A_1142 = arith.constant 0 : i32
    %dma_wait3A_1143 = arith.constant 0 : i32
    %dma_wait3A_1144 = tpu.memref_slice %arg3[%dma_wait3A_1142, %dma_wait3A_1143] : memref<1000000x32xf32, #tpu.memory_space<hbm>> -> memref<1000000x32xf32, #tpu.memory_space<hbm>>
    tpu.wait_indirect_dma semaphore(%arg8 : memref<!tpu.dma_semaphore, #tpu.memory_space<semaphore_mem>>) src(%dma_wait3A_1144 : memref<1000000x32xf32, #tpu.memory_space<hbm>>) dst(%dma_wait3A_1138 : memref<26x32xf32, #tpu.memory_space<vmem>>)
    %dma_wait3A_1145 = arith.constant 31 : i32
    %dma_wait3A_1146 = arith.constant 31 : i32
    %dma_wait3A_1147 = arith.constant 0 : i32
    %dma_wait3A_1148 = arith.constant 0 : i32
    %dma_wait3A_1149 = tpu.memref_slice %arg6[%dma_wait3A_1146, %dma_wait3A_1147, %dma_wait3A_1148] : memref<32x26x32xf32, #tpu.memory_space<vmem>> -> memref<1x26x32xf32, #tpu.memory_space<vmem>>
    %dma_wait3A_1150 = tpu.memref_squeeze %dma_wait3A_1149 : memref<1x26x32xf32, #tpu.memory_space<vmem>> -> memref<26x32xf32, #tpu.memory_space<vmem>>
    %dma_wait3A_1151 = arith.constant 0 : i32
    %dma_wait3A_1152 = tpu.memref_slice %arg5[%dma_wait3A_1145, %dma_wait3A_1151] : memref<512x26xi32, #tpu.memory_space<vmem>> -> memref<1x26xi32, #tpu.memory_space<vmem>>
    %dma_wait3A_1153 = tpu.memref_squeeze %dma_wait3A_1152 : memref<1x26xi32, #tpu.memory_space<vmem>> -> memref<26xi32, #tpu.memory_space<vmem>>
    %dma_wait3A_1154 = arith.constant 0 : i32
    %dma_wait3A_1155 = arith.constant 0 : i32
    %dma_wait3A_1156 = tpu.memref_slice %arg3[%dma_wait3A_1154, %dma_wait3A_1155] : memref<1000000x32xf32, #tpu.memory_space<hbm>> -> memref<1000000x32xf32, #tpu.memory_space<hbm>>
    tpu.wait_indirect_dma semaphore(%arg8 : memref<!tpu.dma_semaphore, #tpu.memory_space<semaphore_mem>>) src(%dma_wait3A_1156 : memref<1000000x32xf32, #tpu.memory_space<hbm>>) dst(%dma_wait3A_1150 : memref<26x32xf32, #tpu.memory_space<vmem>>)
    %add3A_1157 = arith.constant 448 : i32
    %add3A_1158 = arith.addi %mul3A_2, %add3A_1157 : i32
    %dma_start3A_1159 = arith.constant 0 : i32
    %dma_start3A_1160 = arith.constant 0 : i32
    %dma_start3A_1161 = tpu.memref_slice %arg4[%add3A_1158, %dma_start3A_1159, %dma_start3A_1160] : memref<16384x26x32xf32, #tpu.memory_space<hbm>> -> memref<32x26x32xf32, #tpu.memory_space<hbm>>
    %dma_start3A_1162 = arith.constant 0 : i32
    %dma_start3A_1163 = arith.constant 0 : i32
    %dma_start3A_1164 = tpu.memref_slice %arg4[%add3A_1158, %dma_start3A_1162, %dma_start3A_1163] : memref<16384x26x32xf32, #tpu.memory_space<hbm>> -> memref<32x26x32xf32, #tpu.memory_space<hbm>>
    tpu.enqueue_dma source(%arg6 : memref<32x26x32xf32, #tpu.memory_space<vmem>>) target(%dma_start3A_1164 : memref<32x26x32xf32, #tpu.memory_space<hbm>>) target_semaphore(%arg10 : memref<!tpu.dma_semaphore, #tpu.memory_space<semaphore_mem>>)
    %dma_wait3A_1165 = arith.constant 0 : i32
    %dma_wait3A_1166 = arith.constant 0 : i32
    %dma_wait3A_1167 = arith.constant 0 : i32
    %dma_wait3A_1168 = arith.constant 0 : i32
    %dma_wait3A_1169 = tpu.memref_slice %arg7[%dma_wait3A_1166, %dma_wait3A_1167, %dma_wait3A_1168] : memref<32x26x32xf32, #tpu.memory_space<vmem>> -> memref<1x26x32xf32, #tpu.memory_space<vmem>>
    %dma_wait3A_1170 = tpu.memref_squeeze %dma_wait3A_1169 : memref<1x26x32xf32, #tpu.memory_space<vmem>> -> memref<26x32xf32, #tpu.memory_space<vmem>>
    %dma_wait3A_1171 = arith.constant 0 : i32
    %dma_wait3A_1172 = tpu.memref_slice %arg5[%dma_wait3A_1165, %dma_wait3A_1171] : memref<512x26xi32, #tpu.memory_space<vmem>> -> memref<1x26xi32, #tpu.memory_space<vmem>>
    %dma_wait3A_1173 = tpu.memref_squeeze %dma_wait3A_1172 : memref<1x26xi32, #tpu.memory_space<vmem>> -> memref<26xi32, #tpu.memory_space<vmem>>
    %dma_wait3A_1174 = arith.constant 0 : i32
    %dma_wait3A_1175 = arith.constant 0 : i32
    %dma_wait3A_1176 = tpu.memref_slice %arg3[%dma_wait3A_1174, %dma_wait3A_1175] : memref<1000000x32xf32, #tpu.memory_space<hbm>> -> memref<1000000x32xf32, #tpu.memory_space<hbm>>
    tpu.wait_indirect_dma semaphore(%arg9 : memref<!tpu.dma_semaphore, #tpu.memory_space<semaphore_mem>>) src(%dma_wait3A_1176 : memref<1000000x32xf32, #tpu.memory_space<hbm>>) dst(%dma_wait3A_1170 : memref<26x32xf32, #tpu.memory_space<vmem>>)
    %dma_wait3A_1177 = arith.constant 1 : i32
    %dma_wait3A_1178 = arith.constant 1 : i32
    %dma_wait3A_1179 = arith.constant 0 : i32
    %dma_wait3A_1180 = arith.constant 0 : i32
    %dma_wait3A_1181 = tpu.memref_slice %arg7[%dma_wait3A_1178, %dma_wait3A_1179, %dma_wait3A_1180] : memref<32x26x32xf32, #tpu.memory_space<vmem>> -> memref<1x26x32xf32, #tpu.memory_space<vmem>>
    %dma_wait3A_1182 = tpu.memref_squeeze %dma_wait3A_1181 : memref<1x26x32xf32, #tpu.memory_space<vmem>> -> memref<26x32xf32, #tpu.memory_space<vmem>>
    %dma_wait3A_1183 = arith.constant 0 : i32
    %dma_wait3A_1184 = tpu.memref_slice %arg5[%dma_wait3A_1177, %dma_wait3A_1183] : memref<512x26xi32, #tpu.memory_space<vmem>> -> memref<1x26xi32, #tpu.memory_space<vmem>>
    %dma_wait3A_1185 = tpu.memref_squeeze %dma_wait3A_1184 : memref<1x26xi32, #tpu.memory_space<vmem>> -> memref<26xi32, #tpu.memory_space<vmem>>
    %dma_wait3A_1186 = arith.constant 0 : i32
    %dma_wait3A_1187 = arith.constant 0 : i32
    %dma_wait3A_1188 = tpu.memref_slice %arg3[%dma_wait3A_1186, %dma_wait3A_1187] : memref<1000000x32xf32, #tpu.memory_space<hbm>> -> memref<1000000x32xf32, #tpu.memory_space<hbm>>
    tpu.wait_indirect_dma semaphore(%arg9 : memref<!tpu.dma_semaphore, #tpu.memory_space<semaphore_mem>>) src(%dma_wait3A_1188 : memref<1000000x32xf32, #tpu.memory_space<hbm>>) dst(%dma_wait3A_1182 : memref<26x32xf32, #tpu.memory_space<vmem>>)
    %dma_wait3A_1189 = arith.constant 2 : i32
    %dma_wait3A_1190 = arith.constant 2 : i32
    %dma_wait3A_1191 = arith.constant 0 : i32
    %dma_wait3A_1192 = arith.constant 0 : i32
    %dma_wait3A_1193 = tpu.memref_slice %arg7[%dma_wait3A_1190, %dma_wait3A_1191, %dma_wait3A_1192] : memref<32x26x32xf32, #tpu.memory_space<vmem>> -> memref<1x26x32xf32, #tpu.memory_space<vmem>>
    %dma_wait3A_1194 = tpu.memref_squeeze %dma_wait3A_1193 : memref<1x26x32xf32, #tpu.memory_space<vmem>> -> memref<26x32xf32, #tpu.memory_space<vmem>>
    %dma_wait3A_1195 = arith.constant 0 : i32
    %dma_wait3A_1196 = tpu.memref_slice %arg5[%dma_wait3A_1189, %dma_wait3A_1195] : memref<512x26xi32, #tpu.memory_space<vmem>> -> memref<1x26xi32, #tpu.memory_space<vmem>>
    %dma_wait3A_1197 = tpu.memref_squeeze %dma_wait3A_1196 : memref<1x26xi32, #tpu.memory_space<vmem>> -> memref<26xi32, #tpu.memory_space<vmem>>
    %dma_wait3A_1198 = arith.constant 0 : i32
    %dma_wait3A_1199 = arith.constant 0 : i32
    %dma_wait3A_1200 = tpu.memref_slice %arg3[%dma_wait3A_1198, %dma_wait3A_1199] : memref<1000000x32xf32, #tpu.memory_space<hbm>> -> memref<1000000x32xf32, #tpu.memory_space<hbm>>
    tpu.wait_indirect_dma semaphore(%arg9 : memref<!tpu.dma_semaphore, #tpu.memory_space<semaphore_mem>>) src(%dma_wait3A_1200 : memref<1000000x32xf32, #tpu.memory_space<hbm>>) dst(%dma_wait3A_1194 : memref<26x32xf32, #tpu.memory_space<vmem>>)
    %dma_wait3A_1201 = arith.constant 3 : i32
    %dma_wait3A_1202 = arith.constant 3 : i32
    %dma_wait3A_1203 = arith.constant 0 : i32
    %dma_wait3A_1204 = arith.constant 0 : i32
    %dma_wait3A_1205 = tpu.memref_slice %arg7[%dma_wait3A_1202, %dma_wait3A_1203, %dma_wait3A_1204] : memref<32x26x32xf32, #tpu.memory_space<vmem>> -> memref<1x26x32xf32, #tpu.memory_space<vmem>>
    %dma_wait3A_1206 = tpu.memref_squeeze %dma_wait3A_1205 : memref<1x26x32xf32, #tpu.memory_space<vmem>> -> memref<26x32xf32, #tpu.memory_space<vmem>>
    %dma_wait3A_1207 = arith.constant 0 : i32
    %dma_wait3A_1208 = tpu.memref_slice %arg5[%dma_wait3A_1201, %dma_wait3A_1207] : memref<512x26xi32, #tpu.memory_space<vmem>> -> memref<1x26xi32, #tpu.memory_space<vmem>>
    %dma_wait3A_1209 = tpu.memref_squeeze %dma_wait3A_1208 : memref<1x26xi32, #tpu.memory_space<vmem>> -> memref<26xi32, #tpu.memory_space<vmem>>
    %dma_wait3A_1210 = arith.constant 0 : i32
    %dma_wait3A_1211 = arith.constant 0 : i32
    %dma_wait3A_1212 = tpu.memref_slice %arg3[%dma_wait3A_1210, %dma_wait3A_1211] : memref<1000000x32xf32, #tpu.memory_space<hbm>> -> memref<1000000x32xf32, #tpu.memory_space<hbm>>
    tpu.wait_indirect_dma semaphore(%arg9 : memref<!tpu.dma_semaphore, #tpu.memory_space<semaphore_mem>>) src(%dma_wait3A_1212 : memref<1000000x32xf32, #tpu.memory_space<hbm>>) dst(%dma_wait3A_1206 : memref<26x32xf32, #tpu.memory_space<vmem>>)
    %dma_wait3A_1213 = arith.constant 4 : i32
    %dma_wait3A_1214 = arith.constant 4 : i32
    %dma_wait3A_1215 = arith.constant 0 : i32
    %dma_wait3A_1216 = arith.constant 0 : i32
    %dma_wait3A_1217 = tpu.memref_slice %arg7[%dma_wait3A_1214, %dma_wait3A_1215, %dma_wait3A_1216] : memref<32x26x32xf32, #tpu.memory_space<vmem>> -> memref<1x26x32xf32, #tpu.memory_space<vmem>>
    %dma_wait3A_1218 = tpu.memref_squeeze %dma_wait3A_1217 : memref<1x26x32xf32, #tpu.memory_space<vmem>> -> memref<26x32xf32, #tpu.memory_space<vmem>>
    %dma_wait3A_1219 = arith.constant 0 : i32
    %dma_wait3A_1220 = tpu.memref_slice %arg5[%dma_wait3A_1213, %dma_wait3A_1219] : memref<512x26xi32, #tpu.memory_space<vmem>> -> memref<1x26xi32, #tpu.memory_space<vmem>>
    %dma_wait3A_1221 = tpu.memref_squeeze %dma_wait3A_1220 : memref<1x26xi32, #tpu.memory_space<vmem>> -> memref<26xi32, #tpu.memory_space<vmem>>
    %dma_wait3A_1222 = arith.constant 0 : i32
    %dma_wait3A_1223 = arith.constant 0 : i32
    %dma_wait3A_1224 = tpu.memref_slice %arg3[%dma_wait3A_1222, %dma_wait3A_1223] : memref<1000000x32xf32, #tpu.memory_space<hbm>> -> memref<1000000x32xf32, #tpu.memory_space<hbm>>
    tpu.wait_indirect_dma semaphore(%arg9 : memref<!tpu.dma_semaphore, #tpu.memory_space<semaphore_mem>>) src(%dma_wait3A_1224 : memref<1000000x32xf32, #tpu.memory_space<hbm>>) dst(%dma_wait3A_1218 : memref<26x32xf32, #tpu.memory_space<vmem>>)
    %dma_wait3A_1225 = arith.constant 5 : i32
    %dma_wait3A_1226 = arith.constant 5 : i32
    %dma_wait3A_1227 = arith.constant 0 : i32
    %dma_wait3A_1228 = arith.constant 0 : i32
    %dma_wait3A_1229 = tpu.memref_slice %arg7[%dma_wait3A_1226, %dma_wait3A_1227, %dma_wait3A_1228] : memref<32x26x32xf32, #tpu.memory_space<vmem>> -> memref<1x26x32xf32, #tpu.memory_space<vmem>>
    %dma_wait3A_1230 = tpu.memref_squeeze %dma_wait3A_1229 : memref<1x26x32xf32, #tpu.memory_space<vmem>> -> memref<26x32xf32, #tpu.memory_space<vmem>>
    %dma_wait3A_1231 = arith.constant 0 : i32
    %dma_wait3A_1232 = tpu.memref_slice %arg5[%dma_wait3A_1225, %dma_wait3A_1231] : memref<512x26xi32, #tpu.memory_space<vmem>> -> memref<1x26xi32, #tpu.memory_space<vmem>>
    %dma_wait3A_1233 = tpu.memref_squeeze %dma_wait3A_1232 : memref<1x26xi32, #tpu.memory_space<vmem>> -> memref<26xi32, #tpu.memory_space<vmem>>
    %dma_wait3A_1234 = arith.constant 0 : i32
    %dma_wait3A_1235 = arith.constant 0 : i32
    %dma_wait3A_1236 = tpu.memref_slice %arg3[%dma_wait3A_1234, %dma_wait3A_1235] : memref<1000000x32xf32, #tpu.memory_space<hbm>> -> memref<1000000x32xf32, #tpu.memory_space<hbm>>
    tpu.wait_indirect_dma semaphore(%arg9 : memref<!tpu.dma_semaphore, #tpu.memory_space<semaphore_mem>>) src(%dma_wait3A_1236 : memref<1000000x32xf32, #tpu.memory_space<hbm>>) dst(%dma_wait3A_1230 : memref<26x32xf32, #tpu.memory_space<vmem>>)
    %dma_wait3A_1237 = arith.constant 6 : i32
    %dma_wait3A_1238 = arith.constant 6 : i32
    %dma_wait3A_1239 = arith.constant 0 : i32
    %dma_wait3A_1240 = arith.constant 0 : i32
    %dma_wait3A_1241 = tpu.memref_slice %arg7[%dma_wait3A_1238, %dma_wait3A_1239, %dma_wait3A_1240] : memref<32x26x32xf32, #tpu.memory_space<vmem>> -> memref<1x26x32xf32, #tpu.memory_space<vmem>>
    %dma_wait3A_1242 = tpu.memref_squeeze %dma_wait3A_1241 : memref<1x26x32xf32, #tpu.memory_space<vmem>> -> memref<26x32xf32, #tpu.memory_space<vmem>>
    %dma_wait3A_1243 = arith.constant 0 : i32
    %dma_wait3A_1244 = tpu.memref_slice %arg5[%dma_wait3A_1237, %dma_wait3A_1243] : memref<512x26xi32, #tpu.memory_space<vmem>> -> memref<1x26xi32, #tpu.memory_space<vmem>>
    %dma_wait3A_1245 = tpu.memref_squeeze %dma_wait3A_1244 : memref<1x26xi32, #tpu.memory_space<vmem>> -> memref<26xi32, #tpu.memory_space<vmem>>
    %dma_wait3A_1246 = arith.constant 0 : i32
    %dma_wait3A_1247 = arith.constant 0 : i32
    %dma_wait3A_1248 = tpu.memref_slice %arg3[%dma_wait3A_1246, %dma_wait3A_1247] : memref<1000000x32xf32, #tpu.memory_space<hbm>> -> memref<1000000x32xf32, #tpu.memory_space<hbm>>
    tpu.wait_indirect_dma semaphore(%arg9 : memref<!tpu.dma_semaphore, #tpu.memory_space<semaphore_mem>>) src(%dma_wait3A_1248 : memref<1000000x32xf32, #tpu.memory_space<hbm>>) dst(%dma_wait3A_1242 : memref<26x32xf32, #tpu.memory_space<vmem>>)
    %dma_wait3A_1249 = arith.constant 7 : i32
    %dma_wait3A_1250 = arith.constant 7 : i32
    %dma_wait3A_1251 = arith.constant 0 : i32
    %dma_wait3A_1252 = arith.constant 0 : i32
    %dma_wait3A_1253 = tpu.memref_slice %arg7[%dma_wait3A_1250, %dma_wait3A_1251, %dma_wait3A_1252] : memref<32x26x32xf32, #tpu.memory_space<vmem>> -> memref<1x26x32xf32, #tpu.memory_space<vmem>>
    %dma_wait3A_1254 = tpu.memref_squeeze %dma_wait3A_1253 : memref<1x26x32xf32, #tpu.memory_space<vmem>> -> memref<26x32xf32, #tpu.memory_space<vmem>>
    %dma_wait3A_1255 = arith.constant 0 : i32
    %dma_wait3A_1256 = tpu.memref_slice %arg5[%dma_wait3A_1249, %dma_wait3A_1255] : memref<512x26xi32, #tpu.memory_space<vmem>> -> memref<1x26xi32, #tpu.memory_space<vmem>>
    %dma_wait3A_1257 = tpu.memref_squeeze %dma_wait3A_1256 : memref<1x26xi32, #tpu.memory_space<vmem>> -> memref<26xi32, #tpu.memory_space<vmem>>
    %dma_wait3A_1258 = arith.constant 0 : i32
    %dma_wait3A_1259 = arith.constant 0 : i32
    %dma_wait3A_1260 = tpu.memref_slice %arg3[%dma_wait3A_1258, %dma_wait3A_1259] : memref<1000000x32xf32, #tpu.memory_space<hbm>> -> memref<1000000x32xf32, #tpu.memory_space<hbm>>
    tpu.wait_indirect_dma semaphore(%arg9 : memref<!tpu.dma_semaphore, #tpu.memory_space<semaphore_mem>>) src(%dma_wait3A_1260 : memref<1000000x32xf32, #tpu.memory_space<hbm>>) dst(%dma_wait3A_1254 : memref<26x32xf32, #tpu.memory_space<vmem>>)
    %dma_wait3A_1261 = arith.constant 8 : i32
    %dma_wait3A_1262 = arith.constant 8 : i32
    %dma_wait3A_1263 = arith.constant 0 : i32
    %dma_wait3A_1264 = arith.constant 0 : i32
    %dma_wait3A_1265 = tpu.memref_slice %arg7[%dma_wait3A_1262, %dma_wait3A_1263, %dma_wait3A_1264] : memref<32x26x32xf32, #tpu.memory_space<vmem>> -> memref<1x26x32xf32, #tpu.memory_space<vmem>>
    %dma_wait3A_1266 = tpu.memref_squeeze %dma_wait3A_1265 : memref<1x26x32xf32, #tpu.memory_space<vmem>> -> memref<26x32xf32, #tpu.memory_space<vmem>>
    %dma_wait3A_1267 = arith.constant 0 : i32
    %dma_wait3A_1268 = tpu.memref_slice %arg5[%dma_wait3A_1261, %dma_wait3A_1267] : memref<512x26xi32, #tpu.memory_space<vmem>> -> memref<1x26xi32, #tpu.memory_space<vmem>>
    %dma_wait3A_1269 = tpu.memref_squeeze %dma_wait3A_1268 : memref<1x26xi32, #tpu.memory_space<vmem>> -> memref<26xi32, #tpu.memory_space<vmem>>
    %dma_wait3A_1270 = arith.constant 0 : i32
    %dma_wait3A_1271 = arith.constant 0 : i32
    %dma_wait3A_1272 = tpu.memref_slice %arg3[%dma_wait3A_1270, %dma_wait3A_1271] : memref<1000000x32xf32, #tpu.memory_space<hbm>> -> memref<1000000x32xf32, #tpu.memory_space<hbm>>
    tpu.wait_indirect_dma semaphore(%arg9 : memref<!tpu.dma_semaphore, #tpu.memory_space<semaphore_mem>>) src(%dma_wait3A_1272 : memref<1000000x32xf32, #tpu.memory_space<hbm>>) dst(%dma_wait3A_1266 : memref<26x32xf32, #tpu.memory_space<vmem>>)
    %dma_wait3A_1273 = arith.constant 9 : i32
    %dma_wait3A_1274 = arith.constant 9 : i32
    %dma_wait3A_1275 = arith.constant 0 : i32
    %dma_wait3A_1276 = arith.constant 0 : i32
    %dma_wait3A_1277 = tpu.memref_slice %arg7[%dma_wait3A_1274, %dma_wait3A_1275, %dma_wait3A_1276] : memref<32x26x32xf32, #tpu.memory_space<vmem>> -> memref<1x26x32xf32, #tpu.memory_space<vmem>>
    %dma_wait3A_1278 = tpu.memref_squeeze %dma_wait3A_1277 : memref<1x26x32xf32, #tpu.memory_space<vmem>> -> memref<26x32xf32, #tpu.memory_space<vmem>>
    %dma_wait3A_1279 = arith.constant 0 : i32
    %dma_wait3A_1280 = tpu.memref_slice %arg5[%dma_wait3A_1273, %dma_wait3A_1279] : memref<512x26xi32, #tpu.memory_space<vmem>> -> memref<1x26xi32, #tpu.memory_space<vmem>>
    %dma_wait3A_1281 = tpu.memref_squeeze %dma_wait3A_1280 : memref<1x26xi32, #tpu.memory_space<vmem>> -> memref<26xi32, #tpu.memory_space<vmem>>
    %dma_wait3A_1282 = arith.constant 0 : i32
    %dma_wait3A_1283 = arith.constant 0 : i32
    %dma_wait3A_1284 = tpu.memref_slice %arg3[%dma_wait3A_1282, %dma_wait3A_1283] : memref<1000000x32xf32, #tpu.memory_space<hbm>> -> memref<1000000x32xf32, #tpu.memory_space<hbm>>
    tpu.wait_indirect_dma semaphore(%arg9 : memref<!tpu.dma_semaphore, #tpu.memory_space<semaphore_mem>>) src(%dma_wait3A_1284 : memref<1000000x32xf32, #tpu.memory_space<hbm>>) dst(%dma_wait3A_1278 : memref<26x32xf32, #tpu.memory_space<vmem>>)
    %dma_wait3A_1285 = arith.constant 10 : i32
    %dma_wait3A_1286 = arith.constant 10 : i32
    %dma_wait3A_1287 = arith.constant 0 : i32
    %dma_wait3A_1288 = arith.constant 0 : i32
    %dma_wait3A_1289 = tpu.memref_slice %arg7[%dma_wait3A_1286, %dma_wait3A_1287, %dma_wait3A_1288] : memref<32x26x32xf32, #tpu.memory_space<vmem>> -> memref<1x26x32xf32, #tpu.memory_space<vmem>>
    %dma_wait3A_1290 = tpu.memref_squeeze %dma_wait3A_1289 : memref<1x26x32xf32, #tpu.memory_space<vmem>> -> memref<26x32xf32, #tpu.memory_space<vmem>>
    %dma_wait3A_1291 = arith.constant 0 : i32
    %dma_wait3A_1292 = tpu.memref_slice %arg5[%dma_wait3A_1285, %dma_wait3A_1291] : memref<512x26xi32, #tpu.memory_space<vmem>> -> memref<1x26xi32, #tpu.memory_space<vmem>>
    %dma_wait3A_1293 = tpu.memref_squeeze %dma_wait3A_1292 : memref<1x26xi32, #tpu.memory_space<vmem>> -> memref<26xi32, #tpu.memory_space<vmem>>
    %dma_wait3A_1294 = arith.constant 0 : i32
    %dma_wait3A_1295 = arith.constant 0 : i32
    %dma_wait3A_1296 = tpu.memref_slice %arg3[%dma_wait3A_1294, %dma_wait3A_1295] : memref<1000000x32xf32, #tpu.memory_space<hbm>> -> memref<1000000x32xf32, #tpu.memory_space<hbm>>
    tpu.wait_indirect_dma semaphore(%arg9 : memref<!tpu.dma_semaphore, #tpu.memory_space<semaphore_mem>>) src(%dma_wait3A_1296 : memref<1000000x32xf32, #tpu.memory_space<hbm>>) dst(%dma_wait3A_1290 : memref<26x32xf32, #tpu.memory_space<vmem>>)
    %dma_wait3A_1297 = arith.constant 11 : i32
    %dma_wait3A_1298 = arith.constant 11 : i32
    %dma_wait3A_1299 = arith.constant 0 : i32
    %dma_wait3A_1300 = arith.constant 0 : i32
    %dma_wait3A_1301 = tpu.memref_slice %arg7[%dma_wait3A_1298, %dma_wait3A_1299, %dma_wait3A_1300] : memref<32x26x32xf32, #tpu.memory_space<vmem>> -> memref<1x26x32xf32, #tpu.memory_space<vmem>>
    %dma_wait3A_1302 = tpu.memref_squeeze %dma_wait3A_1301 : memref<1x26x32xf32, #tpu.memory_space<vmem>> -> memref<26x32xf32, #tpu.memory_space<vmem>>
    %dma_wait3A_1303 = arith.constant 0 : i32
    %dma_wait3A_1304 = tpu.memref_slice %arg5[%dma_wait3A_1297, %dma_wait3A_1303] : memref<512x26xi32, #tpu.memory_space<vmem>> -> memref<1x26xi32, #tpu.memory_space<vmem>>
    %dma_wait3A_1305 = tpu.memref_squeeze %dma_wait3A_1304 : memref<1x26xi32, #tpu.memory_space<vmem>> -> memref<26xi32, #tpu.memory_space<vmem>>
    %dma_wait3A_1306 = arith.constant 0 : i32
    %dma_wait3A_1307 = arith.constant 0 : i32
    %dma_wait3A_1308 = tpu.memref_slice %arg3[%dma_wait3A_1306, %dma_wait3A_1307] : memref<1000000x32xf32, #tpu.memory_space<hbm>> -> memref<1000000x32xf32, #tpu.memory_space<hbm>>
    tpu.wait_indirect_dma semaphore(%arg9 : memref<!tpu.dma_semaphore, #tpu.memory_space<semaphore_mem>>) src(%dma_wait3A_1308 : memref<1000000x32xf32, #tpu.memory_space<hbm>>) dst(%dma_wait3A_1302 : memref<26x32xf32, #tpu.memory_space<vmem>>)
    %dma_wait3A_1309 = arith.constant 12 : i32
    %dma_wait3A_1310 = arith.constant 12 : i32
    %dma_wait3A_1311 = arith.constant 0 : i32
    %dma_wait3A_1312 = arith.constant 0 : i32
    %dma_wait3A_1313 = tpu.memref_slice %arg7[%dma_wait3A_1310, %dma_wait3A_1311, %dma_wait3A_1312] : memref<32x26x32xf32, #tpu.memory_space<vmem>> -> memref<1x26x32xf32, #tpu.memory_space<vmem>>
    %dma_wait3A_1314 = tpu.memref_squeeze %dma_wait3A_1313 : memref<1x26x32xf32, #tpu.memory_space<vmem>> -> memref<26x32xf32, #tpu.memory_space<vmem>>
    %dma_wait3A_1315 = arith.constant 0 : i32
    %dma_wait3A_1316 = tpu.memref_slice %arg5[%dma_wait3A_1309, %dma_wait3A_1315] : memref<512x26xi32, #tpu.memory_space<vmem>> -> memref<1x26xi32, #tpu.memory_space<vmem>>
    %dma_wait3A_1317 = tpu.memref_squeeze %dma_wait3A_1316 : memref<1x26xi32, #tpu.memory_space<vmem>> -> memref<26xi32, #tpu.memory_space<vmem>>
    %dma_wait3A_1318 = arith.constant 0 : i32
    %dma_wait3A_1319 = arith.constant 0 : i32
    %dma_wait3A_1320 = tpu.memref_slice %arg3[%dma_wait3A_1318, %dma_wait3A_1319] : memref<1000000x32xf32, #tpu.memory_space<hbm>> -> memref<1000000x32xf32, #tpu.memory_space<hbm>>
    tpu.wait_indirect_dma semaphore(%arg9 : memref<!tpu.dma_semaphore, #tpu.memory_space<semaphore_mem>>) src(%dma_wait3A_1320 : memref<1000000x32xf32, #tpu.memory_space<hbm>>) dst(%dma_wait3A_1314 : memref<26x32xf32, #tpu.memory_space<vmem>>)
    %dma_wait3A_1321 = arith.constant 13 : i32
    %dma_wait3A_1322 = arith.constant 13 : i32
    %dma_wait3A_1323 = arith.constant 0 : i32
    %dma_wait3A_1324 = arith.constant 0 : i32
    %dma_wait3A_1325 = tpu.memref_slice %arg7[%dma_wait3A_1322, %dma_wait3A_1323, %dma_wait3A_1324] : memref<32x26x32xf32, #tpu.memory_space<vmem>> -> memref<1x26x32xf32, #tpu.memory_space<vmem>>
    %dma_wait3A_1326 = tpu.memref_squeeze %dma_wait3A_1325 : memref<1x26x32xf32, #tpu.memory_space<vmem>> -> memref<26x32xf32, #tpu.memory_space<vmem>>
    %dma_wait3A_1327 = arith.constant 0 : i32
    %dma_wait3A_1328 = tpu.memref_slice %arg5[%dma_wait3A_1321, %dma_wait3A_1327] : memref<512x26xi32, #tpu.memory_space<vmem>> -> memref<1x26xi32, #tpu.memory_space<vmem>>
    %dma_wait3A_1329 = tpu.memref_squeeze %dma_wait3A_1328 : memref<1x26xi32, #tpu.memory_space<vmem>> -> memref<26xi32, #tpu.memory_space<vmem>>
    %dma_wait3A_1330 = arith.constant 0 : i32
    %dma_wait3A_1331 = arith.constant 0 : i32
    %dma_wait3A_1332 = tpu.memref_slice %arg3[%dma_wait3A_1330, %dma_wait3A_1331] : memref<1000000x32xf32, #tpu.memory_space<hbm>> -> memref<1000000x32xf32, #tpu.memory_space<hbm>>
    tpu.wait_indirect_dma semaphore(%arg9 : memref<!tpu.dma_semaphore, #tpu.memory_space<semaphore_mem>>) src(%dma_wait3A_1332 : memref<1000000x32xf32, #tpu.memory_space<hbm>>) dst(%dma_wait3A_1326 : memref<26x32xf32, #tpu.memory_space<vmem>>)
    %dma_wait3A_1333 = arith.constant 14 : i32
    %dma_wait3A_1334 = arith.constant 14 : i32
    %dma_wait3A_1335 = arith.constant 0 : i32
    %dma_wait3A_1336 = arith.constant 0 : i32
    %dma_wait3A_1337 = tpu.memref_slice %arg7[%dma_wait3A_1334, %dma_wait3A_1335, %dma_wait3A_1336] : memref<32x26x32xf32, #tpu.memory_space<vmem>> -> memref<1x26x32xf32, #tpu.memory_space<vmem>>
    %dma_wait3A_1338 = tpu.memref_squeeze %dma_wait3A_1337 : memref<1x26x32xf32, #tpu.memory_space<vmem>> -> memref<26x32xf32, #tpu.memory_space<vmem>>
    %dma_wait3A_1339 = arith.constant 0 : i32
    %dma_wait3A_1340 = tpu.memref_slice %arg5[%dma_wait3A_1333, %dma_wait3A_1339] : memref<512x26xi32, #tpu.memory_space<vmem>> -> memref<1x26xi32, #tpu.memory_space<vmem>>
    %dma_wait3A_1341 = tpu.memref_squeeze %dma_wait3A_1340 : memref<1x26xi32, #tpu.memory_space<vmem>> -> memref<26xi32, #tpu.memory_space<vmem>>
    %dma_wait3A_1342 = arith.constant 0 : i32
    %dma_wait3A_1343 = arith.constant 0 : i32
    %dma_wait3A_1344 = tpu.memref_slice %arg3[%dma_wait3A_1342, %dma_wait3A_1343] : memref<1000000x32xf32, #tpu.memory_space<hbm>> -> memref<1000000x32xf32, #tpu.memory_space<hbm>>
    tpu.wait_indirect_dma semaphore(%arg9 : memref<!tpu.dma_semaphore, #tpu.memory_space<semaphore_mem>>) src(%dma_wait3A_1344 : memref<1000000x32xf32, #tpu.memory_space<hbm>>) dst(%dma_wait3A_1338 : memref<26x32xf32, #tpu.memory_space<vmem>>)
    %dma_wait3A_1345 = arith.constant 15 : i32
    %dma_wait3A_1346 = arith.constant 15 : i32
    %dma_wait3A_1347 = arith.constant 0 : i32
    %dma_wait3A_1348 = arith.constant 0 : i32
    %dma_wait3A_1349 = tpu.memref_slice %arg7[%dma_wait3A_1346, %dma_wait3A_1347, %dma_wait3A_1348] : memref<32x26x32xf32, #tpu.memory_space<vmem>> -> memref<1x26x32xf32, #tpu.memory_space<vmem>>
    %dma_wait3A_1350 = tpu.memref_squeeze %dma_wait3A_1349 : memref<1x26x32xf32, #tpu.memory_space<vmem>> -> memref<26x32xf32, #tpu.memory_space<vmem>>
    %dma_wait3A_1351 = arith.constant 0 : i32
    %dma_wait3A_1352 = tpu.memref_slice %arg5[%dma_wait3A_1345, %dma_wait3A_1351] : memref<512x26xi32, #tpu.memory_space<vmem>> -> memref<1x26xi32, #tpu.memory_space<vmem>>
    %dma_wait3A_1353 = tpu.memref_squeeze %dma_wait3A_1352 : memref<1x26xi32, #tpu.memory_space<vmem>> -> memref<26xi32, #tpu.memory_space<vmem>>
    %dma_wait3A_1354 = arith.constant 0 : i32
    %dma_wait3A_1355 = arith.constant 0 : i32
    %dma_wait3A_1356 = tpu.memref_slice %arg3[%dma_wait3A_1354, %dma_wait3A_1355] : memref<1000000x32xf32, #tpu.memory_space<hbm>> -> memref<1000000x32xf32, #tpu.memory_space<hbm>>
    tpu.wait_indirect_dma semaphore(%arg9 : memref<!tpu.dma_semaphore, #tpu.memory_space<semaphore_mem>>) src(%dma_wait3A_1356 : memref<1000000x32xf32, #tpu.memory_space<hbm>>) dst(%dma_wait3A_1350 : memref<26x32xf32, #tpu.memory_space<vmem>>)
    %dma_wait3A_1357 = arith.constant 16 : i32
    %dma_wait3A_1358 = arith.constant 16 : i32
    %dma_wait3A_1359 = arith.constant 0 : i32
    %dma_wait3A_1360 = arith.constant 0 : i32
    %dma_wait3A_1361 = tpu.memref_slice %arg7[%dma_wait3A_1358, %dma_wait3A_1359, %dma_wait3A_1360] : memref<32x26x32xf32, #tpu.memory_space<vmem>> -> memref<1x26x32xf32, #tpu.memory_space<vmem>>
    %dma_wait3A_1362 = tpu.memref_squeeze %dma_wait3A_1361 : memref<1x26x32xf32, #tpu.memory_space<vmem>> -> memref<26x32xf32, #tpu.memory_space<vmem>>
    %dma_wait3A_1363 = arith.constant 0 : i32
    %dma_wait3A_1364 = tpu.memref_slice %arg5[%dma_wait3A_1357, %dma_wait3A_1363] : memref<512x26xi32, #tpu.memory_space<vmem>> -> memref<1x26xi32, #tpu.memory_space<vmem>>
    %dma_wait3A_1365 = tpu.memref_squeeze %dma_wait3A_1364 : memref<1x26xi32, #tpu.memory_space<vmem>> -> memref<26xi32, #tpu.memory_space<vmem>>
    %dma_wait3A_1366 = arith.constant 0 : i32
    %dma_wait3A_1367 = arith.constant 0 : i32
    %dma_wait3A_1368 = tpu.memref_slice %arg3[%dma_wait3A_1366, %dma_wait3A_1367] : memref<1000000x32xf32, #tpu.memory_space<hbm>> -> memref<1000000x32xf32, #tpu.memory_space<hbm>>
    tpu.wait_indirect_dma semaphore(%arg9 : memref<!tpu.dma_semaphore, #tpu.memory_space<semaphore_mem>>) src(%dma_wait3A_1368 : memref<1000000x32xf32, #tpu.memory_space<hbm>>) dst(%dma_wait3A_1362 : memref<26x32xf32, #tpu.memory_space<vmem>>)
    %dma_wait3A_1369 = arith.constant 17 : i32
    %dma_wait3A_1370 = arith.constant 17 : i32
    %dma_wait3A_1371 = arith.constant 0 : i32
    %dma_wait3A_1372 = arith.constant 0 : i32
    %dma_wait3A_1373 = tpu.memref_slice %arg7[%dma_wait3A_1370, %dma_wait3A_1371, %dma_wait3A_1372] : memref<32x26x32xf32, #tpu.memory_space<vmem>> -> memref<1x26x32xf32, #tpu.memory_space<vmem>>
    %dma_wait3A_1374 = tpu.memref_squeeze %dma_wait3A_1373 : memref<1x26x32xf32, #tpu.memory_space<vmem>> -> memref<26x32xf32, #tpu.memory_space<vmem>>
    %dma_wait3A_1375 = arith.constant 0 : i32
    %dma_wait3A_1376 = tpu.memref_slice %arg5[%dma_wait3A_1369, %dma_wait3A_1375] : memref<512x26xi32, #tpu.memory_space<vmem>> -> memref<1x26xi32, #tpu.memory_space<vmem>>
    %dma_wait3A_1377 = tpu.memref_squeeze %dma_wait3A_1376 : memref<1x26xi32, #tpu.memory_space<vmem>> -> memref<26xi32, #tpu.memory_space<vmem>>
    %dma_wait3A_1378 = arith.constant 0 : i32
    %dma_wait3A_1379 = arith.constant 0 : i32
    %dma_wait3A_1380 = tpu.memref_slice %arg3[%dma_wait3A_1378, %dma_wait3A_1379] : memref<1000000x32xf32, #tpu.memory_space<hbm>> -> memref<1000000x32xf32, #tpu.memory_space<hbm>>
    tpu.wait_indirect_dma semaphore(%arg9 : memref<!tpu.dma_semaphore, #tpu.memory_space<semaphore_mem>>) src(%dma_wait3A_1380 : memref<1000000x32xf32, #tpu.memory_space<hbm>>) dst(%dma_wait3A_1374 : memref<26x32xf32, #tpu.memory_space<vmem>>)
    %dma_wait3A_1381 = arith.constant 18 : i32
    %dma_wait3A_1382 = arith.constant 18 : i32
    %dma_wait3A_1383 = arith.constant 0 : i32
    %dma_wait3A_1384 = arith.constant 0 : i32
    %dma_wait3A_1385 = tpu.memref_slice %arg7[%dma_wait3A_1382, %dma_wait3A_1383, %dma_wait3A_1384] : memref<32x26x32xf32, #tpu.memory_space<vmem>> -> memref<1x26x32xf32, #tpu.memory_space<vmem>>
    %dma_wait3A_1386 = tpu.memref_squeeze %dma_wait3A_1385 : memref<1x26x32xf32, #tpu.memory_space<vmem>> -> memref<26x32xf32, #tpu.memory_space<vmem>>
    %dma_wait3A_1387 = arith.constant 0 : i32
    %dma_wait3A_1388 = tpu.memref_slice %arg5[%dma_wait3A_1381, %dma_wait3A_1387] : memref<512x26xi32, #tpu.memory_space<vmem>> -> memref<1x26xi32, #tpu.memory_space<vmem>>
    %dma_wait3A_1389 = tpu.memref_squeeze %dma_wait3A_1388 : memref<1x26xi32, #tpu.memory_space<vmem>> -> memref<26xi32, #tpu.memory_space<vmem>>
    %dma_wait3A_1390 = arith.constant 0 : i32
    %dma_wait3A_1391 = arith.constant 0 : i32
    %dma_wait3A_1392 = tpu.memref_slice %arg3[%dma_wait3A_1390, %dma_wait3A_1391] : memref<1000000x32xf32, #tpu.memory_space<hbm>> -> memref<1000000x32xf32, #tpu.memory_space<hbm>>
    tpu.wait_indirect_dma semaphore(%arg9 : memref<!tpu.dma_semaphore, #tpu.memory_space<semaphore_mem>>) src(%dma_wait3A_1392 : memref<1000000x32xf32, #tpu.memory_space<hbm>>) dst(%dma_wait3A_1386 : memref<26x32xf32, #tpu.memory_space<vmem>>)
    %dma_wait3A_1393 = arith.constant 19 : i32
    %dma_wait3A_1394 = arith.constant 19 : i32
    %dma_wait3A_1395 = arith.constant 0 : i32
    %dma_wait3A_1396 = arith.constant 0 : i32
    %dma_wait3A_1397 = tpu.memref_slice %arg7[%dma_wait3A_1394, %dma_wait3A_1395, %dma_wait3A_1396] : memref<32x26x32xf32, #tpu.memory_space<vmem>> -> memref<1x26x32xf32, #tpu.memory_space<vmem>>
    %dma_wait3A_1398 = tpu.memref_squeeze %dma_wait3A_1397 : memref<1x26x32xf32, #tpu.memory_space<vmem>> -> memref<26x32xf32, #tpu.memory_space<vmem>>
    %dma_wait3A_1399 = arith.constant 0 : i32
    %dma_wait3A_1400 = tpu.memref_slice %arg5[%dma_wait3A_1393, %dma_wait3A_1399] : memref<512x26xi32, #tpu.memory_space<vmem>> -> memref<1x26xi32, #tpu.memory_space<vmem>>
    %dma_wait3A_1401 = tpu.memref_squeeze %dma_wait3A_1400 : memref<1x26xi32, #tpu.memory_space<vmem>> -> memref<26xi32, #tpu.memory_space<vmem>>
    %dma_wait3A_1402 = arith.constant 0 : i32
    %dma_wait3A_1403 = arith.constant 0 : i32
    %dma_wait3A_1404 = tpu.memref_slice %arg3[%dma_wait3A_1402, %dma_wait3A_1403] : memref<1000000x32xf32, #tpu.memory_space<hbm>> -> memref<1000000x32xf32, #tpu.memory_space<hbm>>
    tpu.wait_indirect_dma semaphore(%arg9 : memref<!tpu.dma_semaphore, #tpu.memory_space<semaphore_mem>>) src(%dma_wait3A_1404 : memref<1000000x32xf32, #tpu.memory_space<hbm>>) dst(%dma_wait3A_1398 : memref<26x32xf32, #tpu.memory_space<vmem>>)
    %dma_wait3A_1405 = arith.constant 20 : i32
    %dma_wait3A_1406 = arith.constant 20 : i32
    %dma_wait3A_1407 = arith.constant 0 : i32
    %dma_wait3A_1408 = arith.constant 0 : i32
    %dma_wait3A_1409 = tpu.memref_slice %arg7[%dma_wait3A_1406, %dma_wait3A_1407, %dma_wait3A_1408] : memref<32x26x32xf32, #tpu.memory_space<vmem>> -> memref<1x26x32xf32, #tpu.memory_space<vmem>>
    %dma_wait3A_1410 = tpu.memref_squeeze %dma_wait3A_1409 : memref<1x26x32xf32, #tpu.memory_space<vmem>> -> memref<26x32xf32, #tpu.memory_space<vmem>>
    %dma_wait3A_1411 = arith.constant 0 : i32
    %dma_wait3A_1412 = tpu.memref_slice %arg5[%dma_wait3A_1405, %dma_wait3A_1411] : memref<512x26xi32, #tpu.memory_space<vmem>> -> memref<1x26xi32, #tpu.memory_space<vmem>>
    %dma_wait3A_1413 = tpu.memref_squeeze %dma_wait3A_1412 : memref<1x26xi32, #tpu.memory_space<vmem>> -> memref<26xi32, #tpu.memory_space<vmem>>
    %dma_wait3A_1414 = arith.constant 0 : i32
    %dma_wait3A_1415 = arith.constant 0 : i32
    %dma_wait3A_1416 = tpu.memref_slice %arg3[%dma_wait3A_1414, %dma_wait3A_1415] : memref<1000000x32xf32, #tpu.memory_space<hbm>> -> memref<1000000x32xf32, #tpu.memory_space<hbm>>
    tpu.wait_indirect_dma semaphore(%arg9 : memref<!tpu.dma_semaphore, #tpu.memory_space<semaphore_mem>>) src(%dma_wait3A_1416 : memref<1000000x32xf32, #tpu.memory_space<hbm>>) dst(%dma_wait3A_1410 : memref<26x32xf32, #tpu.memory_space<vmem>>)
    %dma_wait3A_1417 = arith.constant 21 : i32
    %dma_wait3A_1418 = arith.constant 21 : i32
    %dma_wait3A_1419 = arith.constant 0 : i32
    %dma_wait3A_1420 = arith.constant 0 : i32
    %dma_wait3A_1421 = tpu.memref_slice %arg7[%dma_wait3A_1418, %dma_wait3A_1419, %dma_wait3A_1420] : memref<32x26x32xf32, #tpu.memory_space<vmem>> -> memref<1x26x32xf32, #tpu.memory_space<vmem>>
    %dma_wait3A_1422 = tpu.memref_squeeze %dma_wait3A_1421 : memref<1x26x32xf32, #tpu.memory_space<vmem>> -> memref<26x32xf32, #tpu.memory_space<vmem>>
    %dma_wait3A_1423 = arith.constant 0 : i32
    %dma_wait3A_1424 = tpu.memref_slice %arg5[%dma_wait3A_1417, %dma_wait3A_1423] : memref<512x26xi32, #tpu.memory_space<vmem>> -> memref<1x26xi32, #tpu.memory_space<vmem>>
    %dma_wait3A_1425 = tpu.memref_squeeze %dma_wait3A_1424 : memref<1x26xi32, #tpu.memory_space<vmem>> -> memref<26xi32, #tpu.memory_space<vmem>>
    %dma_wait3A_1426 = arith.constant 0 : i32
    %dma_wait3A_1427 = arith.constant 0 : i32
    %dma_wait3A_1428 = tpu.memref_slice %arg3[%dma_wait3A_1426, %dma_wait3A_1427] : memref<1000000x32xf32, #tpu.memory_space<hbm>> -> memref<1000000x32xf32, #tpu.memory_space<hbm>>
    tpu.wait_indirect_dma semaphore(%arg9 : memref<!tpu.dma_semaphore, #tpu.memory_space<semaphore_mem>>) src(%dma_wait3A_1428 : memref<1000000x32xf32, #tpu.memory_space<hbm>>) dst(%dma_wait3A_1422 : memref<26x32xf32, #tpu.memory_space<vmem>>)
    %dma_wait3A_1429 = arith.constant 22 : i32
    %dma_wait3A_1430 = arith.constant 22 : i32
    %dma_wait3A_1431 = arith.constant 0 : i32
    %dma_wait3A_1432 = arith.constant 0 : i32
    %dma_wait3A_1433 = tpu.memref_slice %arg7[%dma_wait3A_1430, %dma_wait3A_1431, %dma_wait3A_1432] : memref<32x26x32xf32, #tpu.memory_space<vmem>> -> memref<1x26x32xf32, #tpu.memory_space<vmem>>
    %dma_wait3A_1434 = tpu.memref_squeeze %dma_wait3A_1433 : memref<1x26x32xf32, #tpu.memory_space<vmem>> -> memref<26x32xf32, #tpu.memory_space<vmem>>
    %dma_wait3A_1435 = arith.constant 0 : i32
    %dma_wait3A_1436 = tpu.memref_slice %arg5[%dma_wait3A_1429, %dma_wait3A_1435] : memref<512x26xi32, #tpu.memory_space<vmem>> -> memref<1x26xi32, #tpu.memory_space<vmem>>
    %dma_wait3A_1437 = tpu.memref_squeeze %dma_wait3A_1436 : memref<1x26xi32, #tpu.memory_space<vmem>> -> memref<26xi32, #tpu.memory_space<vmem>>
    %dma_wait3A_1438 = arith.constant 0 : i32
    %dma_wait3A_1439 = arith.constant 0 : i32
    %dma_wait3A_1440 = tpu.memref_slice %arg3[%dma_wait3A_1438, %dma_wait3A_1439] : memref<1000000x32xf32, #tpu.memory_space<hbm>> -> memref<1000000x32xf32, #tpu.memory_space<hbm>>
    tpu.wait_indirect_dma semaphore(%arg9 : memref<!tpu.dma_semaphore, #tpu.memory_space<semaphore_mem>>) src(%dma_wait3A_1440 : memref<1000000x32xf32, #tpu.memory_space<hbm>>) dst(%dma_wait3A_1434 : memref<26x32xf32, #tpu.memory_space<vmem>>)
    %dma_wait3A_1441 = arith.constant 23 : i32
    %dma_wait3A_1442 = arith.constant 23 : i32
    %dma_wait3A_1443 = arith.constant 0 : i32
    %dma_wait3A_1444 = arith.constant 0 : i32
    %dma_wait3A_1445 = tpu.memref_slice %arg7[%dma_wait3A_1442, %dma_wait3A_1443, %dma_wait3A_1444] : memref<32x26x32xf32, #tpu.memory_space<vmem>> -> memref<1x26x32xf32, #tpu.memory_space<vmem>>
    %dma_wait3A_1446 = tpu.memref_squeeze %dma_wait3A_1445 : memref<1x26x32xf32, #tpu.memory_space<vmem>> -> memref<26x32xf32, #tpu.memory_space<vmem>>
    %dma_wait3A_1447 = arith.constant 0 : i32
    %dma_wait3A_1448 = tpu.memref_slice %arg5[%dma_wait3A_1441, %dma_wait3A_1447] : memref<512x26xi32, #tpu.memory_space<vmem>> -> memref<1x26xi32, #tpu.memory_space<vmem>>
    %dma_wait3A_1449 = tpu.memref_squeeze %dma_wait3A_1448 : memref<1x26xi32, #tpu.memory_space<vmem>> -> memref<26xi32, #tpu.memory_space<vmem>>
    %dma_wait3A_1450 = arith.constant 0 : i32
    %dma_wait3A_1451 = arith.constant 0 : i32
    %dma_wait3A_1452 = tpu.memref_slice %arg3[%dma_wait3A_1450, %dma_wait3A_1451] : memref<1000000x32xf32, #tpu.memory_space<hbm>> -> memref<1000000x32xf32, #tpu.memory_space<hbm>>
    tpu.wait_indirect_dma semaphore(%arg9 : memref<!tpu.dma_semaphore, #tpu.memory_space<semaphore_mem>>) src(%dma_wait3A_1452 : memref<1000000x32xf32, #tpu.memory_space<hbm>>) dst(%dma_wait3A_1446 : memref<26x32xf32, #tpu.memory_space<vmem>>)
    %dma_wait3A_1453 = arith.constant 24 : i32
    %dma_wait3A_1454 = arith.constant 24 : i32
    %dma_wait3A_1455 = arith.constant 0 : i32
    %dma_wait3A_1456 = arith.constant 0 : i32
    %dma_wait3A_1457 = tpu.memref_slice %arg7[%dma_wait3A_1454, %dma_wait3A_1455, %dma_wait3A_1456] : memref<32x26x32xf32, #tpu.memory_space<vmem>> -> memref<1x26x32xf32, #tpu.memory_space<vmem>>
    %dma_wait3A_1458 = tpu.memref_squeeze %dma_wait3A_1457 : memref<1x26x32xf32, #tpu.memory_space<vmem>> -> memref<26x32xf32, #tpu.memory_space<vmem>>
    %dma_wait3A_1459 = arith.constant 0 : i32
    %dma_wait3A_1460 = tpu.memref_slice %arg5[%dma_wait3A_1453, %dma_wait3A_1459] : memref<512x26xi32, #tpu.memory_space<vmem>> -> memref<1x26xi32, #tpu.memory_space<vmem>>
    %dma_wait3A_1461 = tpu.memref_squeeze %dma_wait3A_1460 : memref<1x26xi32, #tpu.memory_space<vmem>> -> memref<26xi32, #tpu.memory_space<vmem>>
    %dma_wait3A_1462 = arith.constant 0 : i32
    %dma_wait3A_1463 = arith.constant 0 : i32
    %dma_wait3A_1464 = tpu.memref_slice %arg3[%dma_wait3A_1462, %dma_wait3A_1463] : memref<1000000x32xf32, #tpu.memory_space<hbm>> -> memref<1000000x32xf32, #tpu.memory_space<hbm>>
    tpu.wait_indirect_dma semaphore(%arg9 : memref<!tpu.dma_semaphore, #tpu.memory_space<semaphore_mem>>) src(%dma_wait3A_1464 : memref<1000000x32xf32, #tpu.memory_space<hbm>>) dst(%dma_wait3A_1458 : memref<26x32xf32, #tpu.memory_space<vmem>>)
    %dma_wait3A_1465 = arith.constant 25 : i32
    %dma_wait3A_1466 = arith.constant 25 : i32
    %dma_wait3A_1467 = arith.constant 0 : i32
    %dma_wait3A_1468 = arith.constant 0 : i32
    %dma_wait3A_1469 = tpu.memref_slice %arg7[%dma_wait3A_1466, %dma_wait3A_1467, %dma_wait3A_1468] : memref<32x26x32xf32, #tpu.memory_space<vmem>> -> memref<1x26x32xf32, #tpu.memory_space<vmem>>
    %dma_wait3A_1470 = tpu.memref_squeeze %dma_wait3A_1469 : memref<1x26x32xf32, #tpu.memory_space<vmem>> -> memref<26x32xf32, #tpu.memory_space<vmem>>
    %dma_wait3A_1471 = arith.constant 0 : i32
    %dma_wait3A_1472 = tpu.memref_slice %arg5[%dma_wait3A_1465, %dma_wait3A_1471] : memref<512x26xi32, #tpu.memory_space<vmem>> -> memref<1x26xi32, #tpu.memory_space<vmem>>
    %dma_wait3A_1473 = tpu.memref_squeeze %dma_wait3A_1472 : memref<1x26xi32, #tpu.memory_space<vmem>> -> memref<26xi32, #tpu.memory_space<vmem>>
    %dma_wait3A_1474 = arith.constant 0 : i32
    %dma_wait3A_1475 = arith.constant 0 : i32
    %dma_wait3A_1476 = tpu.memref_slice %arg3[%dma_wait3A_1474, %dma_wait3A_1475] : memref<1000000x32xf32, #tpu.memory_space<hbm>> -> memref<1000000x32xf32, #tpu.memory_space<hbm>>
    tpu.wait_indirect_dma semaphore(%arg9 : memref<!tpu.dma_semaphore, #tpu.memory_space<semaphore_mem>>) src(%dma_wait3A_1476 : memref<1000000x32xf32, #tpu.memory_space<hbm>>) dst(%dma_wait3A_1470 : memref<26x32xf32, #tpu.memory_space<vmem>>)
    %dma_wait3A_1477 = arith.constant 26 : i32
    %dma_wait3A_1478 = arith.constant 26 : i32
    %dma_wait3A_1479 = arith.constant 0 : i32
    %dma_wait3A_1480 = arith.constant 0 : i32
    %dma_wait3A_1481 = tpu.memref_slice %arg7[%dma_wait3A_1478, %dma_wait3A_1479, %dma_wait3A_1480] : memref<32x26x32xf32, #tpu.memory_space<vmem>> -> memref<1x26x32xf32, #tpu.memory_space<vmem>>
    %dma_wait3A_1482 = tpu.memref_squeeze %dma_wait3A_1481 : memref<1x26x32xf32, #tpu.memory_space<vmem>> -> memref<26x32xf32, #tpu.memory_space<vmem>>
    %dma_wait3A_1483 = arith.constant 0 : i32
    %dma_wait3A_1484 = tpu.memref_slice %arg5[%dma_wait3A_1477, %dma_wait3A_1483] : memref<512x26xi32, #tpu.memory_space<vmem>> -> memref<1x26xi32, #tpu.memory_space<vmem>>
    %dma_wait3A_1485 = tpu.memref_squeeze %dma_wait3A_1484 : memref<1x26xi32, #tpu.memory_space<vmem>> -> memref<26xi32, #tpu.memory_space<vmem>>
    %dma_wait3A_1486 = arith.constant 0 : i32
    %dma_wait3A_1487 = arith.constant 0 : i32
    %dma_wait3A_1488 = tpu.memref_slice %arg3[%dma_wait3A_1486, %dma_wait3A_1487] : memref<1000000x32xf32, #tpu.memory_space<hbm>> -> memref<1000000x32xf32, #tpu.memory_space<hbm>>
    tpu.wait_indirect_dma semaphore(%arg9 : memref<!tpu.dma_semaphore, #tpu.memory_space<semaphore_mem>>) src(%dma_wait3A_1488 : memref<1000000x32xf32, #tpu.memory_space<hbm>>) dst(%dma_wait3A_1482 : memref<26x32xf32, #tpu.memory_space<vmem>>)
    %dma_wait3A_1489 = arith.constant 27 : i32
    %dma_wait3A_1490 = arith.constant 27 : i32
    %dma_wait3A_1491 = arith.constant 0 : i32
    %dma_wait3A_1492 = arith.constant 0 : i32
    %dma_wait3A_1493 = tpu.memref_slice %arg7[%dma_wait3A_1490, %dma_wait3A_1491, %dma_wait3A_1492] : memref<32x26x32xf32, #tpu.memory_space<vmem>> -> memref<1x26x32xf32, #tpu.memory_space<vmem>>
    %dma_wait3A_1494 = tpu.memref_squeeze %dma_wait3A_1493 : memref<1x26x32xf32, #tpu.memory_space<vmem>> -> memref<26x32xf32, #tpu.memory_space<vmem>>
    %dma_wait3A_1495 = arith.constant 0 : i32
    %dma_wait3A_1496 = tpu.memref_slice %arg5[%dma_wait3A_1489, %dma_wait3A_1495] : memref<512x26xi32, #tpu.memory_space<vmem>> -> memref<1x26xi32, #tpu.memory_space<vmem>>
    %dma_wait3A_1497 = tpu.memref_squeeze %dma_wait3A_1496 : memref<1x26xi32, #tpu.memory_space<vmem>> -> memref<26xi32, #tpu.memory_space<vmem>>
    %dma_wait3A_1498 = arith.constant 0 : i32
    %dma_wait3A_1499 = arith.constant 0 : i32
    %dma_wait3A_1500 = tpu.memref_slice %arg3[%dma_wait3A_1498, %dma_wait3A_1499] : memref<1000000x32xf32, #tpu.memory_space<hbm>> -> memref<1000000x32xf32, #tpu.memory_space<hbm>>
    tpu.wait_indirect_dma semaphore(%arg9 : memref<!tpu.dma_semaphore, #tpu.memory_space<semaphore_mem>>) src(%dma_wait3A_1500 : memref<1000000x32xf32, #tpu.memory_space<hbm>>) dst(%dma_wait3A_1494 : memref<26x32xf32, #tpu.memory_space<vmem>>)
    %dma_wait3A_1501 = arith.constant 28 : i32
    %dma_wait3A_1502 = arith.constant 28 : i32
    %dma_wait3A_1503 = arith.constant 0 : i32
    %dma_wait3A_1504 = arith.constant 0 : i32
    %dma_wait3A_1505 = tpu.memref_slice %arg7[%dma_wait3A_1502, %dma_wait3A_1503, %dma_wait3A_1504] : memref<32x26x32xf32, #tpu.memory_space<vmem>> -> memref<1x26x32xf32, #tpu.memory_space<vmem>>
    %dma_wait3A_1506 = tpu.memref_squeeze %dma_wait3A_1505 : memref<1x26x32xf32, #tpu.memory_space<vmem>> -> memref<26x32xf32, #tpu.memory_space<vmem>>
    %dma_wait3A_1507 = arith.constant 0 : i32
    %dma_wait3A_1508 = tpu.memref_slice %arg5[%dma_wait3A_1501, %dma_wait3A_1507] : memref<512x26xi32, #tpu.memory_space<vmem>> -> memref<1x26xi32, #tpu.memory_space<vmem>>
    %dma_wait3A_1509 = tpu.memref_squeeze %dma_wait3A_1508 : memref<1x26xi32, #tpu.memory_space<vmem>> -> memref<26xi32, #tpu.memory_space<vmem>>
    %dma_wait3A_1510 = arith.constant 0 : i32
    %dma_wait3A_1511 = arith.constant 0 : i32
    %dma_wait3A_1512 = tpu.memref_slice %arg3[%dma_wait3A_1510, %dma_wait3A_1511] : memref<1000000x32xf32, #tpu.memory_space<hbm>> -> memref<1000000x32xf32, #tpu.memory_space<hbm>>
    tpu.wait_indirect_dma semaphore(%arg9 : memref<!tpu.dma_semaphore, #tpu.memory_space<semaphore_mem>>) src(%dma_wait3A_1512 : memref<1000000x32xf32, #tpu.memory_space<hbm>>) dst(%dma_wait3A_1506 : memref<26x32xf32, #tpu.memory_space<vmem>>)
    %dma_wait3A_1513 = arith.constant 29 : i32
    %dma_wait3A_1514 = arith.constant 29 : i32
    %dma_wait3A_1515 = arith.constant 0 : i32
    %dma_wait3A_1516 = arith.constant 0 : i32
    %dma_wait3A_1517 = tpu.memref_slice %arg7[%dma_wait3A_1514, %dma_wait3A_1515, %dma_wait3A_1516] : memref<32x26x32xf32, #tpu.memory_space<vmem>> -> memref<1x26x32xf32, #tpu.memory_space<vmem>>
    %dma_wait3A_1518 = tpu.memref_squeeze %dma_wait3A_1517 : memref<1x26x32xf32, #tpu.memory_space<vmem>> -> memref<26x32xf32, #tpu.memory_space<vmem>>
    %dma_wait3A_1519 = arith.constant 0 : i32
    %dma_wait3A_1520 = tpu.memref_slice %arg5[%dma_wait3A_1513, %dma_wait3A_1519] : memref<512x26xi32, #tpu.memory_space<vmem>> -> memref<1x26xi32, #tpu.memory_space<vmem>>
    %dma_wait3A_1521 = tpu.memref_squeeze %dma_wait3A_1520 : memref<1x26xi32, #tpu.memory_space<vmem>> -> memref<26xi32, #tpu.memory_space<vmem>>
    %dma_wait3A_1522 = arith.constant 0 : i32
    %dma_wait3A_1523 = arith.constant 0 : i32
    %dma_wait3A_1524 = tpu.memref_slice %arg3[%dma_wait3A_1522, %dma_wait3A_1523] : memref<1000000x32xf32, #tpu.memory_space<hbm>> -> memref<1000000x32xf32, #tpu.memory_space<hbm>>
    tpu.wait_indirect_dma semaphore(%arg9 : memref<!tpu.dma_semaphore, #tpu.memory_space<semaphore_mem>>) src(%dma_wait3A_1524 : memref<1000000x32xf32, #tpu.memory_space<hbm>>) dst(%dma_wait3A_1518 : memref<26x32xf32, #tpu.memory_space<vmem>>)
    %dma_wait3A_1525 = arith.constant 30 : i32
    %dma_wait3A_1526 = arith.constant 30 : i32
    %dma_wait3A_1527 = arith.constant 0 : i32
    %dma_wait3A_1528 = arith.constant 0 : i32
    %dma_wait3A_1529 = tpu.memref_slice %arg7[%dma_wait3A_1526, %dma_wait3A_1527, %dma_wait3A_1528] : memref<32x26x32xf32, #tpu.memory_space<vmem>> -> memref<1x26x32xf32, #tpu.memory_space<vmem>>
    %dma_wait3A_1530 = tpu.memref_squeeze %dma_wait3A_1529 : memref<1x26x32xf32, #tpu.memory_space<vmem>> -> memref<26x32xf32, #tpu.memory_space<vmem>>
    %dma_wait3A_1531 = arith.constant 0 : i32
    %dma_wait3A_1532 = tpu.memref_slice %arg5[%dma_wait3A_1525, %dma_wait3A_1531] : memref<512x26xi32, #tpu.memory_space<vmem>> -> memref<1x26xi32, #tpu.memory_space<vmem>>
    %dma_wait3A_1533 = tpu.memref_squeeze %dma_wait3A_1532 : memref<1x26xi32, #tpu.memory_space<vmem>> -> memref<26xi32, #tpu.memory_space<vmem>>
    %dma_wait3A_1534 = arith.constant 0 : i32
    %dma_wait3A_1535 = arith.constant 0 : i32
    %dma_wait3A_1536 = tpu.memref_slice %arg3[%dma_wait3A_1534, %dma_wait3A_1535] : memref<1000000x32xf32, #tpu.memory_space<hbm>> -> memref<1000000x32xf32, #tpu.memory_space<hbm>>
    tpu.wait_indirect_dma semaphore(%arg9 : memref<!tpu.dma_semaphore, #tpu.memory_space<semaphore_mem>>) src(%dma_wait3A_1536 : memref<1000000x32xf32, #tpu.memory_space<hbm>>) dst(%dma_wait3A_1530 : memref<26x32xf32, #tpu.memory_space<vmem>>)
    %dma_wait3A_1537 = arith.constant 31 : i32
    %dma_wait3A_1538 = arith.constant 31 : i32
    %dma_wait3A_1539 = arith.constant 0 : i32
    %dma_wait3A_1540 = arith.constant 0 : i32
    %dma_wait3A_1541 = tpu.memref_slice %arg7[%dma_wait3A_1538, %dma_wait3A_1539, %dma_wait3A_1540] : memref<32x26x32xf32, #tpu.memory_space<vmem>> -> memref<1x26x32xf32, #tpu.memory_space<vmem>>
    %dma_wait3A_1542 = tpu.memref_squeeze %dma_wait3A_1541 : memref<1x26x32xf32, #tpu.memory_space<vmem>> -> memref<26x32xf32, #tpu.memory_space<vmem>>
    %dma_wait3A_1543 = arith.constant 0 : i32
    %dma_wait3A_1544 = tpu.memref_slice %arg5[%dma_wait3A_1537, %dma_wait3A_1543] : memref<512x26xi32, #tpu.memory_space<vmem>> -> memref<1x26xi32, #tpu.memory_space<vmem>>
    %dma_wait3A_1545 = tpu.memref_squeeze %dma_wait3A_1544 : memref<1x26xi32, #tpu.memory_space<vmem>> -> memref<26xi32, #tpu.memory_space<vmem>>
    %dma_wait3A_1546 = arith.constant 0 : i32
    %dma_wait3A_1547 = arith.constant 0 : i32
    %dma_wait3A_1548 = tpu.memref_slice %arg3[%dma_wait3A_1546, %dma_wait3A_1547] : memref<1000000x32xf32, #tpu.memory_space<hbm>> -> memref<1000000x32xf32, #tpu.memory_space<hbm>>
    tpu.wait_indirect_dma semaphore(%arg9 : memref<!tpu.dma_semaphore, #tpu.memory_space<semaphore_mem>>) src(%dma_wait3A_1548 : memref<1000000x32xf32, #tpu.memory_space<hbm>>) dst(%dma_wait3A_1542 : memref<26x32xf32, #tpu.memory_space<vmem>>)
    %add3A_1549 = arith.constant 480 : i32
    %add3A_1550 = arith.addi %mul3A_2, %add3A_1549 : i32
    %dma_start3A_1551 = arith.constant 0 : i32
    %dma_start3A_1552 = arith.constant 0 : i32
    %dma_start3A_1553 = tpu.memref_slice %arg4[%add3A_1550, %dma_start3A_1551, %dma_start3A_1552] : memref<16384x26x32xf32, #tpu.memory_space<hbm>> -> memref<32x26x32xf32, #tpu.memory_space<hbm>>
    %dma_start3A_1554 = arith.constant 0 : i32
    %dma_start3A_1555 = arith.constant 0 : i32
    %dma_start3A_1556 = tpu.memref_slice %arg4[%add3A_1550, %dma_start3A_1554, %dma_start3A_1555] : memref<16384x26x32xf32, #tpu.memory_space<hbm>> -> memref<32x26x32xf32, #tpu.memory_space<hbm>>
    tpu.enqueue_dma source(%arg7 : memref<32x26x32xf32, #tpu.memory_space<vmem>>) target(%dma_start3A_1556 : memref<32x26x32xf32, #tpu.memory_space<hbm>>) target_semaphore(%arg11 : memref<!tpu.dma_semaphore, #tpu.memory_space<semaphore_mem>>)
    %dma_wait3A_1557 = arith.constant 0 : i32
    %dma_wait3A_1558 = arith.constant 0 : i32
    %dma_wait3A_1559 = tpu.memref_slice %arg4[%mul3A_2, %dma_wait3A_1557, %dma_wait3A_1558] : memref<16384x26x32xf32, #tpu.memory_space<hbm>> -> memref<32x26x32xf32, #tpu.memory_space<hbm>>
    %dma_wait3A_1560 = arith.constant 0 : i32
    %dma_wait3A_1561 = arith.constant 0 : i32
    %dma_wait3A_1562 = tpu.memref_slice %arg4[%mul3A_2, %dma_wait3A_1560, %dma_wait3A_1561] : memref<16384x26x32xf32, #tpu.memory_space<hbm>> -> memref<32x26x32xf32, #tpu.memory_space<hbm>>
    tpu.wait_dma2 semaphore(%arg10 : memref<!tpu.dma_semaphore, #tpu.memory_space<semaphore_mem>>) src(%arg6 : memref<32x26x32xf32, #tpu.memory_space<vmem>>) dst(%dma_wait3A_1562 : memref<32x26x32xf32, #tpu.memory_space<hbm>>)
    %dma_wait3A_1563 = arith.constant 0 : i32
    %dma_wait3A_1564 = arith.constant 0 : i32
    %dma_wait3A_1565 = tpu.memref_slice %arg4[%mul3A_2, %dma_wait3A_1563, %dma_wait3A_1564] : memref<16384x26x32xf32, #tpu.memory_space<hbm>> -> memref<32x26x32xf32, #tpu.memory_space<hbm>>
    %dma_wait3A_1566 = arith.constant 0 : i32
    %dma_wait3A_1567 = arith.constant 0 : i32
    %dma_wait3A_1568 = tpu.memref_slice %arg4[%mul3A_2, %dma_wait3A_1566, %dma_wait3A_1567] : memref<16384x26x32xf32, #tpu.memory_space<hbm>> -> memref<32x26x32xf32, #tpu.memory_space<hbm>>
    tpu.wait_dma2 semaphore(%arg11 : memref<!tpu.dma_semaphore, #tpu.memory_space<semaphore_mem>>) src(%arg7 : memref<32x26x32xf32, #tpu.memory_space<vmem>>) dst(%dma_wait3A_1568 : memref<32x26x32xf32, #tpu.memory_space<hbm>>)
    return
  }
}

</mosaic_0001>

<sc_bundles>
// kernel: kernel.3.cloned.1.call-start
scs
__scs_entry_jumppad:
0x0: {  	(pc) =	sbr.rel $0x88, $3  }
0x1: {  	(tag) =	ssettag $0x0;
	lr =	simm.s32 $0x1  }
0x2: {  	[smem:$0x3F9F] =	sst lr;
	_ =	strace $0xD0000000  }
0x3: {  	_ = 	snop  }
0x4: {  	_ = 	snop  }
0x5: {  	_ = 	snop  }
0x6: {  	_ = 	snop  }
0x7: {  	_ = 	snop  }
__scs_overlays_trampoline_lowered:
0x8: {  	[smem:$0x3FAE] =	sst s0  }
0x9: {  	[smem:$0x3FAF] =	sst s1  }
0xa: {  	[smem:$0x3FB0] =	sst s2  }
0xb: {  	[smem:$0x3FB1] =	sst s3  }
0xc: {  	[smem:$0x3FB2] =	sst s4  }
0xd: {  	[smem:$0x3FB3] =	sst s5  }
0xe: {  	[smem:$0x3FB4] =	sst s6  }
0xf: {  	[smem:$0x3FB5] =	sst s7  }
0x10: {  	[smem:$0x3FB6] =	sst s8  }
0x11: {  	[smem:$0x3FB7] =	sst s9;
	s0 =	simm.s32 @!p0 $0x0  }
0x12: {  	s1 =	sld [smem:$0x3F9D];
	s0 =	simm.s32 @p0 $0x1  }
0x13: {  	[smem:$0x3FB8] =	sst s0;
	s0 =	simm.s32 @!p1 $0x0  }
0x14: {  	s2 =	sld [smem:$0x3F9C];
	s0 =	simm.s32 @p1 $0x1  }
0x15: {  	[smem:$0x3FB9] =	sst s0;
	s0 =	simm.s32 @!p2 $0x0  }
0x16: {  	s3 =	sld [smem:$0x3FDB];
	s0 =	simm.s32 @p2 $0x1  }
0x17: {  	s4 =	simm.s32 $0x1BF5;
	[smem:$0x3FBB] =	sst s0  }
0x18: {  	s0 =	sld [smem:$0x3F9E];
	_ =	swait.ge [sflag:s4], $0x0  }
0x19: {  	s7 =	sld [smem:$0x3F9F]  }
0x1a: {  	s8 =	sadd.s32 $0xFFFFE003, lr  }
0x1b: {  	s9 =	sadd.s32 $0xFFFFFEF7, lr;
	s5 =	simm.s32 $0xFFFFFFFF;
	p2 =	slt.u32 s8, $0xFFFFF086  }
0x1c: {  	p1 =	slt.u32 s9, $0xF7A;
	s5 =	simm.s32 @!p2 $0x0  }
0x1d: {  	s5 =	simm.s32 @p1 $0x1;
	p0 =	seq.s32 s7, s2  }
0x1e: {  	s7 =	smul.u32 @!p0 $0xF7A, s2;
	p2 =	seq.s32 @!p0 s5, $0x0  }
0x1f: {  	s9 =	smul.u32 $0xF7A, s1;
	s8 =	simm.s32 @!p0 $0x1BF5;
	p2 =	por !p2, p0  }
0x20: {  	[sflag:s8] =	ssyncset.s32 @!p0 $0xFFFFF086;
	s6 =	sadd.s32 @!p0 s3, s7;
	s7 =	simm.s32 @!p0 $0x108  }
0x21: {  	s3 =	sadd.s32 s3, s9;
	s6 =	sadd.s32 @!p0 $0x88, s6;
	s7 =	simm.s32 @p2 $0x1082  }
0x22: {  	[simem:s7], [sflag:s8] =	dma.local @!p0 [hbm:s6], $0xF7A  }
0x23: {  	s9 =	sor.u32 $0xD0000000, s2;
	s6 =	simm.s32 $0x108;
	_ =	swait.ge @!p0 [sflag:s8], $0x0  }
0x24: {  	s3 =	sadd.s32 $0x88, s3;
	s6 =	simm.s32 @!p1 $0x1082;
	[sflag:s4] =	ssyncset.s32 $0xFFFFF086  }
0x25: {  	[simem:s6], [sflag:s4] =	dma.local [hbm:s3], $0xF7A  }
0x26: {  	[smem:$0x3F9F] =	sst s1;
	(tag) =	ssettag s2;
	_ =	strace s9  }
0x27: {  	s1 =	sld [smem:$0x3FAF]  }
0x28: {  	s2 =	sld [smem:$0x3FB0]  }
0x29: {  	s4 =	sld [smem:$0x3FB2]  }
0x2a: {  	p0 =	seq.s32 s5, $0x0;
	s5 =	sld [smem:$0x3FB3]  }
0x2b: {  	s6 =	sld [smem:$0x3FB4]  }
0x2c: {  	s7 =	sld [smem:$0x3FB5]  }
0x2d: {  	s3 =	simm.s32 $0x108;
	s8 =	sld [smem:$0x3FB6]  }
0x2e: {  	s3 =	simm.s32 @!p0 $0x1082;
	s9 =	sld [smem:$0x3FB7]  }
0x2f: {  	lr =	sadd.s32 s0, s3;
	s0 =	sld [smem:$0x3FAE]  }
0x30: {  	s3 =	sld [smem:$0x3FB1]  }
0x31: {  	[smem:$0x3FBA] =	sst s10  }
0x32: {  	s10 =	sld [smem:$0x3FB8];
	_ =	sdelay $0x3  }
0x33: {  	p0 =	seq.s32 s10, $0x1;
	s10 =	sld [smem:$0x3FBA];
	_ =	sdelay $0x3  }
0x34: {  	[smem:$0x3FBA] =	sst s10  }
0x35: {  	s10 =	sld [smem:$0x3FB9];
	_ =	sdelay $0x3  }
0x36: {  	p1 =	seq.s32 s10, $0x1;
	s10 =	sld [smem:$0x3FBA];
	_ =	sdelay $0x3  }
0x37: {  	[smem:$0x3FBA] =	sst s10  }
0x38: {  	s10 =	sld [smem:$0x3FBB]  }
0x39: {  	_ = 	snop;
	(pc) =	sbr.ind lr, $3  }
0x3a: {  	_ = 	snop  }
0x3b: {  	_ = 	snop  }
0x3c: {  	p2 =	seq.s32 s10, $0x1;
	s10 =	sld [smem:$0x3FBA]  }
0x3d: {  	_ =	shalt  }
0x3e: {  	_ =	shalt  }
0x3f: {  	_ =	shalt  }
0x40: {  	_ =	shalt  }
0x41: {  	_ =	shalt  }
0x42: {  	_ =	shalt  }
0x43: {  	_ =	shalt  }
0x44: {  	_ =	shalt  }
0x45: {  	_ =	shalt  }
0x46: {  	_ =	shalt  }
0x47: {  	_ =	shalt  }
0x48: {  	_ =	shalt  }
0x49: {  	_ =	shalt  }
0x4a: {  	_ =	shalt  }
0x4b: {  	_ =	shalt  }
0x4c: {  	_ =	shalt  }
0x4d: {  	_ =	shalt  }
0x4e: {  	_ =	shalt  }
0x4f: {  	_ =	shalt  }
0x50: {  	_ =	shalt  }
0x51: {  	_ =	shalt  }
0x52: {  	_ =	shalt  }
0x53: {  	_ =	shalt  }
0x54: {  	_ =	shalt  }
0x55: {  	_ =	shalt  }
0x56: {  	_ =	shalt  }
0x57: {  	_ =	shalt  }
0x58: {  	_ =	shalt  }
0x59: {  	_ =	shalt  }
0x5a: {  	_ =	shalt  }
0x5b: {  	_ =	shalt  }
0x5c: {  	_ =	shalt  }
0x5d: {  	_ =	shalt  }
0x5e: {  	_ =	shalt  }
0x5f: {  	_ =	shalt  }
0x60: {  	_ =	shalt  }
0x61: {  	_ =	shalt  }
0x62: {  	_ =	shalt  }
0x63: {  	_ =	shalt  }
0x64: {  	_ =	shalt  }
0x65: {  	_ =	shalt  }
0x66: {  	_ =	shalt  }
0x67: {  	_ =	shalt  }
0x68: {  	_ =	shalt  }
0x69: {  	_ =	shalt  }
0x6a: {  	_ =	shalt  }
0x6b: {  	_ =	shalt  }
0x6c: {  	_ =	shalt  }
0x6d: {  	_ =	shalt  }
0x6e: {  	_ =	shalt  }
0x6f: {  	_ =	shalt  }
0x70: {  	_ =	shalt  }
0x71: {  	_ =	shalt  }
0x72: {  	_ =	shalt  }
0x73: {  	_ =	shalt  }
0x74: {  	_ =	shalt  }
0x75: {  	_ =	shalt  }
0x76: {  	_ =	shalt  }
0x77: {  	_ =	shalt  }
0x78: {  	_ =	shalt  }
0x79: {  	_ =	shalt  }
0x7a: {  	_ =	shalt  }
0x7b: {  	_ =	shalt  }
0x7c: {  	_ =	shalt  }
0x7d: {  	_ =	shalt  }
0x7e: {  	_ =	shalt  }
0x7f: {  	_ =	shalt  }
0x80: {  	_ =	shalt  }
0x81: {  	_ =	shalt  }
0x82: {  	_ =	shalt  }
0x83: {  	_ =	shalt  }
0x84: {  	_ =	shalt  }
0x85: {  	_ =	shalt  }
0x86: {  	_ =	shalt  }
0x87: {  	_ =	shalt  }
.Lfunc_end0:
.L_simem_size_0:
called_computation.1_lowered:
.L_overlay_start_0:
0x88: {  	s2 =	sld [smem:$0x3FD9]  }
0x89: {  	s3 =	sld [smem:$0x3FFE];
	_ =	sdelay $0x1  }
0x8a: {  	s1 =	srdreg.scid  }
0x8b: {  	s0 =	sand.u32 $0x1, s1  }
0x8c: {  	s17 =	sshll.u32 s0, $0xA;
	s2 =	sadd.s32 s3, s2  }
0x8d: {  	s2 =	sadd.s32 s2, s17  }
0x8e: {  	[smem:$0x3FC6] =	sst s2  }
0x8f: {  	_ = 	snop  }
0x90: {  	s2 =	sld [smem:$0x3FD0];
	(tm) =	ssettm $0x1  }
0x91: {  	s18 =	sld [smem:$0x3FFB];
	_ =	sdelay $0x3  }
0x92: {  	_ =	strace s18  }
0x93: {  	s3 =	sld [smem:$0x3FFC];
	_ =	sdelay $0x3  }
0x94: {  	_ =	strace s3  }
0x95: {  	s3 =	sld [smem:$0x3FFD];
	_ =	sdelay $0x3  }
0x96: {  	_ =	strace s3  }
0x97: {  	_ =	strace $0x8FFFFFFF  }
0x98: {  	s19 =	sld [smem:$0x3FDB];
	_ =	sdelay $0x1  }
0x99: {  	s4 =	simm.s32 $_scs_section_size  }
0x9a: {  	s5 =	simm.s32 $_size__tile_overlayer_lowered;
	s6 =	simm.s32 $_tile_overlayer_lowered  }
0x9b: {  	s22 =	simm.s32 $0x1BFF;
	s21 =	sshll.u32 s6, $0x1;
	s3 =	sadd.s32 s4, s19  }
0x9c: {  	s7 =	simm.s32 $0x0;
	s20 =	sshll.u32 s5, $0x1;
	s5 =	sadd.s32 s21, s3  }
0x9d: {  	[timem:s7], [sflag:s22] =	dma.local [hbm:s5], s20  }
0x9e: {  	_ =	swait.ge [sflag:s22], s20  }
0x9f: {  	s4 =	ssub.s32 $0x0, s20;
	[sflag:s22] =	ssyncset.done $0x0  }
0xa0: {  	[sflag:s22] =	ssyncadd.s32 s4;
	_ =	sdelay $0x1  }
0xa1: {  	s23 =	simm.s32 $0x1B8B  }
0xa2: {  	_ =	swait.ge [sflag:s23], $0x1  }
0xa3: {  	[sflag:s23] =	ssyncset.done $0x0  }
0xa4: {  	s25 =	simm.s32 $0x1B8E;
	s24 =	sld [smem:$0x3FFE];
	[sflag:s23] =	ssyncadd.s32 $0xFFFFFFFF  }
0xa5: {  	s26 =	simm.s32 $execute0_lowered;
	[smem:$0x3FD2] =	sst s25  }
0xa6: {  	s5 =	sshll.u32 s26, $0x1;
	_ =	strace $0x80000046;
	[dreg:$0x1] =	wrdreg $0xFFFFFFFF  }
0xa7: {  	s28 =	simm.s32 $_size_execute0_lowered;
	s3 =	sadd.s32 s3, s5;
	[dreg:$0x0] =	wrdreg $0x0  }
0xa8: {  	s5 =	sshll.u32 s28, $0x1;
	[dreg:$0x2] =	wrdreg s3  }
0xa9: {  	[dreg:$0x3] =	wrdreg s5  }
0xaa: {  	[dreg:$0x4] =	wrdreg $0xC0  }
0xab: {  	_ =	task [dreg:s7], $0x5FFFF  }
0xac: {  	[dreg:$0x1] =	wrdreg $0xFFFFFFFF  }
0xad: {  	[dreg:$0x0] =	wrdreg $0x60  }
0xae: {  	[dreg:$0x2] =	wrdreg s24  }
0xaf: {  	[dreg:$0x3] =	wrdreg s2  }
0xb0: {  	[dreg:$0x4] =	wrdreg $0x9  }
0xb1: {  	_ =	task.clear_ibuf [dreg:s7], $0x5FFFF;
	_ =	strace $0x90000046  }
0xb2: {  	s29 =	simm.s32 $0x9;
	_ =	strace $0x80000048  }
0xb3: {  	_ =	swait.ge [sflag:s29], $0x1  }
0xb4: {  	[sflag:s29] =	ssyncadd.s32 $0xFFFFFFFF  }
0xb5: {  	_ =	strace $0x90000048  }
0xb6: {  	_ =	sfence  }
0xb7: {  	s30 =	sld [smem:$0x0];
	_ =	sdelay $0x2  }
0xb8: {  	s31 =	sshll.u32 s1, $0xD;
	s1 =	sshrl.u32 s1, $0x2  }
0xb9: {  	s3 =	sand.u32 $0x4000, s31;
	s1 =	sadd.s32 s1, s30  }
0xba: {  	s0 =	sor.u32 s3, s0;
	s1 =	sshll.u32 s1, $0x11  }
0xbb: {  	s0 =	sor.u32 s1, s0  }
0xbc: {  	s0 =	sadd.s32 $0x8F2B, s0  }
0xbd: {  	[sflag:s0] =	ssyncadd.remote.s32 $0x1  }
0xbe: {  	_ =	sfence.sel $0xFFFF  }
0xbf: {  	[dreg:$0x0] =	wrdreg $0xFFFFFFFF;
	(pc) =	sbr.abs _section_cstart, $3  }
0xc0: {  	[dreg:$0x1] =	wrdreg $0xFFFFFFFF  }
0xc1: {  	_ =	task.clear_ibuf [dreg:s7], $0x2FFFF;
	_ =	strace $0x9FFFFFFF  }
0xc2: {  	(tm) =	ssettm $0x7FFFFFFF  }
0xc3: {  	_ =	shalt  }
tec
execute0_lowered:
.L_overlay_start_1:
0x0: {  	(tag) =	ssettag $0x1  }
0x1: {  	s0 =	srdreg.scid;
	s1 =	rddreg [dreg:$0x0]  }
0x2: {  	s8 =	stileid.u32;
	s4 =	rddreg [dreg:$0x1]  }
0x3: {  	s2 =	simm.s32 $0x0;
	s10 =	simm.s32 $0x1A;
	s14 =	simm.s32 $0x4340  }
0x4: {  	s18 =	simm.s32 $0x4680;
	s22 =	simm.s32 $0x49C0;
	s9 =	simm.s32 $0x5A00  }
0x5: {  	s13 =	simm.s32 $0x6080;
	s15 =	simm.s32 $0x63C0;
	s17 =	simm.s32 $0x6700  }
0x6: {  	s19 =	simm.s32 $0x6A40;
	s28 =	simm.s32 $0x7400;
	s29 =	simm.s32 $0x7740  }
0x7: {  	s31 =	simm.s32 $0x8100;
	s21 =	simm.s32 $0xA800;
	s12 =	simm.s32 $0x1  }
0x8: {  	s16 =	simm.s32 $0x2;
	s20 =	simm.s32 $0x3;
	s11 =	simm.s32 $0x0  }
0x9: {  	s0 =	sand.u32 $0x1, s0;
	s3 =	sshll.u32 s8, $0xA;
	[smem:$0x7FF] =	sst s2  }
0xa: {  	s24 =	smul.u32 $0x1A000, s8;
	s8 =	simm.s32 $0x5D40;
	s2 =	simm.s32 $0x7DC0  }
0xb: {  	s5 =	sshll.u32 s0, $0x9;
	_ =	strace $0x80000047;
	s7 =	ssub.s32 $0x2, s0  }
0xc: {  	s0 =	smul.u32 $0xD000, s0;
	s3 =	sor.u32 s5, s3;
	s23 =	sshrl.u32 s7, $0x1  }
0xd: {  	s30 =	sadd.s32 s24, s4;
	s24 =	simm.s32 $0x4;
	s5 =	sshll.u32 s3, $0x2  }
0xe: {  	s6 =	smul.u32 $0x340, s3;
	s3 =	sadd.s32 $0xF42E00, s1;
	s0 =	sadd.s32 s0, s30  }
0xf: {  	s5 =	sadd.s32 s5, s1;
	s1 =	ssub.s32 s7, s23;
	[dreg:$0x7] =	wrdreg s0  }
0x10: {  	s7 =	simm.s32 $0x56C0;
	s23 =	simm.s32 $0x6D80;
	s5 =	sadd.s32 $0xA00, s5  }
0x11: {  	s6 =	sshrl.u32 s6, $0x3;
	s1 =	smax.u32 s1, $0x1;
	[dreg:$0x3] =	wrdreg s5  }
0x12: {  	s6 =	sadd.s32 s4, s6;
	[dreg:$0x6] =	wrdreg s1;
	s4 =	simm.s32 $0x4D00  }
0x13: {  	s5 =	simm.s32 $0x5040;
	s1 =	simm.s32 $0x7A80;
	s25 =	sadd.s32 $0xB600, s6  }
0x14: {  	s26 =	sadd.s32 $0xC300, s6;
	s6 =	simm.s32 $0x5380;
	[dreg:$0x4] =	wrdreg s25  }
0x15: {  	[dreg:$0x5] =	wrdreg s26;
	s25 =	simm.s32 $0x70C0;
	s26 =	simm.s32 $0x8440  }
.LBB2_1:
0x16: {  	[dreg:$0x8] =	wrdreg s11  }
0x17: {  	s0 =	rddreg [dreg:$0x3];
	s30 =	simm.s32 $0x0;
	s11 =	simm.s32 $0x5  }
0x18: {  	[tilespmem:s30], [sflag:$0x5] =	stream.linear.gather [hbm4b:s0+s30], $0x4000, $0x38;
	[tilespmem:$0x11000] =	vst v63  }
0x19: {  	_ =	swait.ge [sflag:s11], $0x4000  }
0x1a: {  	[sflag:s11] =	ssyncset.done $0x0  }
0x1b: {  	[sflag:s11] =	ssyncadd.s32 $0xFFFFC000;
	s11 =	simm.s32 $0x4000  }
0x1c: {  	[tilespmem:s11], [sflag:$0x1] =	stream.indirect.gather [hbm4b:s3+s10], $0x20, s30, s10, $0xb8;
	[tilespmem:$0x11000] =	vst v63  }
0x1d: {  	s0 =	simm.s32 $0x20  }
0x1e: {  	[tilespmem:s14], [sflag:$0x1] =	stream.indirect.gather [hbm4b:s3+s10], $0x20, s0, s10, $0xb8;
	[tilespmem:$0x11000] =	vst v63  }
0x1f: {  	s0 =	simm.s32 $0x40  }
0x20: {  	[tilespmem:s18], [sflag:$0x1] =	stream.indirect.gather [hbm4b:s3+s10], $0x20, s0, s10, $0xb8;
	[tilespmem:$0x11000] =	vst v63  }
0x21: {  	s0 =	simm.s32 $0x60  }
0x22: {  	[tilespmem:s22], [sflag:$0x1] =	stream.indirect.gather [hbm4b:s3+s10], $0x20, s0, s10, $0xb8;
	[tilespmem:$0x11000] =	vst v63  }
0x23: {  	s0 =	simm.s32 $0x80  }
0x24: {  	[tilespmem:s4], [sflag:$0x1] =	stream.indirect.gather [hbm4b:s3+s10], $0x20, s0, s10, $0xb8;
	[tilespmem:$0x11000] =	vst v63  }
0x25: {  	s0 =	simm.s32 $0xA0  }
0x26: {  	[tilespmem:s5], [sflag:$0x1] =	stream.indirect.gather [hbm4b:s3+s10], $0x20, s0, s10, $0xb8;
	[tilespmem:$0x11000] =	vst v63  }
0x27: {  	s0 =	simm.s32 $0xC0  }
0x28: {  	[tilespmem:s6], [sflag:$0x1] =	stream.indirect.gather [hbm4b:s3+s10], $0x20, s0, s10, $0xb8;
	[tilespmem:$0x11000] =	vst v63  }
0x29: {  	s0 =	simm.s32 $0xE0  }
0x2a: {  	[tilespmem:s7], [sflag:$0x1] =	stream.indirect.gather [hbm4b:s3+s10], $0x20, s0, s10, $0xb8;
	[tilespmem:$0x11000] =	vst v63  }
0x2b: {  	s0 =	simm.s32 $0x100  }
0x2c: {  	[tilespmem:s9], [sflag:$0x1] =	stream.indirect.gather [hbm4b:s3+s10], $0x20, s0, s10, $0xb8;
	[tilespmem:$0x11000] =	vst v63  }
0x2d: {  	s0 =	simm.s32 $0x120  }
0x2e: {  	[tilespmem:s8], [sflag:$0x1] =	stream.indirect.gather [hbm4b:s3+s10], $0x20, s0, s10, $0xb8;
	[tilespmem:$0x11000] =	vst v63  }
0x2f: {  	s0 =	simm.s32 $0x140  }
0x30: {  	[tilespmem:s13], [sflag:$0x1] =	stream.indirect.gather [hbm4b:s3+s10], $0x20, s0, s10, $0xb8;
	[tilespmem:$0x11000] =	vst v63  }
0x31: {  	s0 =	simm.s32 $0x160  }
0x32: {  	[tilespmem:s15], [sflag:$0x1] =	stream.indirect.gather [hbm4b:s3+s10], $0x20, s0, s10, $0xb8;
	[tilespmem:$0x11000] =	vst v63  }
0x33: {  	s0 =	simm.s32 $0x180  }
0x34: {  	[tilespmem:s17], [sflag:$0x1] =	stream.indirect.gather [hbm4b:s3+s10], $0x20, s0, s10, $0xb8;
	[tilespmem:$0x11000] =	vst v63  }
0x35: {  	s0 =	simm.s32 $0x1A0  }
0x36: {  	[tilespmem:s19], [sflag:$0x1] =	stream.indirect.gather [hbm4b:s3+s10], $0x20, s0, s10, $0xb8;
	[tilespmem:$0x11000] =	vst v63  }
0x37: {  	s0 =	simm.s32 $0x1C0  }
0x38: {  	[tilespmem:s23], [sflag:$0x1] =	stream.indirect.gather [hbm4b:s3+s10], $0x20, s0, s10, $0xb8;
	[tilespmem:$0x11000] =	vst v63  }
0x39: {  	s0 =	simm.s32 $0x1E0  }
0x3a: {  	[tilespmem:s25], [sflag:$0x1] =	stream.indirect.gather [hbm4b:s3+s10], $0x20, s0, s10, $0xb8;
	[tilespmem:$0x11000] =	vst v63  }
0x3b: {  	s0 =	simm.s32 $0x200  }
0x3c: {  	[tilespmem:s28], [sflag:$0x1] =	stream.indirect.gather [hbm4b:s3+s10], $0x20, s0, s10, $0xb8;
	[tilespmem:$0x11000] =	vst v63  }
0x3d: {  	s0 =	simm.s32 $0x220  }
0x3e: {  	[tilespmem:s29], [sflag:$0x1] =	stream.indirect.gather [hbm4b:s3+s10], $0x20, s0, s10, $0xb8;
	[tilespmem:$0x11000] =	vst v63  }
0x3f: {  	s0 =	simm.s32 $0x240  }
0x40: {  	[tilespmem:s1], [sflag:$0x1] =	stream.indirect.gather [hbm4b:s3+s10], $0x20, s0, s10, $0xb8;
	[tilespmem:$0x11000] =	vst v63  }
0x41: {  	s0 =	simm.s32 $0x260  }
0x42: {  	[tilespmem:s2], [sflag:$0x1] =	stream.indirect.gather [hbm4b:s3+s10], $0x20, s0, s10, $0xb8;
	[tilespmem:$0x11000] =	vst v63  }
0x43: {  	s0 =	simm.s32 $0x280  }
0x44: {  	[tilespmem:s31], [sflag:$0x1] =	stream.indirect.gather [hbm4b:s3+s10], $0x20, s0, s10, $0xb8;
	[tilespmem:$0x11000] =	vst v63  }
0x45: {  	s0 =	simm.s32 $0x2A0  }
0x46: {  	[tilespmem:s26], [sflag:$0x1] =	stream.indirect.gather [hbm4b:s3+s10], $0x20, s0, s10, $0xb8;
	[tilespmem:$0x11000] =	vst v63  }
0x47: {  	s0 =	simm.s32 $0x2C0;
	s26 =	simm.s32 $0x8780  }
0x48: {  	[tilespmem:s26], [sflag:$0x1] =	stream.indirect.gather [hbm4b:s3+s10], $0x20, s0, s10, $0xb8;
	[tilespmem:$0x11000] =	vst v63  }
0x49: {  	s0 =	simm.s32 $0x2E0;
	s26 =	simm.s32 $0x8AC0  }
0x4a: {  	[tilespmem:s26], [sflag:$0x1] =	stream.indirect.gather [hbm4b:s3+s10], $0x20, s0, s10, $0xb8;
	[tilespmem:$0x11000] =	vst v63  }
0x4b: {  	s0 =	simm.s32 $0x300;
	s26 =	simm.s32 $0x8E00  }
0x4c: {  	[tilespmem:s26], [sflag:$0x1] =	stream.indirect.gather [hbm4b:s3+s10], $0x20, s0, s10, $0xb8;
	[tilespmem:$0x11000] =	vst v63  }
0x4d: {  	s0 =	simm.s32 $0x320;
	s26 =	simm.s32 $0x9140  }
0x4e: {  	[tilespmem:s26], [sflag:$0x1] =	stream.indirect.gather [hbm4b:s3+s10], $0x20, s0, s10, $0xb8;
	[tilespmem:$0x11000] =	vst v63  }
0x4f: {  	s0 =	simm.s32 $0x340;
	s26 =	simm.s32 $0x9480  }
0x50: {  	[tilespmem:s26], [sflag:$0x1] =	stream.indirect.gather [hbm4b:s3+s10], $0x20, s0, s10, $0xb8;
	[tilespmem:$0x11000] =	vst v63  }
0x51: {  	s0 =	simm.s32 $0x360;
	s26 =	simm.s32 $0x97C0  }
0x52: {  	[tilespmem:s26], [sflag:$0x1] =	stream.indirect.gather [hbm4b:s3+s10], $0x20, s0, s10, $0xb8;
	[tilespmem:$0x11000] =	vst v63  }
0x53: {  	s0 =	simm.s32 $0x380;
	s26 =	simm.s32 $0x9B00  }
0x54: {  	[tilespmem:s26], [sflag:$0x1] =	stream.indirect.gather [hbm4b:s3+s10], $0x20, s0, s10, $0xb8;
	[tilespmem:$0x11000] =	vst v63  }
0x55: {  	s0 =	simm.s32 $0x3A0;
	s26 =	simm.s32 $0x9E40  }
0x56: {  	[tilespmem:s26], [sflag:$0x1] =	stream.indirect.gather [hbm4b:s3+s10], $0x20, s0, s10, $0xb8;
	[tilespmem:$0x11000] =	vst v63  }
0x57: {  	s0 =	simm.s32 $0x3C0;
	s26 =	simm.s32 $0xA180  }
0x58: {  	[tilespmem:s26], [sflag:$0x1] =	stream.indirect.gather [hbm4b:s3+s10], $0x20, s0, s10, $0xb8;
	[tilespmem:$0x11000] =	vst v63  }
0x59: {  	s0 =	simm.s32 $0x3E0;
	s26 =	simm.s32 $0xA4C0  }
0x5a: {  	[tilespmem:s26], [sflag:$0x1] =	stream.indirect.gather [hbm4b:s3+s10], $0x20, s0, s10, $0xb8;
	[tilespmem:$0x11000] =	vst v63  }
0x5b: {  	s26 =	simm.s32 $0x400  }
0x5c: {  	[tilespmem:s21], [sflag:$0x2] =	stream.indirect.gather [hbm4b:s3+s10], $0x20, s26, s10, $0xb8;
	[tilespmem:$0x11000] =	vst v63  }
0x5d: {  	s0 =	simm.s32 $0x420;
	s26 =	simm.s32 $0xAB40  }
0x5e: {  	[tilespmem:s26], [sflag:$0x2] =	stream.indirect.gather [hbm4b:s3+s10], $0x20, s0, s10, $0xb8;
	[tilespmem:$0x11000] =	vst v63  }
0x5f: {  	s0 =	simm.s32 $0x440;
	s26 =	simm.s32 $0xAE80  }
0x60: {  	[tilespmem:s26], [sflag:$0x2] =	stream.indirect.gather [hbm4b:s3+s10], $0x20, s0, s10, $0xb8;
	[tilespmem:$0x11000] =	vst v63  }
0x61: {  	s0 =	simm.s32 $0x460;
	s26 =	simm.s32 $0xB1C0  }
0x62: {  	[tilespmem:s26], [sflag:$0x2] =	stream.indirect.gather [hbm4b:s3+s10], $0x20, s0, s10, $0xb8;
	[tilespmem:$0x11000] =	vst v63  }
0x63: {  	s0 =	simm.s32 $0x480;
	s26 =	simm.s32 $0xB500  }
0x64: {  	[tilespmem:s26], [sflag:$0x2] =	stream.indirect.gather [hbm4b:s3+s10], $0x20, s0, s10, $0xb8;
	[tilespmem:$0x11000] =	vst v63  }
0x65: {  	s0 =	simm.s32 $0x4A0;
	s26 =	simm.s32 $0xB840  }
0x66: {  	[tilespmem:s26], [sflag:$0x2] =	stream.indirect.gather [hbm4b:s3+s10], $0x20, s0, s10, $0xb8;
	[tilespmem:$0x11000] =	vst v63  }
0x67: {  	s0 =	simm.s32 $0x4C0;
	s26 =	simm.s32 $0xBB80  }
0x68: {  	[tilespmem:s26], [sflag:$0x2] =	stream.indirect.gather [hbm4b:s3+s10], $0x20, s0, s10, $0xb8;
	[tilespmem:$0x11000] =	vst v63  }
0x69: {  	s0 =	simm.s32 $0x4E0;
	s26 =	simm.s32 $0xBEC0  }
0x6a: {  	[tilespmem:s26], [sflag:$0x2] =	stream.indirect.gather [hbm4b:s3+s10], $0x20, s0, s10, $0xb8;
	[tilespmem:$0x11000] =	vst v63  }
0x6b: {  	s0 =	simm.s32 $0x500;
	s26 =	simm.s32 $0xC200  }
0x6c: {  	[tilespmem:s26], [sflag:$0x2] =	stream.indirect.gather [hbm4b:s3+s10], $0x20, s0, s10, $0xb8;
	[tilespmem:$0x11000] =	vst v63  }
0x6d: {  	s0 =	simm.s32 $0x520;
	s26 =	simm.s32 $0xC540  }
0x6e: {  	[tilespmem:s26], [sflag:$0x2] =	stream.indirect.gather [hbm4b:s3+s10], $0x20, s0, s10, $0xb8;
	[tilespmem:$0x11000] =	vst v63  }
0x6f: {  	s0 =	simm.s32 $0x540;
	s26 =	simm.s32 $0xC880  }
0x70: {  	[tilespmem:s26], [sflag:$0x2] =	stream.indirect.gather [hbm4b:s3+s10], $0x20, s0, s10, $0xb8;
	[tilespmem:$0x11000] =	vst v63  }
0x71: {  	s0 =	simm.s32 $0x560;
	s26 =	simm.s32 $0xCBC0  }
0x72: {  	[tilespmem:s26], [sflag:$0x2] =	stream.indirect.gather [hbm4b:s3+s10], $0x20, s0, s10, $0xb8;
	[tilespmem:$0x11000] =	vst v63  }
0x73: {  	s0 =	simm.s32 $0x580;
	s26 =	simm.s32 $0xCF00  }
0x74: {  	[tilespmem:s26], [sflag:$0x2] =	stream.indirect.gather [hbm4b:s3+s10], $0x20, s0, s10, $0xb8;
	[tilespmem:$0x11000] =	vst v63  }
0x75: {  	s0 =	simm.s32 $0x5A0;
	s26 =	simm.s32 $0xD240  }
0x76: {  	[tilespmem:s26], [sflag:$0x2] =	stream.indirect.gather [hbm4b:s3+s10], $0x20, s0, s10, $0xb8;
	[tilespmem:$0x11000] =	vst v63  }
0x77: {  	s0 =	simm.s32 $0x5C0;
	s26 =	simm.s32 $0xD580  }
0x78: {  	[tilespmem:s26], [sflag:$0x2] =	stream.indirect.gather [hbm4b:s3+s10], $0x20, s0, s10, $0xb8;
	[tilespmem:$0x11000] =	vst v63  }
0x79: {  	s0 =	simm.s32 $0x5E0;
	s26 =	simm.s32 $0xD8C0  }
0x7a: {  	[tilespmem:s26], [sflag:$0x2] =	stream.indirect.gather [hbm4b:s3+s10], $0x20, s0, s10, $0xb8;
	[tilespmem:$0x11000] =	vst v63  }
0x7b: {  	s0 =	simm.s32 $0x600;
	s26 =	simm.s32 $0xDC00  }
0x7c: {  	[tilespmem:s26], [sflag:$0x2] =	stream.indirect.gather [hbm4b:s3+s10], $0x20, s0, s10, $0xb8;
	[tilespmem:$0x11000] =	vst v63  }
0x7d: {  	s0 =	simm.s32 $0x620;
	s26 =	simm.s32 $0xDF40  }
0x7e: {  	[tilespmem:s26], [sflag:$0x2] =	stream.indirect.gather [hbm4b:s3+s10], $0x20, s0, s10, $0xb8;
	[tilespmem:$0x11000] =	vst v63  }
0x7f: {  	s0 =	simm.s32 $0x640;
	s26 =	simm.s32 $0xE280  }
0x80: {  	[tilespmem:s26], [sflag:$0x2] =	stream.indirect.gather [hbm4b:s3+s10], $0x20, s0, s10, $0xb8;
	[tilespmem:$0x11000] =	vst v63  }
0x81: {  	s0 =	simm.s32 $0x660;
	s26 =	simm.s32 $0xE5C0  }
0x82: {  	[tilespmem:s26], [sflag:$0x2] =	stream.indirect.gather [hbm4b:s3+s10], $0x20, s0, s10, $0xb8;
	[tilespmem:$0x11000] =	vst v63  }
0x83: {  	s26 =	simm.s32 $0xE900;
	s0 =	simm.s32 $0x680  }
0x84: {  	[tilespmem:s26], [sflag:$0x2] =	stream.indirect.gather [hbm4b:s3+s10], $0x20, s0, s10, $0xb8;
	[tilespmem:$0x11000] =	vst v63  }
0x85: {  	s26 =	simm.s32 $0xEC40;
	s0 =	simm.s32 $0x6A0  }
0x86: {  	[tilespmem:s26], [sflag:$0x2] =	stream.indirect.gather [hbm4b:s3+s10], $0x20, s0, s10, $0xb8;
	[tilespmem:$0x11000] =	vst v63  }
0x87: {  	s26 =	simm.s32 $0xEF80;
	s0 =	simm.s32 $0x6C0  }
0x88: {  	[tilespmem:s26], [sflag:$0x2] =	stream.indirect.gather [hbm4b:s3+s10], $0x20, s0, s10, $0xb8;
	[tilespmem:$0x11000] =	vst v63  }
0x89: {  	s26 =	simm.s32 $0xF2C0;
	s0 =	simm.s32 $0x6E0  }
0x8a: {  	[tilespmem:s26], [sflag:$0x2] =	stream.indirect.gather [hbm4b:s3+s10], $0x20, s0, s10, $0xb8;
	[tilespmem:$0x11000] =	vst v63  }
0x8b: {  	s26 =	simm.s32 $0xF600;
	s0 =	simm.s32 $0x700  }
0x8c: {  	[tilespmem:s26], [sflag:$0x2] =	stream.indirect.gather [hbm4b:s3+s10], $0x20, s0, s10, $0xb8;
	[tilespmem:$0x11000] =	vst v63  }
0x8d: {  	s26 =	simm.s32 $0xF940;
	s0 =	simm.s32 $0x720  }
0x8e: {  	[tilespmem:s26], [sflag:$0x2] =	stream.indirect.gather [hbm4b:s3+s10], $0x20, s0, s10, $0xb8;
	[tilespmem:$0x11000] =	vst v63  }
0x8f: {  	s26 =	simm.s32 $0xFC80;
	s0 =	simm.s32 $0x740  }
0x90: {  	[tilespmem:s26], [sflag:$0x2] =	stream.indirect.gather [hbm4b:s3+s10], $0x20, s0, s10, $0xb8;
	[tilespmem:$0x11000] =	vst v63  }
0x91: {  	s26 =	simm.s32 $0xFFC0;
	s0 =	simm.s32 $0x760  }
0x92: {  	[tilespmem:s26], [sflag:$0x2] =	stream.indirect.gather [hbm4b:s3+s10], $0x20, s0, s10, $0xb8;
	[tilespmem:$0x11000] =	vst v63  }
0x93: {  	s26 =	simm.s32 $0x10300;
	s0 =	simm.s32 $0x780  }
0x94: {  	[tilespmem:s26], [sflag:$0x2] =	stream.indirect.gather [hbm4b:s3+s10], $0x20, s0, s10, $0xb8;
	[tilespmem:$0x11000] =	vst v63  }
0x95: {  	s26 =	simm.s32 $0x10640;
	s0 =	simm.s32 $0x7A0  }
0x96: {  	[tilespmem:s26], [sflag:$0x2] =	stream.indirect.gather [hbm4b:s3+s10], $0x20, s0, s10, $0xb8;
	[tilespmem:$0x11000] =	vst v63  }
0x97: {  	s26 =	simm.s32 $0x10980;
	s0 =	simm.s32 $0x7C0  }
0x98: {  	[tilespmem:s26], [sflag:$0x2] =	stream.indirect.gather [hbm4b:s3+s10], $0x20, s0, s10, $0xb8;
	[tilespmem:$0x11000] =	vst v63  }
0x99: {  	s0 =	simm.s32 $0x10CC0;
	s26 =	simm.s32 $0x7E0  }
0x9a: {  	[tilespmem:s0], [sflag:$0x2] =	stream.indirect.gather [hbm4b:s3+s10], $0x20, s26, s10, $0xb8;
	[tilespmem:$0x11000] =	vst v63  }
0x9b: {  	_ =	swait.ge [sflag:s12], $0x340  }
0x9c: {  	[sflag:s12] =	ssyncset.done $0x0  }
0x9d: {  	[sflag:s12] =	ssyncadd.s32 $0xFFFFFCC0  }
0x9e: {  	_ =	swait.ge [sflag:s12], $0x340  }
0x9f: {  	[sflag:s12] =	ssyncset.done $0x0  }
0xa0: {  	[sflag:s12] =	ssyncadd.s32 $0xFFFFFCC0  }
0xa1: {  	_ =	swait.ge [sflag:s12], $0x340  }
0xa2: {  	[sflag:s12] =	ssyncset.done $0x0  }
0xa3: {  	[sflag:s12] =	ssyncadd.s32 $0xFFFFFCC0  }
0xa4: {  	_ =	swait.ge [sflag:s12], $0x340  }
0xa5: {  	[sflag:s12] =	ssyncset.done $0x0  }
0xa6: {  	[sflag:s12] =	ssyncadd.s32 $0xFFFFFCC0  }
0xa7: {  	_ =	swait.ge [sflag:s12], $0x340  }
0xa8: {  	[sflag:s12] =	ssyncset.done $0x0  }
0xa9: {  	[sflag:s12] =	ssyncadd.s32 $0xFFFFFCC0  }
0xaa: {  	_ =	swait.ge [sflag:s12], $0x340  }
0xab: {  	[sflag:s12] =	ssyncset.done $0x0  }
0xac: {  	[sflag:s12] =	ssyncadd.s32 $0xFFFFFCC0  }
0xad: {  	_ =	swait.ge [sflag:s12], $0x340  }
0xae: {  	[sflag:s12] =	ssyncset.done $0x0  }
0xaf: {  	[sflag:s12] =	ssyncadd.s32 $0xFFFFFCC0  }
0xb0: {  	_ =	swait.ge [sflag:s12], $0x340  }
0xb1: {  	[sflag:s12] =	ssyncset.done $0x0  }
0xb2: {  	[sflag:s12] =	ssyncadd.s32 $0xFFFFFCC0  }
0xb3: {  	_ =	swait.ge [sflag:s12], $0x340  }
0xb4: {  	[sflag:s12] =	ssyncset.done $0x0  }
0xb5: {  	[sflag:s12] =	ssyncadd.s32 $0xFFFFFCC0  }
0xb6: {  	_ =	swait.ge [sflag:s12], $0x340  }
0xb7: {  	[sflag:s12] =	ssyncset.done $0x0  }
0xb8: {  	[sflag:s12] =	ssyncadd.s32 $0xFFFFFCC0  }
0xb9: {  	_ =	swait.ge [sflag:s12], $0x340  }
0xba: {  	[sflag:s12] =	ssyncset.done $0x0  }
0xbb: {  	[sflag:s12] =	ssyncadd.s32 $0xFFFFFCC0  }
0xbc: {  	_ =	swait.ge [sflag:s12], $0x340  }
0xbd: {  	[sflag:s12] =	ssyncset.done $0x0  }
0xbe: {  	[sflag:s12] =	ssyncadd.s32 $0xFFFFFCC0  }
0xbf: {  	_ =	swait.ge [sflag:s12], $0x340  }
0xc0: {  	[sflag:s12] =	ssyncset.done $0x0  }
0xc1: {  	[sflag:s12] =	ssyncadd.s32 $0xFFFFFCC0  }
0xc2: {  	_ =	swait.ge [sflag:s12], $0x340  }
0xc3: {  	[sflag:s12] =	ssyncset.done $0x0  }
0xc4: {  	[sflag:s12] =	ssyncadd.s32 $0xFFFFFCC0  }
0xc5: {  	_ =	swait.ge [sflag:s12], $0x340  }
0xc6: {  	[sflag:s12] =	ssyncset.done $0x0  }
0xc7: {  	[sflag:s12] =	ssyncadd.s32 $0xFFFFFCC0  }
0xc8: {  	_ =	swait.ge [sflag:s12], $0x340  }
0xc9: {  	[sflag:s12] =	ssyncset.done $0x0  }
0xca: {  	[sflag:s12] =	ssyncadd.s32 $0xFFFFFCC0  }
0xcb: {  	_ =	swait.ge [sflag:s12], $0x340  }
0xcc: {  	[sflag:s12] =	ssyncset.done $0x0  }
0xcd: {  	[sflag:s12] =	ssyncadd.s32 $0xFFFFFCC0  }
0xce: {  	_ =	swait.ge [sflag:s12], $0x340  }
0xcf: {  	[sflag:s12] =	ssyncset.done $0x0  }
0xd0: {  	[sflag:s12] =	ssyncadd.s32 $0xFFFFFCC0  }
0xd1: {  	_ =	swait.ge [sflag:s12], $0x340  }
0xd2: {  	[sflag:s12] =	ssyncset.done $0x0  }
0xd3: {  	[sflag:s12] =	ssyncadd.s32 $0xFFFFFCC0  }
0xd4: {  	_ =	swait.ge [sflag:s12], $0x340  }
0xd5: {  	[sflag:s12] =	ssyncset.done $0x0  }
0xd6: {  	[sflag:s12] =	ssyncadd.s32 $0xFFFFFCC0  }
0xd7: {  	_ =	swait.ge [sflag:s12], $0x340  }
0xd8: {  	[sflag:s12] =	ssyncset.done $0x0  }
0xd9: {  	[sflag:s12] =	ssyncadd.s32 $0xFFFFFCC0  }
0xda: {  	_ =	swait.ge [sflag:s12], $0x340  }
0xdb: {  	[sflag:s12] =	ssyncset.done $0x0  }
0xdc: {  	[sflag:s12] =	ssyncadd.s32 $0xFFFFFCC0  }
0xdd: {  	_ =	swait.ge [sflag:s12], $0x340  }
0xde: {  	[sflag:s12] =	ssyncset.done $0x0  }
0xdf: {  	[sflag:s12] =	ssyncadd.s32 $0xFFFFFCC0  }
0xe0: {  	_ =	swait.ge [sflag:s12], $0x340  }
0xe1: {  	[sflag:s12] =	ssyncset.done $0x0  }
0xe2: {  	[sflag:s12] =	ssyncadd.s32 $0xFFFFFCC0  }
0xe3: {  	_ =	swait.ge [sflag:s12], $0x340  }
0xe4: {  	[sflag:s12] =	ssyncset.done $0x0  }
0xe5: {  	[sflag:s12] =	ssyncadd.s32 $0xFFFFFCC0  }
0xe6: {  	_ =	swait.ge [sflag:s12], $0x340  }
0xe7: {  	[sflag:s12] =	ssyncset.done $0x0  }
0xe8: {  	[sflag:s12] =	ssyncadd.s32 $0xFFFFFCC0  }
0xe9: {  	_ =	swait.ge [sflag:s12], $0x340  }
0xea: {  	[sflag:s12] =	ssyncset.done $0x0  }
0xeb: {  	[sflag:s12] =	ssyncadd.s32 $0xFFFFFCC0  }
0xec: {  	_ =	swait.ge [sflag:s12], $0x340  }
0xed: {  	[sflag:s12] =	ssyncset.done $0x0  }
0xee: {  	[sflag:s12] =	ssyncadd.s32 $0xFFFFFCC0  }
0xef: {  	_ =	swait.ge [sflag:s12], $0x340  }
0xf0: {  	[sflag:s12] =	ssyncset.done $0x0  }
0xf1: {  	[sflag:s12] =	ssyncadd.s32 $0xFFFFFCC0  }
0xf2: {  	_ =	swait.ge [sflag:s12], $0x340  }
0xf3: {  	[sflag:s12] =	ssyncset.done $0x0  }
0xf4: {  	[sflag:s12] =	ssyncadd.s32 $0xFFFFFCC0  }
0xf5: {  	_ =	swait.ge [sflag:s12], $0x340  }
0xf6: {  	[sflag:s12] =	ssyncset.done $0x0  }
0xf7: {  	[sflag:s12] =	ssyncadd.s32 $0xFFFFFCC0  }
0xf8: {  	_ =	swait.ge [sflag:s12], $0x340  }
0xf9: {  	[sflag:s12] =	ssyncset.done $0x0  }
0xfa: {  	s26 =	rddreg [dreg:$0x7];
	[sflag:s12] =	ssyncadd.s32 $0xFFFFFCC0  }
0xfb: {  	[hbm4b:s26+s30] =	stream.linear.scatter [tilespmem:s11], [sflag:$0x3], $0x6800, $0x38;
	[tilespmem:$0x11000] =	vst v63  }
0xfc: {  	_ =	swait.ge [sflag:s16], $0x340  }
0xfd: {  	[sflag:s16] =	ssyncset.done $0x0  }
0xfe: {  	[sflag:s16] =	ssyncadd.s32 $0xFFFFFCC0  }
0xff: {  	_ =	swait.ge [sflag:s16], $0x340  }
0x100: {  	[sflag:s16] =	ssyncset.done $0x0  }
0x101: {  	[sflag:s16] =	ssyncadd.s32 $0xFFFFFCC0  }
0x102: {  	_ =	swait.ge [sflag:s16], $0x340  }
0x103: {  	[sflag:s16] =	ssyncset.done $0x0  }
0x104: {  	[sflag:s16] =	ssyncadd.s32 $0xFFFFFCC0  }
0x105: {  	_ =	swait.ge [sflag:s16], $0x340  }
0x106: {  	[sflag:s16] =	ssyncset.done $0x0  }
0x107: {  	[sflag:s16] =	ssyncadd.s32 $0xFFFFFCC0  }
0x108: {  	_ =	swait.ge [sflag:s16], $0x340  }
0x109: {  	[sflag:s16] =	ssyncset.done $0x0  }
0x10a: {  	[sflag:s16] =	ssyncadd.s32 $0xFFFFFCC0  }
0x10b: {  	_ =	swait.ge [sflag:s16], $0x340  }
0x10c: {  	[sflag:s16] =	ssyncset.done $0x0  }
0x10d: {  	[sflag:s16] =	ssyncadd.s32 $0xFFFFFCC0  }
0x10e: {  	_ =	swait.ge [sflag:s16], $0x340  }
0x10f: {  	[sflag:s16] =	ssyncset.done $0x0  }
0x110: {  	[sflag:s16] =	ssyncadd.s32 $0xFFFFFCC0  }
0x111: {  	_ =	swait.ge [sflag:s16], $0x340  }
0x112: {  	[sflag:s16] =	ssyncset.done $0x0  }
0x113: {  	[sflag:s16] =	ssyncadd.s32 $0xFFFFFCC0  }
0x114: {  	_ =	swait.ge [sflag:s16], $0x340  }
0x115: {  	[sflag:s16] =	ssyncset.done $0x0  }
0x116: {  	[sflag:s16] =	ssyncadd.s32 $0xFFFFFCC0  }
0x117: {  	_ =	swait.ge [sflag:s16], $0x340  }
0x118: {  	[sflag:s16] =	ssyncset.done $0x0  }
0x119: {  	[sflag:s16] =	ssyncadd.s32 $0xFFFFFCC0  }
0x11a: {  	_ =	swait.ge [sflag:s16], $0x340  }
0x11b: {  	[sflag:s16] =	ssyncset.done $0x0  }
0x11c: {  	[sflag:s16] =	ssyncadd.s32 $0xFFFFFCC0  }
0x11d: {  	_ =	swait.ge [sflag:s16], $0x340  }
0x11e: {  	[sflag:s16] =	ssyncset.done $0x0  }
0x11f: {  	[sflag:s16] =	ssyncadd.s32 $0xFFFFFCC0  }
0x120: {  	_ =	swait.ge [sflag:s16], $0x340  }
0x121: {  	[sflag:s16] =	ssyncset.done $0x0  }
0x122: {  	[sflag:s16] =	ssyncadd.s32 $0xFFFFFCC0  }
0x123: {  	_ =	swait.ge [sflag:s16], $0x340  }
0x124: {  	[sflag:s16] =	ssyncset.done $0x0  }
0x125: {  	[sflag:s16] =	ssyncadd.s32 $0xFFFFFCC0  }
0x126: {  	_ =	swait.ge [sflag:s16], $0x340  }
0x127: {  	[sflag:s16] =	ssyncset.done $0x0  }
0x128: {  	[sflag:s16] =	ssyncadd.s32 $0xFFFFFCC0  }
0x129: {  	_ =	swait.ge [sflag:s16], $0x340  }
0x12a: {  	[sflag:s16] =	ssyncset.done $0x0  }
0x12b: {  	[sflag:s16] =	ssyncadd.s32 $0xFFFFFCC0  }
0x12c: {  	_ =	swait.ge [sflag:s16], $0x340  }
0x12d: {  	[sflag:s16] =	ssyncset.done $0x0  }
0x12e: {  	[sflag:s16] =	ssyncadd.s32 $0xFFFFFCC0  }
0x12f: {  	_ =	swait.ge [sflag:s16], $0x340  }
0x130: {  	[sflag:s16] =	ssyncset.done $0x0  }
0x131: {  	[sflag:s16] =	ssyncadd.s32 $0xFFFFFCC0  }
0x132: {  	_ =	swait.ge [sflag:s16], $0x340  }
0x133: {  	[sflag:s16] =	ssyncset.done $0x0  }
0x134: {  	[sflag:s16] =	ssyncadd.s32 $0xFFFFFCC0  }
0x135: {  	_ =	swait.ge [sflag:s16], $0x340  }
0x136: {  	[sflag:s16] =	ssyncset.done $0x0  }
0x137: {  	[sflag:s16] =	ssyncadd.s32 $0xFFFFFCC0  }
0x138: {  	_ =	swait.ge [sflag:s16], $0x340  }
0x139: {  	[sflag:s16] =	ssyncset.done $0x0  }
0x13a: {  	[sflag:s16] =	ssyncadd.s32 $0xFFFFFCC0  }
0x13b: {  	_ =	swait.ge [sflag:s16], $0x340  }
0x13c: {  	[sflag:s16] =	ssyncset.done $0x0  }
0x13d: {  	[sflag:s16] =	ssyncadd.s32 $0xFFFFFCC0  }
0x13e: {  	_ =	swait.ge [sflag:s16], $0x340  }
0x13f: {  	[sflag:s16] =	ssyncset.done $0x0  }
0x140: {  	[sflag:s16] =	ssyncadd.s32 $0xFFFFFCC0  }
0x141: {  	_ =	swait.ge [sflag:s16], $0x340  }
0x142: {  	[sflag:s16] =	ssyncset.done $0x0  }
0x143: {  	[sflag:s16] =	ssyncadd.s32 $0xFFFFFCC0  }
0x144: {  	_ =	swait.ge [sflag:s16], $0x340  }
0x145: {  	[sflag:s16] =	ssyncset.done $0x0  }
0x146: {  	[sflag:s16] =	ssyncadd.s32 $0xFFFFFCC0  }
0x147: {  	_ =	swait.ge [sflag:s16], $0x340  }
0x148: {  	[sflag:s16] =	ssyncset.done $0x0  }
0x149: {  	[sflag:s16] =	ssyncadd.s32 $0xFFFFFCC0  }
0x14a: {  	_ =	swait.ge [sflag:s16], $0x340  }
0x14b: {  	[sflag:s16] =	ssyncset.done $0x0  }
0x14c: {  	[sflag:s16] =	ssyncadd.s32 $0xFFFFFCC0  }
0x14d: {  	_ =	swait.ge [sflag:s16], $0x340  }
0x14e: {  	[sflag:s16] =	ssyncset.done $0x0  }
0x14f: {  	[sflag:s16] =	ssyncadd.s32 $0xFFFFFCC0  }
0x150: {  	_ =	swait.ge [sflag:s16], $0x340  }
0x151: {  	[sflag:s16] =	ssyncset.done $0x0  }
0x152: {  	[sflag:s16] =	ssyncadd.s32 $0xFFFFFCC0  }
0x153: {  	_ =	swait.ge [sflag:s16], $0x340  }
0x154: {  	[sflag:s16] =	ssyncset.done $0x0  }
0x155: {  	[sflag:s16] =	ssyncadd.s32 $0xFFFFFCC0  }
0x156: {  	_ =	swait.ge [sflag:s16], $0x340  }
0x157: {  	[sflag:s16] =	ssyncset.done $0x0  }
0x158: {  	[sflag:s16] =	ssyncadd.s32 $0xFFFFFCC0  }
0x159: {  	_ =	swait.ge [sflag:s16], $0x340  }
0x15a: {  	[sflag:s16] =	ssyncset.done $0x0  }
0x15b: {  	s0 =	sadd.s32 $0xD00, s26;
	[sflag:s16] =	ssyncadd.s32 $0xFFFFFCC0  }
0x15c: {  	[hbm4b:s0+s30] =	stream.linear.scatter [tilespmem:s21], [sflag:$0x4], $0x6800, $0x38;
	[tilespmem:$0x11000] =	vst v63  }
0x15d: {  	_ =	swait.ge [sflag:s20], $0x6800  }
0x15e: {  	[sflag:s20] =	ssyncset.done $0x0  }
0x15f: {  	s0 =	simm.s32 $0x800;
	[sflag:s20] =	ssyncadd.s32 $0xFFFF9800  }
0x160: {  	[tilespmem:s11], [sflag:$0x1] =	stream.indirect.gather [hbm4b:s3+s10], $0x20, s0, s10, $0xb8;
	[tilespmem:$0x11000] =	vst v63  }
0x161: {  	s11 =	simm.s32 $0x820  }
0x162: {  	[tilespmem:s14], [sflag:$0x1] =	stream.indirect.gather [hbm4b:s3+s10], $0x20, s11, s10, $0xb8;
	[tilespmem:$0x11000] =	vst v63  }
0x163: {  	s14 =	simm.s32 $0x840  }
0x164: {  	[tilespmem:s18], [sflag:$0x1] =	stream.indirect.gather [hbm4b:s3+s10], $0x20, s14, s10, $0xb8;
	[tilespmem:$0x11000] =	vst v63  }
0x165: {  	s18 =	simm.s32 $0x860  }
0x166: {  	[tilespmem:s22], [sflag:$0x1] =	stream.indirect.gather [hbm4b:s3+s10], $0x20, s18, s10, $0xb8;
	[tilespmem:$0x11000] =	vst v63  }
0x167: {  	s22 =	simm.s32 $0x880  }
0x168: {  	[tilespmem:s4], [sflag:$0x1] =	stream.indirect.gather [hbm4b:s3+s10], $0x20, s22, s10, $0xb8;
	[tilespmem:$0x11000] =	vst v63  }
0x169: {  	s4 =	simm.s32 $0x8A0  }
0x16a: {  	[tilespmem:s5], [sflag:$0x1] =	stream.indirect.gather [hbm4b:s3+s10], $0x20, s4, s10, $0xb8;
	[tilespmem:$0x11000] =	vst v63  }
0x16b: {  	s5 =	simm.s32 $0x8C0  }
0x16c: {  	[tilespmem:s6], [sflag:$0x1] =	stream.indirect.gather [hbm4b:s3+s10], $0x20, s5, s10, $0xb8;
	[tilespmem:$0x11000] =	vst v63  }
0x16d: {  	s6 =	simm.s32 $0x8E0  }
0x16e: {  	[tilespmem:s7], [sflag:$0x1] =	stream.indirect.gather [hbm4b:s3+s10], $0x20, s6, s10, $0xb8;
	[tilespmem:$0x11000] =	vst v63  }
0x16f: {  	s7 =	simm.s32 $0x900  }
0x170: {  	[tilespmem:s9], [sflag:$0x1] =	stream.indirect.gather [hbm4b:s3+s10], $0x20, s7, s10, $0xb8;
	[tilespmem:$0x11000] =	vst v63  }
0x171: {  	s9 =	simm.s32 $0x920  }
0x172: {  	[tilespmem:s8], [sflag:$0x1] =	stream.indirect.gather [hbm4b:s3+s10], $0x20, s9, s10, $0xb8;
	[tilespmem:$0x11000] =	vst v63  }
0x173: {  	s11 =	simm.s32 $0x940  }
0x174: {  	[tilespmem:s13], [sflag:$0x1] =	stream.indirect.gather [hbm4b:s3+s10], $0x20, s11, s10, $0xb8;
	[tilespmem:$0x11000] =	vst v63  }
0x175: {  	s14 =	simm.s32 $0x960  }
0x176: {  	[tilespmem:s15], [sflag:$0x1] =	stream.indirect.gather [hbm4b:s3+s10], $0x20, s14, s10, $0xb8;
	[tilespmem:$0x11000] =	vst v63  }
0x177: {  	s15 =	simm.s32 $0x980  }
0x178: {  	[tilespmem:s17], [sflag:$0x1] =	stream.indirect.gather [hbm4b:s3+s10], $0x20, s15, s10, $0xb8;
	[tilespmem:$0x11000] =	vst v63  }
0x179: {  	s18 =	simm.s32 $0x9A0  }
0x17a: {  	[tilespmem:s19], [sflag:$0x1] =	stream.indirect.gather [hbm4b:s3+s10], $0x20, s18, s10, $0xb8;
	[tilespmem:$0x11000] =	vst v63  }
0x17b: {  	s22 =	simm.s32 $0x9C0  }
0x17c: {  	[tilespmem:s23], [sflag:$0x1] =	stream.indirect.gather [hbm4b:s3+s10], $0x20, s22, s10, $0xb8;
	[tilespmem:$0x11000] =	vst v63  }
0x17d: {  	s23 =	simm.s32 $0x9E0  }
0x17e: {  	[tilespmem:s25], [sflag:$0x1] =	stream.indirect.gather [hbm4b:s3+s10], $0x20, s23, s10, $0xb8;
	[tilespmem:$0x11000] =	vst v63  }
0x17f: {  	s25 =	simm.s32 $0xA00  }
0x180: {  	[tilespmem:s28], [sflag:$0x1] =	stream.indirect.gather [hbm4b:s3+s10], $0x20, s25, s10, $0xb8;
	[tilespmem:$0x11000] =	vst v63  }
0x181: {  	s4 =	simm.s32 $0xA20  }
0x182: {  	[tilespmem:s29], [sflag:$0x1] =	stream.indirect.gather [hbm4b:s3+s10], $0x20, s4, s10, $0xb8;
	[tilespmem:$0x11000] =	vst v63  }
0x183: {  	s5 =	simm.s32 $0xA40  }
0x184: {  	[tilespmem:s1], [sflag:$0x1] =	stream.indirect.gather [hbm4b:s3+s10], $0x20, s5, s10, $0xb8;
	[tilespmem:$0x11000] =	vst v63  }
0x185: {  	s6 =	simm.s32 $0xA60  }
0x186: {  	[tilespmem:s2], [sflag:$0x1] =	stream.indirect.gather [hbm4b:s3+s10], $0x20, s6, s10, $0xb8;
	[tilespmem:$0x11000] =	vst v63  }
0x187: {  	s7 =	simm.s32 $0xA80  }
0x188: {  	[tilespmem:s31], [sflag:$0x1] =	stream.indirect.gather [hbm4b:s3+s10], $0x20, s7, s10, $0xb8;
	[tilespmem:$0x11000] =	vst v63  }
0x189: {  	s8 =	simm.s32 $0xAA0;
	s9 =	simm.s32 $0x8440  }
0x18a: {  	[tilespmem:s9], [sflag:$0x1] =	stream.indirect.gather [hbm4b:s3+s10], $0x20, s8, s10, $0xb8;
	[tilespmem:$0x11000] =	vst v63  }
0x18b: {  	s11 =	simm.s32 $0xAC0;
	s13 =	simm.s32 $0x8780  }
0x18c: {  	[tilespmem:s13], [sflag:$0x1] =	stream.indirect.gather [hbm4b:s3+s10], $0x20, s11, s10, $0xb8;
	[tilespmem:$0x11000] =	vst v63  }
0x18d: {  	s14 =	simm.s32 $0xAE0;
	s15 =	simm.s32 $0x8AC0  }
0x18e: {  	[tilespmem:s15], [sflag:$0x1] =	stream.indirect.gather [hbm4b:s3+s10], $0x20, s14, s10, $0xb8;
	[tilespmem:$0x11000] =	vst v63  }
0x18f: {  	s17 =	simm.s32 $0xB00;
	s18 =	simm.s32 $0x8E00  }
0x190: {  	[tilespmem:s18], [sflag:$0x1] =	stream.indirect.gather [hbm4b:s3+s10], $0x20, s17, s10, $0xb8;
	[tilespmem:$0x11000] =	vst v63  }
0x191: {  	s19 =	simm.s32 $0xB20;
	s22 =	simm.s32 $0x9140  }
0x192: {  	[tilespmem:s22], [sflag:$0x1] =	stream.indirect.gather [hbm4b:s3+s10], $0x20, s19, s10, $0xb8;
	[tilespmem:$0x11000] =	vst v63  }
0x193: {  	s23 =	simm.s32 $0xB40;
	s25 =	simm.s32 $0x9480  }
0x194: {  	[tilespmem:s25], [sflag:$0x1] =	stream.indirect.gather [hbm4b:s3+s10], $0x20, s23, s10, $0xb8;
	[tilespmem:$0x11000] =	vst v63  }
0x195: {  	s4 =	simm.s32 $0x97C0;
	s2 =	simm.s32 $0xB60  }
0x196: {  	[tilespmem:s4], [sflag:$0x1] =	stream.indirect.gather [hbm4b:s3+s10], $0x20, s2, s10, $0xb8;
	[tilespmem:$0x11000] =	vst v63  }
0x197: {  	s5 =	simm.s32 $0xB80;
	s6 =	simm.s32 $0x9B00  }
0x198: {  	[tilespmem:s6], [sflag:$0x1] =	stream.indirect.gather [hbm4b:s3+s10], $0x20, s5, s10, $0xb8;
	[tilespmem:$0x11000] =	vst v63  }
0x199: {  	s7 =	simm.s32 $0xBA0;
	s8 =	simm.s32 $0x9E40  }
0x19a: {  	[tilespmem:s8], [sflag:$0x1] =	stream.indirect.gather [hbm4b:s3+s10], $0x20, s7, s10, $0xb8;
	[tilespmem:$0x11000] =	vst v63  }
0x19b: {  	s9 =	simm.s32 $0xBC0;
	s11 =	simm.s32 $0xA180  }
0x19c: {  	[tilespmem:s11], [sflag:$0x1] =	stream.indirect.gather [hbm4b:s3+s10], $0x20, s9, s10, $0xb8;
	[tilespmem:$0x11000] =	vst v63  }
0x19d: {  	s13 =	simm.s32 $0xBE0;
	s14 =	simm.s32 $0xA4C0  }
0x19e: {  	[tilespmem:s14], [sflag:$0x1] =	stream.indirect.gather [hbm4b:s3+s10], $0x20, s13, s10, $0xb8;
	[tilespmem:$0x11000] =	vst v63  }
0x19f: {  	_ =	swait.ge [sflag:s24], $0x6800  }
0x1a0: {  	[sflag:s24] =	ssyncset.done $0x0  }
0x1a1: {  	s15 =	simm.s32 $0xC00;
	[sflag:s24] =	ssyncadd.s32 $0xFFFF9800  }
0x1a2: {  	[tilespmem:s21], [sflag:$0x2] =	stream.indirect.gather [hbm4b:s3+s10], $0x20, s15, s10, $0xb8;
	[tilespmem:$0x11000] =	vst v63  }
0x1a3: {  	s17 =	simm.s32 $0xC20;
	s18 =	simm.s32 $0xAB40  }
0x1a4: {  	[tilespmem:s18], [sflag:$0x2] =	stream.indirect.gather [hbm4b:s3+s10], $0x20, s17, s10, $0xb8;
	[tilespmem:$0x11000] =	vst v63  }
0x1a5: {  	s19 =	simm.s32 $0xC40;
	s22 =	simm.s32 $0xAE80  }
0x1a6: {  	[tilespmem:s22], [sflag:$0x2] =	stream.indirect.gather [hbm4b:s3+s10], $0x20, s19, s10, $0xb8;
	[tilespmem:$0x11000] =	vst v63  }
0x1a7: {  	s23 =	simm.s32 $0xC60;
	s25 =	simm.s32 $0xB1C0  }
0x1a8: {  	[tilespmem:s25], [sflag:$0x2] =	stream.indirect.gather [hbm4b:s3+s10], $0x20, s23, s10, $0xb8;
	[tilespmem:$0x11000] =	vst v63  }
0x1a9: {  	s1 =	simm.s32 $0xC80;
	s2 =	simm.s32 $0xB500  }
0x1aa: {  	[tilespmem:s2], [sflag:$0x2] =	stream.indirect.gather [hbm4b:s3+s10], $0x20, s1, s10, $0xb8;
	[tilespmem:$0x11000] =	vst v63  }
0x1ab: {  	s4 =	simm.s32 $0xCA0;
	s5 =	simm.s32 $0xB840  }
0x1ac: {  	[tilespmem:s5], [sflag:$0x2] =	stream.indirect.gather [hbm4b:s3+s10], $0x20, s4, s10, $0xb8;
	[tilespmem:$0x11000] =	vst v63  }
0x1ad: {  	s6 =	simm.s32 $0xCC0;
	s7 =	simm.s32 $0xBB80  }
0x1ae: {  	[tilespmem:s7], [sflag:$0x2] =	stream.indirect.gather [hbm4b:s3+s10], $0x20, s6, s10, $0xb8;
	[tilespmem:$0x11000] =	vst v63  }
0x1af: {  	s8 =	simm.s32 $0xCE0;
	s9 =	simm.s32 $0xBEC0  }
0x1b0: {  	[tilespmem:s9], [sflag:$0x2] =	stream.indirect.gather [hbm4b:s3+s10], $0x20, s8, s10, $0xb8;
	[tilespmem:$0x11000] =	vst v63  }
0x1b1: {  	s11 =	simm.s32 $0xD00;
	s13 =	simm.s32 $0xC200  }
0x1b2: {  	[tilespmem:s13], [sflag:$0x2] =	stream.indirect.gather [hbm4b:s3+s10], $0x20, s11, s10, $0xb8;
	[tilespmem:$0x11000] =	vst v63  }
0x1b3: {  	s14 =	simm.s32 $0xD20;
	s15 =	simm.s32 $0xC540  }
0x1b4: {  	[tilespmem:s15], [sflag:$0x2] =	stream.indirect.gather [hbm4b:s3+s10], $0x20, s14, s10, $0xb8;
	[tilespmem:$0x11000] =	vst v63  }
0x1b5: {  	s17 =	simm.s32 $0xD40;
	s18 =	simm.s32 $0xC880  }
0x1b6: {  	[tilespmem:s18], [sflag:$0x2] =	stream.indirect.gather [hbm4b:s3+s10], $0x20, s17, s10, $0xb8;
	[tilespmem:$0x11000] =	vst v63  }
0x1b7: {  	s19 =	simm.s32 $0xD60;
	s22 =	simm.s32 $0xCBC0  }
0x1b8: {  	[tilespmem:s22], [sflag:$0x2] =	stream.indirect.gather [hbm4b:s3+s10], $0x20, s19, s10, $0xb8;
	[tilespmem:$0x11000] =	vst v63  }
0x1b9: {  	s23 =	simm.s32 $0xD80;
	s25 =	simm.s32 $0xCF00  }
0x1ba: {  	[tilespmem:s25], [sflag:$0x2] =	stream.indirect.gather [hbm4b:s3+s10], $0x20, s23, s10, $0xb8;
	[tilespmem:$0x11000] =	vst v63  }
0x1bb: {  	s30 =	simm.s32 $0x7740;
	s1 =	simm.s32 $0xDA0;
	s2 =	simm.s32 $0xD240  }
0x1bc: {  	[tilespmem:s2], [sflag:$0x2] =	stream.indirect.gather [hbm4b:s3+s10], $0x20, s1, s10, $0xb8;
	[tilespmem:$0x11000] =	vst v63  }
0x1bd: {  	s0 =	sadd.s32 $0x1A00, s26;
	s4 =	simm.s32 $0xDC0;
	s5 =	simm.s32 $0xD580  }
0x1be: {  	[tilespmem:s5], [sflag:$0x2] =	stream.indirect.gather [hbm4b:s3+s10], $0x20, s4, s10, $0xb8;
	[tilespmem:$0x11000] =	vst v63  }
0x1bf: {  	s28 =	simm.s32 $0x7400;
	s6 =	simm.s32 $0xDE0;
	s7 =	simm.s32 $0xD8C0  }
0x1c0: {  	[tilespmem:s7], [sflag:$0x2] =	stream.indirect.gather [hbm4b:s3+s10], $0x20, s6, s10, $0xb8;
	[tilespmem:$0x11000] =	vst v63  }
0x1c1: {  	s29 =	simm.s32 $0x2000;
	s8 =	simm.s32 $0xE00;
	s9 =	simm.s32 $0xDC00  }
0x1c2: {  	[tilespmem:s9], [sflag:$0x2] =	stream.indirect.gather [hbm4b:s3+s10], $0x20, s8, s10, $0xb8;
	[tilespmem:$0x11000] =	vst v63  }
0x1c3: {  	s31 =	simm.s32 $0x4680;
	s11 =	simm.s32 $0xE20;
	s13 =	simm.s32 $0xDF40  }
0x1c4: {  	[tilespmem:s13], [sflag:$0x2] =	stream.indirect.gather [hbm4b:s3+s10], $0x20, s11, s10, $0xb8;
	[tilespmem:$0x11000] =	vst v63  }
0x1c5: {  	s14 =	simm.s32 $0xE40;
	s15 =	simm.s32 $0xE280;
	s17 =	simm.s32 $0xE60  }
0x1c6: {  	[tilespmem:s15], [sflag:$0x2] =	stream.indirect.gather [hbm4b:s3+s10], $0x20, s14, s10, $0xb8;
	[tilespmem:$0x11000] =	vst v63  }
0x1c7: {  	s18 =	simm.s32 $0xE5C0;
	s19 =	simm.s32 $0xE80;
	s22 =	simm.s32 $0xE900  }
0x1c8: {  	[tilespmem:s18], [sflag:$0x2] =	stream.indirect.gather [hbm4b:s3+s10], $0x20, s17, s10, $0xb8;
	[tilespmem:$0x11000] =	vst v63  }
0x1c9: {  	s23 =	simm.s32 $0xEA0;
	s25 =	simm.s32 $0xEC40;
	s1 =	simm.s32 $0xEC0  }
0x1ca: {  	[tilespmem:s22], [sflag:$0x2] =	stream.indirect.gather [hbm4b:s3+s10], $0x20, s19, s10, $0xb8;
	[tilespmem:$0x11000] =	vst v63  }
0x1cb: {  	s2 =	simm.s32 $0xEF80;
	s4 =	simm.s32 $0xEE0;
	s5 =	simm.s32 $0xF2C0  }
0x1cc: {  	[tilespmem:s25], [sflag:$0x2] =	stream.indirect.gather [hbm4b:s3+s10], $0x20, s23, s10, $0xb8;
	[tilespmem:$0x11000] =	vst v63  }
0x1cd: {  	s6 =	simm.s32 $0xF00;
	s7 =	simm.s32 $0xF600;
	s8 =	simm.s32 $0xF20  }
0x1ce: {  	[tilespmem:s2], [sflag:$0x2] =	stream.indirect.gather [hbm4b:s3+s10], $0x20, s1, s10, $0xb8;
	[tilespmem:$0x11000] =	vst v63  }
0x1cf: {  	s9 =	simm.s32 $0xF940;
	s11 =	simm.s32 $0xF40;
	s13 =	simm.s32 $0xFC80  }
0x1d0: {  	[tilespmem:s5], [sflag:$0x2] =	stream.indirect.gather [hbm4b:s3+s10], $0x20, s4, s10, $0xb8;
	[tilespmem:$0x11000] =	vst v63  }
0x1d1: {  	s14 =	simm.s32 $0xF60;
	s15 =	simm.s32 $0xFFC0;
	s17 =	simm.s32 $0xF80  }
0x1d2: {  	[tilespmem:s7], [sflag:$0x2] =	stream.indirect.gather [hbm4b:s3+s10], $0x20, s6, s10, $0xb8;
	[tilespmem:$0x11000] =	vst v63  }
0x1d3: {  	s18 =	simm.s32 $0x10300;
	s19 =	simm.s32 $0xFA0;
	s22 =	simm.s32 $0x10640  }
0x1d4: {  	[tilespmem:s9], [sflag:$0x2] =	stream.indirect.gather [hbm4b:s3+s10], $0x20, s8, s10, $0xb8;
	[tilespmem:$0x11000] =	vst v63  }
0x1d5: {  	s23 =	simm.s32 $0xFC0;
	s25 =	simm.s32 $0x10980;
	s1 =	simm.s32 $0x7A80  }
0x1d6: {  	[tilespmem:s13], [sflag:$0x2] =	stream.indirect.gather [hbm4b:s3+s10], $0x20, s11, s10, $0xb8;
	[tilespmem:$0x11000] =	vst v63  }
0x1d7: {  	s2 =	simm.s32 $0x7DC0;
	s5 =	simm.s32 $0x5040;
	s4 =	simm.s32 $0x8100  }
0x1d8: {  	[tilespmem:s15], [sflag:$0x2] =	stream.indirect.gather [hbm4b:s3+s10], $0x20, s14, s10, $0xb8;
	[tilespmem:$0x11000] =	vst v63  }
0x1d9: {  	s6 =	simm.s32 $0x5380;
	s7 =	simm.s32 $0x56C0;
	s9 =	simm.s32 $0x5A00  }
0x1da: {  	[tilespmem:s18], [sflag:$0x2] =	stream.indirect.gather [hbm4b:s3+s10], $0x20, s17, s10, $0xb8;
	[tilespmem:$0x11000] =	vst v63  }
0x1db: {  	s8 =	simm.s32 $0x5D40;
	s13 =	simm.s32 $0x6080;
	s15 =	simm.s32 $0x63C0  }
0x1dc: {  	[tilespmem:s22], [sflag:$0x2] =	stream.indirect.gather [hbm4b:s3+s10], $0x20, s19, s10, $0xb8;
	[tilespmem:$0x11000] =	vst v63  }
0x1dd: {  	s14 =	simm.s32 $0x4340;
	s17 =	simm.s32 $0x6700;
	s18 =	simm.s32 $0xFE0  }
0x1de: {  	[tilespmem:s25], [sflag:$0x2] =	stream.indirect.gather [hbm4b:s3+s10], $0x20, s23, s10, $0xb8;
	[tilespmem:$0x11000] =	vst v63  }
0x1df: {  	s19 =	simm.s32 $0x6A40;
	s23 =	simm.s32 $0x6D80;
	s25 =	simm.s32 $0x70C0  }
.LBB2_2:
0x1e0: {  	s11 =	simm.s32 $0x10CC0  }
0x1e1: {  	[tilespmem:s11], [sflag:$0x2] =	stream.indirect.gather [hbm4b:s3+s10], $0x20, s18, s10, $0xb8;
	[tilespmem:$0x11000] =	vst v63  }
0x1e2: {  	s18 =	smov.u32 s29  }
0x1e3: {  	p0 =	sne.s32 s29, $0xC000;
	s29 =	sadd.s32 $0x2000, s29;
	_ =	swait.ge [sflag:s12], $0x340  }
0x1e4: {  	[sflag:s12] =	ssyncset.done $0x0  }
0x1e5: {  	[sflag:s12] =	ssyncadd.s32 $0xFFFFFCC0  }
0x1e6: {  	_ =	swait.ge [sflag:s12], $0x340  }
0x1e7: {  	[sflag:s12] =	ssyncset.done $0x0  }
0x1e8: {  	[sflag:s12] =	ssyncadd.s32 $0xFFFFFCC0  }
0x1e9: {  	_ =	swait.ge [sflag:s12], $0x340  }
0x1ea: {  	[sflag:s12] =	ssyncset.done $0x0  }
0x1eb: {  	[sflag:s12] =	ssyncadd.s32 $0xFFFFFCC0  }
0x1ec: {  	_ =	swait.ge [sflag:s12], $0x340  }
0x1ed: {  	[sflag:s12] =	ssyncset.done $0x0  }
0x1ee: {  	[sflag:s12] =	ssyncadd.s32 $0xFFFFFCC0  }
0x1ef: {  	_ =	swait.ge [sflag:s12], $0x340  }
0x1f0: {  	[sflag:s12] =	ssyncset.done $0x0  }
0x1f1: {  	[sflag:s12] =	ssyncadd.s32 $0xFFFFFCC0  }
0x1f2: {  	_ =	swait.ge [sflag:s12], $0x340  }
0x1f3: {  	[sflag:s12] =	ssyncset.done $0x0  }
0x1f4: {  	[sflag:s12] =	ssyncadd.s32 $0xFFFFFCC0  }
0x1f5: {  	_ =	swait.ge [sflag:s12], $0x340  }
0x1f6: {  	[sflag:s12] =	ssyncset.done $0x0  }
0x1f7: {  	[sflag:s12] =	ssyncadd.s32 $0xFFFFFCC0  }
0x1f8: {  	_ =	swait.ge [sflag:s12], $0x340  }
0x1f9: {  	[sflag:s12] =	ssyncset.done $0x0  }
0x1fa: {  	[sflag:s12] =	ssyncadd.s32 $0xFFFFFCC0  }
0x1fb: {  	_ =	swait.ge [sflag:s12], $0x340  }
0x1fc: {  	[sflag:s12] =	ssyncset.done $0x0  }
0x1fd: {  	[sflag:s12] =	ssyncadd.s32 $0xFFFFFCC0  }
0x1fe: {  	_ =	swait.ge [sflag:s12], $0x340  }
0x1ff: {  	[sflag:s12] =	ssyncset.done $0x0  }
0x200: {  	[sflag:s12] =	ssyncadd.s32 $0xFFFFFCC0  }
0x201: {  	_ =	swait.ge [sflag:s12], $0x340  }
0x202: {  	[sflag:s12] =	ssyncset.done $0x0  }
0x203: {  	[sflag:s12] =	ssyncadd.s32 $0xFFFFFCC0  }
0x204: {  	_ =	swait.ge [sflag:s12], $0x340  }
0x205: {  	[sflag:s12] =	ssyncset.done $0x0  }
0x206: {  	[sflag:s12] =	ssyncadd.s32 $0xFFFFFCC0  }
0x207: {  	_ =	swait.ge [sflag:s12], $0x340  }
0x208: {  	[sflag:s12] =	ssyncset.done $0x0  }
0x209: {  	[sflag:s12] =	ssyncadd.s32 $0xFFFFFCC0  }
0x20a: {  	_ =	swait.ge [sflag:s12], $0x340  }
0x20b: {  	[sflag:s12] =	ssyncset.done $0x0  }
0x20c: {  	[sflag:s12] =	ssyncadd.s32 $0xFFFFFCC0  }
0x20d: {  	_ =	swait.ge [sflag:s12], $0x340  }
0x20e: {  	[sflag:s12] =	ssyncset.done $0x0  }
0x20f: {  	[sflag:s12] =	ssyncadd.s32 $0xFFFFFCC0  }
0x210: {  	_ =	swait.ge [sflag:s12], $0x340  }
0x211: {  	[sflag:s12] =	ssyncset.done $0x0  }
0x212: {  	[sflag:s12] =	ssyncadd.s32 $0xFFFFFCC0  }
0x213: {  	_ =	swait.ge [sflag:s12], $0x340  }
0x214: {  	[sflag:s12] =	ssyncset.done $0x0  }
0x215: {  	[sflag:s12] =	ssyncadd.s32 $0xFFFFFCC0  }
0x216: {  	_ =	swait.ge [sflag:s12], $0x340  }
0x217: {  	[sflag:s12] =	ssyncset.done $0x0  }
0x218: {  	[sflag:s12] =	ssyncadd.s32 $0xFFFFFCC0  }
0x219: {  	_ =	swait.ge [sflag:s12], $0x340  }
0x21a: {  	[sflag:s12] =	ssyncset.done $0x0  }
0x21b: {  	[sflag:s12] =	ssyncadd.s32 $0xFFFFFCC0  }
0x21c: {  	_ =	swait.ge [sflag:s12], $0x340  }
0x21d: {  	[sflag:s12] =	ssyncset.done $0x0  }
0x21e: {  	[sflag:s12] =	ssyncadd.s32 $0xFFFFFCC0  }
0x21f: {  	_ =	swait.ge [sflag:s12], $0x340  }
0x220: {  	[sflag:s12] =	ssyncset.done $0x0  }
0x221: {  	[sflag:s12] =	ssyncadd.s32 $0xFFFFFCC0  }
0x222: {  	_ =	swait.ge [sflag:s12], $0x340  }
0x223: {  	[sflag:s12] =	ssyncset.done $0x0  }
0x224: {  	[sflag:s12] =	ssyncadd.s32 $0xFFFFFCC0  }
0x225: {  	_ =	swait.ge [sflag:s12], $0x340  }
0x226: {  	[sflag:s12] =	ssyncset.done $0x0  }
0x227: {  	[sflag:s12] =	ssyncadd.s32 $0xFFFFFCC0  }
0x228: {  	_ =	swait.ge [sflag:s12], $0x340  }
0x229: {  	[sflag:s12] =	ssyncset.done $0x0  }
0x22a: {  	[sflag:s12] =	ssyncadd.s32 $0xFFFFFCC0  }
0x22b: {  	_ =	swait.ge [sflag:s12], $0x340  }
0x22c: {  	[sflag:s12] =	ssyncset.done $0x0  }
0x22d: {  	[sflag:s12] =	ssyncadd.s32 $0xFFFFFCC0  }
0x22e: {  	_ =	swait.ge [sflag:s12], $0x340  }
0x22f: {  	[sflag:s12] =	ssyncset.done $0x0  }
0x230: {  	[sflag:s12] =	ssyncadd.s32 $0xFFFFFCC0  }
0x231: {  	_ =	swait.ge [sflag:s12], $0x340  }
0x232: {  	[sflag:s12] =	ssyncset.done $0x0  }
0x233: {  	[sflag:s12] =	ssyncadd.s32 $0xFFFFFCC0  }
0x234: {  	_ =	swait.ge [sflag:s12], $0x340  }
0x235: {  	[sflag:s12] =	ssyncset.done $0x0  }
0x236: {  	[sflag:s12] =	ssyncadd.s32 $0xFFFFFCC0  }
0x237: {  	_ =	swait.ge [sflag:s12], $0x340  }
0x238: {  	[sflag:s12] =	ssyncset.done $0x0  }
0x239: {  	[sflag:s12] =	ssyncadd.s32 $0xFFFFFCC0  }
0x23a: {  	_ =	swait.ge [sflag:s12], $0x340  }
0x23b: {  	[sflag:s12] =	ssyncset.done $0x0  }
0x23c: {  	[sflag:s12] =	ssyncadd.s32 $0xFFFFFCC0  }
0x23d: {  	_ =	swait.ge [sflag:s12], $0x340  }
0x23e: {  	[sflag:s12] =	ssyncset.done $0x0  }
0x23f: {  	[sflag:s12] =	ssyncadd.s32 $0xFFFFFCC0  }
0x240: {  	_ =	swait.ge [sflag:s12], $0x340  }
0x241: {  	[sflag:s12] =	ssyncset.done $0x0  }
0x242: {  	s22 =	simm.s32 $0x4000;
	s11 =	simm.s32 $0x0;
	[sflag:s12] =	ssyncadd.s32 $0xFFFFFCC0  }
0x243: {  	[hbm4b:s0+s11] =	stream.linear.scatter [tilespmem:s22], [sflag:$0x3], $0x6800, $0x38;
	[tilespmem:$0x11000] =	vst v63  }
0x244: {  	_ =	swait.ge [sflag:s16], $0x340  }
0x245: {  	[sflag:s16] =	ssyncset.done $0x0  }
0x246: {  	[sflag:s16] =	ssyncadd.s32 $0xFFFFFCC0  }
0x247: {  	_ =	swait.ge [sflag:s16], $0x340  }
0x248: {  	[sflag:s16] =	ssyncset.done $0x0  }
0x249: {  	[sflag:s16] =	ssyncadd.s32 $0xFFFFFCC0  }
0x24a: {  	_ =	swait.ge [sflag:s16], $0x340  }
0x24b: {  	[sflag:s16] =	ssyncset.done $0x0  }
0x24c: {  	[sflag:s16] =	ssyncadd.s32 $0xFFFFFCC0  }
0x24d: {  	_ =	swait.ge [sflag:s16], $0x340  }
0x24e: {  	[sflag:s16] =	ssyncset.done $0x0  }
0x24f: {  	[sflag:s16] =	ssyncadd.s32 $0xFFFFFCC0  }
0x250: {  	_ =	swait.ge [sflag:s16], $0x340  }
0x251: {  	[sflag:s16] =	ssyncset.done $0x0  }
0x252: {  	[sflag:s16] =	ssyncadd.s32 $0xFFFFFCC0  }
0x253: {  	_ =	swait.ge [sflag:s16], $0x340  }
0x254: {  	[sflag:s16] =	ssyncset.done $0x0  }
0x255: {  	[sflag:s16] =	ssyncadd.s32 $0xFFFFFCC0  }
0x256: {  	_ =	swait.ge [sflag:s16], $0x340  }
0x257: {  	[sflag:s16] =	ssyncset.done $0x0  }
0x258: {  	[sflag:s16] =	ssyncadd.s32 $0xFFFFFCC0  }
0x259: {  	_ =	swait.ge [sflag:s16], $0x340  }
0x25a: {  	[sflag:s16] =	ssyncset.done $0x0  }
0x25b: {  	[sflag:s16] =	ssyncadd.s32 $0xFFFFFCC0  }
0x25c: {  	_ =	swait.ge [sflag:s16], $0x340  }
0x25d: {  	[sflag:s16] =	ssyncset.done $0x0  }
0x25e: {  	[sflag:s16] =	ssyncadd.s32 $0xFFFFFCC0  }
0x25f: {  	_ =	swait.ge [sflag:s16], $0x340  }
0x260: {  	[sflag:s16] =	ssyncset.done $0x0  }
0x261: {  	[sflag:s16] =	ssyncadd.s32 $0xFFFFFCC0  }
0x262: {  	_ =	swait.ge [sflag:s16], $0x340  }
0x263: {  	[sflag:s16] =	ssyncset.done $0x0  }
0x264: {  	[sflag:s16] =	ssyncadd.s32 $0xFFFFFCC0  }
0x265: {  	_ =	swait.ge [sflag:s16], $0x340  }
0x266: {  	[sflag:s16] =	ssyncset.done $0x0  }
0x267: {  	[sflag:s16] =	ssyncadd.s32 $0xFFFFFCC0  }
0x268: {  	_ =	swait.ge [sflag:s16], $0x340  }
0x269: {  	[sflag:s16] =	ssyncset.done $0x0  }
0x26a: {  	[sflag:s16] =	ssyncadd.s32 $0xFFFFFCC0  }
0x26b: {  	_ =	swait.ge [sflag:s16], $0x340  }
0x26c: {  	[sflag:s16] =	ssyncset.done $0x0  }
0x26d: {  	[sflag:s16] =	ssyncadd.s32 $0xFFFFFCC0  }
0x26e: {  	_ =	swait.ge [sflag:s16], $0x340  }
0x26f: {  	[sflag:s16] =	ssyncset.done $0x0  }
0x270: {  	[sflag:s16] =	ssyncadd.s32 $0xFFFFFCC0  }
0x271: {  	_ =	swait.ge [sflag:s16], $0x340  }
0x272: {  	[sflag:s16] =	ssyncset.done $0x0  }
0x273: {  	[sflag:s16] =	ssyncadd.s32 $0xFFFFFCC0  }
0x274: {  	_ =	swait.ge [sflag:s16], $0x340  }
0x275: {  	[sflag:s16] =	ssyncset.done $0x0  }
0x276: {  	[sflag:s16] =	ssyncadd.s32 $0xFFFFFCC0  }
0x277: {  	_ =	swait.ge [sflag:s16], $0x340  }
0x278: {  	[sflag:s16] =	ssyncset.done $0x0  }
0x279: {  	[sflag:s16] =	ssyncadd.s32 $0xFFFFFCC0  }
0x27a: {  	_ =	swait.ge [sflag:s16], $0x340  }
0x27b: {  	[sflag:s16] =	ssyncset.done $0x0  }
0x27c: {  	[sflag:s16] =	ssyncadd.s32 $0xFFFFFCC0  }
0x27d: {  	_ =	swait.ge [sflag:s16], $0x340  }
0x27e: {  	[sflag:s16] =	ssyncset.done $0x0  }
0x27f: {  	[sflag:s16] =	ssyncadd.s32 $0xFFFFFCC0  }
0x280: {  	_ =	swait.ge [sflag:s16], $0x340  }
0x281: {  	[sflag:s16] =	ssyncset.done $0x0  }
0x282: {  	[sflag:s16] =	ssyncadd.s32 $0xFFFFFCC0  }
0x283: {  	_ =	swait.ge [sflag:s16], $0x340  }
0x284: {  	[sflag:s16] =	ssyncset.done $0x0  }
0x285: {  	[sflag:s16] =	ssyncadd.s32 $0xFFFFFCC0  }
0x286: {  	_ =	swait.ge [sflag:s16], $0x340  }
0x287: {  	[sflag:s16] =	ssyncset.done $0x0  }
0x288: {  	[sflag:s16] =	ssyncadd.s32 $0xFFFFFCC0  }
0x289: {  	_ =	swait.ge [sflag:s16], $0x340  }
0x28a: {  	[sflag:s16] =	ssyncset.done $0x0  }
0x28b: {  	[sflag:s16] =	ssyncadd.s32 $0xFFFFFCC0  }
0x28c: {  	_ =	swait.ge [sflag:s16], $0x340  }
0x28d: {  	[sflag:s16] =	ssyncset.done $0x0  }
0x28e: {  	[sflag:s16] =	ssyncadd.s32 $0xFFFFFCC0  }
0x28f: {  	_ =	swait.ge [sflag:s16], $0x340  }
0x290: {  	[sflag:s16] =	ssyncset.done $0x0  }
0x291: {  	[sflag:s16] =	ssyncadd.s32 $0xFFFFFCC0  }
0x292: {  	_ =	swait.ge [sflag:s16], $0x340  }
0x293: {  	[sflag:s16] =	ssyncset.done $0x0  }
0x294: {  	[sflag:s16] =	ssyncadd.s32 $0xFFFFFCC0  }
0x295: {  	_ =	swait.ge [sflag:s16], $0x340  }
0x296: {  	[sflag:s16] =	ssyncset.done $0x0  }
0x297: {  	[sflag:s16] =	ssyncadd.s32 $0xFFFFFCC0  }
0x298: {  	_ =	swait.ge [sflag:s16], $0x340  }
0x299: {  	[sflag:s16] =	ssyncset.done $0x0  }
0x29a: {  	[sflag:s16] =	ssyncadd.s32 $0xFFFFFCC0  }
0x29b: {  	_ =	swait.ge [sflag:s16], $0x340  }
0x29c: {  	[sflag:s16] =	ssyncset.done $0x0  }
0x29d: {  	[sflag:s16] =	ssyncadd.s32 $0xFFFFFCC0  }
0x29e: {  	_ =	swait.ge [sflag:s16], $0x340  }
0x29f: {  	[sflag:s16] =	ssyncset.done $0x0  }
0x2a0: {  	[sflag:s16] =	ssyncadd.s32 $0xFFFFFCC0  }
0x2a1: {  	_ =	swait.ge [sflag:s16], $0x340  }
0x2a2: {  	[sflag:s16] =	ssyncset.done $0x0  }
0x2a3: {  	s26 =	sadd.s32 $0xD00, s0;
	[sflag:s16] =	ssyncadd.s32 $0xFFFFFCC0  }
0x2a4: {  	[hbm4b:s26+s11] =	stream.linear.scatter [tilespmem:s21], [sflag:$0x4], $0x6800, $0x38;
	[tilespmem:$0x11000] =	vst v63  }
0x2a5: {  	_ =	swait.ge [sflag:s20], $0x6800  }
0x2a6: {  	s18 =	sshra.s32 s18, $0x2;
	[sflag:s20] =	ssyncset.done $0x0  }
0x2a7: {  	s26 =	sadd.s32 $0x800, s18;
	s11 =	simm.s32 $0x4000;
	[sflag:s20] =	ssyncadd.s32 $0xFFFF9800  }
0x2a8: {  	[tilespmem:s22], [sflag:$0x1] =	stream.indirect.gather [hbm4b:s3+s10], $0x20, s26, s10, $0xb8;
	[tilespmem:$0x11000] =	vst v63  }
0x2a9: {  	s26 =	sadd.s32 $0x820, s18  }
0x2aa: {  	[tilespmem:s14], [sflag:$0x1] =	stream.indirect.gather [hbm4b:s3+s10], $0x20, s26, s10, $0xb8;
	[tilespmem:$0x11000] =	vst v63  }
0x2ab: {  	s26 =	sadd.s32 $0x840, s18  }
0x2ac: {  	[tilespmem:s31], [sflag:$0x1] =	stream.indirect.gather [hbm4b:s3+s10], $0x20, s26, s10, $0xb8;
	[tilespmem:$0x11000] =	vst v63  }
0x2ad: {  	s22 =	simm.s32 $0x49C0;
	s26 =	sadd.s32 $0x860, s18  }
0x2ae: {  	[tilespmem:s22], [sflag:$0x1] =	stream.indirect.gather [hbm4b:s3+s10], $0x20, s26, s10, $0xb8;
	[tilespmem:$0x11000] =	vst v63  }
0x2af: {  	s26 =	sadd.s32 $0x880, s18;
	s22 =	simm.s32 $0x4D00  }
0x2b0: {  	[tilespmem:s22], [sflag:$0x1] =	stream.indirect.gather [hbm4b:s3+s10], $0x20, s26, s10, $0xb8;
	[tilespmem:$0x11000] =	vst v63  }
0x2b1: {  	s26 =	sadd.s32 $0x8A0, s18  }
0x2b2: {  	[tilespmem:s5], [sflag:$0x1] =	stream.indirect.gather [hbm4b:s3+s10], $0x20, s26, s10, $0xb8;
	[tilespmem:$0x11000] =	vst v63  }
0x2b3: {  	s26 =	sadd.s32 $0x8C0, s18  }
0x2b4: {  	[tilespmem:s6], [sflag:$0x1] =	stream.indirect.gather [hbm4b:s3+s10], $0x20, s26, s10, $0xb8;
	[tilespmem:$0x11000] =	vst v63  }
0x2b5: {  	s26 =	sadd.s32 $0x8E0, s18  }
0x2b6: {  	[tilespmem:s7], [sflag:$0x1] =	stream.indirect.gather [hbm4b:s3+s10], $0x20, s26, s10, $0xb8;
	[tilespmem:$0x11000] =	vst v63  }
0x2b7: {  	s26 =	sadd.s32 $0x900, s18  }
0x2b8: {  	[tilespmem:s9], [sflag:$0x1] =	stream.indirect.gather [hbm4b:s3+s10], $0x20, s26, s10, $0xb8;
	[tilespmem:$0x11000] =	vst v63  }
0x2b9: {  	s26 =	sadd.s32 $0x920, s18  }
0x2ba: {  	[tilespmem:s8], [sflag:$0x1] =	stream.indirect.gather [hbm4b:s3+s10], $0x20, s26, s10, $0xb8;
	[tilespmem:$0x11000] =	vst v63  }
0x2bb: {  	s26 =	sadd.s32 $0x940, s18  }
0x2bc: {  	[tilespmem:s13], [sflag:$0x1] =	stream.indirect.gather [hbm4b:s3+s10], $0x20, s26, s10, $0xb8;
	[tilespmem:$0x11000] =	vst v63  }
0x2bd: {  	s26 =	sadd.s32 $0x960, s18  }
0x2be: {  	[tilespmem:s15], [sflag:$0x1] =	stream.indirect.gather [hbm4b:s3+s10], $0x20, s26, s10, $0xb8;
	[tilespmem:$0x11000] =	vst v63  }
0x2bf: {  	s26 =	sadd.s32 $0x980, s18  }
0x2c0: {  	[tilespmem:s17], [sflag:$0x1] =	stream.indirect.gather [hbm4b:s3+s10], $0x20, s26, s10, $0xb8;
	[tilespmem:$0x11000] =	vst v63  }
0x2c1: {  	s26 =	sadd.s32 $0x9A0, s18  }
0x2c2: {  	[tilespmem:s19], [sflag:$0x1] =	stream.indirect.gather [hbm4b:s3+s10], $0x20, s26, s10, $0xb8;
	[tilespmem:$0x11000] =	vst v63  }
0x2c3: {  	s26 =	sadd.s32 $0x9C0, s18  }
0x2c4: {  	[tilespmem:s23], [sflag:$0x1] =	stream.indirect.gather [hbm4b:s3+s10], $0x20, s26, s10, $0xb8;
	[tilespmem:$0x11000] =	vst v63  }
0x2c5: {  	s26 =	sadd.s32 $0x9E0, s18  }
0x2c6: {  	[tilespmem:s25], [sflag:$0x1] =	stream.indirect.gather [hbm4b:s3+s10], $0x20, s26, s10, $0xb8;
	[tilespmem:$0x11000] =	vst v63  }
0x2c7: {  	s26 =	sadd.s32 $0xA00, s18  }
0x2c8: {  	[tilespmem:s28], [sflag:$0x1] =	stream.indirect.gather [hbm4b:s3+s10], $0x20, s26, s10, $0xb8;
	[tilespmem:$0x11000] =	vst v63  }
0x2c9: {  	s26 =	sadd.s32 $0xA20, s18  }
0x2ca: {  	[tilespmem:s30], [sflag:$0x1] =	stream.indirect.gather [hbm4b:s3+s10], $0x20, s26, s10, $0xb8;
	[tilespmem:$0x11000] =	vst v63  }
0x2cb: {  	s26 =	sadd.s32 $0xA40, s18  }
0x2cc: {  	[tilespmem:s1], [sflag:$0x1] =	stream.indirect.gather [hbm4b:s3+s10], $0x20, s26, s10, $0xb8;
	[tilespmem:$0x11000] =	vst v63  }
0x2cd: {  	s26 =	sadd.s32 $0xA60, s18  }
0x2ce: {  	[tilespmem:s2], [sflag:$0x1] =	stream.indirect.gather [hbm4b:s3+s10], $0x20, s26, s10, $0xb8;
	[tilespmem:$0x11000] =	vst v63  }
0x2cf: {  	s26 =	sadd.s32 $0xA80, s18  }
0x2d0: {  	[tilespmem:s4], [sflag:$0x1] =	stream.indirect.gather [hbm4b:s3+s10], $0x20, s26, s10, $0xb8;
	[tilespmem:$0x11000] =	vst v63  }
0x2d1: {  	s22 =	simm.s32 $0x8440;
	s26 =	sadd.s32 $0xAA0, s18  }
0x2d2: {  	[tilespmem:s22], [sflag:$0x1] =	stream.indirect.gather [hbm4b:s3+s10], $0x20, s26, s10, $0xb8;
	[tilespmem:$0x11000] =	vst v63  }
0x2d3: {  	s26 =	sadd.s32 $0xAC0, s18;
	s22 =	simm.s32 $0x8780  }
0x2d4: {  	[tilespmem:s22], [sflag:$0x1] =	stream.indirect.gather [hbm4b:s3+s10], $0x20, s26, s10, $0xb8;
	[tilespmem:$0x11000] =	vst v63  }
0x2d5: {  	s26 =	sadd.s32 $0xAE0, s18;
	s22 =	simm.s32 $0x8AC0  }
0x2d6: {  	[tilespmem:s22], [sflag:$0x1] =	stream.indirect.gather [hbm4b:s3+s10], $0x20, s26, s10, $0xb8;
	[tilespmem:$0x11000] =	vst v63  }
0x2d7: {  	s26 =	sadd.s32 $0xB00, s18;
	s22 =	simm.s32 $0x8E00  }
0x2d8: {  	[tilespmem:s22], [sflag:$0x1] =	stream.indirect.gather [hbm4b:s3+s10], $0x20, s26, s10, $0xb8;
	[tilespmem:$0x11000] =	vst v63  }
0x2d9: {  	s26 =	sadd.s32 $0xB20, s18;
	s22 =	simm.s32 $0x9140  }
0x2da: {  	[tilespmem:s22], [sflag:$0x1] =	stream.indirect.gather [hbm4b:s3+s10], $0x20, s26, s10, $0xb8;
	[tilespmem:$0x11000] =	vst v63  }
0x2db: {  	s26 =	sadd.s32 $0xB40, s18;
	s22 =	simm.s32 $0x9480  }
0x2dc: {  	[tilespmem:s22], [sflag:$0x1] =	stream.indirect.gather [hbm4b:s3+s10], $0x20, s26, s10, $0xb8;
	[tilespmem:$0x11000] =	vst v63  }
0x2dd: {  	s26 =	sadd.s32 $0xB60, s18;
	s22 =	simm.s32 $0x97C0  }
0x2de: {  	[tilespmem:s22], [sflag:$0x1] =	stream.indirect.gather [hbm4b:s3+s10], $0x20, s26, s10, $0xb8;
	[tilespmem:$0x11000] =	vst v63  }
0x2df: {  	s26 =	sadd.s32 $0xB80, s18;
	s22 =	simm.s32 $0x9B00  }
0x2e0: {  	[tilespmem:s22], [sflag:$0x1] =	stream.indirect.gather [hbm4b:s3+s10], $0x20, s26, s10, $0xb8;
	[tilespmem:$0x11000] =	vst v63  }
0x2e1: {  	s26 =	sadd.s32 $0xBA0, s18;
	s22 =	simm.s32 $0x9E40  }
0x2e2: {  	[tilespmem:s22], [sflag:$0x1] =	stream.indirect.gather [hbm4b:s3+s10], $0x20, s26, s10, $0xb8;
	[tilespmem:$0x11000] =	vst v63  }
0x2e3: {  	s26 =	sadd.s32 $0xBC0, s18;
	s22 =	simm.s32 $0xA180  }
0x2e4: {  	[tilespmem:s22], [sflag:$0x1] =	stream.indirect.gather [hbm4b:s3+s10], $0x20, s26, s10, $0xb8;
	[tilespmem:$0x11000] =	vst v63  }
0x2e5: {  	s26 =	sadd.s32 $0xBE0, s18;
	s22 =	simm.s32 $0xA4C0  }
0x2e6: {  	[tilespmem:s22], [sflag:$0x1] =	stream.indirect.gather [hbm4b:s3+s10], $0x20, s26, s10, $0xb8;
	[tilespmem:$0x11000] =	vst v63  }
0x2e7: {  	_ =	swait.ge [sflag:s24], $0x6800  }
0x2e8: {  	[sflag:s24] =	ssyncset.done $0x0  }
0x2e9: {  	s26 =	sadd.s32 $0xC00, s18;
	[sflag:s24] =	ssyncadd.s32 $0xFFFF9800  }
0x2ea: {  	[tilespmem:s21], [sflag:$0x2] =	stream.indirect.gather [hbm4b:s3+s10], $0x20, s26, s10, $0xb8;
	[tilespmem:$0x11000] =	vst v63  }
0x2eb: {  	s22 =	simm.s32 $0xAB40;
	s26 =	sadd.s32 $0xC20, s18  }
0x2ec: {  	[tilespmem:s22], [sflag:$0x2] =	stream.indirect.gather [hbm4b:s3+s10], $0x20, s26, s10, $0xb8;
	[tilespmem:$0x11000] =	vst v63  }
0x2ed: {  	s26 =	sadd.s32 $0xC40, s18;
	s22 =	simm.s32 $0xAE80  }
0x2ee: {  	[tilespmem:s22], [sflag:$0x2] =	stream.indirect.gather [hbm4b:s3+s10], $0x20, s26, s10, $0xb8;
	[tilespmem:$0x11000] =	vst v63  }
0x2ef: {  	s26 =	sadd.s32 $0xC60, s18;
	s22 =	simm.s32 $0xB1C0  }
0x2f0: {  	[tilespmem:s22], [sflag:$0x2] =	stream.indirect.gather [hbm4b:s3+s10], $0x20, s26, s10, $0xb8;
	[tilespmem:$0x11000] =	vst v63  }
0x2f1: {  	s26 =	sadd.s32 $0xC80, s18;
	s22 =	simm.s32 $0xB500  }
0x2f2: {  	[tilespmem:s22], [sflag:$0x2] =	stream.indirect.gather [hbm4b:s3+s10], $0x20, s26, s10, $0xb8;
	[tilespmem:$0x11000] =	vst v63  }
0x2f3: {  	s26 =	sadd.s32 $0xCA0, s18;
	s22 =	simm.s32 $0xB840  }
0x2f4: {  	[tilespmem:s22], [sflag:$0x2] =	stream.indirect.gather [hbm4b:s3+s10], $0x20, s26, s10, $0xb8;
	[tilespmem:$0x11000] =	vst v63  }
0x2f5: {  	s26 =	sadd.s32 $0xCC0, s18;
	s22 =	simm.s32 $0xBB80  }
0x2f6: {  	[tilespmem:s22], [sflag:$0x2] =	stream.indirect.gather [hbm4b:s3+s10], $0x20, s26, s10, $0xb8;
	[tilespmem:$0x11000] =	vst v63  }
0x2f7: {  	s26 =	sadd.s32 $0xCE0, s18;
	s22 =	simm.s32 $0xBEC0  }
0x2f8: {  	[tilespmem:s22], [sflag:$0x2] =	stream.indirect.gather [hbm4b:s3+s10], $0x20, s26, s10, $0xb8;
	[tilespmem:$0x11000] =	vst v63  }
0x2f9: {  	s26 =	sadd.s32 $0xD00, s18;
	s22 =	simm.s32 $0xC200  }
0x2fa: {  	[tilespmem:s22], [sflag:$0x2] =	stream.indirect.gather [hbm4b:s3+s10], $0x20, s26, s10, $0xb8;
	[tilespmem:$0x11000] =	vst v63  }
0x2fb: {  	s26 =	sadd.s32 $0xD20, s18;
	s22 =	simm.s32 $0xC540  }
0x2fc: {  	[tilespmem:s22], [sflag:$0x2] =	stream.indirect.gather [hbm4b:s3+s10], $0x20, s26, s10, $0xb8;
	[tilespmem:$0x11000] =	vst v63  }
0x2fd: {  	s26 =	sadd.s32 $0xD40, s18;
	s22 =	simm.s32 $0xC880  }
0x2fe: {  	[tilespmem:s22], [sflag:$0x2] =	stream.indirect.gather [hbm4b:s3+s10], $0x20, s26, s10, $0xb8;
	[tilespmem:$0x11000] =	vst v63  }
0x2ff: {  	s26 =	sadd.s32 $0xD60, s18;
	s22 =	simm.s32 $0xCBC0  }
0x300: {  	[tilespmem:s22], [sflag:$0x2] =	stream.indirect.gather [hbm4b:s3+s10], $0x20, s26, s10, $0xb8;
	[tilespmem:$0x11000] =	vst v63  }
0x301: {  	s26 =	sadd.s32 $0xD80, s18;
	s22 =	simm.s32 $0xCF00  }
0x302: {  	[tilespmem:s22], [sflag:$0x2] =	stream.indirect.gather [hbm4b:s3+s10], $0x20, s26, s10, $0xb8;
	[tilespmem:$0x11000] =	vst v63  }
0x303: {  	s26 =	sadd.s32 $0xDA0, s18;
	s22 =	simm.s32 $0xD240  }
0x304: {  	[tilespmem:s22], [sflag:$0x2] =	stream.indirect.gather [hbm4b:s3+s10], $0x20, s26, s10, $0xb8;
	[tilespmem:$0x11000] =	vst v63  }
0x305: {  	s26 =	sadd.s32 $0xDC0, s18;
	s22 =	simm.s32 $0xD580  }
0x306: {  	[tilespmem:s22], [sflag:$0x2] =	stream.indirect.gather [hbm4b:s3+s10], $0x20, s26, s10, $0xb8;
	[tilespmem:$0x11000] =	vst v63  }
0x307: {  	s26 =	sadd.s32 $0xDE0, s18;
	s22 =	simm.s32 $0xD8C0  }
0x308: {  	[tilespmem:s22], [sflag:$0x2] =	stream.indirect.gather [hbm4b:s3+s10], $0x20, s26, s10, $0xb8;
	[tilespmem:$0x11000] =	vst v63  }
0x309: {  	s26 =	sadd.s32 $0xE00, s18;
	s22 =	simm.s32 $0xDC00  }
0x30a: {  	[tilespmem:s22], [sflag:$0x2] =	stream.indirect.gather [hbm4b:s3+s10], $0x20, s26, s10, $0xb8;
	[tilespmem:$0x11000] =	vst v63  }
0x30b: {  	s26 =	sadd.s32 $0xE20, s18;
	s22 =	simm.s32 $0xDF40  }
0x30c: {  	[tilespmem:s22], [sflag:$0x2] =	stream.indirect.gather [hbm4b:s3+s10], $0x20, s26, s10, $0xb8;
	[tilespmem:$0x11000] =	vst v63  }
0x30d: {  	s26 =	sadd.s32 $0xE40, s18;
	s22 =	simm.s32 $0xE280  }
0x30e: {  	[tilespmem:s22], [sflag:$0x2] =	stream.indirect.gather [hbm4b:s3+s10], $0x20, s26, s10, $0xb8;
	[tilespmem:$0x11000] =	vst v63  }
0x30f: {  	s26 =	sadd.s32 $0xE60, s18;
	s22 =	simm.s32 $0xE5C0  }
0x310: {  	[tilespmem:s22], [sflag:$0x2] =	stream.indirect.gather [hbm4b:s3+s10], $0x20, s26, s10, $0xb8;
	[tilespmem:$0x11000] =	vst v63  }
0x311: {  	s26 =	sadd.s32 $0xE80, s18;
	s22 =	simm.s32 $0xE900  }
0x312: {  	[tilespmem:s22], [sflag:$0x2] =	stream.indirect.gather [hbm4b:s3+s10], $0x20, s26, s10, $0xb8;
	[tilespmem:$0x11000] =	vst v63  }
0x313: {  	s26 =	sadd.s32 $0xEA0, s18;
	s22 =	simm.s32 $0xEC40  }
0x314: {  	[tilespmem:s22], [sflag:$0x2] =	stream.indirect.gather [hbm4b:s3+s10], $0x20, s26, s10, $0xb8;
	[tilespmem:$0x11000] =	vst v63  }
0x315: {  	s26 =	sadd.s32 $0xEC0, s18;
	s22 =	simm.s32 $0xEF80  }
0x316: {  	[tilespmem:s22], [sflag:$0x2] =	stream.indirect.gather [hbm4b:s3+s10], $0x20, s26, s10, $0xb8;
	[tilespmem:$0x11000] =	vst v63  }
0x317: {  	s26 =	sadd.s32 $0xEE0, s18;
	s22 =	simm.s32 $0xF2C0  }
0x318: {  	[tilespmem:s22], [sflag:$0x2] =	stream.indirect.gather [hbm4b:s3+s10], $0x20, s26, s10, $0xb8;
	[tilespmem:$0x11000] =	vst v63  }
0x319: {  	s26 =	sadd.s32 $0xF00, s18;
	s22 =	simm.s32 $0xF600  }
0x31a: {  	[tilespmem:s22], [sflag:$0x2] =	stream.indirect.gather [hbm4b:s3+s10], $0x20, s26, s10, $0xb8;
	[tilespmem:$0x11000] =	vst v63  }
0x31b: {  	s26 =	sadd.s32 $0xF20, s18;
	s22 =	simm.s32 $0xF940  }
0x31c: {  	[tilespmem:s22], [sflag:$0x2] =	stream.indirect.gather [hbm4b:s3+s10], $0x20, s26, s10, $0xb8;
	[tilespmem:$0x11000] =	vst v63  }
0x31d: {  	s26 =	sadd.s32 $0xF40, s18;
	s22 =	simm.s32 $0xFC80  }
0x31e: {  	[tilespmem:s22], [sflag:$0x2] =	stream.indirect.gather [hbm4b:s3+s10], $0x20, s26, s10, $0xb8;
	[tilespmem:$0x11000] =	vst v63  }
0x31f: {  	s26 =	sadd.s32 $0xF60, s18;
	s22 =	simm.s32 $0xFFC0  }
0x320: {  	[tilespmem:s22], [sflag:$0x2] =	stream.indirect.gather [hbm4b:s3+s10], $0x20, s26, s10, $0xb8;
	[tilespmem:$0x11000] =	vst v63  }
0x321: {  	s26 =	sadd.s32 $0xF80, s18;
	s22 =	simm.s32 $0x10300  }
0x322: {  	[tilespmem:s22], [sflag:$0x2] =	stream.indirect.gather [hbm4b:s3+s10], $0x20, s26, s10, $0xb8;
	[tilespmem:$0x11000] =	vst v63  }
.Ltmp0:
0x323: {  	s26 =	sadd.s32 $0xFA0, s18;
	s22 =	simm.s32 $0x10640;
	(pc) =	sbr.rel @p0 .LBB2_2-.Ltmp0, $4  }
0x324: {  	[tilespmem:s22], [sflag:$0x2] =	stream.indirect.gather [hbm4b:s3+s10], $0x20, s26, s10, $0xb8;
	[tilespmem:$0x11000] =	vst v63  }
0x325: {  	s26 =	sadd.s32 $0xFC0, s18;
	s22 =	simm.s32 $0x10980  }
0x326: {  	[tilespmem:s22], [sflag:$0x2] =	stream.indirect.gather [hbm4b:s3+s10], $0x20, s26, s10, $0xb8;
	[tilespmem:$0x11000] =	vst v63  }
0x327: {  	s0 =	sadd.s32 $0x1A00, s0;
	s18 =	sadd.s32 $0xFE0, s18  }
0x328: {  	s0 =	simm.s32 $0x10CC0  }
0x329: {  	[tilespmem:s0], [sflag:$0x2] =	stream.indirect.gather [hbm4b:s3+s10], $0x20, s18, s10, $0xb8;
	[tilespmem:$0x11000] =	vst v63  }
0x32a: {  	_ =	swait.ge [sflag:s12], $0x340  }
0x32b: {  	[sflag:s12] =	ssyncset.done $0x0  }
0x32c: {  	[sflag:s12] =	ssyncadd.s32 $0xFFFFFCC0  }
0x32d: {  	_ =	swait.ge [sflag:s12], $0x340  }
0x32e: {  	[sflag:s12] =	ssyncset.done $0x0  }
0x32f: {  	[sflag:s12] =	ssyncadd.s32 $0xFFFFFCC0  }
0x330: {  	_ =	swait.ge [sflag:s12], $0x340  }
0x331: {  	[sflag:s12] =	ssyncset.done $0x0  }
0x332: {  	[sflag:s12] =	ssyncadd.s32 $0xFFFFFCC0  }
0x333: {  	_ =	swait.ge [sflag:s12], $0x340  }
0x334: {  	[sflag:s12] =	ssyncset.done $0x0  }
0x335: {  	[sflag:s12] =	ssyncadd.s32 $0xFFFFFCC0  }
0x336: {  	_ =	swait.ge [sflag:s12], $0x340  }
0x337: {  	[sflag:s12] =	ssyncset.done $0x0  }
0x338: {  	[sflag:s12] =	ssyncadd.s32 $0xFFFFFCC0  }
0x339: {  	_ =	swait.ge [sflag:s12], $0x340  }
0x33a: {  	[sflag:s12] =	ssyncset.done $0x0  }
0x33b: {  	[sflag:s12] =	ssyncadd.s32 $0xFFFFFCC0  }
0x33c: {  	_ =	swait.ge [sflag:s12], $0x340  }
0x33d: {  	[sflag:s12] =	ssyncset.done $0x0  }
0x33e: {  	[sflag:s12] =	ssyncadd.s32 $0xFFFFFCC0  }
0x33f: {  	_ =	swait.ge [sflag:s12], $0x340  }
0x340: {  	[sflag:s12] =	ssyncset.done $0x0  }
0x341: {  	[sflag:s12] =	ssyncadd.s32 $0xFFFFFCC0  }
0x342: {  	_ =	swait.ge [sflag:s12], $0x340  }
0x343: {  	[sflag:s12] =	ssyncset.done $0x0  }
0x344: {  	[sflag:s12] =	ssyncadd.s32 $0xFFFFFCC0  }
0x345: {  	_ =	swait.ge [sflag:s12], $0x340  }
0x346: {  	[sflag:s12] =	ssyncset.done $0x0  }
0x347: {  	[sflag:s12] =	ssyncadd.s32 $0xFFFFFCC0  }
0x348: {  	_ =	swait.ge [sflag:s12], $0x340  }
0x349: {  	[sflag:s12] =	ssyncset.done $0x0  }
0x34a: {  	[sflag:s12] =	ssyncadd.s32 $0xFFFFFCC0  }
0x34b: {  	_ =	swait.ge [sflag:s12], $0x340  }
0x34c: {  	[sflag:s12] =	ssyncset.done $0x0  }
0x34d: {  	[sflag:s12] =	ssyncadd.s32 $0xFFFFFCC0  }
0x34e: {  	_ =	swait.ge [sflag:s12], $0x340  }
0x34f: {  	[sflag:s12] =	ssyncset.done $0x0  }
0x350: {  	[sflag:s12] =	ssyncadd.s32 $0xFFFFFCC0  }
0x351: {  	_ =	swait.ge [sflag:s12], $0x340  }
0x352: {  	[sflag:s12] =	ssyncset.done $0x0  }
0x353: {  	[sflag:s12] =	ssyncadd.s32 $0xFFFFFCC0  }
0x354: {  	_ =	swait.ge [sflag:s12], $0x340  }
0x355: {  	[sflag:s12] =	ssyncset.done $0x0  }
0x356: {  	[sflag:s12] =	ssyncadd.s32 $0xFFFFFCC0  }
0x357: {  	_ =	swait.ge [sflag:s12], $0x340  }
0x358: {  	[sflag:s12] =	ssyncset.done $0x0  }
0x359: {  	[sflag:s12] =	ssyncadd.s32 $0xFFFFFCC0  }
0x35a: {  	_ =	swait.ge [sflag:s12], $0x340  }
0x35b: {  	[sflag:s12] =	ssyncset.done $0x0  }
0x35c: {  	[sflag:s12] =	ssyncadd.s32 $0xFFFFFCC0  }
0x35d: {  	_ =	swait.ge [sflag:s12], $0x340  }
0x35e: {  	[sflag:s12] =	ssyncset.done $0x0  }
0x35f: {  	[sflag:s12] =	ssyncadd.s32 $0xFFFFFCC0  }
0x360: {  	_ =	swait.ge [sflag:s12], $0x340  }
0x361: {  	[sflag:s12] =	ssyncset.done $0x0  }
0x362: {  	[sflag:s12] =	ssyncadd.s32 $0xFFFFFCC0  }
0x363: {  	_ =	swait.ge [sflag:s12], $0x340  }
0x364: {  	[sflag:s12] =	ssyncset.done $0x0  }
0x365: {  	[sflag:s12] =	ssyncadd.s32 $0xFFFFFCC0  }
0x366: {  	_ =	swait.ge [sflag:s12], $0x340  }
0x367: {  	[sflag:s12] =	ssyncset.done $0x0  }
0x368: {  	[sflag:s12] =	ssyncadd.s32 $0xFFFFFCC0  }
0x369: {  	_ =	swait.ge [sflag:s12], $0x340  }
0x36a: {  	[sflag:s12] =	ssyncset.done $0x0  }
0x36b: {  	[sflag:s12] =	ssyncadd.s32 $0xFFFFFCC0  }
0x36c: {  	_ =	swait.ge [sflag:s12], $0x340  }
0x36d: {  	[sflag:s12] =	ssyncset.done $0x0  }
0x36e: {  	[sflag:s12] =	ssyncadd.s32 $0xFFFFFCC0  }
0x36f: {  	_ =	swait.ge [sflag:s12], $0x340  }
0x370: {  	[sflag:s12] =	ssyncset.done $0x0  }
0x371: {  	[sflag:s12] =	ssyncadd.s32 $0xFFFFFCC0  }
0x372: {  	_ =	swait.ge [sflag:s12], $0x340  }
0x373: {  	[sflag:s12] =	ssyncset.done $0x0  }
0x374: {  	[sflag:s12] =	ssyncadd.s32 $0xFFFFFCC0  }
0x375: {  	_ =	swait.ge [sflag:s12], $0x340  }
0x376: {  	[sflag:s12] =	ssyncset.done $0x0  }
0x377: {  	[sflag:s12] =	ssyncadd.s32 $0xFFFFFCC0  }
0x378: {  	_ =	swait.ge [sflag:s12], $0x340  }
0x379: {  	[sflag:s12] =	ssyncset.done $0x0  }
0x37a: {  	[sflag:s12] =	ssyncadd.s32 $0xFFFFFCC0  }
0x37b: {  	_ =	swait.ge [sflag:s12], $0x340  }
0x37c: {  	[sflag:s12] =	ssyncset.done $0x0  }
0x37d: {  	[sflag:s12] =	ssyncadd.s32 $0xFFFFFCC0  }
0x37e: {  	_ =	swait.ge [sflag:s12], $0x340  }
0x37f: {  	[sflag:s12] =	ssyncset.done $0x0  }
0x380: {  	[sflag:s12] =	ssyncadd.s32 $0xFFFFFCC0  }
0x381: {  	_ =	swait.ge [sflag:s12], $0x340  }
0x382: {  	[sflag:s12] =	ssyncset.done $0x0  }
0x383: {  	[sflag:s12] =	ssyncadd.s32 $0xFFFFFCC0  }
0x384: {  	_ =	swait.ge [sflag:s12], $0x340  }
0x385: {  	[sflag:s12] =	ssyncset.done $0x0  }
0x386: {  	[sflag:s12] =	ssyncadd.s32 $0xFFFFFCC0  }
0x387: {  	_ =	swait.ge [sflag:s12], $0x340  }
0x388: {  	[sflag:s12] =	ssyncset.done $0x0  }
0x389: {  	s1 =	simm.s32 $0x0;
	s23 =	rddreg [dreg:$0x4];
	[sflag:s12] =	ssyncadd.s32 $0xFFFFFCC0  }
0x38a: {  	[hbm4b:s23+s1] =	stream.linear.scatter [tilespmem:s11], [sflag:$0x3], $0x6800, $0x38;
	[tilespmem:$0x11000] =	vst v63  }
0x38b: {  	_ =	swait.ge [sflag:s16], $0x340  }
0x38c: {  	[sflag:s16] =	ssyncset.done $0x0  }
0x38d: {  	[sflag:s16] =	ssyncadd.s32 $0xFFFFFCC0  }
0x38e: {  	_ =	swait.ge [sflag:s16], $0x340  }
0x38f: {  	[sflag:s16] =	ssyncset.done $0x0  }
0x390: {  	[sflag:s16] =	ssyncadd.s32 $0xFFFFFCC0  }
0x391: {  	_ =	swait.ge [sflag:s16], $0x340  }
0x392: {  	[sflag:s16] =	ssyncset.done $0x0  }
0x393: {  	[sflag:s16] =	ssyncadd.s32 $0xFFFFFCC0  }
0x394: {  	_ =	swait.ge [sflag:s16], $0x340  }
0x395: {  	[sflag:s16] =	ssyncset.done $0x0  }
0x396: {  	[sflag:s16] =	ssyncadd.s32 $0xFFFFFCC0  }
0x397: {  	_ =	swait.ge [sflag:s16], $0x340  }
0x398: {  	[sflag:s16] =	ssyncset.done $0x0  }
0x399: {  	[sflag:s16] =	ssyncadd.s32 $0xFFFFFCC0  }
0x39a: {  	_ =	swait.ge [sflag:s16], $0x340  }
0x39b: {  	[sflag:s16] =	ssyncset.done $0x0  }
0x39c: {  	[sflag:s16] =	ssyncadd.s32 $0xFFFFFCC0  }
0x39d: {  	_ =	swait.ge [sflag:s16], $0x340  }
0x39e: {  	[sflag:s16] =	ssyncset.done $0x0  }
0x39f: {  	[sflag:s16] =	ssyncadd.s32 $0xFFFFFCC0  }
0x3a0: {  	_ =	swait.ge [sflag:s16], $0x340  }
0x3a1: {  	[sflag:s16] =	ssyncset.done $0x0  }
0x3a2: {  	[sflag:s16] =	ssyncadd.s32 $0xFFFFFCC0  }
0x3a3: {  	_ =	swait.ge [sflag:s16], $0x340  }
0x3a4: {  	[sflag:s16] =	ssyncset.done $0x0  }
0x3a5: {  	[sflag:s16] =	ssyncadd.s32 $0xFFFFFCC0  }
0x3a6: {  	_ =	swait.ge [sflag:s16], $0x340  }
0x3a7: {  	[sflag:s16] =	ssyncset.done $0x0  }
0x3a8: {  	[sflag:s16] =	ssyncadd.s32 $0xFFFFFCC0  }
0x3a9: {  	_ =	swait.ge [sflag:s16], $0x340  }
0x3aa: {  	[sflag:s16] =	ssyncset.done $0x0  }
0x3ab: {  	[sflag:s16] =	ssyncadd.s32 $0xFFFFFCC0  }
0x3ac: {  	_ =	swait.ge [sflag:s16], $0x340  }
0x3ad: {  	[sflag:s16] =	ssyncset.done $0x0  }
0x3ae: {  	[sflag:s16] =	ssyncadd.s32 $0xFFFFFCC0  }
0x3af: {  	_ =	swait.ge [sflag:s16], $0x340  }
0x3b0: {  	[sflag:s16] =	ssyncset.done $0x0  }
0x3b1: {  	[sflag:s16] =	ssyncadd.s32 $0xFFFFFCC0  }
0x3b2: {  	_ =	swait.ge [sflag:s16], $0x340  }
0x3b3: {  	[sflag:s16] =	ssyncset.done $0x0  }
0x3b4: {  	[sflag:s16] =	ssyncadd.s32 $0xFFFFFCC0  }
0x3b5: {  	_ =	swait.ge [sflag:s16], $0x340  }
0x3b6: {  	[sflag:s16] =	ssyncset.done $0x0  }
0x3b7: {  	[sflag:s16] =	ssyncadd.s32 $0xFFFFFCC0  }
0x3b8: {  	_ =	swait.ge [sflag:s16], $0x340  }
0x3b9: {  	[sflag:s16] =	ssyncset.done $0x0  }
0x3ba: {  	[sflag:s16] =	ssyncadd.s32 $0xFFFFFCC0  }
0x3bb: {  	_ =	swait.ge [sflag:s16], $0x340  }
0x3bc: {  	[sflag:s16] =	ssyncset.done $0x0  }
0x3bd: {  	[sflag:s16] =	ssyncadd.s32 $0xFFFFFCC0  }
0x3be: {  	_ =	swait.ge [sflag:s16], $0x340  }
0x3bf: {  	[sflag:s16] =	ssyncset.done $0x0  }
0x3c0: {  	[sflag:s16] =	ssyncadd.s32 $0xFFFFFCC0  }
0x3c1: {  	_ =	swait.ge [sflag:s16], $0x340  }
0x3c2: {  	[sflag:s16] =	ssyncset.done $0x0  }
0x3c3: {  	[sflag:s16] =	ssyncadd.s32 $0xFFFFFCC0  }
0x3c4: {  	_ =	swait.ge [sflag:s16], $0x340  }
0x3c5: {  	[sflag:s16] =	ssyncset.done $0x0  }
0x3c6: {  	[sflag:s16] =	ssyncadd.s32 $0xFFFFFCC0  }
0x3c7: {  	_ =	swait.ge [sflag:s16], $0x340  }
0x3c8: {  	[sflag:s16] =	ssyncset.done $0x0  }
0x3c9: {  	[sflag:s16] =	ssyncadd.s32 $0xFFFFFCC0  }
0x3ca: {  	_ =	swait.ge [sflag:s16], $0x340  }
0x3cb: {  	[sflag:s16] =	ssyncset.done $0x0  }
0x3cc: {  	[sflag:s16] =	ssyncadd.s32 $0xFFFFFCC0  }
0x3cd: {  	_ =	swait.ge [sflag:s16], $0x340  }
0x3ce: {  	[sflag:s16] =	ssyncset.done $0x0  }
0x3cf: {  	[sflag:s16] =	ssyncadd.s32 $0xFFFFFCC0  }
0x3d0: {  	_ =	swait.ge [sflag:s16], $0x340  }
0x3d1: {  	[sflag:s16] =	ssyncset.done $0x0  }
0x3d2: {  	[sflag:s16] =	ssyncadd.s32 $0xFFFFFCC0  }
0x3d3: {  	_ =	swait.ge [sflag:s16], $0x340  }
0x3d4: {  	[sflag:s16] =	ssyncset.done $0x0  }
0x3d5: {  	[sflag:s16] =	ssyncadd.s32 $0xFFFFFCC0  }
0x3d6: {  	_ =	swait.ge [sflag:s16], $0x340  }
0x3d7: {  	[sflag:s16] =	ssyncset.done $0x0  }
0x3d8: {  	[sflag:s16] =	ssyncadd.s32 $0xFFFFFCC0  }
0x3d9: {  	_ =	swait.ge [sflag:s16], $0x340  }
0x3da: {  	[sflag:s16] =	ssyncset.done $0x0  }
0x3db: {  	[sflag:s16] =	ssyncadd.s32 $0xFFFFFCC0  }
0x3dc: {  	_ =	swait.ge [sflag:s16], $0x340  }
0x3dd: {  	[sflag:s16] =	ssyncset.done $0x0  }
0x3de: {  	[sflag:s16] =	ssyncadd.s32 $0xFFFFFCC0  }
0x3df: {  	_ =	swait.ge [sflag:s16], $0x340  }
0x3e0: {  	[sflag:s16] =	ssyncset.done $0x0  }
0x3e1: {  	[sflag:s16] =	ssyncadd.s32 $0xFFFFFCC0  }
0x3e2: {  	_ =	swait.ge [sflag:s16], $0x340  }
0x3e3: {  	[sflag:s16] =	ssyncset.done $0x0  }
0x3e4: {  	[sflag:s16] =	ssyncadd.s32 $0xFFFFFCC0  }
0x3e5: {  	_ =	swait.ge [sflag:s16], $0x340  }
0x3e6: {  	[sflag:s16] =	ssyncset.done $0x0  }
0x3e7: {  	[sflag:s16] =	ssyncadd.s32 $0xFFFFFCC0  }
0x3e8: {  	_ =	swait.ge [sflag:s16], $0x340  }
0x3e9: {  	[sflag:s16] =	ssyncset.done $0x0  }
0x3ea: {  	s25 =	rddreg [dreg:$0x5];
	[sflag:s16] =	ssyncadd.s32 $0xFFFFFCC0  }
0x3eb: {  	[hbm4b:s25+s1] =	stream.linear.scatter [tilespmem:s21], [sflag:$0x4], $0x6800, $0x38;
	[tilespmem:$0x11000] =	vst v63  }
0x3ec: {  	_ =	swait.ge [sflag:s20], $0x6800  }
0x3ed: {  	[sflag:s20] =	ssyncset.done $0x0  }
0x3ee: {  	s14 =	simm.s32 $0x4340;
	s22 =	simm.s32 $0x49C0;
	[sflag:s20] =	ssyncadd.s32 $0xFFFF9800  }
0x3ef: {  	s4 =	simm.s32 $0x4D00;
	s5 =	simm.s32 $0x5040;
	_ =	swait.ge [sflag:s24], $0x6800  }
0x3f0: {  	s6 =	simm.s32 $0x5380;
	s7 =	simm.s32 $0x56C0;
	s26 =	rddreg [dreg:$0x8]  }
0x3f1: {  	s9 =	simm.s32 $0x5A00;
	s30 =	rddreg [dreg:$0x6];
	s11 =	sadd.s32 $0x1, s26  }
0x3f2: {  	s8 =	simm.s32 $0x5D40;
	s13 =	simm.s32 $0x6080;
	p0 =	sne.s32 s11, s30  }
.Ltmp1:
0x3f3: {  	s15 =	simm.s32 $0x63C0;
	s17 =	simm.s32 $0x6700;
	(pc) =	sbr.rel @p0 .LBB2_1-.Ltmp1, $4  }
0x3f4: {  	s19 =	simm.s32 $0x6A40;
	s28 =	simm.s32 $0x7400;
	s29 =	simm.s32 $0x7740  }
0x3f5: {  	s2 =	simm.s32 $0x7DC0;
	s31 =	simm.s32 $0x8100;
	s18 =	simm.s32 $0x4680  }
0x3f6: {  	s23 =	simm.s32 $0x6D80;
	s25 =	simm.s32 $0x70C0;
	[sflag:s24] =	ssyncset.done $0x0  }
0x3f7: {  	s1 =	simm.s32 $0x7A80;
	[sflag:s24] =	ssyncadd.s32 $0xFFFF9800;
	s26 =	simm.s32 $0x8440  }
0x3f8: {  	_ =	sfence.sel $0x180000  }
0x3f9: {  	[bflag:$0x0] =	sbarrier.arrive $0xFFFF  }
0x3fa: {  	_ =	strace $0x90000047  }
0x3fb: {  	s0 =	stileid.u32;
	[bflag:$0x2] =	sbarrier.arrive $0xFFFF  }
0x3fc: {  	p0 =	sne.s32 s0, $0x0;
	s0 =	rddreg [dreg:$0x2]  }
0x3fd: {  	s0 =	sadd.s32 @!p0 $0x100000, s0  }
0x3fe: {  	[sflag:s0] =	ssyncadd.tile.s32 @!p0 $0x1;
	_ =	shalt  }
.Lfunc_end2:
_tile_overlayer_lowered:
.L_overlay_start_2:
0x3ff: {  	(tag) =	ssettag $0x2  }
0x400: {  	s0 =	rddreg [dreg:$0x0];
	s2 =	stileid.u32  }
0x401: {  	s1 =	rddreg [dreg:$0x1];
	p0 =	sne.s32 s2, $0x0  }
0x402: {  	s3 =	rddreg [dreg:$0x2];
	[bflag:$0x3] =	sbarrier.arrive $0xFFFF;
	s2 =	simm.s32 @!p0 $0x1C05  }
0x403: {  	[timem:s3], [sflag:s2] =	dma.local @!p0 [hbm:s0], s1  }
0x404: {  	s0 =	simm.s32 @!p0 $0x5  }
0x405: {  	_ =	swait.ge @!p0 [sflag:s0], s1  }
0x406: {  	s1 =	ssub.s32 @!p0 $0x0, s1;
	[sflag:s0] =	ssyncset.done @!p0 $0x0  }
0x407: {  	[sflag:s0] =	ssyncadd.s32 @!p0 s1  }
0x408: {  	[bflag:$0x3] =	sbarrier.arrive $0xFFFF  }
0x409: {  	_ =	shalt  }

// kernel: sparse-core-data-format-call.cloned.1.call-start
scs
called_computation_lowered:
.L_overlay_start_0:
0x0: {  	s2 =	sld [smem:$0x3FD9]  }
0x1: {  	s3 =	sld [smem:$0x3FFE];
	_ =	sdelay $0x1  }
0x2: {  	s1 =	srdreg.scid  }
0x3: {  	s0 =	sand.u32 $0x1, s1  }
0x4: {  	s18 =	sshll.u32 s0, $0xA;
	s2 =	sadd.s32 s3, s2  }
0x5: {  	s2 =	sadd.s32 s2, s18  }
0x6: {  	[smem:$0x3FC6] =	sst s2  }
0x7: {  	_ = 	snop  }
0x8: {  	s2 =	sld [smem:$0x3FD0];
	(tm) =	ssettm $0x1  }
0x9: {  	s19 =	sld [smem:$0x3FFB];
	_ =	sdelay $0x3  }
0xa: {  	_ =	strace s19  }
0xb: {  	s3 =	sld [smem:$0x3FFC];
	_ =	sdelay $0x3  }
0xc: {  	_ =	strace s3  }
0xd: {  	s3 =	sld [smem:$0x3FFD];
	_ =	sdelay $0x3  }
0xe: {  	_ =	strace s3  }
0xf: {  	_ =	strace $0x8FFFFFFF  }
0x10: {  	s20 =	sld [smem:$0x3FDB];
	_ =	sdelay $0x1  }
0x11: {  	s4 =	simm.s32 $_scs_section_size  }
0x12: {  	s5 =	simm.s32 $_size__tile_overlayer_lowered;
	s6 =	simm.s32 $_tile_overlayer_lowered  }
0x13: {  	s23 =	simm.s32 $0x1BFF;
	s22 =	sshll.u32 s6, $0x1;
	s3 =	sadd.s32 s4, s20  }
0x14: {  	s7 =	simm.s32 $0x0;
	s21 =	sshll.u32 s5, $0x1;
	s5 =	sadd.s32 s22, s3  }
0x15: {  	[timem:s7], [sflag:s23] =	dma.local [hbm:s5], s21  }
0x16: {  	_ =	swait.ge [sflag:s23], s21  }
0x17: {  	s4 =	ssub.s32 $0x0, s21;
	[sflag:s23] =	ssyncset.done $0x0  }
0x18: {  	[sflag:s23] =	ssyncadd.s32 s4;
	_ =	sdelay $0x1  }
0x19: {  	s24 =	simm.s32 $0x1B8B  }
0x1a: {  	_ =	swait.ge [sflag:s24], $0x1  }
0x1b: {  	[sflag:s24] =	ssyncset.done $0x0  }
0x1c: {  	s26 =	simm.s32 $0x1B8E;
	s25 =	sld [smem:$0x3FFE];
	[sflag:s24] =	ssyncadd.s32 $0xFFFFFFFF  }
0x1d: {  	s27 =	simm.s32 $execute0_lowered;
	[smem:$0x3FD2] =	sst s26  }
0x1e: {  	s5 =	sshll.u32 s27, $0x1;
	_ =	strace $0x80000049;
	[dreg:$0x1] =	wrdreg $0xFFFFFFFF  }
0x1f: {  	s28 =	simm.s32 $_size_execute0_lowered;
	s3 =	sadd.s32 s3, s5;
	[dreg:$0x0] =	wrdreg $0x0  }
0x20: {  	s5 =	sshll.u32 s28, $0x1;
	[dreg:$0x2] =	wrdreg s3  }
0x21: {  	[dreg:$0x3] =	wrdreg s5  }
0x22: {  	[dreg:$0x4] =	wrdreg $0xC0  }
0x23: {  	_ =	task [dreg:s7], $0x5FFFF  }
0x24: {  	[dreg:$0x1] =	wrdreg $0xFFFFFFFF  }
0x25: {  	[dreg:$0x0] =	wrdreg $0x60  }
0x26: {  	[dreg:$0x2] =	wrdreg s25  }
0x27: {  	[dreg:$0x3] =	wrdreg s2  }
0x28: {  	[dreg:$0x4] =	wrdreg $0x9  }
0x29: {  	_ =	task.clear_ibuf [dreg:s7], $0x5FFFF;
	_ =	strace $0x90000049  }
0x2a: {  	s29 =	simm.s32 $0x9;
	_ =	strace $0x8000004B  }
0x2b: {  	_ =	swait.ge [sflag:s29], $0x1  }
0x2c: {  	[sflag:s29] =	ssyncadd.s32 $0xFFFFFFFF  }
0x2d: {  	_ =	strace $0x9000004B  }
0x2e: {  	_ =	sfence  }
0x2f: {  	s30 =	sld [smem:$0x0];
	_ =	sdelay $0x2  }
0x30: {  	s31 =	sshll.u32 s1, $0xD;
	s1 =	sshrl.u32 s1, $0x2  }
0x31: {  	s3 =	sand.u32 $0x4000, s31;
	s1 =	sadd.s32 s1, s30  }
0x32: {  	s0 =	sor.u32 s3, s0;
	s1 =	sshll.u32 s1, $0x11  }
0x33: {  	s0 =	sor.u32 s1, s0  }
0x34: {  	s0 =	sadd.s32 $0x8F2B, s0  }
0x35: {  	[sflag:s0] =	ssyncadd.remote.s32 $0x1  }
0x36: {  	_ =	sfence.sel $0xFFFF  }
0x37: {  	[dreg:$0x0] =	wrdreg $0xFFFFFFFF;
	(pc) =	sbr.abs _section_cstart, $3  }
0x38: {  	[dreg:$0x1] =	wrdreg $0xFFFFFFFF  }
0x39: {  	_ =	task.clear_ibuf [dreg:s7], $0x2FFFF;
	_ =	strace $0x9FFFFFFF  }
0x3a: {  	(tm) =	ssettm $0x7FFFFFFF  }
0x3b: {  	_ =	shalt  }
tec
execute0_lowered:
.L_overlay_start_1:
0x0: {  	(tag) =	ssettag $0x1  }
0x1: {  	s0 =	srdreg.scid  }
0x2: {  	s1 =	sshll.u32 s0, $0x4  }
0x3: {  	s0 =	stileid.u32;
	s1 =	sand.u32 $0x10, s1  }
0x4: {  	s1 =	sor.u32 s0, s1  }
0x5: {  	s6 =	rddreg [dreg:$0x0];
	s4 =	simm.s32 $0x1;
	s2 =	sshll.u32 s1, $0x7  }
0x6: {  	s7 =	simm.s32 $0x2;
	s12 =	simm.s32 $0x0;
	s1 =	ssub.s32 $0x4000, s2  }
0x7: {  	s8 =	simm.s32 $0x20000;
	s13 =	simm.s32 $0x0;
	s3 =	sand.u32 $0xF80, s1  }
0x8: {  	s9 =	simm.s32 $0x0;
	s5 =	sshrl.u32 s1, $0xC;
	p0 =	sne.s32 s3, $0x0  }
.Ltmp0:
0x9: {  	s1 =	rddreg [dreg:$0x2];
	s4 =	simm.s32 @!p0 $0x0;
	(pc) =	sbr.rel .LBB1_1-.Ltmp0, $4  }
0xa: {  	s11 =	simm.s32 $0x0;
	s3 =	rddreg [dreg:$0x1];
	s5 =	sadd.s32 s4, s5  }
0xb: {  	_ =	strace $0x8000004A;
	s4 =	simm.s32 $0x1;
	s5 =	smul.u32 $0x1A, s5  }
0xc: {  	s6 =	sadd.s32 $0xA00, s6;
	s10 =	smov.u32 s2;
	[sflag:s4] =	ssyncpa.u1 $0x0  }
0xd: {  	p0 =	por $0x0, $0x0;
	[sflag:s7] =	ssyncpa.u1 $0x0;
	s7 =	sor.u32 $0x1, s5  }
.LBB1_4:
0xe: {  	s16 =	sshll.u32 s13, $0x3;
	s17 =	sand.u32 $0x78, s13  }
0xf: {  	s30 =	sand.u32 $0xF800, s13;
	s12 =	sshll.u32 s12, $0x10;
	s16 =	sand.u32 $0x3C00, s16  }
0x10: {  	s31 =	sand.u32 $0x7, s13;
	s16 =	sor.u32 s17, s16;
	s17 =	sadd.s32 s3, s30  }
0x11: {  	s13 =	sshll.u32 s31, $0x12;
	s16 =	sshrl.u32 s16, $0x3;
	s12 =	sadd.s32 s12, s17  }
0x12: {  	[tilespmem:s15+$0x0 ss:$0x81] =	vst.msk $0xffff, v0;
	s13 =	sor.u32 $0x400, s13;
	s12 =	sadd.s32 s16, s12  }
0x13: {  	[hbm4b:s12+s13] =	stream.strided.scatter [tilespmem:s14], [sflag:$0x2], $0x1000, s8, s13, $0x20;
	[tilespmem:$0x4040] =	vst v63  }
.LBB1_5:
0x14: {  	s14 =	sadd.s32 $0x1, s9  }
0x15: {  	s12 =	sadd.s32 $0x1000, s10;
	s16 =	smov.u32 s10;
	p2 =	sgt.s32 s14, $0x19  }
0x16: {  	s16 =	smov.u32 @p2 s12  }
0x17: {  	s14 =	simm.s32 @p2 $0x0;
	p2 =	sgt.s32 s16, $0x3FFF  }
0x18: {  	s16 =	smov.u32 @p2 s2;
	p2 =	sne.s32 s11, s7  }
.Ltmp1:
0x19: {  	p1 =	slt.u32 s11, $0x2;
	(pc) =	sbr.rel @!p2 .LBB1_6-.Ltmp1, $4  }
0x1a: {  	s15 =	simm.s32 @!p1 $0x2  }
0x1b: {  	s13 =	smov.u32 s10;
	p0 =	por !p0, !p0;
	_ =	swait.ge @!p1 [sflag:s15], $0x1000  }
0x1c: {  	s12 =	smov.u32 s9;
	[sflag:s15] =	ssyncset.done @!p1 $0x0;
	s9 =	smov.u32 s14  }
0x1d: {  	s11 =	sadd.s32 $0x1, s11;
	[sflag:s15] =	ssyncadd.s32 @!p1 $0xFFFFF000;
	s10 =	smov.u32 s16  }
.LBB1_1:
0x1e: {  	p1 =	sge.u32 s11, s5  }
0x1f: {  	s31 =	sadd.s32 $0xFFFFFFFF, s11;
	s14 =	sxor.u32 @!p1 $0xFFFFFFFF, s11  }
0x20: {  	s15 =	sshll.u32 @!p1 s10, $0x9;
	s16 =	sshll.u32 @!p1 s9, $0x4;
	s17 =	simm.s32 @!p1 $0x1000  }
0x21: {  	s14 =	sshll.u32 @!p1 s14, $0xC;
	s16 =	sand.u32 @!p1 $0x1F0, s16;
	s15 =	sadd.s32 @!p1 s6, s15  }
0x22: {  	s14 =	sand.u32 @!p1 $0x1000, s14;
	s15 =	sadd.s32 @!p1 s16, s15;
	s16 =	simm.s32 @!p1 $0x20  }
0x23: {  	[tilespmem:s14], [sflag:$0x1] =	stream.strided.gather @!p1 [hbm4b:s15+s16], $0x1000, s17, s16, $0x38;
	[tilespmem:$0x4040] =	vst v63  }
0x24: {  	p1 =	sge.u32 s31, s5  }
.Ltmp2:
0x25: {  	_ = 	snop;
	(pc) =	sbr.rel @p1 .LBB1_5-.Ltmp2, $1  }
0x26: {  	_ =	sdelay $0x3  }
0x27: {  	s14 =	simm.s32 $0x1  }
0x28: {  	_ =	swait.ge [sflag:s4], $0x1000;
	s14 =	simm.s32 @!p0 $0x0  }
0x29: {  	[sflag:s4] =	ssyncset.done $0x0;
	s15 =	sshll.u32 s14, $0xC  }
0x2a: {  	[sflag:s4] =	ssyncadd.s32 $0xFFFFF000;
	s18 =	sor.u32 $0x10, s15  }
0x2b: {  	s14 =	smul.u32 $0x4080, s14;
	v1 =	vld [tilespmem:s18+$0x0]  }
0x2c: {  	s30 =	sand.u32 $0x1, s11;
	v0 =	vld [tilespmem:s18+$0xFFFFFFF0]  }
0x2d: {  	s15 =	smul.u32 $0x4080, s30;
	s14 =	sshrl.u32 s14, $0x2  }
0x2e: {  	s16 =	sor.u32 $0x2000, s14  }
0x2f: {  	s31 =	sshrl.u32 s15, $0x2;
	s15 =	sadd.s32 $0x0, s16  }
0x30: {  	s17 =	simm.s32 $0x4;
	s18 =	sadd.s32 $0x20, s18;
	s14 =	sor.u32 $0x2000, s31;
	[tilespmem:s15+$0x810 ss:$0x81] =	vst.msk $0xffff, v1  }
.LBB1_3:
0x31: {  	v1 =	vld [tilespmem:s18+$0x0];
	p1 =	sne.s32 s17, $0x1FC;
	[tilespmem:s15+$0x0 ss:$0x81] =	vst.msk $0xffff, v0;
	s15 =	smov.u32 s17;
	s17 =	sadd.s32 $0x4, s17  }
.Ltmp3:
0x32: {  	v0 =	vld [tilespmem:s18+$0xFFFFFFF0];
	(pc) =	sbr.rel @p1 .LBB1_3-.Ltmp3, $4  }
0x33: {  	_ = 	snop  }
0x34: {  	s15 =	sshra.s32 s15, $0x2  }
0x35: {  	s15 =	sadd.s32 s15, s16  }
0x36: {  	s18 =	sadd.s32 $0x20, s18;
	[tilespmem:s15+$0x810 ss:$0x81] =	vst.msk $0xffff, v1  }
.Ltmp4:
0x37: {  	_ = 	snop;
	(pc) =	sbr.rel .LBB1_4-.Ltmp4, $1  }
0x38: {  	_ =	sdelay $0x3  }
.LBB1_6:
0x39: {  	_ =	sfence.sel $0x180000  }
0x3a: {  	s2 =	simm.s32 $0x1;
	[bflag:$0x0] =	sbarrier.arrive $0xFFFF  }
0x3b: {  	s31 =	simm.s32 $0x2;
	[sflag:s2] =	ssyncpa.u1 $0x1  }
0x3c: {  	[sflag:s31] =	ssyncpa.u1 $0x1  }
0x3d: {  	p0 =	sne.s32 s0, $0x0;
	_ =	strace $0x9000004A  }
0x3e: {  	s0 =	sadd.s32 @!p0 $0x100000, s1;
	[bflag:$0x2] =	sbarrier.arrive $0xFFFF  }
0x3f: {  	[sflag:s0] =	ssyncadd.tile.s32 @!p0 $0x1;
	_ =	shalt  }
.Lfunc_end1:
_tile_overlayer_lowered:
.L_overlay_start_2:
0x40: {  	(tag) =	ssettag $0x2  }
0x41: {  	s0 =	rddreg [dreg:$0x0];
	s2 =	stileid.u32  }
0x42: {  	s1 =	rddreg [dreg:$0x1];
	p0 =	sne.s32 s2, $0x0  }
0x43: {  	s3 =	rddreg [dreg:$0x2];
	[bflag:$0x3] =	sbarrier.arrive $0xFFFF;
	s2 =	simm.s32 @!p0 $0x1C01  }
0x44: {  	[timem:s3], [sflag:s2] =	dma.local @!p0 [hbm:s0], s1  }
0x45: {  	s0 =	simm.s32 @!p0 $0x1  }
0x46: {  	_ =	swait.ge @!p0 [sflag:s0], s1  }
0x47: {  	s1 =	ssub.s32 @!p0 $0x0, s1;
	[sflag:s0] =	ssyncset.done @!p0 $0x0  }
0x48: {  	[sflag:s0] =	ssyncadd.s32 @!p0 s1  }
0x49: {  	[bflag:$0x3] =	sbarrier.arrive $0xFFFF  }
0x4a: {  	_ =	shalt  }

</sc_bundles>
